<compile_context>
chip_gen: v7x
topology: tpu7x:2x2x1
jax: 0.10.2.dev20260603
libtpu: 0.0.44.dev20260713+nightly
codegen_flags: <defaults>
</compile_context>

<pallas_src>
import functools

import jax
import jax.numpy as jnp
from jax import lax
from jax.experimental import pallas as pl
from jax.experimental.pallas import tpu as pltpu
from jax.experimental.pallas import tpu_sc as plsc

N = 10000
E = 640000
H = 64
G = 4
D4 = 4 * H
TH = 2 * H

NC = 2
NS = 16
EPS = E // NS
BLK = 80
NBLK = EPS // BLK
CH = 632
CH_LAST = N - (NS - 1) * CH

RA = 1000
F_IN = 1536


@functools.cache
def _edge_agg_kernel():
    mesh = plsc.VectorSubcoreMesh(
        core_axis_name="c", subcore_axis_name="s",
        num_cores=NC, num_subcores=NS)

    @functools.partial(
        pl.kernel,
        out_type=jax.ShapeDtypeStruct((NC, N, H), jnp.float32),
        mesh=mesh,
        scratch_types=[
            pltpu.VMEM((252, BLK), jnp.int32),
            pltpu.VMEM((252, BLK), jnp.int32),
            pltpu.VMEM((BLK, H), jnp.float32),
            pltpu.VMEM((BLK, H), jnp.float32),
            pltpu.VMEM((BLK, H), jnp.float32),
            pltpu.VMEM((BLK, H), jnp.float32),
            pltpu.VMEM_SHARED((N, H), jnp.float32),
            pltpu.SemaphoreType.DMA,
            pltpu.SemaphoreType.DMA,
            pltpu.SemaphoreType.DMA,
            pltpu.SemaphoreType.DMA,
            pltpu.SemaphoreType.DMA,
            pltpu.SemaphoreType.DMA,
            pltpu.SemaphoreType.DMA,
            pltpu.SemaphoreType.DMA,
        ],
        compiler_params=pltpu.CompilerParams(use_tc_tiling_on_sc=False),
    )
    def edge_agg(tabs, src, dst, zeros, out, sidx, didx,
                 rows0, rows1, rows2, rows3, acc,
                 sg0, sg1, sg2, sg3, ss0, ss1, ss2, ss3):
        c = lax.axis_index("c")
        s = lax.axis_index("s")
        row0 = pl.multiple_of(s * CH, 8)
        @pl.when(s < NS - 1)
        def _zero_main():
            pltpu.sync_copy(zeros, acc.at[pl.ds(row0, CH)])

        @pl.when(s == NS - 1)
        def _zero_last():
            pltpu.sync_copy(zeros.at[pl.ds(0, CH_LAST)],
                            acc.at[pl.ds((NS - 1) * CH, CH_LAST)])

        plsc.subcore_barrier()

        rows = (rows0, rows1, rows2, rows3)
        sg = (sg0, sg1, sg2, sg3)
        ss = (ss0, ss1, ss2, ss3)

        def run(table):
            for off, nbh in ((0, 248), (248, 252)):
                pltpu.sync_copy(src.at[s, pl.ds(off, nbh)],
                                sidx.at[pl.ds(0, nbh)])
                pltpu.sync_copy(dst.at[s, pl.ds(off, nbh)],
                                didx.at[pl.ds(0, nbh)])
                for j in range(3):
                    pltpu.async_copy(table.at[sidx.at[j]], rows[j], sg[j])

                def body(k, carry):
                    for b in range(4):
                        i = 4 * k + b
                        pltpu.make_async_copy(table.at[sidx.at[i]], rows[b],
                                              sg[b]).wait()
                        pltpu.async_copy(rows[b], acc.at[didx.at[i]], ss[b],
                                         add=True)
                        bp = (b + 3) % 4

                        @pl.when(i >= 1)
                        def _drain_prev():
                            pltpu.make_async_copy(rows[bp],
                                                  acc.at[didx.at[i - 1]],
                                                  ss[bp]).wait()

                        @pl.when(i + 3 < nbh)
                        def _prefetch():
                            pltpu.async_copy(table.at[sidx.at[i + 3]],
                                             rows[bp], sg[bp])
                    return carry

                lax.fori_loop(0, nbh // 4, body, 0)
                last = (nbh - 1) % 4
                pltpu.make_async_copy(rows[last], acc.at[didx.at[nbh - 1]],
                                      ss[last]).wait()

        run(tabs.at[c])
        plsc.subcore_barrier()

        @pl.when(s < NS - 1)
        def _write_main():
            pltpu.sync_copy(acc.at[pl.ds(row0, CH)],
                            out.at[c, pl.ds(row0, CH)])

        @pl.when(s == NS - 1)
        def _write_last():
            pltpu.sync_copy(acc.at[pl.ds((NS - 1) * CH, CH_LAST)],
                            out.at[c, pl.ds((NS - 1) * CH, CH_LAST)])

    return edge_agg


def _table(h, tvec):
    y = jnp.maximum(h, 0.0) + 1e-7
    u = jnp.exp(tvec * y)
    return jnp.stack([u, y * u], axis=0)


def _stage_a_body(x_ref, w_ref, b_ref, t_ref, h_ref, tab_ref):
    h = jnp.dot(x_ref[...], w_ref[...], preferred_element_type=jnp.float32)
    h = jnp.maximum(h + b_ref[...], 0.0)
    h_ref[...] = h
    tab_ref[...] = _table(h, t_ref[...])


@functools.cache
def _stage_a():
    return pl.pallas_call(
        _stage_a_body,
        grid=(N // RA,),
        in_specs=[
            pl.BlockSpec((RA, F_IN), lambda i: (i, 0)),
            pl.BlockSpec((F_IN, H), lambda i: (0, 0)),
            pl.BlockSpec((1, H), lambda i: (0, 0)),
            pl.BlockSpec((1, H), lambda i: (0, 0)),
        ],
        out_specs=[
            pl.BlockSpec((RA, H), lambda i: (i, 0)),
            pl.BlockSpec((2, RA, H), lambda i: (0, i, 0)),
        ],
        out_shape=[
            jax.ShapeDtypeStruct((N, H), jnp.float32),
            jax.ShapeDtypeStruct((2, N, H), jnp.float32),
        ],
    )


def _ln(h, g, b):
    mu = jnp.mean(h, axis=-1, keepdims=True)
    var = jnp.mean((h - mu) ** 2, axis=-1, keepdims=True)
    return (h - mu) / jnp.sqrt(var + 1e-5) * g + b


@functools.cache
def _stage_b(outer_ln, make_table):
    def body(*refs):
        it = iter(refs)
        p_ref, h_ref = next(it), next(it)
        w1, b1, g1, be1 = (next(it) for _ in range(4))
        w2, b2 = next(it), next(it)
        ng = nb = tn = None
        if outer_ln:
            ng, nb = next(it), next(it)
        if make_table:
            tn = next(it)
        hout_ref = next(it)
        tab_ref = next(it) if make_table else None

        p = p_ref[...]
        den = p[0]
        num = p[1]
        h = h_ref[...]
        out = num / (den + 1e-30) + h
        hm = jnp.dot(out, w1[...], preferred_element_type=jnp.float32)
        hm = jnp.maximum(_ln(hm + b1[...], g1[...], be1[...]), 0.0)
        h2 = jnp.dot(hm, w2[...], preferred_element_type=jnp.float32) + b2[...]
        if outer_ln:
            r = jnp.maximum(_ln(h2, ng[...], nb[...]), 0.0)
            hnew = h + r
        else:
            hnew = h2
        hout_ref[...] = hnew
        if make_table:
            tab_ref[...] = _table(hnew, tn[...])

    vec = lambda w: pl.BlockSpec((1, w), lambda i: (0, 0))
    in_specs = [
        pl.BlockSpec((NC, RA, H), lambda i: (0, i, 0)),
        pl.BlockSpec((RA, H), lambda i: (i, 0)),
        pl.BlockSpec((H, TH), lambda i: (0, 0)),
        vec(TH), vec(TH), vec(TH),
        pl.BlockSpec((TH, H), lambda i: (0, 0)),
        vec(H),
    ]
    if outer_ln:
        in_specs += [vec(H), vec(H)]
    if make_table:
        in_specs += [vec(H)]
    out_specs = [pl.BlockSpec((RA, H), lambda i: (i, 0))]
    out_shape = [jax.ShapeDtypeStruct((N, H), jnp.float32)]
    if make_table:
        out_specs.append(pl.BlockSpec((2, RA, H), lambda i: (0, i, 0)))
        out_shape.append(jax.ShapeDtypeStruct((2, N, H), jnp.float32))
    return pl.pallas_call(
        body, grid=(N // RA,), in_specs=in_specs,
        out_specs=out_specs, out_shape=out_shape)


def _stage_c1_body(h0, h1, h2, h3, wphi, bphi, wa, ba, wb, bb, wc, bc,
                   hp_ref, a_ref):
    xc = jnp.concatenate([h0[...], h1[...], h2[...], h3[...]], axis=1)
    hp = jnp.dot(xc, wphi[...], preferred_element_type=jnp.float32)
    hp = jnp.maximum(hp + bphi[...], 0.0)
    a = jnp.tanh(jnp.dot(hp, wa[...], preferred_element_type=jnp.float32)
                 + ba[...])
    b = jax.nn.sigmoid(jnp.dot(hp, wb[...], preferred_element_type=jnp.float32)
                       + bb[...])
    att = jnp.dot(a * b, wc[...], preferred_element_type=jnp.float32) + bc[...]
    hp_ref[...] = hp
    a_ref[...] = att


@functools.cache
def _stage_c1():
    hspec = lambda: pl.BlockSpec((RA, H), lambda i: (i, 0))
    wspec = lambda: pl.BlockSpec((D4, D4), lambda i: (0, 0))
    vspec = lambda: pl.BlockSpec((1, D4), lambda i: (0, 0))
    return pl.pallas_call(
        _stage_c1_body,
        grid=(N // RA,),
        in_specs=[
            hspec(), hspec(), hspec(), hspec(),
            wspec(), vspec(),
            wspec(), vspec(),
            wspec(), vspec(),
            pl.BlockSpec((D4, 1), lambda i: (0, 0)),
            pl.BlockSpec((1, 1), lambda i: (0, 0)),
        ],
        out_specs=[
            pl.BlockSpec((RA, D4), lambda i: (i, 0)),
            pl.BlockSpec((RA, 1), lambda i: (i, 0)),
        ],
        out_shape=[
            jax.ShapeDtypeStruct((N, D4), jnp.float32),
            jax.ShapeDtypeStruct((N, 1), jnp.float32),
        ],
    )


def _stage_c2_body(a_ref, bt_ref, hp_ref, wrho, brho, wr, br, risk_ref):
    att = a_ref[...]
    bt = bt_ref[...]
    hp = hp_ref[...]
    ms = []
    for g in range(G):
        mg = jnp.max(jnp.where(bt == g, att, -jnp.inf))
        ms.append(jnp.where(jnp.isfinite(mg), mg, 0.0))
    msel = jnp.zeros_like(att)
    for g in range(G):
        msel = jnp.where(bt == g, ms[g], msel)
    e = jnp.exp(att - msel)
    rows = []
    for g in range(G):
        w = jnp.where(bt == g, e, 0.0)
        sg = jnp.sum(w)
        pg = jnp.sum(hp * w, axis=0, keepdims=True)
        rows.append(pg / (sg + 1e-16))
    pooled = jnp.concatenate(rows, axis=0)
    hh = jnp.dot(pooled, wrho[...], preferred_element_type=jnp.float32)
    hh = jnp.maximum(hh + brho[...], 0.0)
    risk_ref[...] = (jnp.dot(hh, wr[...], preferred_element_type=jnp.float32)
                     + br[...])


@functools.cache
def _stage_c2():
    return pl.pallas_call(
        _stage_c2_body,
        grid=(1,),
        in_specs=[
            pl.BlockSpec((N, 1), lambda i: (0, 0)),
            pl.BlockSpec((N, 1), lambda i: (0, 0)),
            pl.BlockSpec((N, D4), lambda i: (0, 0)),
            pl.BlockSpec((D4, D4), lambda i: (0, 0)),
            pl.BlockSpec((1, D4), lambda i: (0, 0)),
            pl.BlockSpec((D4, 1), lambda i: (0, 0)),
            pl.BlockSpec((1, 1), lambda i: (0, 0)),
        ],
        out_specs=pl.BlockSpec((G, 1), lambda i: (0, 0)),
        out_shape=jax.ShapeDtypeStruct((G, 1), jnp.float32),
    )


def kernel(x, edge_index, batch, params):
    p = params
    src = edge_index[0].reshape(NS, NBLK, BLK)
    dst = edge_index[1].reshape(NS, NBLK, BLK)
    zeros = jnp.zeros((CH, H), jnp.float32)
    tvec = [jnp.broadcast_to(p["t%d" % l].reshape(1, 1), (1, H))
            for l in range(3)]

    h, tab = _stage_a()(x, p["W_fc"], p["b_fc"].reshape(1, H), tvec[0])
    hs = [h]
    for l in range(3):
        part = _edge_agg_kernel()(tab, src, dst, zeros)
        make_table = l < 2
        args = [part, h,
                p["W1_%d" % l], p["b1_%d" % l].reshape(1, TH),
                p["g1_%d" % l].reshape(1, TH), p["be1_%d" % l].reshape(1, TH),
                p["W2_%d" % l], p["b2_%d" % l].reshape(1, H)]
        if l > 0:
            args += [p["ng%d" % l].reshape(1, H), p["nb%d" % l].reshape(1, H)]
        if make_table:
            args += [tvec[l + 1]]
        outs = _stage_b(l > 0, make_table)(*args)
        if make_table:
            h, tab = outs
        else:
            h, = outs
        hs.append(h)

    hp, att = _stage_c1()(hs[0], hs[1], hs[2], hs[3],
                          p["W_phi"], p["b_phi"].reshape(1, D4),
                          p["Wa"], p["ba"].reshape(1, D4),
                          p["Wb"], p["bb"].reshape(1, D4),
                          p["Wc"], p["bc"].reshape(1, 1))
    risk = _stage_c2()(att, batch.reshape(N, 1), hp,
                       p["Wrho"], p["brho"].reshape(1, D4),
                       p["Wr"], p["br"].reshape(1, 1))
    return risk.reshape(G), att.reshape(1, N)

# --- scband reference (transcript-rebuilt; emitter-appended) ---
"""Pipeline reference for scband-patch-gcn-55224689492794 (READ-ONLY COPY).

The authoritative reference and input builder live on the scoring server;
editing this copy changes nothing except your own understanding.
"""

import jax, jax.numpy as jnp
import numpy as np

N = 10000
E = 640000
H = 64
G = 4
D4 = 4 * H

def _init(key, shape):
    s = 1.0 / np.sqrt(shape[0])
    return jax.random.uniform(key, shape, jnp.float32, -s, s)

def setup_inputs(seed: int = 0):
    key = jax.random.key(seed)
    ks = jax.random.split(key, 40)
    it = iter(range(40))
    x = jax.random.normal(ks[next(it)], (N, 1536), jnp.float32)
    edge_index = jax.random.randint(ks[next(it)], (2, E), 0, N)
    batch = jnp.sort(jax.random.randint(ks[next(it)], (N,), 0, G))
    p = {}
    p["W_fc"] = _init(ks[next(it)], (1536, H)); p["b_fc"] = jnp.zeros((H,), jnp.float32)
    for l in range(3):
        p["t%d" % l] = jnp.float32(1.0)
        p["W1_%d" % l] = _init(ks[next(it)], (H, 2 * H)); p["b1_%d" % l] = jnp.zeros((2 * H,), jnp.float32)
        p["g1_%d" % l] = jnp.ones((2 * H,), jnp.float32); p["be1_%d" % l] = jnp.zeros((2 * H,), jnp.float32)
        p["W2_%d" % l] = _init(ks[next(it)], (2 * H, H)); p["b2_%d" % l] = jnp.zeros((H,), jnp.float32)
    for l in (1, 2):
        p["ng%d" % l] = jnp.ones((H,), jnp.float32); p["nb%d" % l] = jnp.zeros((H,), jnp.float32)
    p["W_phi"] = _init(ks[next(it)], (D4, D4)); p["b_phi"] = jnp.zeros((D4,), jnp.float32)
    p["Wa"] = _init(ks[next(it)], (D4, D4)); p["ba"] = jnp.zeros((D4,), jnp.float32)
    p["Wb"] = _init(ks[next(it)], (D4, D4)); p["bb"] = jnp.zeros((D4,), jnp.float32)
    p["Wc"] = _init(ks[next(it)], (D4, 1)); p["bc"] = jnp.zeros((1,), jnp.float32)
    p["Wrho"] = _init(ks[next(it)], (D4, D4)); p["brho"] = jnp.zeros((D4,), jnp.float32)
    p["Wr"] = _init(ks[next(it)], (D4, 1)); p["br"] = jnp.zeros((1,), jnp.float32)
    return {"x": x, "edge_index": edge_index, "batch": batch, "params": p}

def _ln(h, g, b):
    mu = jnp.mean(h, axis=-1, keepdims=True)
    var = jnp.var(h, axis=-1, keepdims=True)
    return (h - mu) / jnp.sqrt(var + 1e-5) * g + b

def _seg_softmax(logits, seg, num):
    m = jax.ops.segment_max(logits, seg, num_segments=num)
    m = jnp.where(jnp.isfinite(m), m, 0.0)
    e = jnp.exp(logits - m[seg])
    s = jax.ops.segment_sum(e, seg, num_segments=num)
    return e / (s[seg] + 1e-16)

def _genconv(x, src, dst, p, l):
    msg = jnp.maximum(x[src], 0.0) + 1e-7
    alpha = _seg_softmax(msg * p["t%d" % l], dst, N)
    agg = jax.ops.segment_sum(msg * alpha, dst, num_segments=N)
    out = agg + x
    h = out @ p["W1_%d" % l] + p["b1_%d" % l]
    h = jnp.maximum(_ln(h, p["g1_%d" % l], p["be1_%d" % l]), 0.0)
    return h @ p["W2_%d" % l] + p["b2_%d" % l]

def _forward(x, params, src, dst, batch):
    h0 = jnp.maximum(x @ params["W_fc"] + params["b_fc"], 0.0)
    xcat = h0
    h = _genconv(h0, src, dst, params, 0)
    xcat = jnp.concatenate([xcat, h], axis=1)
    for l in (1, 2):
        r = _genconv(h, src, dst, params, l)
        r = jnp.maximum(_ln(r, params["ng%d" % l], params["nb%d" % l]), 0.0)
        h = h + r
        xcat = jnp.concatenate([xcat, h], axis=1)
    hp = jnp.maximum(xcat @ params["W_phi"] + params["b_phi"], 0.0)
    a = jnp.tanh(hp @ params["Wa"] + params["ba"])
    b = jax.nn.sigmoid(hp @ params["Wb"] + params["bb"])
    A = (a * b) @ params["Wc"] + params["bc"]
    alpha = _seg_softmax(A.reshape(-1), batch, G)
    pooled = jax.ops.segment_sum(hp * alpha[:, None], batch, num_segments=G)
    hh = jnp.maximum(pooled @ params["Wrho"] + params["brho"], 0.0)
    risk = (hh @ params["Wr"] + params["br"]).reshape(-1)
    return risk, A.T

def reference(x, edge_index, batch, params):
    return _forward(x, params, edge_index[0], edge_index[1], batch)

if __name__ == "__main__":
    import jax
    _d = setup_inputs()
    print(jax.jit(kernel)(*tuple(_d.values())))

</pallas_src>

<mosaic_0001>
#map = affine_map<(d0, d1) -> (0, 0, 0)>
#map1 = affine_map<(d0, d1) -> (0, 0)>
module attributes {stable_mosaic.version = 14 : i64} {
  func.func @edge_agg(%arg0: i32, %arg1: i32, %arg2: memref<2x10000x64xf32, #tpu.memory_space<hbm>>, %arg3: memref<16x500x80xi32, #tpu.memory_space<hbm>>, %arg4: memref<16x500x80xi32, #tpu.memory_space<hbm>>, %arg5: memref<632x64xf32, #tpu.memory_space<hbm>>, %arg6: memref<2x10000x64xf32, #tpu.memory_space<hbm>>, %arg7: memref<252x80xi32, #tpu.memory_space<vmem>>, %arg8: memref<252x80xi32, #tpu.memory_space<vmem>>, %arg9: memref<80x64xf32, #tpu.memory_space<vmem>>, %arg10: memref<80x64xf32, #tpu.memory_space<vmem>>, %arg11: memref<80x64xf32, #tpu.memory_space<vmem>>, %arg12: memref<80x64xf32, #tpu.memory_space<vmem>>, %arg13: memref<10000x64xf32, #tpu.memory_space<vmem_shared>>, %arg14: memref<!tpu.dma_semaphore, #tpu.memory_space<semaphore_mem>>, %arg15: memref<!tpu.dma_semaphore, #tpu.memory_space<semaphore_mem>>, %arg16: memref<!tpu.dma_semaphore, #tpu.memory_space<semaphore_mem>>, %arg17: memref<!tpu.dma_semaphore, #tpu.memory_space<semaphore_mem>>, %arg18: memref<!tpu.dma_semaphore, #tpu.memory_space<semaphore_mem>>, %arg19: memref<!tpu.dma_semaphore, #tpu.memory_space<semaphore_mem>>, %arg20: memref<!tpu.dma_semaphore, #tpu.memory_space<semaphore_mem>>, %arg21: memref<!tpu.dma_semaphore, #tpu.memory_space<semaphore_mem>>) attributes {dimension_semantics = [#tpu.dimension_semantics<core_parallel>, #tpu.dimension_semantics<subcore_parallel>], iteration_bounds = array<i64: 2, 16>, scalar_prefetch = 0 : i64, scratch_operands = 15 : i64, tpu.core_type = #tpu.core_type<sc_vector_subcore>, window_params = [{transform_indices = #map}, {transform_indices = #map}, {transform_indices = #map}, {transform_indices = #map1}, {transform_indices = #map}]} {
    %mul3A = arith.constant 632 : i32
    %mul3A_0 = arith.muli %arg1, %mul3A : i32
    %multiple_of3A = tpu.assume_multiple %mul3A_0, 8 : i32
    %lt3A = arith.constant 15 : i32
    %lt3A_1 = arith.cmpi slt, %arg1, %lt3A : i32
    %convert_element_type3A = arith.extui %lt3A_1 : i1 to i32
    %cond3A = arith.constant 0 : i32
    %cond3A_2 = arith.cmpi ne, %convert_element_type3A, %cond3A : i32
    scf.if %cond3A_2 {
      "tpu.region"() ({
        %run_scoped3A = tpu.sem_alloc : memref<!tpu.dma_semaphore, #tpu.memory_space<semaphore_mem>>
        %dma_start3A_107 = arith.constant 0 : i32
        %dma_start3A_108 = tpu.memref_slice %arg13[%multiple_of3A, %dma_start3A_107] : memref<10000x64xf32, #tpu.memory_space<vmem_shared>> -> memref<632x64xf32, #tpu.memory_space<vmem_shared>>
        tpu.enqueue_dma source(%arg5 : memref<632x64xf32, #tpu.memory_space<hbm>>) target(%dma_start3A_108 : memref<632x64xf32, #tpu.memory_space<vmem_shared>>) target_semaphore(%run_scoped3A : memref<!tpu.dma_semaphore, #tpu.memory_space<semaphore_mem>>)
        %dma_wait3A_109 = arith.constant 0 : i32
        %dma_wait3A_110 = tpu.memref_slice %arg13[%multiple_of3A, %dma_wait3A_109] : memref<10000x64xf32, #tpu.memory_space<vmem_shared>> -> memref<632x64xf32, #tpu.memory_space<vmem_shared>>
        tpu.wait_dma2 semaphore(%run_scoped3A : memref<!tpu.dma_semaphore, #tpu.memory_space<semaphore_mem>>) src(%arg5 : memref<632x64xf32, #tpu.memory_space<hbm>>) dst(%dma_wait3A_110 : memref<632x64xf32, #tpu.memory_space<vmem_shared>>)
        tpu.yield
      }) : () -> ()
    } else {
    }
    %eq3A = arith.constant 15 : i32
    %eq3A_3 = arith.cmpi eq, %arg1, %eq3A : i32
    %convert_element_type3A_4 = arith.extui %eq3A_3 : i1 to i32
    %cond3A_5 = arith.constant 0 : i32
    %cond3A_6 = arith.cmpi ne, %convert_element_type3A_4, %cond3A_5 : i32
    scf.if %cond3A_6 {
      "tpu.region"() ({
        %run_scoped3A = tpu.sem_alloc : memref<!tpu.dma_semaphore, #tpu.memory_space<semaphore_mem>>
        %dma_start3A_107 = arith.constant 9480 : i32
        %dma_start3A_108 = arith.constant 0 : i32
        %dma_start3A_109 = tpu.memref_slice %arg13[%dma_start3A_107, %dma_start3A_108] : memref<10000x64xf32, #tpu.memory_space<vmem_shared>> -> memref<520x64xf32, #tpu.memory_space<vmem_shared>>
        %dma_start3A_110 = arith.constant 0 : i32
        %dma_start3A_111 = arith.constant 0 : i32
        %dma_start3A_112 = tpu.memref_slice %arg5[%dma_start3A_110, %dma_start3A_111] : memref<632x64xf32, #tpu.memory_space<hbm>> -> memref<520x64xf32, #tpu.memory_space<hbm>>
        tpu.enqueue_dma source(%dma_start3A_112 : memref<520x64xf32, #tpu.memory_space<hbm>>) target(%dma_start3A_109 : memref<520x64xf32, #tpu.memory_space<vmem_shared>>) target_semaphore(%run_scoped3A : memref<!tpu.dma_semaphore, #tpu.memory_space<semaphore_mem>>)
        %dma_wait3A_113 = arith.constant 9480 : i32
        %dma_wait3A_114 = arith.constant 0 : i32
        %dma_wait3A_115 = tpu.memref_slice %arg13[%dma_wait3A_113, %dma_wait3A_114] : memref<10000x64xf32, #tpu.memory_space<vmem_shared>> -> memref<520x64xf32, #tpu.memory_space<vmem_shared>>
        %dma_wait3A_116 = arith.constant 0 : i32
        %dma_wait3A_117 = arith.constant 0 : i32
        %dma_wait3A_118 = tpu.memref_slice %arg5[%dma_wait3A_116, %dma_wait3A_117] : memref<632x64xf32, #tpu.memory_space<hbm>> -> memref<520x64xf32, #tpu.memory_space<hbm>>
        tpu.wait_dma2 semaphore(%run_scoped3A : memref<!tpu.dma_semaphore, #tpu.memory_space<semaphore_mem>>) src(%dma_wait3A_118 : memref<520x64xf32, #tpu.memory_space<hbm>>) dst(%dma_wait3A_115 : memref<520x64xf32, #tpu.memory_space<vmem_shared>>)
        tpu.yield
      }) : () -> ()
    } else {
    }
    %barrier3A = arith.constant 0 : index
    tpu.barrier barrier_id(%barrier3A)
    "tpu.region"() ({
      %run_scoped3A = tpu.sem_alloc : memref<!tpu.dma_semaphore, #tpu.memory_space<semaphore_mem>>
      %dma_start3A_107 = arith.constant 0 : i32
      %dma_start3A_108 = arith.constant 0 : i32
      %dma_start3A_109 = tpu.memref_slice %arg7[%dma_start3A_107, %dma_start3A_108] : memref<252x80xi32, #tpu.memory_space<vmem>> -> memref<248x80xi32, #tpu.memory_space<vmem>>
      %dma_start3A_110 = arith.constant 0 : i32
      %dma_start3A_111 = arith.constant 0 : i32
      %dma_start3A_112 = tpu.memref_slice %arg3[%arg1, %dma_start3A_110, %dma_start3A_111] : memref<16x500x80xi32, #tpu.memory_space<hbm>> -> memref<1x248x80xi32, #tpu.memory_space<hbm>>
      %dma_start3A_113 = tpu.memref_squeeze %dma_start3A_112 : memref<1x248x80xi32, #tpu.memory_space<hbm>> -> memref<248x80xi32, #tpu.memory_space<hbm>>
      %dma_start3A_114 = arith.constant 0 : i32
      %dma_start3A_115 = arith.constant 0 : i32
      %dma_start3A_116 = tpu.memref_slice %arg7[%dma_start3A_114, %dma_start3A_115] : memref<252x80xi32, #tpu.memory_space<vmem>> -> memref<248x80xi32, #tpu.memory_space<vmem>>
      %dma_start3A_117 = arith.constant 0 : i32
      %dma_start3A_118 = arith.constant 0 : i32
      %dma_start3A_119 = tpu.memref_slice %arg3[%arg1, %dma_start3A_117, %dma_start3A_118] : memref<16x500x80xi32, #tpu.memory_space<hbm>> -> memref<1x248x80xi32, #tpu.memory_space<hbm>>
      %dma_start3A_120 = tpu.memref_squeeze %dma_start3A_119 : memref<1x248x80xi32, #tpu.memory_space<hbm>> -> memref<248x80xi32, #tpu.memory_space<hbm>>
      tpu.enqueue_dma source(%dma_start3A_120 : memref<248x80xi32, #tpu.memory_space<hbm>>) target(%dma_start3A_116 : memref<248x80xi32, #tpu.memory_space<vmem>>) target_semaphore(%run_scoped3A : memref<!tpu.dma_semaphore, #tpu.memory_space<semaphore_mem>>)
      %dma_wait3A_121 = arith.constant 0 : i32
      %dma_wait3A_122 = arith.constant 0 : i32
      %dma_wait3A_123 = tpu.memref_slice %arg7[%dma_wait3A_121, %dma_wait3A_122] : memref<252x80xi32, #tpu.memory_space<vmem>> -> memref<248x80xi32, #tpu.memory_space<vmem>>
      %dma_wait3A_124 = arith.constant 0 : i32
      %dma_wait3A_125 = arith.constant 0 : i32
      %dma_wait3A_126 = tpu.memref_slice %arg3[%arg1, %dma_wait3A_124, %dma_wait3A_125] : memref<16x500x80xi32, #tpu.memory_space<hbm>> -> memref<1x248x80xi32, #tpu.memory_space<hbm>>
      %dma_wait3A_127 = tpu.memref_squeeze %dma_wait3A_126 : memref<1x248x80xi32, #tpu.memory_space<hbm>> -> memref<248x80xi32, #tpu.memory_space<hbm>>
      %dma_wait3A_128 = arith.constant 0 : i32
      %dma_wait3A_129 = arith.constant 0 : i32
      %dma_wait3A_130 = tpu.memref_slice %arg7[%dma_wait3A_128, %dma_wait3A_129] : memref<252x80xi32, #tpu.memory_space<vmem>> -> memref<248x80xi32, #tpu.memory_space<vmem>>
      %dma_wait3A_131 = arith.constant 0 : i32
      %dma_wait3A_132 = arith.constant 0 : i32
      %dma_wait3A_133 = tpu.memref_slice %arg3[%arg1, %dma_wait3A_131, %dma_wait3A_132] : memref<16x500x80xi32, #tpu.memory_space<hbm>> -> memref<1x248x80xi32, #tpu.memory_space<hbm>>
      %dma_wait3A_134 = tpu.memref_squeeze %dma_wait3A_133 : memref<1x248x80xi32, #tpu.memory_space<hbm>> -> memref<248x80xi32, #tpu.memory_space<hbm>>
      tpu.wait_dma2 semaphore(%run_scoped3A : memref<!tpu.dma_semaphore, #tpu.memory_space<semaphore_mem>>) src(%dma_wait3A_134 : memref<248x80xi32, #tpu.memory_space<hbm>>) dst(%dma_wait3A_130 : memref<248x80xi32, #tpu.memory_space<vmem>>)
      tpu.yield
    }) : () -> ()
    "tpu.region"() ({
      %run_scoped3A = tpu.sem_alloc : memref<!tpu.dma_semaphore, #tpu.memory_space<semaphore_mem>>
      %dma_start3A_107 = arith.constant 0 : i32
      %dma_start3A_108 = arith.constant 0 : i32
      %dma_start3A_109 = tpu.memref_slice %arg8[%dma_start3A_107, %dma_start3A_108] : memref<252x80xi32, #tpu.memory_space<vmem>> -> memref<248x80xi32, #tpu.memory_space<vmem>>
      %dma_start3A_110 = arith.constant 0 : i32
      %dma_start3A_111 = arith.constant 0 : i32
      %dma_start3A_112 = tpu.memref_slice %arg4[%arg1, %dma_start3A_110, %dma_start3A_111] : memref<16x500x80xi32, #tpu.memory_space<hbm>> -> memref<1x248x80xi32, #tpu.memory_space<hbm>>
      %dma_start3A_113 = tpu.memref_squeeze %dma_start3A_112 : memref<1x248x80xi32, #tpu.memory_space<hbm>> -> memref<248x80xi32, #tpu.memory_space<hbm>>
      %dma_start3A_114 = arith.constant 0 : i32
      %dma_start3A_115 = arith.constant 0 : i32
      %dma_start3A_116 = tpu.memref_slice %arg8[%dma_start3A_114, %dma_start3A_115] : memref<252x80xi32, #tpu.memory_space<vmem>> -> memref<248x80xi32, #tpu.memory_space<vmem>>
      %dma_start3A_117 = arith.constant 0 : i32
      %dma_start3A_118 = arith.constant 0 : i32
      %dma_start3A_119 = tpu.memref_slice %arg4[%arg1, %dma_start3A_117, %dma_start3A_118] : memref<16x500x80xi32, #tpu.memory_space<hbm>> -> memref<1x248x80xi32, #tpu.memory_space<hbm>>
      %dma_start3A_120 = tpu.memref_squeeze %dma_start3A_119 : memref<1x248x80xi32, #tpu.memory_space<hbm>> -> memref<248x80xi32, #tpu.memory_space<hbm>>
      tpu.enqueue_dma source(%dma_start3A_120 : memref<248x80xi32, #tpu.memory_space<hbm>>) target(%dma_start3A_116 : memref<248x80xi32, #tpu.memory_space<vmem>>) target_semaphore(%run_scoped3A : memref<!tpu.dma_semaphore, #tpu.memory_space<semaphore_mem>>)
      %dma_wait3A_121 = arith.constant 0 : i32
      %dma_wait3A_122 = arith.constant 0 : i32
      %dma_wait3A_123 = tpu.memref_slice %arg8[%dma_wait3A_121, %dma_wait3A_122] : memref<252x80xi32, #tpu.memory_space<vmem>> -> memref<248x80xi32, #tpu.memory_space<vmem>>
      %dma_wait3A_124 = arith.constant 0 : i32
      %dma_wait3A_125 = arith.constant 0 : i32
      %dma_wait3A_126 = tpu.memref_slice %arg4[%arg1, %dma_wait3A_124, %dma_wait3A_125] : memref<16x500x80xi32, #tpu.memory_space<hbm>> -> memref<1x248x80xi32, #tpu.memory_space<hbm>>
      %dma_wait3A_127 = tpu.memref_squeeze %dma_wait3A_126 : memref<1x248x80xi32, #tpu.memory_space<hbm>> -> memref<248x80xi32, #tpu.memory_space<hbm>>
      %dma_wait3A_128 = arith.constant 0 : i32
      %dma_wait3A_129 = arith.constant 0 : i32
      %dma_wait3A_130 = tpu.memref_slice %arg8[%dma_wait3A_128, %dma_wait3A_129] : memref<252x80xi32, #tpu.memory_space<vmem>> -> memref<248x80xi32, #tpu.memory_space<vmem>>
      %dma_wait3A_131 = arith.constant 0 : i32
      %dma_wait3A_132 = arith.constant 0 : i32
      %dma_wait3A_133 = tpu.memref_slice %arg4[%arg1, %dma_wait3A_131, %dma_wait3A_132] : memref<16x500x80xi32, #tpu.memory_space<hbm>> -> memref<1x248x80xi32, #tpu.memory_space<hbm>>
      %dma_wait3A_134 = tpu.memref_squeeze %dma_wait3A_133 : memref<1x248x80xi32, #tpu.memory_space<hbm>> -> memref<248x80xi32, #tpu.memory_space<hbm>>
      tpu.wait_dma2 semaphore(%run_scoped3A : memref<!tpu.dma_semaphore, #tpu.memory_space<semaphore_mem>>) src(%dma_wait3A_134 : memref<248x80xi32, #tpu.memory_space<hbm>>) dst(%dma_wait3A_130 : memref<248x80xi32, #tpu.memory_space<vmem>>)
      tpu.yield
    }) : () -> ()
    %dma_start3A = arith.constant 0 : i32
    %dma_start3A_7 = arith.constant 0 : i32
    %dma_start3A_8 = tpu.memref_slice %arg7[%dma_start3A, %dma_start3A_7] : memref<252x80xi32, #tpu.memory_space<vmem>> -> memref<1x80xi32, #tpu.memory_space<vmem>>
    %dma_start3A_9 = tpu.memref_squeeze %dma_start3A_8 : memref<1x80xi32, #tpu.memory_space<vmem>> -> memref<80xi32, #tpu.memory_space<vmem>>
    %dma_start3A_10 = arith.constant 0 : i32
    %dma_start3A_11 = arith.constant 0 : i32
    %dma_start3A_12 = tpu.memref_slice %arg2[%arg0, %dma_start3A_10, %dma_start3A_11] : memref<2x10000x64xf32, #tpu.memory_space<hbm>> -> memref<1x10000x64xf32, #tpu.memory_space<hbm>>
    %dma_start3A_13 = tpu.memref_squeeze %dma_start3A_12 : memref<1x10000x64xf32, #tpu.memory_space<hbm>> -> memref<10000x64xf32, #tpu.memory_space<hbm>>
    %dma_start3A_14 = arith.constant 0 : i32
    %dma_start3A_15 = arith.constant 0 : i32
    %dma_start3A_16 = tpu.memref_slice %dma_start3A_13[%dma_start3A_14, %dma_start3A_15] : memref<10000x64xf32, #tpu.memory_space<hbm>> -> memref<10000x64xf32, #tpu.memory_space<hbm>>
    tpu.enqueue_indirect_dma source(%dma_start3A_16 : memref<10000x64xf32, #tpu.memory_space<hbm>>) target(%arg9 : memref<80x64xf32, #tpu.memory_space<vmem>>) offsets(%dma_start3A_9 : memref<80xi32, #tpu.memory_space<vmem>>) semaphore(%arg14 : memref<!tpu.dma_semaphore, #tpu.memory_space<semaphore_mem>>)
    %dma_start3A_17 = arith.constant 1 : i32
    %dma_start3A_18 = arith.constant 0 : i32
    %dma_start3A_19 = tpu.memref_slice %arg7[%dma_start3A_17, %dma_start3A_18] : memref<252x80xi32, #tpu.memory_space<vmem>> -> memref<1x80xi32, #tpu.memory_space<vmem>>
    %dma_start3A_20 = tpu.memref_squeeze %dma_start3A_19 : memref<1x80xi32, #tpu.memory_space<vmem>> -> memref<80xi32, #tpu.memory_space<vmem>>
    %dma_start3A_21 = arith.constant 0 : i32
    %dma_start3A_22 = arith.constant 0 : i32
    %dma_start3A_23 = tpu.memref_slice %arg2[%arg0, %dma_start3A_21, %dma_start3A_22] : memref<2x10000x64xf32, #tpu.memory_space<hbm>> -> memref<1x10000x64xf32, #tpu.memory_space<hbm>>
    %dma_start3A_24 = tpu.memref_squeeze %dma_start3A_23 : memref<1x10000x64xf32, #tpu.memory_space<hbm>> -> memref<10000x64xf32, #tpu.memory_space<hbm>>
    %dma_start3A_25 = arith.constant 0 : i32
    %dma_start3A_26 = arith.constant 0 : i32
    %dma_start3A_27 = tpu.memref_slice %dma_start3A_24[%dma_start3A_25, %dma_start3A_26] : memref<10000x64xf32, #tpu.memory_space<hbm>> -> memref<10000x64xf32, #tpu.memory_space<hbm>>
    tpu.enqueue_indirect_dma source(%dma_start3A_27 : memref<10000x64xf32, #tpu.memory_space<hbm>>) target(%arg10 : memref<80x64xf32, #tpu.memory_space<vmem>>) offsets(%dma_start3A_20 : memref<80xi32, #tpu.memory_space<vmem>>) semaphore(%arg15 : memref<!tpu.dma_semaphore, #tpu.memory_space<semaphore_mem>>)
    %dma_start3A_28 = arith.constant 2 : i32
    %dma_start3A_29 = arith.constant 0 : i32
    %dma_start3A_30 = tpu.memref_slice %arg7[%dma_start3A_28, %dma_start3A_29] : memref<252x80xi32, #tpu.memory_space<vmem>> -> memref<1x80xi32, #tpu.memory_space<vmem>>
    %dma_start3A_31 = tpu.memref_squeeze %dma_start3A_30 : memref<1x80xi32, #tpu.memory_space<vmem>> -> memref<80xi32, #tpu.memory_space<vmem>>
    %dma_start3A_32 = arith.constant 0 : i32
    %dma_start3A_33 = arith.constant 0 : i32
    %dma_start3A_34 = tpu.memref_slice %arg2[%arg0, %dma_start3A_32, %dma_start3A_33] : memref<2x10000x64xf32, #tpu.memory_space<hbm>> -> memref<1x10000x64xf32, #tpu.memory_space<hbm>>
    %dma_start3A_35 = tpu.memref_squeeze %dma_start3A_34 : memref<1x10000x64xf32, #tpu.memory_space<hbm>> -> memref<10000x64xf32, #tpu.memory_space<hbm>>
    %dma_start3A_36 = arith.constant 0 : i32
    %dma_start3A_37 = arith.constant 0 : i32
    %dma_start3A_38 = tpu.memref_slice %dma_start3A_35[%dma_start3A_36, %dma_start3A_37] : memref<10000x64xf32, #tpu.memory_space<hbm>> -> memref<10000x64xf32, #tpu.memory_space<hbm>>
    tpu.enqueue_indirect_dma source(%dma_start3A_38 : memref<10000x64xf32, #tpu.memory_space<hbm>>) target(%arg11 : memref<80x64xf32, #tpu.memory_space<vmem>>) offsets(%dma_start3A_31 : memref<80xi32, #tpu.memory_space<vmem>>) semaphore(%arg16 : memref<!tpu.dma_semaphore, #tpu.memory_space<semaphore_mem>>)
    %scan3A = arith.constant 0 : i32
    %scan3A_39 = arith.constant 0 : i32
    %scan3A_40 = arith.constant 62 : i32
    %scan3A_41 = arith.addi %scan3A_39, %scan3A_40 : i32
    %scan3A_42 = arith.constant 1 : i32
    scf.for %scan3A_107 = %scan3A_39 to %scan3A_41 step %scan3A_42  : i32 {
      %mul3A_108 = arith.constant 4 : i32
      %mul3A_109 = arith.muli %mul3A_108, %scan3A_107 : i32
      %add3A = arith.constant 0 : i32
      %add3A_110 = arith.addi %mul3A_109, %add3A : i32
      %dma_wait3A_111 = arith.constant 0 : i32
      %dma_wait3A_112 = tpu.memref_slice %arg7[%add3A_110, %dma_wait3A_111] : memref<252x80xi32, #tpu.memory_space<vmem>> -> memref<1x80xi32, #tpu.memory_space<vmem>>
      %dma_wait3A_113 = tpu.memref_squeeze %dma_wait3A_112 : memref<1x80xi32, #tpu.memory_space<vmem>> -> memref<80xi32, #tpu.memory_space<vmem>>
      %dma_wait3A_114 = arith.constant 0 : i32
      %dma_wait3A_115 = arith.constant 0 : i32
      %dma_wait3A_116 = tpu.memref_slice %arg2[%arg0, %dma_wait3A_114, %dma_wait3A_115] : memref<2x10000x64xf32, #tpu.memory_space<hbm>> -> memref<1x10000x64xf32, #tpu.memory_space<hbm>>
      %dma_wait3A_117 = tpu.memref_squeeze %dma_wait3A_116 : memref<1x10000x64xf32, #tpu.memory_space<hbm>> -> memref<10000x64xf32, #tpu.memory_space<hbm>>
      %dma_wait3A_118 = arith.constant 0 : i32
      %dma_wait3A_119 = arith.constant 0 : i32
      %dma_wait3A_120 = tpu.memref_slice %dma_wait3A_117[%dma_wait3A_118, %dma_wait3A_119] : memref<10000x64xf32, #tpu.memory_space<hbm>> -> memref<10000x64xf32, #tpu.memory_space<hbm>>
      tpu.wait_indirect_dma semaphore(%arg14 : memref<!tpu.dma_semaphore, #tpu.memory_space<semaphore_mem>>) src(%dma_wait3A_120 : memref<10000x64xf32, #tpu.memory_space<hbm>>) dst(%arg9 : memref<80x64xf32, #tpu.memory_space<vmem>>)
      %dma_start3A_121 = arith.constant 0 : i32
      %dma_start3A_122 = tpu.memref_slice %arg8[%add3A_110, %dma_start3A_121] : memref<252x80xi32, #tpu.memory_space<vmem>> -> memref<1x80xi32, #tpu.memory_space<vmem>>
      %dma_start3A_123 = tpu.memref_squeeze %dma_start3A_122 : memref<1x80xi32, #tpu.memory_space<vmem>> -> memref<80xi32, #tpu.memory_space<vmem>>
      %dma_start3A_124 = arith.constant 0 : i32
      %dma_start3A_125 = arith.constant 0 : i32
      %dma_start3A_126 = tpu.memref_slice %arg13[%dma_start3A_124, %dma_start3A_125] : memref<10000x64xf32, #tpu.memory_space<vmem_shared>> -> memref<10000x64xf32, #tpu.memory_space<vmem_shared>>
      tpu.enqueue_indirect_dma source(%arg9 : memref<80x64xf32, #tpu.memory_space<vmem>>) target(%dma_start3A_126 : memref<10000x64xf32, #tpu.memory_space<vmem_shared>>) offsets(%dma_start3A_123 : memref<80xi32, #tpu.memory_space<vmem>>) semaphore(%arg18 : memref<!tpu.dma_semaphore, #tpu.memory_space<semaphore_mem>>) {add = true}
      %ge3A = arith.constant 1 : i32
      %ge3A_127 = arith.cmpi sge, %add3A_110, %ge3A : i32
      %convert_element_type3A_128 = arith.extui %ge3A_127 : i1 to i32
      %cond3A_129 = arith.constant 0 : i32
      %cond3A_130 = arith.cmpi ne, %convert_element_type3A_128, %cond3A_129 : i32
      scf.if %cond3A_130 {
        %sub3A = arith.constant 1 : i32
        %sub3A_234 = arith.subi %add3A_110, %sub3A : i32
        %dma_wait3A_235 = arith.constant 0 : i32
        %dma_wait3A_236 = tpu.memref_slice %arg8[%sub3A_234, %dma_wait3A_235] : memref<252x80xi32, #tpu.memory_space<vmem>> -> memref<1x80xi32, #tpu.memory_space<vmem>>
        %dma_wait3A_237 = tpu.memref_squeeze %dma_wait3A_236 : memref<1x80xi32, #tpu.memory_space<vmem>> -> memref<80xi32, #tpu.memory_space<vmem>>
        %dma_wait3A_238 = arith.constant 0 : i32
        %dma_wait3A_239 = arith.constant 0 : i32
        %dma_wait3A_240 = tpu.memref_slice %arg13[%dma_wait3A_238, %dma_wait3A_239] : memref<10000x64xf32, #tpu.memory_space<vmem_shared>> -> memref<10000x64xf32, #tpu.memory_space<vmem_shared>>
        tpu.wait_indirect_dma semaphore(%arg21 : memref<!tpu.dma_semaphore, #tpu.memory_space<semaphore_mem>>) src(%arg12 : memref<80x64xf32, #tpu.memory_space<vmem>>) dst(%dma_wait3A_240 : memref<10000x64xf32, #tpu.memory_space<vmem_shared>>)
      } else {
      }
      %add3A_131 = arith.constant 3 : i32
      %add3A_132 = arith.addi %add3A_110, %add3A_131 : i32
      %lt3A_133 = arith.constant 248 : i32
      %lt3A_134 = arith.cmpi slt, %add3A_132, %lt3A_133 : i32
      %convert_element_type3A_135 = arith.extui %lt3A_134 : i1 to i32
      %cond3A_136 = arith.constant 0 : i32
      %cond3A_137 = arith.cmpi ne, %convert_element_type3A_135, %cond3A_136 : i32
      scf.if %cond3A_137 {
        %add3A_234 = arith.constant 3 : i32
        %add3A_235 = arith.addi %add3A_110, %add3A_234 : i32
        %dma_start3A_236 = arith.constant 0 : i32
        %dma_start3A_237 = tpu.memref_slice %arg7[%add3A_235, %dma_start3A_236] : memref<252x80xi32, #tpu.memory_space<vmem>> -> memref<1x80xi32, #tpu.memory_space<vmem>>
        %dma_start3A_238 = tpu.memref_squeeze %dma_start3A_237 : memref<1x80xi32, #tpu.memory_space<vmem>> -> memref<80xi32, #tpu.memory_space<vmem>>
        %dma_start3A_239 = arith.constant 0 : i32
        %dma_start3A_240 = arith.constant 0 : i32
        %dma_start3A_241 = tpu.memref_slice %arg2[%arg0, %dma_start3A_239, %dma_start3A_240] : memref<2x10000x64xf32, #tpu.memory_space<hbm>> -> memref<1x10000x64xf32, #tpu.memory_space<hbm>>
        %dma_start3A_242 = tpu.memref_squeeze %dma_start3A_241 : memref<1x10000x64xf32, #tpu.memory_space<hbm>> -> memref<10000x64xf32, #tpu.memory_space<hbm>>
        %dma_start3A_243 = arith.constant 0 : i32
        %dma_start3A_244 = arith.constant 0 : i32
        %dma_start3A_245 = tpu.memref_slice %dma_start3A_242[%dma_start3A_243, %dma_start3A_244] : memref<10000x64xf32, #tpu.memory_space<hbm>> -> memref<10000x64xf32, #tpu.memory_space<hbm>>
        tpu.enqueue_indirect_dma source(%dma_start3A_245 : memref<10000x64xf32, #tpu.memory_space<hbm>>) target(%arg12 : memref<80x64xf32, #tpu.memory_space<vmem>>) offsets(%dma_start3A_238 : memref<80xi32, #tpu.memory_space<vmem>>) semaphore(%arg17 : memref<!tpu.dma_semaphore, #tpu.memory_space<semaphore_mem>>)
      } else {
      }
      %mul3A_138 = arith.constant 4 : i32
      %mul3A_139 = arith.muli %mul3A_138, %scan3A_107 : i32
      %add3A_140 = arith.constant 1 : i32
      %add3A_141 = arith.addi %mul3A_139, %add3A_140 : i32
      %dma_wait3A_142 = arith.constant 0 : i32
      %dma_wait3A_143 = tpu.memref_slice %arg7[%add3A_141, %dma_wait3A_142] : memref<252x80xi32, #tpu.memory_space<vmem>> -> memref<1x80xi32, #tpu.memory_space<vmem>>
      %dma_wait3A_144 = tpu.memref_squeeze %dma_wait3A_143 : memref<1x80xi32, #tpu.memory_space<vmem>> -> memref<80xi32, #tpu.memory_space<vmem>>
      %dma_wait3A_145 = arith.constant 0 : i32
      %dma_wait3A_146 = arith.constant 0 : i32
      %dma_wait3A_147 = tpu.memref_slice %arg2[%arg0, %dma_wait3A_145, %dma_wait3A_146] : memref<2x10000x64xf32, #tpu.memory_space<hbm>> -> memref<1x10000x64xf32, #tpu.memory_space<hbm>>
      %dma_wait3A_148 = tpu.memref_squeeze %dma_wait3A_147 : memref<1x10000x64xf32, #tpu.memory_space<hbm>> -> memref<10000x64xf32, #tpu.memory_space<hbm>>
      %dma_wait3A_149 = arith.constant 0 : i32
      %dma_wait3A_150 = arith.constant 0 : i32
      %dma_wait3A_151 = tpu.memref_slice %dma_wait3A_148[%dma_wait3A_149, %dma_wait3A_150] : memref<10000x64xf32, #tpu.memory_space<hbm>> -> memref<10000x64xf32, #tpu.memory_space<hbm>>
      tpu.wait_indirect_dma semaphore(%arg15 : memref<!tpu.dma_semaphore, #tpu.memory_space<semaphore_mem>>) src(%dma_wait3A_151 : memref<10000x64xf32, #tpu.memory_space<hbm>>) dst(%arg10 : memref<80x64xf32, #tpu.memory_space<vmem>>)
      %dma_start3A_152 = arith.constant 0 : i32
      %dma_start3A_153 = tpu.memref_slice %arg8[%add3A_141, %dma_start3A_152] : memref<252x80xi32, #tpu.memory_space<vmem>> -> memref<1x80xi32, #tpu.memory_space<vmem>>
      %dma_start3A_154 = tpu.memref_squeeze %dma_start3A_153 : memref<1x80xi32, #tpu.memory_space<vmem>> -> memref<80xi32, #tpu.memory_space<vmem>>
      %dma_start3A_155 = arith.constant 0 : i32
      %dma_start3A_156 = arith.constant 0 : i32
      %dma_start3A_157 = tpu.memref_slice %arg13[%dma_start3A_155, %dma_start3A_156] : memref<10000x64xf32, #tpu.memory_space<vmem_shared>> -> memref<10000x64xf32, #tpu.memory_space<vmem_shared>>
      tpu.enqueue_indirect_dma source(%arg10 : memref<80x64xf32, #tpu.memory_space<vmem>>) target(%dma_start3A_157 : memref<10000x64xf32, #tpu.memory_space<vmem_shared>>) offsets(%dma_start3A_154 : memref<80xi32, #tpu.memory_space<vmem>>) semaphore(%arg19 : memref<!tpu.dma_semaphore, #tpu.memory_space<semaphore_mem>>) {add = true}
      %ge3A_158 = arith.constant 1 : i32
      %ge3A_159 = arith.cmpi sge, %add3A_141, %ge3A_158 : i32
      %convert_element_type3A_160 = arith.extui %ge3A_159 : i1 to i32
      %cond3A_161 = arith.constant 0 : i32
      %cond3A_162 = arith.cmpi ne, %convert_element_type3A_160, %cond3A_161 : i32
      scf.if %cond3A_162 {
        %sub3A = arith.constant 1 : i32
        %sub3A_234 = arith.subi %add3A_141, %sub3A : i32
        %dma_wait3A_235 = arith.constant 0 : i32
        %dma_wait3A_236 = tpu.memref_slice %arg8[%sub3A_234, %dma_wait3A_235] : memref<252x80xi32, #tpu.memory_space<vmem>> -> memref<1x80xi32, #tpu.memory_space<vmem>>
        %dma_wait3A_237 = tpu.memref_squeeze %dma_wait3A_236 : memref<1x80xi32, #tpu.memory_space<vmem>> -> memref<80xi32, #tpu.memory_space<vmem>>
        %dma_wait3A_238 = arith.constant 0 : i32
        %dma_wait3A_239 = arith.constant 0 : i32
        %dma_wait3A_240 = tpu.memref_slice %arg13[%dma_wait3A_238, %dma_wait3A_239] : memref<10000x64xf32, #tpu.memory_space<vmem_shared>> -> memref<10000x64xf32, #tpu.memory_space<vmem_shared>>
        tpu.wait_indirect_dma semaphore(%arg18 : memref<!tpu.dma_semaphore, #tpu.memory_space<semaphore_mem>>) src(%arg9 : memref<80x64xf32, #tpu.memory_space<vmem>>) dst(%dma_wait3A_240 : memref<10000x64xf32, #tpu.memory_space<vmem_shared>>)
      } else {
      }
      %add3A_163 = arith.constant 3 : i32
      %add3A_164 = arith.addi %add3A_141, %add3A_163 : i32
      %lt3A_165 = arith.constant 248 : i32
      %lt3A_166 = arith.cmpi slt, %add3A_164, %lt3A_165 : i32
      %convert_element_type3A_167 = arith.extui %lt3A_166 : i1 to i32
      %cond3A_168 = arith.constant 0 : i32
      %cond3A_169 = arith.cmpi ne, %convert_element_type3A_167, %cond3A_168 : i32
      scf.if %cond3A_169 {
        %add3A_234 = arith.constant 3 : i32
        %add3A_235 = arith.addi %add3A_141, %add3A_234 : i32
        %dma_start3A_236 = arith.constant 0 : i32
        %dma_start3A_237 = tpu.memref_slice %arg7[%add3A_235, %dma_start3A_236] : memref<252x80xi32, #tpu.memory_space<vmem>> -> memref<1x80xi32, #tpu.memory_space<vmem>>
        %dma_start3A_238 = tpu.memref_squeeze %dma_start3A_237 : memref<1x80xi32, #tpu.memory_space<vmem>> -> memref<80xi32, #tpu.memory_space<vmem>>
        %dma_start3A_239 = arith.constant 0 : i32
        %dma_start3A_240 = arith.constant 0 : i32
        %dma_start3A_241 = tpu.memref_slice %arg2[%arg0, %dma_start3A_239, %dma_start3A_240] : memref<2x10000x64xf32, #tpu.memory_space<hbm>> -> memref<1x10000x64xf32, #tpu.memory_space<hbm>>
        %dma_start3A_242 = tpu.memref_squeeze %dma_start3A_241 : memref<1x10000x64xf32, #tpu.memory_space<hbm>> -> memref<10000x64xf32, #tpu.memory_space<hbm>>
        %dma_start3A_243 = arith.constant 0 : i32
        %dma_start3A_244 = arith.constant 0 : i32
        %dma_start3A_245 = tpu.memref_slice %dma_start3A_242[%dma_start3A_243, %dma_start3A_244] : memref<10000x64xf32, #tpu.memory_space<hbm>> -> memref<10000x64xf32, #tpu.memory_space<hbm>>
        tpu.enqueue_indirect_dma source(%dma_start3A_245 : memref<10000x64xf32, #tpu.memory_space<hbm>>) target(%arg9 : memref<80x64xf32, #tpu.memory_space<vmem>>) offsets(%dma_start3A_238 : memref<80xi32, #tpu.memory_space<vmem>>) semaphore(%arg14 : memref<!tpu.dma_semaphore, #tpu.memory_space<semaphore_mem>>)
      } else {
      }
      %mul3A_170 = arith.constant 4 : i32
      %mul3A_171 = arith.muli %mul3A_170, %scan3A_107 : i32
      %add3A_172 = arith.constant 2 : i32
      %add3A_173 = arith.addi %mul3A_171, %add3A_172 : i32
      %dma_wait3A_174 = arith.constant 0 : i32
      %dma_wait3A_175 = tpu.memref_slice %arg7[%add3A_173, %dma_wait3A_174] : memref<252x80xi32, #tpu.memory_space<vmem>> -> memref<1x80xi32, #tpu.memory_space<vmem>>
      %dma_wait3A_176 = tpu.memref_squeeze %dma_wait3A_175 : memref<1x80xi32, #tpu.memory_space<vmem>> -> memref<80xi32, #tpu.memory_space<vmem>>
      %dma_wait3A_177 = arith.constant 0 : i32
      %dma_wait3A_178 = arith.constant 0 : i32
      %dma_wait3A_179 = tpu.memref_slice %arg2[%arg0, %dma_wait3A_177, %dma_wait3A_178] : memref<2x10000x64xf32, #tpu.memory_space<hbm>> -> memref<1x10000x64xf32, #tpu.memory_space<hbm>>
      %dma_wait3A_180 = tpu.memref_squeeze %dma_wait3A_179 : memref<1x10000x64xf32, #tpu.memory_space<hbm>> -> memref<10000x64xf32, #tpu.memory_space<hbm>>
      %dma_wait3A_181 = arith.constant 0 : i32
      %dma_wait3A_182 = arith.constant 0 : i32
      %dma_wait3A_183 = tpu.memref_slice %dma_wait3A_180[%dma_wait3A_181, %dma_wait3A_182] : memref<10000x64xf32, #tpu.memory_space<hbm>> -> memref<10000x64xf32, #tpu.memory_space<hbm>>
      tpu.wait_indirect_dma semaphore(%arg16 : memref<!tpu.dma_semaphore, #tpu.memory_space<semaphore_mem>>) src(%dma_wait3A_183 : memref<10000x64xf32, #tpu.memory_space<hbm>>) dst(%arg11 : memref<80x64xf32, #tpu.memory_space<vmem>>)
      %dma_start3A_184 = arith.constant 0 : i32
      %dma_start3A_185 = tpu.memref_slice %arg8[%add3A_173, %dma_start3A_184] : memref<252x80xi32, #tpu.memory_space<vmem>> -> memref<1x80xi32, #tpu.memory_space<vmem>>
      %dma_start3A_186 = tpu.memref_squeeze %dma_start3A_185 : memref<1x80xi32, #tpu.memory_space<vmem>> -> memref<80xi32, #tpu.memory_space<vmem>>
      %dma_start3A_187 = arith.constant 0 : i32
      %dma_start3A_188 = arith.constant 0 : i32
      %dma_start3A_189 = tpu.memref_slice %arg13[%dma_start3A_187, %dma_start3A_188] : memref<10000x64xf32, #tpu.memory_space<vmem_shared>> -> memref<10000x64xf32, #tpu.memory_space<vmem_shared>>
      tpu.enqueue_indirect_dma source(%arg11 : memref<80x64xf32, #tpu.memory_space<vmem>>) target(%dma_start3A_189 : memref<10000x64xf32, #tpu.memory_space<vmem_shared>>) offsets(%dma_start3A_186 : memref<80xi32, #tpu.memory_space<vmem>>) semaphore(%arg20 : memref<!tpu.dma_semaphore, #tpu.memory_space<semaphore_mem>>) {add = true}
      %ge3A_190 = arith.constant 1 : i32
      %ge3A_191 = arith.cmpi sge, %add3A_173, %ge3A_190 : i32
      %convert_element_type3A_192 = arith.extui %ge3A_191 : i1 to i32
      %cond3A_193 = arith.constant 0 : i32
      %cond3A_194 = arith.cmpi ne, %convert_element_type3A_192, %cond3A_193 : i32
      scf.if %cond3A_194 {
        %sub3A = arith.constant 1 : i32
        %sub3A_234 = arith.subi %add3A_173, %sub3A : i32
        %dma_wait3A_235 = arith.constant 0 : i32
        %dma_wait3A_236 = tpu.memref_slice %arg8[%sub3A_234, %dma_wait3A_235] : memref<252x80xi32, #tpu.memory_space<vmem>> -> memref<1x80xi32, #tpu.memory_space<vmem>>
        %dma_wait3A_237 = tpu.memref_squeeze %dma_wait3A_236 : memref<1x80xi32, #tpu.memory_space<vmem>> -> memref<80xi32, #tpu.memory_space<vmem>>
        %dma_wait3A_238 = arith.constant 0 : i32
        %dma_wait3A_239 = arith.constant 0 : i32
        %dma_wait3A_240 = tpu.memref_slice %arg13[%dma_wait3A_238, %dma_wait3A_239] : memref<10000x64xf32, #tpu.memory_space<vmem_shared>> -> memref<10000x64xf32, #tpu.memory_space<vmem_shared>>
        tpu.wait_indirect_dma semaphore(%arg19 : memref<!tpu.dma_semaphore, #tpu.memory_space<semaphore_mem>>) src(%arg10 : memref<80x64xf32, #tpu.memory_space<vmem>>) dst(%dma_wait3A_240 : memref<10000x64xf32, #tpu.memory_space<vmem_shared>>)
      } else {
      }
      %add3A_195 = arith.constant 3 : i32
      %add3A_196 = arith.addi %add3A_173, %add3A_195 : i32
      %lt3A_197 = arith.constant 248 : i32
      %lt3A_198 = arith.cmpi slt, %add3A_196, %lt3A_197 : i32
      %convert_element_type3A_199 = arith.extui %lt3A_198 : i1 to i32
      %cond3A_200 = arith.constant 0 : i32
      %cond3A_201 = arith.cmpi ne, %convert_element_type3A_199, %cond3A_200 : i32
      scf.if %cond3A_201 {
        %add3A_234 = arith.constant 3 : i32
        %add3A_235 = arith.addi %add3A_173, %add3A_234 : i32
        %dma_start3A_236 = arith.constant 0 : i32
        %dma_start3A_237 = tpu.memref_slice %arg7[%add3A_235, %dma_start3A_236] : memref<252x80xi32, #tpu.memory_space<vmem>> -> memref<1x80xi32, #tpu.memory_space<vmem>>
        %dma_start3A_238 = tpu.memref_squeeze %dma_start3A_237 : memref<1x80xi32, #tpu.memory_space<vmem>> -> memref<80xi32, #tpu.memory_space<vmem>>
        %dma_start3A_239 = arith.constant 0 : i32
        %dma_start3A_240 = arith.constant 0 : i32
        %dma_start3A_241 = tpu.memref_slice %arg2[%arg0, %dma_start3A_239, %dma_start3A_240] : memref<2x10000x64xf32, #tpu.memory_space<hbm>> -> memref<1x10000x64xf32, #tpu.memory_space<hbm>>
        %dma_start3A_242 = tpu.memref_squeeze %dma_start3A_241 : memref<1x10000x64xf32, #tpu.memory_space<hbm>> -> memref<10000x64xf32, #tpu.memory_space<hbm>>
        %dma_start3A_243 = arith.constant 0 : i32
        %dma_start3A_244 = arith.constant 0 : i32
        %dma_start3A_245 = tpu.memref_slice %dma_start3A_242[%dma_start3A_243, %dma_start3A_244] : memref<10000x64xf32, #tpu.memory_space<hbm>> -> memref<10000x64xf32, #tpu.memory_space<hbm>>
        tpu.enqueue_indirect_dma source(%dma_start3A_245 : memref<10000x64xf32, #tpu.memory_space<hbm>>) target(%arg10 : memref<80x64xf32, #tpu.memory_space<vmem>>) offsets(%dma_start3A_238 : memref<80xi32, #tpu.memory_space<vmem>>) semaphore(%arg15 : memref<!tpu.dma_semaphore, #tpu.memory_space<semaphore_mem>>)
      } else {
      }
      %mul3A_202 = arith.constant 4 : i32
      %mul3A_203 = arith.muli %mul3A_202, %scan3A_107 : i32
      %add3A_204 = arith.constant 3 : i32
      %add3A_205 = arith.addi %mul3A_203, %add3A_204 : i32
      %dma_wait3A_206 = arith.constant 0 : i32
      %dma_wait3A_207 = tpu.memref_slice %arg7[%add3A_205, %dma_wait3A_206] : memref<252x80xi32, #tpu.memory_space<vmem>> -> memref<1x80xi32, #tpu.memory_space<vmem>>
      %dma_wait3A_208 = tpu.memref_squeeze %dma_wait3A_207 : memref<1x80xi32, #tpu.memory_space<vmem>> -> memref<80xi32, #tpu.memory_space<vmem>>
      %dma_wait3A_209 = arith.constant 0 : i32
      %dma_wait3A_210 = arith.constant 0 : i32
      %dma_wait3A_211 = tpu.memref_slice %arg2[%arg0, %dma_wait3A_209, %dma_wait3A_210] : memref<2x10000x64xf32, #tpu.memory_space<hbm>> -> memref<1x10000x64xf32, #tpu.memory_space<hbm>>
      %dma_wait3A_212 = tpu.memref_squeeze %dma_wait3A_211 : memref<1x10000x64xf32, #tpu.memory_space<hbm>> -> memref<10000x64xf32, #tpu.memory_space<hbm>>
      %dma_wait3A_213 = arith.constant 0 : i32
      %dma_wait3A_214 = arith.constant 0 : i32
      %dma_wait3A_215 = tpu.memref_slice %dma_wait3A_212[%dma_wait3A_213, %dma_wait3A_214] : memref<10000x64xf32, #tpu.memory_space<hbm>> -> memref<10000x64xf32, #tpu.memory_space<hbm>>
      tpu.wait_indirect_dma semaphore(%arg17 : memref<!tpu.dma_semaphore, #tpu.memory_space<semaphore_mem>>) src(%dma_wait3A_215 : memref<10000x64xf32, #tpu.memory_space<hbm>>) dst(%arg12 : memref<80x64xf32, #tpu.memory_space<vmem>>)
      %dma_start3A_216 = arith.constant 0 : i32
      %dma_start3A_217 = tpu.memref_slice %arg8[%add3A_205, %dma_start3A_216] : memref<252x80xi32, #tpu.memory_space<vmem>> -> memref<1x80xi32, #tpu.memory_space<vmem>>
      %dma_start3A_218 = tpu.memref_squeeze %dma_start3A_217 : memref<1x80xi32, #tpu.memory_space<vmem>> -> memref<80xi32, #tpu.memory_space<vmem>>
      %dma_start3A_219 = arith.constant 0 : i32
      %dma_start3A_220 = arith.constant 0 : i32
      %dma_start3A_221 = tpu.memref_slice %arg13[%dma_start3A_219, %dma_start3A_220] : memref<10000x64xf32, #tpu.memory_space<vmem_shared>> -> memref<10000x64xf32, #tpu.memory_space<vmem_shared>>
      tpu.enqueue_indirect_dma source(%arg12 : memref<80x64xf32, #tpu.memory_space<vmem>>) target(%dma_start3A_221 : memref<10000x64xf32, #tpu.memory_space<vmem_shared>>) offsets(%dma_start3A_218 : memref<80xi32, #tpu.memory_space<vmem>>) semaphore(%arg21 : memref<!tpu.dma_semaphore, #tpu.memory_space<semaphore_mem>>) {add = true}
      %ge3A_222 = arith.constant 1 : i32
      %ge3A_223 = arith.cmpi sge, %add3A_205, %ge3A_222 : i32
      %convert_element_type3A_224 = arith.extui %ge3A_223 : i1 to i32
      %cond3A_225 = arith.constant 0 : i32
      %cond3A_226 = arith.cmpi ne, %convert_element_type3A_224, %cond3A_225 : i32
      scf.if %cond3A_226 {
        %sub3A = arith.constant 1 : i32
        %sub3A_234 = arith.subi %add3A_205, %sub3A : i32
        %dma_wait3A_235 = arith.constant 0 : i32
        %dma_wait3A_236 = tpu.memref_slice %arg8[%sub3A_234, %dma_wait3A_235] : memref<252x80xi32, #tpu.memory_space<vmem>> -> memref<1x80xi32, #tpu.memory_space<vmem>>
        %dma_wait3A_237 = tpu.memref_squeeze %dma_wait3A_236 : memref<1x80xi32, #tpu.memory_space<vmem>> -> memref<80xi32, #tpu.memory_space<vmem>>
        %dma_wait3A_238 = arith.constant 0 : i32
        %dma_wait3A_239 = arith.constant 0 : i32
        %dma_wait3A_240 = tpu.memref_slice %arg13[%dma_wait3A_238, %dma_wait3A_239] : memref<10000x64xf32, #tpu.memory_space<vmem_shared>> -> memref<10000x64xf32, #tpu.memory_space<vmem_shared>>
        tpu.wait_indirect_dma semaphore(%arg20 : memref<!tpu.dma_semaphore, #tpu.memory_space<semaphore_mem>>) src(%arg11 : memref<80x64xf32, #tpu.memory_space<vmem>>) dst(%dma_wait3A_240 : memref<10000x64xf32, #tpu.memory_space<vmem_shared>>)
      } else {
      }
      %add3A_227 = arith.constant 3 : i32
      %add3A_228 = arith.addi %add3A_205, %add3A_227 : i32
      %lt3A_229 = arith.constant 248 : i32
      %lt3A_230 = arith.cmpi slt, %add3A_228, %lt3A_229 : i32
      %convert_element_type3A_231 = arith.extui %lt3A_230 : i1 to i32
      %cond3A_232 = arith.constant 0 : i32
      %cond3A_233 = arith.cmpi ne, %convert_element_type3A_231, %cond3A_232 : i32
      scf.if %cond3A_233 {
        %add3A_234 = arith.constant 3 : i32
        %add3A_235 = arith.addi %add3A_205, %add3A_234 : i32
        %dma_start3A_236 = arith.constant 0 : i32
        %dma_start3A_237 = tpu.memref_slice %arg7[%add3A_235, %dma_start3A_236] : memref<252x80xi32, #tpu.memory_space<vmem>> -> memref<1x80xi32, #tpu.memory_space<vmem>>
        %dma_start3A_238 = tpu.memref_squeeze %dma_start3A_237 : memref<1x80xi32, #tpu.memory_space<vmem>> -> memref<80xi32, #tpu.memory_space<vmem>>
        %dma_start3A_239 = arith.constant 0 : i32
        %dma_start3A_240 = arith.constant 0 : i32
        %dma_start3A_241 = tpu.memref_slice %arg2[%arg0, %dma_start3A_239, %dma_start3A_240] : memref<2x10000x64xf32, #tpu.memory_space<hbm>> -> memref<1x10000x64xf32, #tpu.memory_space<hbm>>
        %dma_start3A_242 = tpu.memref_squeeze %dma_start3A_241 : memref<1x10000x64xf32, #tpu.memory_space<hbm>> -> memref<10000x64xf32, #tpu.memory_space<hbm>>
        %dma_start3A_243 = arith.constant 0 : i32
        %dma_start3A_244 = arith.constant 0 : i32
        %dma_start3A_245 = tpu.memref_slice %dma_start3A_242[%dma_start3A_243, %dma_start3A_244] : memref<10000x64xf32, #tpu.memory_space<hbm>> -> memref<10000x64xf32, #tpu.memory_space<hbm>>
        tpu.enqueue_indirect_dma source(%dma_start3A_245 : memref<10000x64xf32, #tpu.memory_space<hbm>>) target(%arg11 : memref<80x64xf32, #tpu.memory_space<vmem>>) offsets(%dma_start3A_238 : memref<80xi32, #tpu.memory_space<vmem>>) semaphore(%arg16 : memref<!tpu.dma_semaphore, #tpu.memory_space<semaphore_mem>>)
      } else {
      }
    }
    %scan3A_43 = arith.constant 62 : i32
    %dma_wait3A = arith.constant 247 : i32
    %dma_wait3A_44 = arith.constant 0 : i32
    %dma_wait3A_45 = tpu.memref_slice %arg8[%dma_wait3A, %dma_wait3A_44] : memref<252x80xi32, #tpu.memory_space<vmem>> -> memref<1x80xi32, #tpu.memory_space<vmem>>
    %dma_wait3A_46 = tpu.memref_squeeze %dma_wait3A_45 : memref<1x80xi32, #tpu.memory_space<vmem>> -> memref<80xi32, #tpu.memory_space<vmem>>
    %dma_wait3A_47 = arith.constant 0 : i32
    %dma_wait3A_48 = arith.constant 0 : i32
    %dma_wait3A_49 = tpu.memref_slice %arg13[%dma_wait3A_47, %dma_wait3A_48] : memref<10000x64xf32, #tpu.memory_space<vmem_shared>> -> memref<10000x64xf32, #tpu.memory_space<vmem_shared>>
    tpu.wait_indirect_dma semaphore(%arg21 : memref<!tpu.dma_semaphore, #tpu.memory_space<semaphore_mem>>) src(%arg12 : memref<80x64xf32, #tpu.memory_space<vmem>>) dst(%dma_wait3A_49 : memref<10000x64xf32, #tpu.memory_space<vmem_shared>>)
    "tpu.region"() ({
      %run_scoped3A = tpu.sem_alloc : memref<!tpu.dma_semaphore, #tpu.memory_space<semaphore_mem>>
      %dma_start3A_107 = arith.constant 0 : i32
      %dma_start3A_108 = arith.constant 0 : i32
      %dma_start3A_109 = tpu.memref_slice %arg7[%dma_start3A_107, %dma_start3A_108] : memref<252x80xi32, #tpu.memory_space<vmem>> -> memref<252x80xi32, #tpu.memory_space<vmem>>
      %dma_start3A_110 = arith.constant 248 : i32
      %dma_start3A_111 = arith.constant 0 : i32
      %dma_start3A_112 = tpu.memref_slice %arg3[%arg1, %dma_start3A_110, %dma_start3A_111] : memref<16x500x80xi32, #tpu.memory_space<hbm>> -> memref<1x252x80xi32, #tpu.memory_space<hbm>>
      %dma_start3A_113 = tpu.memref_squeeze %dma_start3A_112 : memref<1x252x80xi32, #tpu.memory_space<hbm>> -> memref<252x80xi32, #tpu.memory_space<hbm>>
      %dma_start3A_114 = arith.constant 0 : i32
      %dma_start3A_115 = arith.constant 0 : i32
      %dma_start3A_116 = tpu.memref_slice %arg7[%dma_start3A_114, %dma_start3A_115] : memref<252x80xi32, #tpu.memory_space<vmem>> -> memref<252x80xi32, #tpu.memory_space<vmem>>
      %dma_start3A_117 = arith.constant 248 : i32
      %dma_start3A_118 = arith.constant 0 : i32
      %dma_start3A_119 = tpu.memref_slice %arg3[%arg1, %dma_start3A_117, %dma_start3A_118] : memref<16x500x80xi32, #tpu.memory_space<hbm>> -> memref<1x252x80xi32, #tpu.memory_space<hbm>>
      %dma_start3A_120 = tpu.memref_squeeze %dma_start3A_119 : memref<1x252x80xi32, #tpu.memory_space<hbm>> -> memref<252x80xi32, #tpu.memory_space<hbm>>
      tpu.enqueue_dma source(%dma_start3A_120 : memref<252x80xi32, #tpu.memory_space<hbm>>) target(%dma_start3A_116 : memref<252x80xi32, #tpu.memory_space<vmem>>) target_semaphore(%run_scoped3A : memref<!tpu.dma_semaphore, #tpu.memory_space<semaphore_mem>>)
      %dma_wait3A_121 = arith.constant 0 : i32
      %dma_wait3A_122 = arith.constant 0 : i32
      %dma_wait3A_123 = tpu.memref_slice %arg7[%dma_wait3A_121, %dma_wait3A_122] : memref<252x80xi32, #tpu.memory_space<vmem>> -> memref<252x80xi32, #tpu.memory_space<vmem>>
      %dma_wait3A_124 = arith.constant 248 : i32
      %dma_wait3A_125 = arith.constant 0 : i32
      %dma_wait3A_126 = tpu.memref_slice %arg3[%arg1, %dma_wait3A_124, %dma_wait3A_125] : memref<16x500x80xi32, #tpu.memory_space<hbm>> -> memref<1x252x80xi32, #tpu.memory_space<hbm>>
      %dma_wait3A_127 = tpu.memref_squeeze %dma_wait3A_126 : memref<1x252x80xi32, #tpu.memory_space<hbm>> -> memref<252x80xi32, #tpu.memory_space<hbm>>
      %dma_wait3A_128 = arith.constant 0 : i32
      %dma_wait3A_129 = arith.constant 0 : i32
      %dma_wait3A_130 = tpu.memref_slice %arg7[%dma_wait3A_128, %dma_wait3A_129] : memref<252x80xi32, #tpu.memory_space<vmem>> -> memref<252x80xi32, #tpu.memory_space<vmem>>
      %dma_wait3A_131 = arith.constant 248 : i32
      %dma_wait3A_132 = arith.constant 0 : i32
      %dma_wait3A_133 = tpu.memref_slice %arg3[%arg1, %dma_wait3A_131, %dma_wait3A_132] : memref<16x500x80xi32, #tpu.memory_space<hbm>> -> memref<1x252x80xi32, #tpu.memory_space<hbm>>
      %dma_wait3A_134 = tpu.memref_squeeze %dma_wait3A_133 : memref<1x252x80xi32, #tpu.memory_space<hbm>> -> memref<252x80xi32, #tpu.memory_space<hbm>>
      tpu.wait_dma2 semaphore(%run_scoped3A : memref<!tpu.dma_semaphore, #tpu.memory_space<semaphore_mem>>) src(%dma_wait3A_134 : memref<252x80xi32, #tpu.memory_space<hbm>>) dst(%dma_wait3A_130 : memref<252x80xi32, #tpu.memory_space<vmem>>)
      tpu.yield
    }) : () -> ()
    "tpu.region"() ({
      %run_scoped3A = tpu.sem_alloc : memref<!tpu.dma_semaphore, #tpu.memory_space<semaphore_mem>>
      %dma_start3A_107 = arith.constant 0 : i32
      %dma_start3A_108 = arith.constant 0 : i32
      %dma_start3A_109 = tpu.memref_slice %arg8[%dma_start3A_107, %dma_start3A_108] : memref<252x80xi32, #tpu.memory_space<vmem>> -> memref<252x80xi32, #tpu.memory_space<vmem>>
      %dma_start3A_110 = arith.constant 248 : i32
      %dma_start3A_111 = arith.constant 0 : i32
      %dma_start3A_112 = tpu.memref_slice %arg4[%arg1, %dma_start3A_110, %dma_start3A_111] : memref<16x500x80xi32, #tpu.memory_space<hbm>> -> memref<1x252x80xi32, #tpu.memory_space<hbm>>
      %dma_start3A_113 = tpu.memref_squeeze %dma_start3A_112 : memref<1x252x80xi32, #tpu.memory_space<hbm>> -> memref<252x80xi32, #tpu.memory_space<hbm>>
      %dma_start3A_114 = arith.constant 0 : i32
      %dma_start3A_115 = arith.constant 0 : i32
      %dma_start3A_116 = tpu.memref_slice %arg8[%dma_start3A_114, %dma_start3A_115] : memref<252x80xi32, #tpu.memory_space<vmem>> -> memref<252x80xi32, #tpu.memory_space<vmem>>
      %dma_start3A_117 = arith.constant 248 : i32
      %dma_start3A_118 = arith.constant 0 : i32
      %dma_start3A_119 = tpu.memref_slice %arg4[%arg1, %dma_start3A_117, %dma_start3A_118] : memref<16x500x80xi32, #tpu.memory_space<hbm>> -> memref<1x252x80xi32, #tpu.memory_space<hbm>>
      %dma_start3A_120 = tpu.memref_squeeze %dma_start3A_119 : memref<1x252x80xi32, #tpu.memory_space<hbm>> -> memref<252x80xi32, #tpu.memory_space<hbm>>
      tpu.enqueue_dma source(%dma_start3A_120 : memref<252x80xi32, #tpu.memory_space<hbm>>) target(%dma_start3A_116 : memref<252x80xi32, #tpu.memory_space<vmem>>) target_semaphore(%run_scoped3A : memref<!tpu.dma_semaphore, #tpu.memory_space<semaphore_mem>>)
      %dma_wait3A_121 = arith.constant 0 : i32
      %dma_wait3A_122 = arith.constant 0 : i32
      %dma_wait3A_123 = tpu.memref_slice %arg8[%dma_wait3A_121, %dma_wait3A_122] : memref<252x80xi32, #tpu.memory_space<vmem>> -> memref<252x80xi32, #tpu.memory_space<vmem>>
      %dma_wait3A_124 = arith.constant 248 : i32
      %dma_wait3A_125 = arith.constant 0 : i32
      %dma_wait3A_126 = tpu.memref_slice %arg4[%arg1, %dma_wait3A_124, %dma_wait3A_125] : memref<16x500x80xi32, #tpu.memory_space<hbm>> -> memref<1x252x80xi32, #tpu.memory_space<hbm>>
      %dma_wait3A_127 = tpu.memref_squeeze %dma_wait3A_126 : memref<1x252x80xi32, #tpu.memory_space<hbm>> -> memref<252x80xi32, #tpu.memory_space<hbm>>
      %dma_wait3A_128 = arith.constant 0 : i32
      %dma_wait3A_129 = arith.constant 0 : i32
      %dma_wait3A_130 = tpu.memref_slice %arg8[%dma_wait3A_128, %dma_wait3A_129] : memref<252x80xi32, #tpu.memory_space<vmem>> -> memref<252x80xi32, #tpu.memory_space<vmem>>
      %dma_wait3A_131 = arith.constant 248 : i32
      %dma_wait3A_132 = arith.constant 0 : i32
      %dma_wait3A_133 = tpu.memref_slice %arg4[%arg1, %dma_wait3A_131, %dma_wait3A_132] : memref<16x500x80xi32, #tpu.memory_space<hbm>> -> memref<1x252x80xi32, #tpu.memory_space<hbm>>
      %dma_wait3A_134 = tpu.memref_squeeze %dma_wait3A_133 : memref<1x252x80xi32, #tpu.memory_space<hbm>> -> memref<252x80xi32, #tpu.memory_space<hbm>>
      tpu.wait_dma2 semaphore(%run_scoped3A : memref<!tpu.dma_semaphore, #tpu.memory_space<semaphore_mem>>) src(%dma_wait3A_134 : memref<252x80xi32, #tpu.memory_space<hbm>>) dst(%dma_wait3A_130 : memref<252x80xi32, #tpu.memory_space<vmem>>)
      tpu.yield
    }) : () -> ()
    %dma_start3A_50 = arith.constant 0 : i32
    %dma_start3A_51 = arith.constant 0 : i32
    %dma_start3A_52 = tpu.memref_slice %arg7[%dma_start3A_50, %dma_start3A_51] : memref<252x80xi32, #tpu.memory_space<vmem>> -> memref<1x80xi32, #tpu.memory_space<vmem>>
    %dma_start3A_53 = tpu.memref_squeeze %dma_start3A_52 : memref<1x80xi32, #tpu.memory_space<vmem>> -> memref<80xi32, #tpu.memory_space<vmem>>
    %dma_start3A_54 = arith.constant 0 : i32
    %dma_start3A_55 = arith.constant 0 : i32
    %dma_start3A_56 = tpu.memref_slice %arg2[%arg0, %dma_start3A_54, %dma_start3A_55] : memref<2x10000x64xf32, #tpu.memory_space<hbm>> -> memref<1x10000x64xf32, #tpu.memory_space<hbm>>
    %dma_start3A_57 = tpu.memref_squeeze %dma_start3A_56 : memref<1x10000x64xf32, #tpu.memory_space<hbm>> -> memref<10000x64xf32, #tpu.memory_space<hbm>>
    %dma_start3A_58 = arith.constant 0 : i32
    %dma_start3A_59 = arith.constant 0 : i32
    %dma_start3A_60 = tpu.memref_slice %dma_start3A_57[%dma_start3A_58, %dma_start3A_59] : memref<10000x64xf32, #tpu.memory_space<hbm>> -> memref<10000x64xf32, #tpu.memory_space<hbm>>
    tpu.enqueue_indirect_dma source(%dma_start3A_60 : memref<10000x64xf32, #tpu.memory_space<hbm>>) target(%arg9 : memref<80x64xf32, #tpu.memory_space<vmem>>) offsets(%dma_start3A_53 : memref<80xi32, #tpu.memory_space<vmem>>) semaphore(%arg14 : memref<!tpu.dma_semaphore, #tpu.memory_space<semaphore_mem>>)
    %dma_start3A_61 = arith.constant 1 : i32
    %dma_start3A_62 = arith.constant 0 : i32
    %dma_start3A_63 = tpu.memref_slice %arg7[%dma_start3A_61, %dma_start3A_62] : memref<252x80xi32, #tpu.memory_space<vmem>> -> memref<1x80xi32, #tpu.memory_space<vmem>>
    %dma_start3A_64 = tpu.memref_squeeze %dma_start3A_63 : memref<1x80xi32, #tpu.memory_space<vmem>> -> memref<80xi32, #tpu.memory_space<vmem>>
    %dma_start3A_65 = arith.constant 0 : i32
    %dma_start3A_66 = arith.constant 0 : i32
    %dma_start3A_67 = tpu.memref_slice %arg2[%arg0, %dma_start3A_65, %dma_start3A_66] : memref<2x10000x64xf32, #tpu.memory_space<hbm>> -> memref<1x10000x64xf32, #tpu.memory_space<hbm>>
    %dma_start3A_68 = tpu.memref_squeeze %dma_start3A_67 : memref<1x10000x64xf32, #tpu.memory_space<hbm>> -> memref<10000x64xf32, #tpu.memory_space<hbm>>
    %dma_start3A_69 = arith.constant 0 : i32
    %dma_start3A_70 = arith.constant 0 : i32
    %dma_start3A_71 = tpu.memref_slice %dma_start3A_68[%dma_start3A_69, %dma_start3A_70] : memref<10000x64xf32, #tpu.memory_space<hbm>> -> memref<10000x64xf32, #tpu.memory_space<hbm>>
    tpu.enqueue_indirect_dma source(%dma_start3A_71 : memref<10000x64xf32, #tpu.memory_space<hbm>>) target(%arg10 : memref<80x64xf32, #tpu.memory_space<vmem>>) offsets(%dma_start3A_64 : memref<80xi32, #tpu.memory_space<vmem>>) semaphore(%arg15 : memref<!tpu.dma_semaphore, #tpu.memory_space<semaphore_mem>>)
    %dma_start3A_72 = arith.constant 2 : i32
    %dma_start3A_73 = arith.constant 0 : i32
    %dma_start3A_74 = tpu.memref_slice %arg7[%dma_start3A_72, %dma_start3A_73] : memref<252x80xi32, #tpu.memory_space<vmem>> -> memref<1x80xi32, #tpu.memory_space<vmem>>
    %dma_start3A_75 = tpu.memref_squeeze %dma_start3A_74 : memref<1x80xi32, #tpu.memory_space<vmem>> -> memref<80xi32, #tpu.memory_space<vmem>>
    %dma_start3A_76 = arith.constant 0 : i32
    %dma_start3A_77 = arith.constant 0 : i32
    %dma_start3A_78 = tpu.memref_slice %arg2[%arg0, %dma_start3A_76, %dma_start3A_77] : memref<2x10000x64xf32, #tpu.memory_space<hbm>> -> memref<1x10000x64xf32, #tpu.memory_space<hbm>>
    %dma_start3A_79 = tpu.memref_squeeze %dma_start3A_78 : memref<1x10000x64xf32, #tpu.memory_space<hbm>> -> memref<10000x64xf32, #tpu.memory_space<hbm>>
    %dma_start3A_80 = arith.constant 0 : i32
    %dma_start3A_81 = arith.constant 0 : i32
    %dma_start3A_82 = tpu.memref_slice %dma_start3A_79[%dma_start3A_80, %dma_start3A_81] : memref<10000x64xf32, #tpu.memory_space<hbm>> -> memref<10000x64xf32, #tpu.memory_space<hbm>>
    tpu.enqueue_indirect_dma source(%dma_start3A_82 : memref<10000x64xf32, #tpu.memory_space<hbm>>) target(%arg11 : memref<80x64xf32, #tpu.memory_space<vmem>>) offsets(%dma_start3A_75 : memref<80xi32, #tpu.memory_space<vmem>>) semaphore(%arg16 : memref<!tpu.dma_semaphore, #tpu.memory_space<semaphore_mem>>)
    %scan3A_83 = arith.constant 0 : i32
    %scan3A_84 = arith.constant 0 : i32
    %scan3A_85 = arith.constant 63 : i32
    %scan3A_86 = arith.addi %scan3A_84, %scan3A_85 : i32
    %scan3A_87 = arith.constant 1 : i32
    scf.for %scan3A_107 = %scan3A_84 to %scan3A_86 step %scan3A_87  : i32 {
      %mul3A_108 = arith.constant 4 : i32
      %mul3A_109 = arith.muli %mul3A_108, %scan3A_107 : i32
      %add3A = arith.constant 0 : i32
      %add3A_110 = arith.addi %mul3A_109, %add3A : i32
      %dma_wait3A_111 = arith.constant 0 : i32
      %dma_wait3A_112 = tpu.memref_slice %arg7[%add3A_110, %dma_wait3A_111] : memref<252x80xi32, #tpu.memory_space<vmem>> -> memref<1x80xi32, #tpu.memory_space<vmem>>
      %dma_wait3A_113 = tpu.memref_squeeze %dma_wait3A_112 : memref<1x80xi32, #tpu.memory_space<vmem>> -> memref<80xi32, #tpu.memory_space<vmem>>
      %dma_wait3A_114 = arith.constant 0 : i32
      %dma_wait3A_115 = arith.constant 0 : i32
      %dma_wait3A_116 = tpu.memref_slice %arg2[%arg0, %dma_wait3A_114, %dma_wait3A_115] : memref<2x10000x64xf32, #tpu.memory_space<hbm>> -> memref<1x10000x64xf32, #tpu.memory_space<hbm>>
      %dma_wait3A_117 = tpu.memref_squeeze %dma_wait3A_116 : memref<1x10000x64xf32, #tpu.memory_space<hbm>> -> memref<10000x64xf32, #tpu.memory_space<hbm>>
      %dma_wait3A_118 = arith.constant 0 : i32
      %dma_wait3A_119 = arith.constant 0 : i32
      %dma_wait3A_120 = tpu.memref_slice %dma_wait3A_117[%dma_wait3A_118, %dma_wait3A_119] : memref<10000x64xf32, #tpu.memory_space<hbm>> -> memref<10000x64xf32, #tpu.memory_space<hbm>>
      tpu.wait_indirect_dma semaphore(%arg14 : memref<!tpu.dma_semaphore, #tpu.memory_space<semaphore_mem>>) src(%dma_wait3A_120 : memref<10000x64xf32, #tpu.memory_space<hbm>>) dst(%arg9 : memref<80x64xf32, #tpu.memory_space<vmem>>)
      %dma_start3A_121 = arith.constant 0 : i32
      %dma_start3A_122 = tpu.memref_slice %arg8[%add3A_110, %dma_start3A_121] : memref<252x80xi32, #tpu.memory_space<vmem>> -> memref<1x80xi32, #tpu.memory_space<vmem>>
      %dma_start3A_123 = tpu.memref_squeeze %dma_start3A_122 : memref<1x80xi32, #tpu.memory_space<vmem>> -> memref<80xi32, #tpu.memory_space<vmem>>
      %dma_start3A_124 = arith.constant 0 : i32
      %dma_start3A_125 = arith.constant 0 : i32
      %dma_start3A_126 = tpu.memref_slice %arg13[%dma_start3A_124, %dma_start3A_125] : memref<10000x64xf32, #tpu.memory_space<vmem_shared>> -> memref<10000x64xf32, #tpu.memory_space<vmem_shared>>
      tpu.enqueue_indirect_dma source(%arg9 : memref<80x64xf32, #tpu.memory_space<vmem>>) target(%dma_start3A_126 : memref<10000x64xf32, #tpu.memory_space<vmem_shared>>) offsets(%dma_start3A_123 : memref<80xi32, #tpu.memory_space<vmem>>) semaphore(%arg18 : memref<!tpu.dma_semaphore, #tpu.memory_space<semaphore_mem>>) {add = true}
      %ge3A = arith.constant 1 : i32
      %ge3A_127 = arith.cmpi sge, %add3A_110, %ge3A : i32
      %convert_element_type3A_128 = arith.extui %ge3A_127 : i1 to i32
      %cond3A_129 = arith.constant 0 : i32
      %cond3A_130 = arith.cmpi ne, %convert_element_type3A_128, %cond3A_129 : i32
      scf.if %cond3A_130 {
        %sub3A = arith.constant 1 : i32
        %sub3A_234 = arith.subi %add3A_110, %sub3A : i32
        %dma_wait3A_235 = arith.constant 0 : i32
        %dma_wait3A_236 = tpu.memref_slice %arg8[%sub3A_234, %dma_wait3A_235] : memref<252x80xi32, #tpu.memory_space<vmem>> -> memref<1x80xi32, #tpu.memory_space<vmem>>
        %dma_wait3A_237 = tpu.memref_squeeze %dma_wait3A_236 : memref<1x80xi32, #tpu.memory_space<vmem>> -> memref<80xi32, #tpu.memory_space<vmem>>
        %dma_wait3A_238 = arith.constant 0 : i32
        %dma_wait3A_239 = arith.constant 0 : i32
        %dma_wait3A_240 = tpu.memref_slice %arg13[%dma_wait3A_238, %dma_wait3A_239] : memref<10000x64xf32, #tpu.memory_space<vmem_shared>> -> memref<10000x64xf32, #tpu.memory_space<vmem_shared>>
        tpu.wait_indirect_dma semaphore(%arg21 : memref<!tpu.dma_semaphore, #tpu.memory_space<semaphore_mem>>) src(%arg12 : memref<80x64xf32, #tpu.memory_space<vmem>>) dst(%dma_wait3A_240 : memref<10000x64xf32, #tpu.memory_space<vmem_shared>>)
      } else {
      }
      %add3A_131 = arith.constant 3 : i32
      %add3A_132 = arith.addi %add3A_110, %add3A_131 : i32
      %lt3A_133 = arith.constant 252 : i32
      %lt3A_134 = arith.cmpi slt, %add3A_132, %lt3A_133 : i32
      %convert_element_type3A_135 = arith.extui %lt3A_134 : i1 to i32
      %cond3A_136 = arith.constant 0 : i32
      %cond3A_137 = arith.cmpi ne, %convert_element_type3A_135, %cond3A_136 : i32
      scf.if %cond3A_137 {
        %add3A_234 = arith.constant 3 : i32
        %add3A_235 = arith.addi %add3A_110, %add3A_234 : i32
        %dma_start3A_236 = arith.constant 0 : i32
        %dma_start3A_237 = tpu.memref_slice %arg7[%add3A_235, %dma_start3A_236] : memref<252x80xi32, #tpu.memory_space<vmem>> -> memref<1x80xi32, #tpu.memory_space<vmem>>
        %dma_start3A_238 = tpu.memref_squeeze %dma_start3A_237 : memref<1x80xi32, #tpu.memory_space<vmem>> -> memref<80xi32, #tpu.memory_space<vmem>>
        %dma_start3A_239 = arith.constant 0 : i32
        %dma_start3A_240 = arith.constant 0 : i32
        %dma_start3A_241 = tpu.memref_slice %arg2[%arg0, %dma_start3A_239, %dma_start3A_240] : memref<2x10000x64xf32, #tpu.memory_space<hbm>> -> memref<1x10000x64xf32, #tpu.memory_space<hbm>>
        %dma_start3A_242 = tpu.memref_squeeze %dma_start3A_241 : memref<1x10000x64xf32, #tpu.memory_space<hbm>> -> memref<10000x64xf32, #tpu.memory_space<hbm>>
        %dma_start3A_243 = arith.constant 0 : i32
        %dma_start3A_244 = arith.constant 0 : i32
        %dma_start3A_245 = tpu.memref_slice %dma_start3A_242[%dma_start3A_243, %dma_start3A_244] : memref<10000x64xf32, #tpu.memory_space<hbm>> -> memref<10000x64xf32, #tpu.memory_space<hbm>>
        tpu.enqueue_indirect_dma source(%dma_start3A_245 : memref<10000x64xf32, #tpu.memory_space<hbm>>) target(%arg12 : memref<80x64xf32, #tpu.memory_space<vmem>>) offsets(%dma_start3A_238 : memref<80xi32, #tpu.memory_space<vmem>>) semaphore(%arg17 : memref<!tpu.dma_semaphore, #tpu.memory_space<semaphore_mem>>)
      } else {
      }
      %mul3A_138 = arith.constant 4 : i32
      %mul3A_139 = arith.muli %mul3A_138, %scan3A_107 : i32
      %add3A_140 = arith.constant 1 : i32
      %add3A_141 = arith.addi %mul3A_139, %add3A_140 : i32
      %dma_wait3A_142 = arith.constant 0 : i32
      %dma_wait3A_143 = tpu.memref_slice %arg7[%add3A_141, %dma_wait3A_142] : memref<252x80xi32, #tpu.memory_space<vmem>> -> memref<1x80xi32, #tpu.memory_space<vmem>>
      %dma_wait3A_144 = tpu.memref_squeeze %dma_wait3A_143 : memref<1x80xi32, #tpu.memory_space<vmem>> -> memref<80xi32, #tpu.memory_space<vmem>>
      %dma_wait3A_145 = arith.constant 0 : i32
      %dma_wait3A_146 = arith.constant 0 : i32
      %dma_wait3A_147 = tpu.memref_slice %arg2[%arg0, %dma_wait3A_145, %dma_wait3A_146] : memref<2x10000x64xf32, #tpu.memory_space<hbm>> -> memref<1x10000x64xf32, #tpu.memory_space<hbm>>
      %dma_wait3A_148 = tpu.memref_squeeze %dma_wait3A_147 : memref<1x10000x64xf32, #tpu.memory_space<hbm>> -> memref<10000x64xf32, #tpu.memory_space<hbm>>
      %dma_wait3A_149 = arith.constant 0 : i32
      %dma_wait3A_150 = arith.constant 0 : i32
      %dma_wait3A_151 = tpu.memref_slice %dma_wait3A_148[%dma_wait3A_149, %dma_wait3A_150] : memref<10000x64xf32, #tpu.memory_space<hbm>> -> memref<10000x64xf32, #tpu.memory_space<hbm>>
      tpu.wait_indirect_dma semaphore(%arg15 : memref<!tpu.dma_semaphore, #tpu.memory_space<semaphore_mem>>) src(%dma_wait3A_151 : memref<10000x64xf32, #tpu.memory_space<hbm>>) dst(%arg10 : memref<80x64xf32, #tpu.memory_space<vmem>>)
      %dma_start3A_152 = arith.constant 0 : i32
      %dma_start3A_153 = tpu.memref_slice %arg8[%add3A_141, %dma_start3A_152] : memref<252x80xi32, #tpu.memory_space<vmem>> -> memref<1x80xi32, #tpu.memory_space<vmem>>
      %dma_start3A_154 = tpu.memref_squeeze %dma_start3A_153 : memref<1x80xi32, #tpu.memory_space<vmem>> -> memref<80xi32, #tpu.memory_space<vmem>>
      %dma_start3A_155 = arith.constant 0 : i32
      %dma_start3A_156 = arith.constant 0 : i32
      %dma_start3A_157 = tpu.memref_slice %arg13[%dma_start3A_155, %dma_start3A_156] : memref<10000x64xf32, #tpu.memory_space<vmem_shared>> -> memref<10000x64xf32, #tpu.memory_space<vmem_shared>>
      tpu.enqueue_indirect_dma source(%arg10 : memref<80x64xf32, #tpu.memory_space<vmem>>) target(%dma_start3A_157 : memref<10000x64xf32, #tpu.memory_space<vmem_shared>>) offsets(%dma_start3A_154 : memref<80xi32, #tpu.memory_space<vmem>>) semaphore(%arg19 : memref<!tpu.dma_semaphore, #tpu.memory_space<semaphore_mem>>) {add = true}
      %ge3A_158 = arith.constant 1 : i32
      %ge3A_159 = arith.cmpi sge, %add3A_141, %ge3A_158 : i32
      %convert_element_type3A_160 = arith.extui %ge3A_159 : i1 to i32
      %cond3A_161 = arith.constant 0 : i32
      %cond3A_162 = arith.cmpi ne, %convert_element_type3A_160, %cond3A_161 : i32
      scf.if %cond3A_162 {
        %sub3A = arith.constant 1 : i32
        %sub3A_234 = arith.subi %add3A_141, %sub3A : i32
        %dma_wait3A_235 = arith.constant 0 : i32
        %dma_wait3A_236 = tpu.memref_slice %arg8[%sub3A_234, %dma_wait3A_235] : memref<252x80xi32, #tpu.memory_space<vmem>> -> memref<1x80xi32, #tpu.memory_space<vmem>>
        %dma_wait3A_237 = tpu.memref_squeeze %dma_wait3A_236 : memref<1x80xi32, #tpu.memory_space<vmem>> -> memref<80xi32, #tpu.memory_space<vmem>>
        %dma_wait3A_238 = arith.constant 0 : i32
        %dma_wait3A_239 = arith.constant 0 : i32
        %dma_wait3A_240 = tpu.memref_slice %arg13[%dma_wait3A_238, %dma_wait3A_239] : memref<10000x64xf32, #tpu.memory_space<vmem_shared>> -> memref<10000x64xf32, #tpu.memory_space<vmem_shared>>
        tpu.wait_indirect_dma semaphore(%arg18 : memref<!tpu.dma_semaphore, #tpu.memory_space<semaphore_mem>>) src(%arg9 : memref<80x64xf32, #tpu.memory_space<vmem>>) dst(%dma_wait3A_240 : memref<10000x64xf32, #tpu.memory_space<vmem_shared>>)
      } else {
      }
      %add3A_163 = arith.constant 3 : i32
      %add3A_164 = arith.addi %add3A_141, %add3A_163 : i32
      %lt3A_165 = arith.constant 252 : i32
      %lt3A_166 = arith.cmpi slt, %add3A_164, %lt3A_165 : i32
      %convert_element_type3A_167 = arith.extui %lt3A_166 : i1 to i32
      %cond3A_168 = arith.constant 0 : i32
      %cond3A_169 = arith.cmpi ne, %convert_element_type3A_167, %cond3A_168 : i32
      scf.if %cond3A_169 {
        %add3A_234 = arith.constant 3 : i32
        %add3A_235 = arith.addi %add3A_141, %add3A_234 : i32
        %dma_start3A_236 = arith.constant 0 : i32
        %dma_start3A_237 = tpu.memref_slice %arg7[%add3A_235, %dma_start3A_236] : memref<252x80xi32, #tpu.memory_space<vmem>> -> memref<1x80xi32, #tpu.memory_space<vmem>>
        %dma_start3A_238 = tpu.memref_squeeze %dma_start3A_237 : memref<1x80xi32, #tpu.memory_space<vmem>> -> memref<80xi32, #tpu.memory_space<vmem>>
        %dma_start3A_239 = arith.constant 0 : i32
        %dma_start3A_240 = arith.constant 0 : i32
        %dma_start3A_241 = tpu.memref_slice %arg2[%arg0, %dma_start3A_239, %dma_start3A_240] : memref<2x10000x64xf32, #tpu.memory_space<hbm>> -> memref<1x10000x64xf32, #tpu.memory_space<hbm>>
        %dma_start3A_242 = tpu.memref_squeeze %dma_start3A_241 : memref<1x10000x64xf32, #tpu.memory_space<hbm>> -> memref<10000x64xf32, #tpu.memory_space<hbm>>
        %dma_start3A_243 = arith.constant 0 : i32
        %dma_start3A_244 = arith.constant 0 : i32
        %dma_start3A_245 = tpu.memref_slice %dma_start3A_242[%dma_start3A_243, %dma_start3A_244] : memref<10000x64xf32, #tpu.memory_space<hbm>> -> memref<10000x64xf32, #tpu.memory_space<hbm>>
        tpu.enqueue_indirect_dma source(%dma_start3A_245 : memref<10000x64xf32, #tpu.memory_space<hbm>>) target(%arg9 : memref<80x64xf32, #tpu.memory_space<vmem>>) offsets(%dma_start3A_238 : memref<80xi32, #tpu.memory_space<vmem>>) semaphore(%arg14 : memref<!tpu.dma_semaphore, #tpu.memory_space<semaphore_mem>>)
      } else {
      }
      %mul3A_170 = arith.constant 4 : i32
      %mul3A_171 = arith.muli %mul3A_170, %scan3A_107 : i32
      %add3A_172 = arith.constant 2 : i32
      %add3A_173 = arith.addi %mul3A_171, %add3A_172 : i32
      %dma_wait3A_174 = arith.constant 0 : i32
      %dma_wait3A_175 = tpu.memref_slice %arg7[%add3A_173, %dma_wait3A_174] : memref<252x80xi32, #tpu.memory_space<vmem>> -> memref<1x80xi32, #tpu.memory_space<vmem>>
      %dma_wait3A_176 = tpu.memref_squeeze %dma_wait3A_175 : memref<1x80xi32, #tpu.memory_space<vmem>> -> memref<80xi32, #tpu.memory_space<vmem>>
      %dma_wait3A_177 = arith.constant 0 : i32
      %dma_wait3A_178 = arith.constant 0 : i32
      %dma_wait3A_179 = tpu.memref_slice %arg2[%arg0, %dma_wait3A_177, %dma_wait3A_178] : memref<2x10000x64xf32, #tpu.memory_space<hbm>> -> memref<1x10000x64xf32, #tpu.memory_space<hbm>>
      %dma_wait3A_180 = tpu.memref_squeeze %dma_wait3A_179 : memref<1x10000x64xf32, #tpu.memory_space<hbm>> -> memref<10000x64xf32, #tpu.memory_space<hbm>>
      %dma_wait3A_181 = arith.constant 0 : i32
      %dma_wait3A_182 = arith.constant 0 : i32
      %dma_wait3A_183 = tpu.memref_slice %dma_wait3A_180[%dma_wait3A_181, %dma_wait3A_182] : memref<10000x64xf32, #tpu.memory_space<hbm>> -> memref<10000x64xf32, #tpu.memory_space<hbm>>
      tpu.wait_indirect_dma semaphore(%arg16 : memref<!tpu.dma_semaphore, #tpu.memory_space<semaphore_mem>>) src(%dma_wait3A_183 : memref<10000x64xf32, #tpu.memory_space<hbm>>) dst(%arg11 : memref<80x64xf32, #tpu.memory_space<vmem>>)
      %dma_start3A_184 = arith.constant 0 : i32
      %dma_start3A_185 = tpu.memref_slice %arg8[%add3A_173, %dma_start3A_184] : memref<252x80xi32, #tpu.memory_space<vmem>> -> memref<1x80xi32, #tpu.memory_space<vmem>>
      %dma_start3A_186 = tpu.memref_squeeze %dma_start3A_185 : memref<1x80xi32, #tpu.memory_space<vmem>> -> memref<80xi32, #tpu.memory_space<vmem>>
      %dma_start3A_187 = arith.constant 0 : i32
      %dma_start3A_188 = arith.constant 0 : i32
      %dma_start3A_189 = tpu.memref_slice %arg13[%dma_start3A_187, %dma_start3A_188] : memref<10000x64xf32, #tpu.memory_space<vmem_shared>> -> memref<10000x64xf32, #tpu.memory_space<vmem_shared>>
      tpu.enqueue_indirect_dma source(%arg11 : memref<80x64xf32, #tpu.memory_space<vmem>>) target(%dma_start3A_189 : memref<10000x64xf32, #tpu.memory_space<vmem_shared>>) offsets(%dma_start3A_186 : memref<80xi32, #tpu.memory_space<vmem>>) semaphore(%arg20 : memref<!tpu.dma_semaphore, #tpu.memory_space<semaphore_mem>>) {add = true}
      %ge3A_190 = arith.constant 1 : i32
      %ge3A_191 = arith.cmpi sge, %add3A_173, %ge3A_190 : i32
      %convert_element_type3A_192 = arith.extui %ge3A_191 : i1 to i32
      %cond3A_193 = arith.constant 0 : i32
      %cond3A_194 = arith.cmpi ne, %convert_element_type3A_192, %cond3A_193 : i32
      scf.if %cond3A_194 {
        %sub3A = arith.constant 1 : i32
        %sub3A_234 = arith.subi %add3A_173, %sub3A : i32
        %dma_wait3A_235 = arith.constant 0 : i32
        %dma_wait3A_236 = tpu.memref_slice %arg8[%sub3A_234, %dma_wait3A_235] : memref<252x80xi32, #tpu.memory_space<vmem>> -> memref<1x80xi32, #tpu.memory_space<vmem>>
        %dma_wait3A_237 = tpu.memref_squeeze %dma_wait3A_236 : memref<1x80xi32, #tpu.memory_space<vmem>> -> memref<80xi32, #tpu.memory_space<vmem>>
        %dma_wait3A_238 = arith.constant 0 : i32
        %dma_wait3A_239 = arith.constant 0 : i32
        %dma_wait3A_240 = tpu.memref_slice %arg13[%dma_wait3A_238, %dma_wait3A_239] : memref<10000x64xf32, #tpu.memory_space<vmem_shared>> -> memref<10000x64xf32, #tpu.memory_space<vmem_shared>>
        tpu.wait_indirect_dma semaphore(%arg19 : memref<!tpu.dma_semaphore, #tpu.memory_space<semaphore_mem>>) src(%arg10 : memref<80x64xf32, #tpu.memory_space<vmem>>) dst(%dma_wait3A_240 : memref<10000x64xf32, #tpu.memory_space<vmem_shared>>)
      } else {
      }
      %add3A_195 = arith.constant 3 : i32
      %add3A_196 = arith.addi %add3A_173, %add3A_195 : i32
      %lt3A_197 = arith.constant 252 : i32
      %lt3A_198 = arith.cmpi slt, %add3A_196, %lt3A_197 : i32
      %convert_element_type3A_199 = arith.extui %lt3A_198 : i1 to i32
      %cond3A_200 = arith.constant 0 : i32
      %cond3A_201 = arith.cmpi ne, %convert_element_type3A_199, %cond3A_200 : i32
      scf.if %cond3A_201 {
        %add3A_234 = arith.constant 3 : i32
        %add3A_235 = arith.addi %add3A_173, %add3A_234 : i32
        %dma_start3A_236 = arith.constant 0 : i32
        %dma_start3A_237 = tpu.memref_slice %arg7[%add3A_235, %dma_start3A_236] : memref<252x80xi32, #tpu.memory_space<vmem>> -> memref<1x80xi32, #tpu.memory_space<vmem>>
        %dma_start3A_238 = tpu.memref_squeeze %dma_start3A_237 : memref<1x80xi32, #tpu.memory_space<vmem>> -> memref<80xi32, #tpu.memory_space<vmem>>
        %dma_start3A_239 = arith.constant 0 : i32
        %dma_start3A_240 = arith.constant 0 : i32
        %dma_start3A_241 = tpu.memref_slice %arg2[%arg0, %dma_start3A_239, %dma_start3A_240] : memref<2x10000x64xf32, #tpu.memory_space<hbm>> -> memref<1x10000x64xf32, #tpu.memory_space<hbm>>
        %dma_start3A_242 = tpu.memref_squeeze %dma_start3A_241 : memref<1x10000x64xf32, #tpu.memory_space<hbm>> -> memref<10000x64xf32, #tpu.memory_space<hbm>>
        %dma_start3A_243 = arith.constant 0 : i32
        %dma_start3A_244 = arith.constant 0 : i32
        %dma_start3A_245 = tpu.memref_slice %dma_start3A_242[%dma_start3A_243, %dma_start3A_244] : memref<10000x64xf32, #tpu.memory_space<hbm>> -> memref<10000x64xf32, #tpu.memory_space<hbm>>
        tpu.enqueue_indirect_dma source(%dma_start3A_245 : memref<10000x64xf32, #tpu.memory_space<hbm>>) target(%arg10 : memref<80x64xf32, #tpu.memory_space<vmem>>) offsets(%dma_start3A_238 : memref<80xi32, #tpu.memory_space<vmem>>) semaphore(%arg15 : memref<!tpu.dma_semaphore, #tpu.memory_space<semaphore_mem>>)
      } else {
      }
      %mul3A_202 = arith.constant 4 : i32
      %mul3A_203 = arith.muli %mul3A_202, %scan3A_107 : i32
      %add3A_204 = arith.constant 3 : i32
      %add3A_205 = arith.addi %mul3A_203, %add3A_204 : i32
      %dma_wait3A_206 = arith.constant 0 : i32
      %dma_wait3A_207 = tpu.memref_slice %arg7[%add3A_205, %dma_wait3A_206] : memref<252x80xi32, #tpu.memory_space<vmem>> -> memref<1x80xi32, #tpu.memory_space<vmem>>
      %dma_wait3A_208 = tpu.memref_squeeze %dma_wait3A_207 : memref<1x80xi32, #tpu.memory_space<vmem>> -> memref<80xi32, #tpu.memory_space<vmem>>
      %dma_wait3A_209 = arith.constant 0 : i32
      %dma_wait3A_210 = arith.constant 0 : i32
      %dma_wait3A_211 = tpu.memref_slice %arg2[%arg0, %dma_wait3A_209, %dma_wait3A_210] : memref<2x10000x64xf32, #tpu.memory_space<hbm>> -> memref<1x10000x64xf32, #tpu.memory_space<hbm>>
      %dma_wait3A_212 = tpu.memref_squeeze %dma_wait3A_211 : memref<1x10000x64xf32, #tpu.memory_space<hbm>> -> memref<10000x64xf32, #tpu.memory_space<hbm>>
      %dma_wait3A_213 = arith.constant 0 : i32
      %dma_wait3A_214 = arith.constant 0 : i32
      %dma_wait3A_215 = tpu.memref_slice %dma_wait3A_212[%dma_wait3A_213, %dma_wait3A_214] : memref<10000x64xf32, #tpu.memory_space<hbm>> -> memref<10000x64xf32, #tpu.memory_space<hbm>>
      tpu.wait_indirect_dma semaphore(%arg17 : memref<!tpu.dma_semaphore, #tpu.memory_space<semaphore_mem>>) src(%dma_wait3A_215 : memref<10000x64xf32, #tpu.memory_space<hbm>>) dst(%arg12 : memref<80x64xf32, #tpu.memory_space<vmem>>)
      %dma_start3A_216 = arith.constant 0 : i32
      %dma_start3A_217 = tpu.memref_slice %arg8[%add3A_205, %dma_start3A_216] : memref<252x80xi32, #tpu.memory_space<vmem>> -> memref<1x80xi32, #tpu.memory_space<vmem>>
      %dma_start3A_218 = tpu.memref_squeeze %dma_start3A_217 : memref<1x80xi32, #tpu.memory_space<vmem>> -> memref<80xi32, #tpu.memory_space<vmem>>
      %dma_start3A_219 = arith.constant 0 : i32
      %dma_start3A_220 = arith.constant 0 : i32
      %dma_start3A_221 = tpu.memref_slice %arg13[%dma_start3A_219, %dma_start3A_220] : memref<10000x64xf32, #tpu.memory_space<vmem_shared>> -> memref<10000x64xf32, #tpu.memory_space<vmem_shared>>
      tpu.enqueue_indirect_dma source(%arg12 : memref<80x64xf32, #tpu.memory_space<vmem>>) target(%dma_start3A_221 : memref<10000x64xf32, #tpu.memory_space<vmem_shared>>) offsets(%dma_start3A_218 : memref<80xi32, #tpu.memory_space<vmem>>) semaphore(%arg21 : memref<!tpu.dma_semaphore, #tpu.memory_space<semaphore_mem>>) {add = true}
      %ge3A_222 = arith.constant 1 : i32
      %ge3A_223 = arith.cmpi sge, %add3A_205, %ge3A_222 : i32
      %convert_element_type3A_224 = arith.extui %ge3A_223 : i1 to i32
      %cond3A_225 = arith.constant 0 : i32
      %cond3A_226 = arith.cmpi ne, %convert_element_type3A_224, %cond3A_225 : i32
      scf.if %cond3A_226 {
        %sub3A = arith.constant 1 : i32
        %sub3A_234 = arith.subi %add3A_205, %sub3A : i32
        %dma_wait3A_235 = arith.constant 0 : i32
        %dma_wait3A_236 = tpu.memref_slice %arg8[%sub3A_234, %dma_wait3A_235] : memref<252x80xi32, #tpu.memory_space<vmem>> -> memref<1x80xi32, #tpu.memory_space<vmem>>
        %dma_wait3A_237 = tpu.memref_squeeze %dma_wait3A_236 : memref<1x80xi32, #tpu.memory_space<vmem>> -> memref<80xi32, #tpu.memory_space<vmem>>
        %dma_wait3A_238 = arith.constant 0 : i32
        %dma_wait3A_239 = arith.constant 0 : i32
        %dma_wait3A_240 = tpu.memref_slice %arg13[%dma_wait3A_238, %dma_wait3A_239] : memref<10000x64xf32, #tpu.memory_space<vmem_shared>> -> memref<10000x64xf32, #tpu.memory_space<vmem_shared>>
        tpu.wait_indirect_dma semaphore(%arg20 : memref<!tpu.dma_semaphore, #tpu.memory_space<semaphore_mem>>) src(%arg11 : memref<80x64xf32, #tpu.memory_space<vmem>>) dst(%dma_wait3A_240 : memref<10000x64xf32, #tpu.memory_space<vmem_shared>>)
      } else {
      }
      %add3A_227 = arith.constant 3 : i32
      %add3A_228 = arith.addi %add3A_205, %add3A_227 : i32
      %lt3A_229 = arith.constant 252 : i32
      %lt3A_230 = arith.cmpi slt, %add3A_228, %lt3A_229 : i32
      %convert_element_type3A_231 = arith.extui %lt3A_230 : i1 to i32
      %cond3A_232 = arith.constant 0 : i32
      %cond3A_233 = arith.cmpi ne, %convert_element_type3A_231, %cond3A_232 : i32
      scf.if %cond3A_233 {
        %add3A_234 = arith.constant 3 : i32
        %add3A_235 = arith.addi %add3A_205, %add3A_234 : i32
        %dma_start3A_236 = arith.constant 0 : i32
        %dma_start3A_237 = tpu.memref_slice %arg7[%add3A_235, %dma_start3A_236] : memref<252x80xi32, #tpu.memory_space<vmem>> -> memref<1x80xi32, #tpu.memory_space<vmem>>
        %dma_start3A_238 = tpu.memref_squeeze %dma_start3A_237 : memref<1x80xi32, #tpu.memory_space<vmem>> -> memref<80xi32, #tpu.memory_space<vmem>>
        %dma_start3A_239 = arith.constant 0 : i32
        %dma_start3A_240 = arith.constant 0 : i32
        %dma_start3A_241 = tpu.memref_slice %arg2[%arg0, %dma_start3A_239, %dma_start3A_240] : memref<2x10000x64xf32, #tpu.memory_space<hbm>> -> memref<1x10000x64xf32, #tpu.memory_space<hbm>>
        %dma_start3A_242 = tpu.memref_squeeze %dma_start3A_241 : memref<1x10000x64xf32, #tpu.memory_space<hbm>> -> memref<10000x64xf32, #tpu.memory_space<hbm>>
        %dma_start3A_243 = arith.constant 0 : i32
        %dma_start3A_244 = arith.constant 0 : i32
        %dma_start3A_245 = tpu.memref_slice %dma_start3A_242[%dma_start3A_243, %dma_start3A_244] : memref<10000x64xf32, #tpu.memory_space<hbm>> -> memref<10000x64xf32, #tpu.memory_space<hbm>>
        tpu.enqueue_indirect_dma source(%dma_start3A_245 : memref<10000x64xf32, #tpu.memory_space<hbm>>) target(%arg11 : memref<80x64xf32, #tpu.memory_space<vmem>>) offsets(%dma_start3A_238 : memref<80xi32, #tpu.memory_space<vmem>>) semaphore(%arg16 : memref<!tpu.dma_semaphore, #tpu.memory_space<semaphore_mem>>)
      } else {
      }
    }
    %scan3A_88 = arith.constant 63 : i32
    %dma_wait3A_89 = arith.constant 251 : i32
    %dma_wait3A_90 = arith.constant 0 : i32
    %dma_wait3A_91 = tpu.memref_slice %arg8[%dma_wait3A_89, %dma_wait3A_90] : memref<252x80xi32, #tpu.memory_space<vmem>> -> memref<1x80xi32, #tpu.memory_space<vmem>>
    %dma_wait3A_92 = tpu.memref_squeeze %dma_wait3A_91 : memref<1x80xi32, #tpu.memory_space<vmem>> -> memref<80xi32, #tpu.memory_space<vmem>>
    %dma_wait3A_93 = arith.constant 0 : i32
    %dma_wait3A_94 = arith.constant 0 : i32
    %dma_wait3A_95 = tpu.memref_slice %arg13[%dma_wait3A_93, %dma_wait3A_94] : memref<10000x64xf32, #tpu.memory_space<vmem_shared>> -> memref<10000x64xf32, #tpu.memory_space<vmem_shared>>
    tpu.wait_indirect_dma semaphore(%arg21 : memref<!tpu.dma_semaphore, #tpu.memory_space<semaphore_mem>>) src(%arg12 : memref<80x64xf32, #tpu.memory_space<vmem>>) dst(%dma_wait3A_95 : memref<10000x64xf32, #tpu.memory_space<vmem_shared>>)
    %barrier3A_96 = arith.constant 0 : index
    tpu.barrier barrier_id(%barrier3A_96)
    %lt3A_97 = arith.constant 15 : i32
    %lt3A_98 = arith.cmpi slt, %arg1, %lt3A_97 : i32
    %convert_element_type3A_99 = arith.extui %lt3A_98 : i1 to i32
    %cond3A_100 = arith.constant 0 : i32
    %cond3A_101 = arith.cmpi ne, %convert_element_type3A_99, %cond3A_100 : i32
    scf.if %cond3A_101 {
      "tpu.region"() ({
        %run_scoped3A = tpu.sem_alloc : memref<!tpu.dma_semaphore, #tpu.memory_space<semaphore_mem>>
        %dma_start3A_107 = arith.constant 0 : i32
        %dma_start3A_108 = tpu.memref_slice %arg6[%arg0, %multiple_of3A, %dma_start3A_107] : memref<2x10000x64xf32, #tpu.memory_space<hbm>> -> memref<1x632x64xf32, #tpu.memory_space<hbm>>
        %dma_start3A_109 = tpu.memref_squeeze %dma_start3A_108 : memref<1x632x64xf32, #tpu.memory_space<hbm>> -> memref<632x64xf32, #tpu.memory_space<hbm>>
        %dma_start3A_110 = arith.constant 0 : i32
        %dma_start3A_111 = tpu.memref_slice %arg13[%multiple_of3A, %dma_start3A_110] : memref<10000x64xf32, #tpu.memory_space<vmem_shared>> -> memref<632x64xf32, #tpu.memory_space<vmem_shared>>
        tpu.enqueue_dma source(%dma_start3A_111 : memref<632x64xf32, #tpu.memory_space<vmem_shared>>) target(%dma_start3A_109 : memref<632x64xf32, #tpu.memory_space<hbm>>) target_semaphore(%run_scoped3A : memref<!tpu.dma_semaphore, #tpu.memory_space<semaphore_mem>>)
        %dma_wait3A_112 = arith.constant 0 : i32
        %dma_wait3A_113 = tpu.memref_slice %arg6[%arg0, %multiple_of3A, %dma_wait3A_112] : memref<2x10000x64xf32, #tpu.memory_space<hbm>> -> memref<1x632x64xf32, #tpu.memory_space<hbm>>
        %dma_wait3A_114 = tpu.memref_squeeze %dma_wait3A_113 : memref<1x632x64xf32, #tpu.memory_space<hbm>> -> memref<632x64xf32, #tpu.memory_space<hbm>>
        %dma_wait3A_115 = arith.constant 0 : i32
        %dma_wait3A_116 = tpu.memref_slice %arg13[%multiple_of3A, %dma_wait3A_115] : memref<10000x64xf32, #tpu.memory_space<vmem_shared>> -> memref<632x64xf32, #tpu.memory_space<vmem_shared>>
        tpu.wait_dma2 semaphore(%run_scoped3A : memref<!tpu.dma_semaphore, #tpu.memory_space<semaphore_mem>>) src(%dma_wait3A_116 : memref<632x64xf32, #tpu.memory_space<vmem_shared>>) dst(%dma_wait3A_114 : memref<632x64xf32, #tpu.memory_space<hbm>>)
        tpu.yield
      }) : () -> ()
    } else {
    }
    %eq3A_102 = arith.constant 15 : i32
    %eq3A_103 = arith.cmpi eq, %arg1, %eq3A_102 : i32
    %convert_element_type3A_104 = arith.extui %eq3A_103 : i1 to i32
    %cond3A_105 = arith.constant 0 : i32
    %cond3A_106 = arith.cmpi ne, %convert_element_type3A_104, %cond3A_105 : i32
    scf.if %cond3A_106 {
      "tpu.region"() ({
        %run_scoped3A = tpu.sem_alloc : memref<!tpu.dma_semaphore, #tpu.memory_space<semaphore_mem>>
        %dma_start3A_107 = arith.constant 9480 : i32
        %dma_start3A_108 = arith.constant 0 : i32
        %dma_start3A_109 = tpu.memref_slice %arg6[%arg0, %dma_start3A_107, %dma_start3A_108] : memref<2x10000x64xf32, #tpu.memory_space<hbm>> -> memref<1x520x64xf32, #tpu.memory_space<hbm>>
        %dma_start3A_110 = tpu.memref_squeeze %dma_start3A_109 : memref<1x520x64xf32, #tpu.memory_space<hbm>> -> memref<520x64xf32, #tpu.memory_space<hbm>>
        %dma_start3A_111 = arith.constant 9480 : i32
        %dma_start3A_112 = arith.constant 0 : i32
        %dma_start3A_113 = tpu.memref_slice %arg13[%dma_start3A_111, %dma_start3A_112] : memref<10000x64xf32, #tpu.memory_space<vmem_shared>> -> memref<520x64xf32, #tpu.memory_space<vmem_shared>>
        tpu.enqueue_dma source(%dma_start3A_113 : memref<520x64xf32, #tpu.memory_space<vmem_shared>>) target(%dma_start3A_110 : memref<520x64xf32, #tpu.memory_space<hbm>>) target_semaphore(%run_scoped3A : memref<!tpu.dma_semaphore, #tpu.memory_space<semaphore_mem>>)
        %dma_wait3A_114 = arith.constant 9480 : i32
        %dma_wait3A_115 = arith.constant 0 : i32
        %dma_wait3A_116 = tpu.memref_slice %arg6[%arg0, %dma_wait3A_114, %dma_wait3A_115] : memref<2x10000x64xf32, #tpu.memory_space<hbm>> -> memref<1x520x64xf32, #tpu.memory_space<hbm>>
        %dma_wait3A_117 = tpu.memref_squeeze %dma_wait3A_116 : memref<1x520x64xf32, #tpu.memory_space<hbm>> -> memref<520x64xf32, #tpu.memory_space<hbm>>
        %dma_wait3A_118 = arith.constant 9480 : i32
        %dma_wait3A_119 = arith.constant 0 : i32
        %dma_wait3A_120 = tpu.memref_slice %arg13[%dma_wait3A_118, %dma_wait3A_119] : memref<10000x64xf32, #tpu.memory_space<vmem_shared>> -> memref<520x64xf32, #tpu.memory_space<vmem_shared>>
        tpu.wait_dma2 semaphore(%run_scoped3A : memref<!tpu.dma_semaphore, #tpu.memory_space<semaphore_mem>>) src(%dma_wait3A_120 : memref<520x64xf32, #tpu.memory_space<vmem_shared>>) dst(%dma_wait3A_117 : memref<520x64xf32, #tpu.memory_space<hbm>>)
        tpu.yield
      }) : () -> ()
    } else {
    }
    return
  }
}

#map = affine_map<(d0, d1) -> (0, 0, 0)>
#map1 = affine_map<(d0, d1) -> (0, 0)>
module attributes {stable_mosaic.version = 14 : i64} {
  func.func @edge_agg(%arg0: i32, %arg1: i32, %arg2: memref<2x10000x64xf32, #tpu.memory_space<hbm>>, %arg3: memref<16x500x80xi32, #tpu.memory_space<hbm>>, %arg4: memref<16x500x80xi32, #tpu.memory_space<hbm>>, %arg5: memref<632x64xf32, #tpu.memory_space<hbm>>, %arg6: memref<2x10000x64xf32, #tpu.memory_space<hbm>>, %arg7: memref<252x80xi32, #tpu.memory_space<vmem>>, %arg8: memref<252x80xi32, #tpu.memory_space<vmem>>, %arg9: memref<80x64xf32, #tpu.memory_space<vmem>>, %arg10: memref<80x64xf32, #tpu.memory_space<vmem>>, %arg11: memref<80x64xf32, #tpu.memory_space<vmem>>, %arg12: memref<80x64xf32, #tpu.memory_space<vmem>>, %arg13: memref<10000x64xf32, #tpu.memory_space<vmem_shared>>, %arg14: memref<!tpu.dma_semaphore, #tpu.memory_space<semaphore_mem>>, %arg15: memref<!tpu.dma_semaphore, #tpu.memory_space<semaphore_mem>>, %arg16: memref<!tpu.dma_semaphore, #tpu.memory_space<semaphore_mem>>, %arg17: memref<!tpu.dma_semaphore, #tpu.memory_space<semaphore_mem>>, %arg18: memref<!tpu.dma_semaphore, #tpu.memory_space<semaphore_mem>>, %arg19: memref<!tpu.dma_semaphore, #tpu.memory_space<semaphore_mem>>, %arg20: memref<!tpu.dma_semaphore, #tpu.memory_space<semaphore_mem>>, %arg21: memref<!tpu.dma_semaphore, #tpu.memory_space<semaphore_mem>>) attributes {dimension_semantics = [#tpu.dimension_semantics<core_parallel>, #tpu.dimension_semantics<subcore_parallel>], iteration_bounds = array<i64: 2, 16>, scalar_prefetch = 0 : i64, scratch_operands = 15 : i64, tpu.core_type = #tpu.core_type<sc_vector_subcore>, window_params = [{transform_indices = #map}, {transform_indices = #map}, {transform_indices = #map}, {transform_indices = #map1}, {transform_indices = #map}]} {
    %mul3A = arith.constant 632 : i32
    %mul3A_0 = arith.muli %arg1, %mul3A : i32
    %multiple_of3A = tpu.assume_multiple %mul3A_0, 8 : i32
    %lt3A = arith.constant 15 : i32
    %lt3A_1 = arith.cmpi slt, %arg1, %lt3A : i32
    %convert_element_type3A = arith.extui %lt3A_1 : i1 to i32
    %cond3A = arith.constant 0 : i32
    %cond3A_2 = arith.cmpi ne, %convert_element_type3A, %cond3A : i32
    scf.if %cond3A_2 {
      "tpu.region"() ({
        %run_scoped3A = tpu.sem_alloc : memref<!tpu.dma_semaphore, #tpu.memory_space<semaphore_mem>>
        %dma_start3A_107 = arith.constant 0 : i32
        %dma_start3A_108 = tpu.memref_slice %arg13[%multiple_of3A, %dma_start3A_107] : memref<10000x64xf32, #tpu.memory_space<vmem_shared>> -> memref<632x64xf32, #tpu.memory_space<vmem_shared>>
        tpu.enqueue_dma source(%arg5 : memref<632x64xf32, #tpu.memory_space<hbm>>) target(%dma_start3A_108 : memref<632x64xf32, #tpu.memory_space<vmem_shared>>) target_semaphore(%run_scoped3A : memref<!tpu.dma_semaphore, #tpu.memory_space<semaphore_mem>>)
        %dma_wait3A_109 = arith.constant 0 : i32
        %dma_wait3A_110 = tpu.memref_slice %arg13[%multiple_of3A, %dma_wait3A_109] : memref<10000x64xf32, #tpu.memory_space<vmem_shared>> -> memref<632x64xf32, #tpu.memory_space<vmem_shared>>
        tpu.wait_dma2 semaphore(%run_scoped3A : memref<!tpu.dma_semaphore, #tpu.memory_space<semaphore_mem>>) src(%arg5 : memref<632x64xf32, #tpu.memory_space<hbm>>) dst(%dma_wait3A_110 : memref<632x64xf32, #tpu.memory_space<vmem_shared>>)
        tpu.yield
      }) : () -> ()
    } else {
    }
    %eq3A = arith.constant 15 : i32
    %eq3A_3 = arith.cmpi eq, %arg1, %eq3A : i32
    %convert_element_type3A_4 = arith.extui %eq3A_3 : i1 to i32
    %cond3A_5 = arith.constant 0 : i32
    %cond3A_6 = arith.cmpi ne, %convert_element_type3A_4, %cond3A_5 : i32
    scf.if %cond3A_6 {
      "tpu.region"() ({
        %run_scoped3A = tpu.sem_alloc : memref<!tpu.dma_semaphore, #tpu.memory_space<semaphore_mem>>
        %dma_start3A_107 = arith.constant 9480 : i32
        %dma_start3A_108 = arith.constant 0 : i32
        %dma_start3A_109 = tpu.memref_slice %arg13[%dma_start3A_107, %dma_start3A_108] : memref<10000x64xf32, #tpu.memory_space<vmem_shared>> -> memref<520x64xf32, #tpu.memory_space<vmem_shared>>
        %dma_start3A_110 = arith.constant 0 : i32
        %dma_start3A_111 = arith.constant 0 : i32
        %dma_start3A_112 = tpu.memref_slice %arg5[%dma_start3A_110, %dma_start3A_111] : memref<632x64xf32, #tpu.memory_space<hbm>> -> memref<520x64xf32, #tpu.memory_space<hbm>>
        tpu.enqueue_dma source(%dma_start3A_112 : memref<520x64xf32, #tpu.memory_space<hbm>>) target(%dma_start3A_109 : memref<520x64xf32, #tpu.memory_space<vmem_shared>>) target_semaphore(%run_scoped3A : memref<!tpu.dma_semaphore, #tpu.memory_space<semaphore_mem>>)
        %dma_wait3A_113 = arith.constant 9480 : i32
        %dma_wait3A_114 = arith.constant 0 : i32
        %dma_wait3A_115 = tpu.memref_slice %arg13[%dma_wait3A_113, %dma_wait3A_114] : memref<10000x64xf32, #tpu.memory_space<vmem_shared>> -> memref<520x64xf32, #tpu.memory_space<vmem_shared>>
        %dma_wait3A_116 = arith.constant 0 : i32
        %dma_wait3A_117 = arith.constant 0 : i32
        %dma_wait3A_118 = tpu.memref_slice %arg5[%dma_wait3A_116, %dma_wait3A_117] : memref<632x64xf32, #tpu.memory_space<hbm>> -> memref<520x64xf32, #tpu.memory_space<hbm>>
        tpu.wait_dma2 semaphore(%run_scoped3A : memref<!tpu.dma_semaphore, #tpu.memory_space<semaphore_mem>>) src(%dma_wait3A_118 : memref<520x64xf32, #tpu.memory_space<hbm>>) dst(%dma_wait3A_115 : memref<520x64xf32, #tpu.memory_space<vmem_shared>>)
        tpu.yield
      }) : () -> ()
    } else {
    }
    %barrier3A = arith.constant 0 : index
    tpu.barrier barrier_id(%barrier3A)
    "tpu.region"() ({
      %run_scoped3A = tpu.sem_alloc : memref<!tpu.dma_semaphore, #tpu.memory_space<semaphore_mem>>
      %dma_start3A_107 = arith.constant 0 : i32
      %dma_start3A_108 = arith.constant 0 : i32
      %dma_start3A_109 = tpu.memref_slice %arg7[%dma_start3A_107, %dma_start3A_108] : memref<252x80xi32, #tpu.memory_space<vmem>> -> memref<248x80xi32, #tpu.memory_space<vmem>>
      %dma_start3A_110 = arith.constant 0 : i32
      %dma_start3A_111 = arith.constant 0 : i32
      %dma_start3A_112 = tpu.memref_slice %arg3[%arg1, %dma_start3A_110, %dma_start3A_111] : memref<16x500x80xi32, #tpu.memory_space<hbm>> -> memref<1x248x80xi32, #tpu.memory_space<hbm>>
      %dma_start3A_113 = tpu.memref_squeeze %dma_start3A_112 : memref<1x248x80xi32, #tpu.memory_space<hbm>> -> memref<248x80xi32, #tpu.memory_space<hbm>>
      %dma_start3A_114 = arith.constant 0 : i32
      %dma_start3A_115 = arith.constant 0 : i32
      %dma_start3A_116 = tpu.memref_slice %arg7[%dma_start3A_114, %dma_start3A_115] : memref<252x80xi32, #tpu.memory_space<vmem>> -> memref<248x80xi32, #tpu.memory_space<vmem>>
      %dma_start3A_117 = arith.constant 0 : i32
      %dma_start3A_118 = arith.constant 0 : i32
      %dma_start3A_119 = tpu.memref_slice %arg3[%arg1, %dma_start3A_117, %dma_start3A_118] : memref<16x500x80xi32, #tpu.memory_space<hbm>> -> memref<1x248x80xi32, #tpu.memory_space<hbm>>
      %dma_start3A_120 = tpu.memref_squeeze %dma_start3A_119 : memref<1x248x80xi32, #tpu.memory_space<hbm>> -> memref<248x80xi32, #tpu.memory_space<hbm>>
      tpu.enqueue_dma source(%dma_start3A_120 : memref<248x80xi32, #tpu.memory_space<hbm>>) target(%dma_start3A_116 : memref<248x80xi32, #tpu.memory_space<vmem>>) target_semaphore(%run_scoped3A : memref<!tpu.dma_semaphore, #tpu.memory_space<semaphore_mem>>)
      %dma_wait3A_121 = arith.constant 0 : i32
      %dma_wait3A_122 = arith.constant 0 : i32
      %dma_wait3A_123 = tpu.memref_slice %arg7[%dma_wait3A_121, %dma_wait3A_122] : memref<252x80xi32, #tpu.memory_space<vmem>> -> memref<248x80xi32, #tpu.memory_space<vmem>>
      %dma_wait3A_124 = arith.constant 0 : i32
      %dma_wait3A_125 = arith.constant 0 : i32
      %dma_wait3A_126 = tpu.memref_slice %arg3[%arg1, %dma_wait3A_124, %dma_wait3A_125] : memref<16x500x80xi32, #tpu.memory_space<hbm>> -> memref<1x248x80xi32, #tpu.memory_space<hbm>>
      %dma_wait3A_127 = tpu.memref_squeeze %dma_wait3A_126 : memref<1x248x80xi32, #tpu.memory_space<hbm>> -> memref<248x80xi32, #tpu.memory_space<hbm>>
      %dma_wait3A_128 = arith.constant 0 : i32
      %dma_wait3A_129 = arith.constant 0 : i32
      %dma_wait3A_130 = tpu.memref_slice %arg7[%dma_wait3A_128, %dma_wait3A_129] : memref<252x80xi32, #tpu.memory_space<vmem>> -> memref<248x80xi32, #tpu.memory_space<vmem>>
      %dma_wait3A_131 = arith.constant 0 : i32
      %dma_wait3A_132 = arith.constant 0 : i32
      %dma_wait3A_133 = tpu.memref_slice %arg3[%arg1, %dma_wait3A_131, %dma_wait3A_132] : memref<16x500x80xi32, #tpu.memory_space<hbm>> -> memref<1x248x80xi32, #tpu.memory_space<hbm>>
      %dma_wait3A_134 = tpu.memref_squeeze %dma_wait3A_133 : memref<1x248x80xi32, #tpu.memory_space<hbm>> -> memref<248x80xi32, #tpu.memory_space<hbm>>
      tpu.wait_dma2 semaphore(%run_scoped3A : memref<!tpu.dma_semaphore, #tpu.memory_space<semaphore_mem>>) src(%dma_wait3A_134 : memref<248x80xi32, #tpu.memory_space<hbm>>) dst(%dma_wait3A_130 : memref<248x80xi32, #tpu.memory_space<vmem>>)
      tpu.yield
    }) : () -> ()
    "tpu.region"() ({
      %run_scoped3A = tpu.sem_alloc : memref<!tpu.dma_semaphore, #tpu.memory_space<semaphore_mem>>
      %dma_start3A_107 = arith.constant 0 : i32
      %dma_start3A_108 = arith.constant 0 : i32
      %dma_start3A_109 = tpu.memref_slice %arg8[%dma_start3A_107, %dma_start3A_108] : memref<252x80xi32, #tpu.memory_space<vmem>> -> memref<248x80xi32, #tpu.memory_space<vmem>>
      %dma_start3A_110 = arith.constant 0 : i32
      %dma_start3A_111 = arith.constant 0 : i32
      %dma_start3A_112 = tpu.memref_slice %arg4[%arg1, %dma_start3A_110, %dma_start3A_111] : memref<16x500x80xi32, #tpu.memory_space<hbm>> -> memref<1x248x80xi32, #tpu.memory_space<hbm>>
      %dma_start3A_113 = tpu.memref_squeeze %dma_start3A_112 : memref<1x248x80xi32, #tpu.memory_space<hbm>> -> memref<248x80xi32, #tpu.memory_space<hbm>>
      %dma_start3A_114 = arith.constant 0 : i32
      %dma_start3A_115 = arith.constant 0 : i32
      %dma_start3A_116 = tpu.memref_slice %arg8[%dma_start3A_114, %dma_start3A_115] : memref<252x80xi32, #tpu.memory_space<vmem>> -> memref<248x80xi32, #tpu.memory_space<vmem>>
      %dma_start3A_117 = arith.constant 0 : i32
      %dma_start3A_118 = arith.constant 0 : i32
      %dma_start3A_119 = tpu.memref_slice %arg4[%arg1, %dma_start3A_117, %dma_start3A_118] : memref<16x500x80xi32, #tpu.memory_space<hbm>> -> memref<1x248x80xi32, #tpu.memory_space<hbm>>
      %dma_start3A_120 = tpu.memref_squeeze %dma_start3A_119 : memref<1x248x80xi32, #tpu.memory_space<hbm>> -> memref<248x80xi32, #tpu.memory_space<hbm>>
      tpu.enqueue_dma source(%dma_start3A_120 : memref<248x80xi32, #tpu.memory_space<hbm>>) target(%dma_start3A_116 : memref<248x80xi32, #tpu.memory_space<vmem>>) target_semaphore(%run_scoped3A : memref<!tpu.dma_semaphore, #tpu.memory_space<semaphore_mem>>)
      %dma_wait3A_121 = arith.constant 0 : i32
      %dma_wait3A_122 = arith.constant 0 : i32
      %dma_wait3A_123 = tpu.memref_slice %arg8[%dma_wait3A_121, %dma_wait3A_122] : memref<252x80xi32, #tpu.memory_space<vmem>> -> memref<248x80xi32, #tpu.memory_space<vmem>>
      %dma_wait3A_124 = arith.constant 0 : i32
      %dma_wait3A_125 = arith.constant 0 : i32
      %dma_wait3A_126 = tpu.memref_slice %arg4[%arg1, %dma_wait3A_124, %dma_wait3A_125] : memref<16x500x80xi32, #tpu.memory_space<hbm>> -> memref<1x248x80xi32, #tpu.memory_space<hbm>>
      %dma_wait3A_127 = tpu.memref_squeeze %dma_wait3A_126 : memref<1x248x80xi32, #tpu.memory_space<hbm>> -> memref<248x80xi32, #tpu.memory_space<hbm>>
      %dma_wait3A_128 = arith.constant 0 : i32
      %dma_wait3A_129 = arith.constant 0 : i32
      %dma_wait3A_130 = tpu.memref_slice %arg8[%dma_wait3A_128, %dma_wait3A_129] : memref<252x80xi32, #tpu.memory_space<vmem>> -> memref<248x80xi32, #tpu.memory_space<vmem>>
      %dma_wait3A_131 = arith.constant 0 : i32
      %dma_wait3A_132 = arith.constant 0 : i32
      %dma_wait3A_133 = tpu.memref_slice %arg4[%arg1, %dma_wait3A_131, %dma_wait3A_132] : memref<16x500x80xi32, #tpu.memory_space<hbm>> -> memref<1x248x80xi32, #tpu.memory_space<hbm>>
      %dma_wait3A_134 = tpu.memref_squeeze %dma_wait3A_133 : memref<1x248x80xi32, #tpu.memory_space<hbm>> -> memref<248x80xi32, #tpu.memory_space<hbm>>
      tpu.wait_dma2 semaphore(%run_scoped3A : memref<!tpu.dma_semaphore, #tpu.memory_space<semaphore_mem>>) src(%dma_wait3A_134 : memref<248x80xi32, #tpu.memory_space<hbm>>) dst(%dma_wait3A_130 : memref<248x80xi32, #tpu.memory_space<vmem>>)
      tpu.yield
    }) : () -> ()
    %dma_start3A = arith.constant 0 : i32
    %dma_start3A_7 = arith.constant 0 : i32
    %dma_start3A_8 = tpu.memref_slice %arg7[%dma_start3A, %dma_start3A_7] : memref<252x80xi32, #tpu.memory_space<vmem>> -> memref<1x80xi32, #tpu.memory_space<vmem>>
    %dma_start3A_9 = tpu.memref_squeeze %dma_start3A_8 : memref<1x80xi32, #tpu.memory_space<vmem>> -> memref<80xi32, #tpu.memory_space<vmem>>
    %dma_start3A_10 = arith.constant 0 : i32
    %dma_start3A_11 = arith.constant 0 : i32
    %dma_start3A_12 = tpu.memref_slice %arg2[%arg0, %dma_start3A_10, %dma_start3A_11] : memref<2x10000x64xf32, #tpu.memory_space<hbm>> -> memref<1x10000x64xf32, #tpu.memory_space<hbm>>
    %dma_start3A_13 = tpu.memref_squeeze %dma_start3A_12 : memref<1x10000x64xf32, #tpu.memory_space<hbm>> -> memref<10000x64xf32, #tpu.memory_space<hbm>>
    %dma_start3A_14 = arith.constant 0 : i32
    %dma_start3A_15 = arith.constant 0 : i32
    %dma_start3A_16 = tpu.memref_slice %dma_start3A_13[%dma_start3A_14, %dma_start3A_15] : memref<10000x64xf32, #tpu.memory_space<hbm>> -> memref<10000x64xf32, #tpu.memory_space<hbm>>
    tpu.enqueue_indirect_dma source(%dma_start3A_16 : memref<10000x64xf32, #tpu.memory_space<hbm>>) target(%arg9 : memref<80x64xf32, #tpu.memory_space<vmem>>) offsets(%dma_start3A_9 : memref<80xi32, #tpu.memory_space<vmem>>) semaphore(%arg14 : memref<!tpu.dma_semaphore, #tpu.memory_space<semaphore_mem>>)
    %dma_start3A_17 = arith.constant 1 : i32
    %dma_start3A_18 = arith.constant 0 : i32
    %dma_start3A_19 = tpu.memref_slice %arg7[%dma_start3A_17, %dma_start3A_18] : memref<252x80xi32, #tpu.memory_space<vmem>> -> memref<1x80xi32, #tpu.memory_space<vmem>>
    %dma_start3A_20 = tpu.memref_squeeze %dma_start3A_19 : memref<1x80xi32, #tpu.memory_space<vmem>> -> memref<80xi32, #tpu.memory_space<vmem>>
    %dma_start3A_21 = arith.constant 0 : i32
    %dma_start3A_22 = arith.constant 0 : i32
    %dma_start3A_23 = tpu.memref_slice %arg2[%arg0, %dma_start3A_21, %dma_start3A_22] : memref<2x10000x64xf32, #tpu.memory_space<hbm>> -> memref<1x10000x64xf32, #tpu.memory_space<hbm>>
    %dma_start3A_24 = tpu.memref_squeeze %dma_start3A_23 : memref<1x10000x64xf32, #tpu.memory_space<hbm>> -> memref<10000x64xf32, #tpu.memory_space<hbm>>
    %dma_start3A_25 = arith.constant 0 : i32
    %dma_start3A_26 = arith.constant 0 : i32
    %dma_start3A_27 = tpu.memref_slice %dma_start3A_24[%dma_start3A_25, %dma_start3A_26] : memref<10000x64xf32, #tpu.memory_space<hbm>> -> memref<10000x64xf32, #tpu.memory_space<hbm>>
    tpu.enqueue_indirect_dma source(%dma_start3A_27 : memref<10000x64xf32, #tpu.memory_space<hbm>>) target(%arg10 : memref<80x64xf32, #tpu.memory_space<vmem>>) offsets(%dma_start3A_20 : memref<80xi32, #tpu.memory_space<vmem>>) semaphore(%arg15 : memref<!tpu.dma_semaphore, #tpu.memory_space<semaphore_mem>>)
    %dma_start3A_28 = arith.constant 2 : i32
    %dma_start3A_29 = arith.constant 0 : i32
    %dma_start3A_30 = tpu.memref_slice %arg7[%dma_start3A_28, %dma_start3A_29] : memref<252x80xi32, #tpu.memory_space<vmem>> -> memref<1x80xi32, #tpu.memory_space<vmem>>
    %dma_start3A_31 = tpu.memref_squeeze %dma_start3A_30 : memref<1x80xi32, #tpu.memory_space<vmem>> -> memref<80xi32, #tpu.memory_space<vmem>>
    %dma_start3A_32 = arith.constant 0 : i32
    %dma_start3A_33 = arith.constant 0 : i32
    %dma_start3A_34 = tpu.memref_slice %arg2[%arg0, %dma_start3A_32, %dma_start3A_33] : memref<2x10000x64xf32, #tpu.memory_space<hbm>> -> memref<1x10000x64xf32, #tpu.memory_space<hbm>>
    %dma_start3A_35 = tpu.memref_squeeze %dma_start3A_34 : memref<1x10000x64xf32, #tpu.memory_space<hbm>> -> memref<10000x64xf32, #tpu.memory_space<hbm>>
    %dma_start3A_36 = arith.constant 0 : i32
    %dma_start3A_37 = arith.constant 0 : i32
    %dma_start3A_38 = tpu.memref_slice %dma_start3A_35[%dma_start3A_36, %dma_start3A_37] : memref<10000x64xf32, #tpu.memory_space<hbm>> -> memref<10000x64xf32, #tpu.memory_space<hbm>>
    tpu.enqueue_indirect_dma source(%dma_start3A_38 : memref<10000x64xf32, #tpu.memory_space<hbm>>) target(%arg11 : memref<80x64xf32, #tpu.memory_space<vmem>>) offsets(%dma_start3A_31 : memref<80xi32, #tpu.memory_space<vmem>>) semaphore(%arg16 : memref<!tpu.dma_semaphore, #tpu.memory_space<semaphore_mem>>)
    %scan3A = arith.constant 0 : i32
    %scan3A_39 = arith.constant 0 : i32
    %scan3A_40 = arith.constant 62 : i32
    %scan3A_41 = arith.addi %scan3A_39, %scan3A_40 : i32
    %scan3A_42 = arith.constant 1 : i32
    scf.for %scan3A_107 = %scan3A_39 to %scan3A_41 step %scan3A_42  : i32 {
      %mul3A_108 = arith.constant 4 : i32
      %mul3A_109 = arith.muli %mul3A_108, %scan3A_107 : i32
      %add3A = arith.constant 0 : i32
      %add3A_110 = arith.addi %mul3A_109, %add3A : i32
      %dma_wait3A_111 = arith.constant 0 : i32
      %dma_wait3A_112 = tpu.memref_slice %arg7[%add3A_110, %dma_wait3A_111] : memref<252x80xi32, #tpu.memory_space<vmem>> -> memref<1x80xi32, #tpu.memory_space<vmem>>
      %dma_wait3A_113 = tpu.memref_squeeze %dma_wait3A_112 : memref<1x80xi32, #tpu.memory_space<vmem>> -> memref<80xi32, #tpu.memory_space<vmem>>
      %dma_wait3A_114 = arith.constant 0 : i32
      %dma_wait3A_115 = arith.constant 0 : i32
      %dma_wait3A_116 = tpu.memref_slice %arg2[%arg0, %dma_wait3A_114, %dma_wait3A_115] : memref<2x10000x64xf32, #tpu.memory_space<hbm>> -> memref<1x10000x64xf32, #tpu.memory_space<hbm>>
      %dma_wait3A_117 = tpu.memref_squeeze %dma_wait3A_116 : memref<1x10000x64xf32, #tpu.memory_space<hbm>> -> memref<10000x64xf32, #tpu.memory_space<hbm>>
      %dma_wait3A_118 = arith.constant 0 : i32
      %dma_wait3A_119 = arith.constant 0 : i32
      %dma_wait3A_120 = tpu.memref_slice %dma_wait3A_117[%dma_wait3A_118, %dma_wait3A_119] : memref<10000x64xf32, #tpu.memory_space<hbm>> -> memref<10000x64xf32, #tpu.memory_space<hbm>>
      tpu.wait_indirect_dma semaphore(%arg14 : memref<!tpu.dma_semaphore, #tpu.memory_space<semaphore_mem>>) src(%dma_wait3A_120 : memref<10000x64xf32, #tpu.memory_space<hbm>>) dst(%arg9 : memref<80x64xf32, #tpu.memory_space<vmem>>)
      %dma_start3A_121 = arith.constant 0 : i32
      %dma_start3A_122 = tpu.memref_slice %arg8[%add3A_110, %dma_start3A_121] : memref<252x80xi32, #tpu.memory_space<vmem>> -> memref<1x80xi32, #tpu.memory_space<vmem>>
      %dma_start3A_123 = tpu.memref_squeeze %dma_start3A_122 : memref<1x80xi32, #tpu.memory_space<vmem>> -> memref<80xi32, #tpu.memory_space<vmem>>
      %dma_start3A_124 = arith.constant 0 : i32
      %dma_start3A_125 = arith.constant 0 : i32
      %dma_start3A_126 = tpu.memref_slice %arg13[%dma_start3A_124, %dma_start3A_125] : memref<10000x64xf32, #tpu.memory_space<vmem_shared>> -> memref<10000x64xf32, #tpu.memory_space<vmem_shared>>
      tpu.enqueue_indirect_dma source(%arg9 : memref<80x64xf32, #tpu.memory_space<vmem>>) target(%dma_start3A_126 : memref<10000x64xf32, #tpu.memory_space<vmem_shared>>) offsets(%dma_start3A_123 : memref<80xi32, #tpu.memory_space<vmem>>) semaphore(%arg18 : memref<!tpu.dma_semaphore, #tpu.memory_space<semaphore_mem>>) {add = true}
      %ge3A = arith.constant 1 : i32
      %ge3A_127 = arith.cmpi sge, %add3A_110, %ge3A : i32
      %convert_element_type3A_128 = arith.extui %ge3A_127 : i1 to i32
      %cond3A_129 = arith.constant 0 : i32
      %cond3A_130 = arith.cmpi ne, %convert_element_type3A_128, %cond3A_129 : i32
      scf.if %cond3A_130 {
        %sub3A = arith.constant 1 : i32
        %sub3A_234 = arith.subi %add3A_110, %sub3A : i32
        %dma_wait3A_235 = arith.constant 0 : i32
        %dma_wait3A_236 = tpu.memref_slice %arg8[%sub3A_234, %dma_wait3A_235] : memref<252x80xi32, #tpu.memory_space<vmem>> -> memref<1x80xi32, #tpu.memory_space<vmem>>
        %dma_wait3A_237 = tpu.memref_squeeze %dma_wait3A_236 : memref<1x80xi32, #tpu.memory_space<vmem>> -> memref<80xi32, #tpu.memory_space<vmem>>
        %dma_wait3A_238 = arith.constant 0 : i32
        %dma_wait3A_239 = arith.constant 0 : i32
        %dma_wait3A_240 = tpu.memref_slice %arg13[%dma_wait3A_238, %dma_wait3A_239] : memref<10000x64xf32, #tpu.memory_space<vmem_shared>> -> memref<10000x64xf32, #tpu.memory_space<vmem_shared>>
        tpu.wait_indirect_dma semaphore(%arg21 : memref<!tpu.dma_semaphore, #tpu.memory_space<semaphore_mem>>) src(%arg12 : memref<80x64xf32, #tpu.memory_space<vmem>>) dst(%dma_wait3A_240 : memref<10000x64xf32, #tpu.memory_space<vmem_shared>>)
      } else {
      }
      %add3A_131 = arith.constant 3 : i32
      %add3A_132 = arith.addi %add3A_110, %add3A_131 : i32
      %lt3A_133 = arith.constant 248 : i32
      %lt3A_134 = arith.cmpi slt, %add3A_132, %lt3A_133 : i32
      %convert_element_type3A_135 = arith.extui %lt3A_134 : i1 to i32
      %cond3A_136 = arith.constant 0 : i32
      %cond3A_137 = arith.cmpi ne, %convert_element_type3A_135, %cond3A_136 : i32
      scf.if %cond3A_137 {
        %add3A_234 = arith.constant 3 : i32
        %add3A_235 = arith.addi %add3A_110, %add3A_234 : i32
        %dma_start3A_236 = arith.constant 0 : i32
        %dma_start3A_237 = tpu.memref_slice %arg7[%add3A_235, %dma_start3A_236] : memref<252x80xi32, #tpu.memory_space<vmem>> -> memref<1x80xi32, #tpu.memory_space<vmem>>
        %dma_start3A_238 = tpu.memref_squeeze %dma_start3A_237 : memref<1x80xi32, #tpu.memory_space<vmem>> -> memref<80xi32, #tpu.memory_space<vmem>>
        %dma_start3A_239 = arith.constant 0 : i32
        %dma_start3A_240 = arith.constant 0 : i32
        %dma_start3A_241 = tpu.memref_slice %arg2[%arg0, %dma_start3A_239, %dma_start3A_240] : memref<2x10000x64xf32, #tpu.memory_space<hbm>> -> memref<1x10000x64xf32, #tpu.memory_space<hbm>>
        %dma_start3A_242 = tpu.memref_squeeze %dma_start3A_241 : memref<1x10000x64xf32, #tpu.memory_space<hbm>> -> memref<10000x64xf32, #tpu.memory_space<hbm>>
        %dma_start3A_243 = arith.constant 0 : i32
        %dma_start3A_244 = arith.constant 0 : i32
        %dma_start3A_245 = tpu.memref_slice %dma_start3A_242[%dma_start3A_243, %dma_start3A_244] : memref<10000x64xf32, #tpu.memory_space<hbm>> -> memref<10000x64xf32, #tpu.memory_space<hbm>>
        tpu.enqueue_indirect_dma source(%dma_start3A_245 : memref<10000x64xf32, #tpu.memory_space<hbm>>) target(%arg12 : memref<80x64xf32, #tpu.memory_space<vmem>>) offsets(%dma_start3A_238 : memref<80xi32, #tpu.memory_space<vmem>>) semaphore(%arg17 : memref<!tpu.dma_semaphore, #tpu.memory_space<semaphore_mem>>)
      } else {
      }
      %mul3A_138 = arith.constant 4 : i32
      %mul3A_139 = arith.muli %mul3A_138, %scan3A_107 : i32
      %add3A_140 = arith.constant 1 : i32
      %add3A_141 = arith.addi %mul3A_139, %add3A_140 : i32
      %dma_wait3A_142 = arith.constant 0 : i32
      %dma_wait3A_143 = tpu.memref_slice %arg7[%add3A_141, %dma_wait3A_142] : memref<252x80xi32, #tpu.memory_space<vmem>> -> memref<1x80xi32, #tpu.memory_space<vmem>>
      %dma_wait3A_144 = tpu.memref_squeeze %dma_wait3A_143 : memref<1x80xi32, #tpu.memory_space<vmem>> -> memref<80xi32, #tpu.memory_space<vmem>>
      %dma_wait3A_145 = arith.constant 0 : i32
      %dma_wait3A_146 = arith.constant 0 : i32
      %dma_wait3A_147 = tpu.memref_slice %arg2[%arg0, %dma_wait3A_145, %dma_wait3A_146] : memref<2x10000x64xf32, #tpu.memory_space<hbm>> -> memref<1x10000x64xf32, #tpu.memory_space<hbm>>
      %dma_wait3A_148 = tpu.memref_squeeze %dma_wait3A_147 : memref<1x10000x64xf32, #tpu.memory_space<hbm>> -> memref<10000x64xf32, #tpu.memory_space<hbm>>
      %dma_wait3A_149 = arith.constant 0 : i32
      %dma_wait3A_150 = arith.constant 0 : i32
      %dma_wait3A_151 = tpu.memref_slice %dma_wait3A_148[%dma_wait3A_149, %dma_wait3A_150] : memref<10000x64xf32, #tpu.memory_space<hbm>> -> memref<10000x64xf32, #tpu.memory_space<hbm>>
      tpu.wait_indirect_dma semaphore(%arg15 : memref<!tpu.dma_semaphore, #tpu.memory_space<semaphore_mem>>) src(%dma_wait3A_151 : memref<10000x64xf32, #tpu.memory_space<hbm>>) dst(%arg10 : memref<80x64xf32, #tpu.memory_space<vmem>>)
      %dma_start3A_152 = arith.constant 0 : i32
      %dma_start3A_153 = tpu.memref_slice %arg8[%add3A_141, %dma_start3A_152] : memref<252x80xi32, #tpu.memory_space<vmem>> -> memref<1x80xi32, #tpu.memory_space<vmem>>
      %dma_start3A_154 = tpu.memref_squeeze %dma_start3A_153 : memref<1x80xi32, #tpu.memory_space<vmem>> -> memref<80xi32, #tpu.memory_space<vmem>>
      %dma_start3A_155 = arith.constant 0 : i32
      %dma_start3A_156 = arith.constant 0 : i32
      %dma_start3A_157 = tpu.memref_slice %arg13[%dma_start3A_155, %dma_start3A_156] : memref<10000x64xf32, #tpu.memory_space<vmem_shared>> -> memref<10000x64xf32, #tpu.memory_space<vmem_shared>>
      tpu.enqueue_indirect_dma source(%arg10 : memref<80x64xf32, #tpu.memory_space<vmem>>) target(%dma_start3A_157 : memref<10000x64xf32, #tpu.memory_space<vmem_shared>>) offsets(%dma_start3A_154 : memref<80xi32, #tpu.memory_space<vmem>>) semaphore(%arg19 : memref<!tpu.dma_semaphore, #tpu.memory_space<semaphore_mem>>) {add = true}
      %ge3A_158 = arith.constant 1 : i32
      %ge3A_159 = arith.cmpi sge, %add3A_141, %ge3A_158 : i32
      %convert_element_type3A_160 = arith.extui %ge3A_159 : i1 to i32
      %cond3A_161 = arith.constant 0 : i32
      %cond3A_162 = arith.cmpi ne, %convert_element_type3A_160, %cond3A_161 : i32
      scf.if %cond3A_162 {
        %sub3A = arith.constant 1 : i32
        %sub3A_234 = arith.subi %add3A_141, %sub3A : i32
        %dma_wait3A_235 = arith.constant 0 : i32
        %dma_wait3A_236 = tpu.memref_slice %arg8[%sub3A_234, %dma_wait3A_235] : memref<252x80xi32, #tpu.memory_space<vmem>> -> memref<1x80xi32, #tpu.memory_space<vmem>>
        %dma_wait3A_237 = tpu.memref_squeeze %dma_wait3A_236 : memref<1x80xi32, #tpu.memory_space<vmem>> -> memref<80xi32, #tpu.memory_space<vmem>>
        %dma_wait3A_238 = arith.constant 0 : i32
        %dma_wait3A_239 = arith.constant 0 : i32
        %dma_wait3A_240 = tpu.memref_slice %arg13[%dma_wait3A_238, %dma_wait3A_239] : memref<10000x64xf32, #tpu.memory_space<vmem_shared>> -> memref<10000x64xf32, #tpu.memory_space<vmem_shared>>
        tpu.wait_indirect_dma semaphore(%arg18 : memref<!tpu.dma_semaphore, #tpu.memory_space<semaphore_mem>>) src(%arg9 : memref<80x64xf32, #tpu.memory_space<vmem>>) dst(%dma_wait3A_240 : memref<10000x64xf32, #tpu.memory_space<vmem_shared>>)
      } else {
      }
      %add3A_163 = arith.constant 3 : i32
      %add3A_164 = arith.addi %add3A_141, %add3A_163 : i32
      %lt3A_165 = arith.constant 248 : i32
      %lt3A_166 = arith.cmpi slt, %add3A_164, %lt3A_165 : i32
      %convert_element_type3A_167 = arith.extui %lt3A_166 : i1 to i32
      %cond3A_168 = arith.constant 0 : i32
      %cond3A_169 = arith.cmpi ne, %convert_element_type3A_167, %cond3A_168 : i32
      scf.if %cond3A_169 {
        %add3A_234 = arith.constant 3 : i32
        %add3A_235 = arith.addi %add3A_141, %add3A_234 : i32
        %dma_start3A_236 = arith.constant 0 : i32
        %dma_start3A_237 = tpu.memref_slice %arg7[%add3A_235, %dma_start3A_236] : memref<252x80xi32, #tpu.memory_space<vmem>> -> memref<1x80xi32, #tpu.memory_space<vmem>>
        %dma_start3A_238 = tpu.memref_squeeze %dma_start3A_237 : memref<1x80xi32, #tpu.memory_space<vmem>> -> memref<80xi32, #tpu.memory_space<vmem>>
        %dma_start3A_239 = arith.constant 0 : i32
        %dma_start3A_240 = arith.constant 0 : i32
        %dma_start3A_241 = tpu.memref_slice %arg2[%arg0, %dma_start3A_239, %dma_start3A_240] : memref<2x10000x64xf32, #tpu.memory_space<hbm>> -> memref<1x10000x64xf32, #tpu.memory_space<hbm>>
        %dma_start3A_242 = tpu.memref_squeeze %dma_start3A_241 : memref<1x10000x64xf32, #tpu.memory_space<hbm>> -> memref<10000x64xf32, #tpu.memory_space<hbm>>
        %dma_start3A_243 = arith.constant 0 : i32
        %dma_start3A_244 = arith.constant 0 : i32
        %dma_start3A_245 = tpu.memref_slice %dma_start3A_242[%dma_start3A_243, %dma_start3A_244] : memref<10000x64xf32, #tpu.memory_space<hbm>> -> memref<10000x64xf32, #tpu.memory_space<hbm>>
        tpu.enqueue_indirect_dma source(%dma_start3A_245 : memref<10000x64xf32, #tpu.memory_space<hbm>>) target(%arg9 : memref<80x64xf32, #tpu.memory_space<vmem>>) offsets(%dma_start3A_238 : memref<80xi32, #tpu.memory_space<vmem>>) semaphore(%arg14 : memref<!tpu.dma_semaphore, #tpu.memory_space<semaphore_mem>>)
      } else {
      }
      %mul3A_170 = arith.constant 4 : i32
      %mul3A_171 = arith.muli %mul3A_170, %scan3A_107 : i32
      %add3A_172 = arith.constant 2 : i32
      %add3A_173 = arith.addi %mul3A_171, %add3A_172 : i32
      %dma_wait3A_174 = arith.constant 0 : i32
      %dma_wait3A_175 = tpu.memref_slice %arg7[%add3A_173, %dma_wait3A_174] : memref<252x80xi32, #tpu.memory_space<vmem>> -> memref<1x80xi32, #tpu.memory_space<vmem>>
      %dma_wait3A_176 = tpu.memref_squeeze %dma_wait3A_175 : memref<1x80xi32, #tpu.memory_space<vmem>> -> memref<80xi32, #tpu.memory_space<vmem>>
      %dma_wait3A_177 = arith.constant 0 : i32
      %dma_wait3A_178 = arith.constant 0 : i32
      %dma_wait3A_179 = tpu.memref_slice %arg2[%arg0, %dma_wait3A_177, %dma_wait3A_178] : memref<2x10000x64xf32, #tpu.memory_space<hbm>> -> memref<1x10000x64xf32, #tpu.memory_space<hbm>>
      %dma_wait3A_180 = tpu.memref_squeeze %dma_wait3A_179 : memref<1x10000x64xf32, #tpu.memory_space<hbm>> -> memref<10000x64xf32, #tpu.memory_space<hbm>>
      %dma_wait3A_181 = arith.constant 0 : i32
      %dma_wait3A_182 = arith.constant 0 : i32
      %dma_wait3A_183 = tpu.memref_slice %dma_wait3A_180[%dma_wait3A_181, %dma_wait3A_182] : memref<10000x64xf32, #tpu.memory_space<hbm>> -> memref<10000x64xf32, #tpu.memory_space<hbm>>
      tpu.wait_indirect_dma semaphore(%arg16 : memref<!tpu.dma_semaphore, #tpu.memory_space<semaphore_mem>>) src(%dma_wait3A_183 : memref<10000x64xf32, #tpu.memory_space<hbm>>) dst(%arg11 : memref<80x64xf32, #tpu.memory_space<vmem>>)
      %dma_start3A_184 = arith.constant 0 : i32
      %dma_start3A_185 = tpu.memref_slice %arg8[%add3A_173, %dma_start3A_184] : memref<252x80xi32, #tpu.memory_space<vmem>> -> memref<1x80xi32, #tpu.memory_space<vmem>>
      %dma_start3A_186 = tpu.memref_squeeze %dma_start3A_185 : memref<1x80xi32, #tpu.memory_space<vmem>> -> memref<80xi32, #tpu.memory_space<vmem>>
      %dma_start3A_187 = arith.constant 0 : i32
      %dma_start3A_188 = arith.constant 0 : i32
      %dma_start3A_189 = tpu.memref_slice %arg13[%dma_start3A_187, %dma_start3A_188] : memref<10000x64xf32, #tpu.memory_space<vmem_shared>> -> memref<10000x64xf32, #tpu.memory_space<vmem_shared>>
      tpu.enqueue_indirect_dma source(%arg11 : memref<80x64xf32, #tpu.memory_space<vmem>>) target(%dma_start3A_189 : memref<10000x64xf32, #tpu.memory_space<vmem_shared>>) offsets(%dma_start3A_186 : memref<80xi32, #tpu.memory_space<vmem>>) semaphore(%arg20 : memref<!tpu.dma_semaphore, #tpu.memory_space<semaphore_mem>>) {add = true}
      %ge3A_190 = arith.constant 1 : i32
      %ge3A_191 = arith.cmpi sge, %add3A_173, %ge3A_190 : i32
      %convert_element_type3A_192 = arith.extui %ge3A_191 : i1 to i32
      %cond3A_193 = arith.constant 0 : i32
      %cond3A_194 = arith.cmpi ne, %convert_element_type3A_192, %cond3A_193 : i32
      scf.if %cond3A_194 {
        %sub3A = arith.constant 1 : i32
        %sub3A_234 = arith.subi %add3A_173, %sub3A : i32
        %dma_wait3A_235 = arith.constant 0 : i32
        %dma_wait3A_236 = tpu.memref_slice %arg8[%sub3A_234, %dma_wait3A_235] : memref<252x80xi32, #tpu.memory_space<vmem>> -> memref<1x80xi32, #tpu.memory_space<vmem>>
        %dma_wait3A_237 = tpu.memref_squeeze %dma_wait3A_236 : memref<1x80xi32, #tpu.memory_space<vmem>> -> memref<80xi32, #tpu.memory_space<vmem>>
        %dma_wait3A_238 = arith.constant 0 : i32
        %dma_wait3A_239 = arith.constant 0 : i32
        %dma_wait3A_240 = tpu.memref_slice %arg13[%dma_wait3A_238, %dma_wait3A_239] : memref<10000x64xf32, #tpu.memory_space<vmem_shared>> -> memref<10000x64xf32, #tpu.memory_space<vmem_shared>>
        tpu.wait_indirect_dma semaphore(%arg19 : memref<!tpu.dma_semaphore, #tpu.memory_space<semaphore_mem>>) src(%arg10 : memref<80x64xf32, #tpu.memory_space<vmem>>) dst(%dma_wait3A_240 : memref<10000x64xf32, #tpu.memory_space<vmem_shared>>)
      } else {
      }
      %add3A_195 = arith.constant 3 : i32
      %add3A_196 = arith.addi %add3A_173, %add3A_195 : i32
      %lt3A_197 = arith.constant 248 : i32
      %lt3A_198 = arith.cmpi slt, %add3A_196, %lt3A_197 : i32
      %convert_element_type3A_199 = arith.extui %lt3A_198 : i1 to i32
      %cond3A_200 = arith.constant 0 : i32
      %cond3A_201 = arith.cmpi ne, %convert_element_type3A_199, %cond3A_200 : i32
      scf.if %cond3A_201 {
        %add3A_234 = arith.constant 3 : i32
        %add3A_235 = arith.addi %add3A_173, %add3A_234 : i32
        %dma_start3A_236 = arith.constant 0 : i32
        %dma_start3A_237 = tpu.memref_slice %arg7[%add3A_235, %dma_start3A_236] : memref<252x80xi32, #tpu.memory_space<vmem>> -> memref<1x80xi32, #tpu.memory_space<vmem>>
        %dma_start3A_238 = tpu.memref_squeeze %dma_start3A_237 : memref<1x80xi32, #tpu.memory_space<vmem>> -> memref<80xi32, #tpu.memory_space<vmem>>
        %dma_start3A_239 = arith.constant 0 : i32
        %dma_start3A_240 = arith.constant 0 : i32
        %dma_start3A_241 = tpu.memref_slice %arg2[%arg0, %dma_start3A_239, %dma_start3A_240] : memref<2x10000x64xf32, #tpu.memory_space<hbm>> -> memref<1x10000x64xf32, #tpu.memory_space<hbm>>
        %dma_start3A_242 = tpu.memref_squeeze %dma_start3A_241 : memref<1x10000x64xf32, #tpu.memory_space<hbm>> -> memref<10000x64xf32, #tpu.memory_space<hbm>>
        %dma_start3A_243 = arith.constant 0 : i32
        %dma_start3A_244 = arith.constant 0 : i32
        %dma_start3A_245 = tpu.memref_slice %dma_start3A_242[%dma_start3A_243, %dma_start3A_244] : memref<10000x64xf32, #tpu.memory_space<hbm>> -> memref<10000x64xf32, #tpu.memory_space<hbm>>
        tpu.enqueue_indirect_dma source(%dma_start3A_245 : memref<10000x64xf32, #tpu.memory_space<hbm>>) target(%arg10 : memref<80x64xf32, #tpu.memory_space<vmem>>) offsets(%dma_start3A_238 : memref<80xi32, #tpu.memory_space<vmem>>) semaphore(%arg15 : memref<!tpu.dma_semaphore, #tpu.memory_space<semaphore_mem>>)
      } else {
      }
      %mul3A_202 = arith.constant 4 : i32
      %mul3A_203 = arith.muli %mul3A_202, %scan3A_107 : i32
      %add3A_204 = arith.constant 3 : i32
      %add3A_205 = arith.addi %mul3A_203, %add3A_204 : i32
      %dma_wait3A_206 = arith.constant 0 : i32
      %dma_wait3A_207 = tpu.memref_slice %arg7[%add3A_205, %dma_wait3A_206] : memref<252x80xi32, #tpu.memory_space<vmem>> -> memref<1x80xi32, #tpu.memory_space<vmem>>
      %dma_wait3A_208 = tpu.memref_squeeze %dma_wait3A_207 : memref<1x80xi32, #tpu.memory_space<vmem>> -> memref<80xi32, #tpu.memory_space<vmem>>
      %dma_wait3A_209 = arith.constant 0 : i32
      %dma_wait3A_210 = arith.constant 0 : i32
      %dma_wait3A_211 = tpu.memref_slice %arg2[%arg0, %dma_wait3A_209, %dma_wait3A_210] : memref<2x10000x64xf32, #tpu.memory_space<hbm>> -> memref<1x10000x64xf32, #tpu.memory_space<hbm>>
      %dma_wait3A_212 = tpu.memref_squeeze %dma_wait3A_211 : memref<1x10000x64xf32, #tpu.memory_space<hbm>> -> memref<10000x64xf32, #tpu.memory_space<hbm>>
      %dma_wait3A_213 = arith.constant 0 : i32
      %dma_wait3A_214 = arith.constant 0 : i32
      %dma_wait3A_215 = tpu.memref_slice %dma_wait3A_212[%dma_wait3A_213, %dma_wait3A_214] : memref<10000x64xf32, #tpu.memory_space<hbm>> -> memref<10000x64xf32, #tpu.memory_space<hbm>>
      tpu.wait_indirect_dma semaphore(%arg17 : memref<!tpu.dma_semaphore, #tpu.memory_space<semaphore_mem>>) src(%dma_wait3A_215 : memref<10000x64xf32, #tpu.memory_space<hbm>>) dst(%arg12 : memref<80x64xf32, #tpu.memory_space<vmem>>)
      %dma_start3A_216 = arith.constant 0 : i32
      %dma_start3A_217 = tpu.memref_slice %arg8[%add3A_205, %dma_start3A_216] : memref<252x80xi32, #tpu.memory_space<vmem>> -> memref<1x80xi32, #tpu.memory_space<vmem>>
      %dma_start3A_218 = tpu.memref_squeeze %dma_start3A_217 : memref<1x80xi32, #tpu.memory_space<vmem>> -> memref<80xi32, #tpu.memory_space<vmem>>
      %dma_start3A_219 = arith.constant 0 : i32
      %dma_start3A_220 = arith.constant 0 : i32
      %dma_start3A_221 = tpu.memref_slice %arg13[%dma_start3A_219, %dma_start3A_220] : memref<10000x64xf32, #tpu.memory_space<vmem_shared>> -> memref<10000x64xf32, #tpu.memory_space<vmem_shared>>
      tpu.enqueue_indirect_dma source(%arg12 : memref<80x64xf32, #tpu.memory_space<vmem>>) target(%dma_start3A_221 : memref<10000x64xf32, #tpu.memory_space<vmem_shared>>) offsets(%dma_start3A_218 : memref<80xi32, #tpu.memory_space<vmem>>) semaphore(%arg21 : memref<!tpu.dma_semaphore, #tpu.memory_space<semaphore_mem>>) {add = true}
      %ge3A_222 = arith.constant 1 : i32
      %ge3A_223 = arith.cmpi sge, %add3A_205, %ge3A_222 : i32
      %convert_element_type3A_224 = arith.extui %ge3A_223 : i1 to i32
      %cond3A_225 = arith.constant 0 : i32
      %cond3A_226 = arith.cmpi ne, %convert_element_type3A_224, %cond3A_225 : i32
      scf.if %cond3A_226 {
        %sub3A = arith.constant 1 : i32
        %sub3A_234 = arith.subi %add3A_205, %sub3A : i32
        %dma_wait3A_235 = arith.constant 0 : i32
        %dma_wait3A_236 = tpu.memref_slice %arg8[%sub3A_234, %dma_wait3A_235] : memref<252x80xi32, #tpu.memory_space<vmem>> -> memref<1x80xi32, #tpu.memory_space<vmem>>
        %dma_wait3A_237 = tpu.memref_squeeze %dma_wait3A_236 : memref<1x80xi32, #tpu.memory_space<vmem>> -> memref<80xi32, #tpu.memory_space<vmem>>
        %dma_wait3A_238 = arith.constant 0 : i32
        %dma_wait3A_239 = arith.constant 0 : i32
        %dma_wait3A_240 = tpu.memref_slice %arg13[%dma_wait3A_238, %dma_wait3A_239] : memref<10000x64xf32, #tpu.memory_space<vmem_shared>> -> memref<10000x64xf32, #tpu.memory_space<vmem_shared>>
        tpu.wait_indirect_dma semaphore(%arg20 : memref<!tpu.dma_semaphore, #tpu.memory_space<semaphore_mem>>) src(%arg11 : memref<80x64xf32, #tpu.memory_space<vmem>>) dst(%dma_wait3A_240 : memref<10000x64xf32, #tpu.memory_space<vmem_shared>>)
      } else {
      }
      %add3A_227 = arith.constant 3 : i32
      %add3A_228 = arith.addi %add3A_205, %add3A_227 : i32
      %lt3A_229 = arith.constant 248 : i32
      %lt3A_230 = arith.cmpi slt, %add3A_228, %lt3A_229 : i32
      %convert_element_type3A_231 = arith.extui %lt3A_230 : i1 to i32
      %cond3A_232 = arith.constant 0 : i32
      %cond3A_233 = arith.cmpi ne, %convert_element_type3A_231, %cond3A_232 : i32
      scf.if %cond3A_233 {
        %add3A_234 = arith.constant 3 : i32
        %add3A_235 = arith.addi %add3A_205, %add3A_234 : i32
        %dma_start3A_236 = arith.constant 0 : i32
        %dma_start3A_237 = tpu.memref_slice %arg7[%add3A_235, %dma_start3A_236] : memref<252x80xi32, #tpu.memory_space<vmem>> -> memref<1x80xi32, #tpu.memory_space<vmem>>
        %dma_start3A_238 = tpu.memref_squeeze %dma_start3A_237 : memref<1x80xi32, #tpu.memory_space<vmem>> -> memref<80xi32, #tpu.memory_space<vmem>>
        %dma_start3A_239 = arith.constant 0 : i32
        %dma_start3A_240 = arith.constant 0 : i32
        %dma_start3A_241 = tpu.memref_slice %arg2[%arg0, %dma_start3A_239, %dma_start3A_240] : memref<2x10000x64xf32, #tpu.memory_space<hbm>> -> memref<1x10000x64xf32, #tpu.memory_space<hbm>>
        %dma_start3A_242 = tpu.memref_squeeze %dma_start3A_241 : memref<1x10000x64xf32, #tpu.memory_space<hbm>> -> memref<10000x64xf32, #tpu.memory_space<hbm>>
        %dma_start3A_243 = arith.constant 0 : i32
        %dma_start3A_244 = arith.constant 0 : i32
        %dma_start3A_245 = tpu.memref_slice %dma_start3A_242[%dma_start3A_243, %dma_start3A_244] : memref<10000x64xf32, #tpu.memory_space<hbm>> -> memref<10000x64xf32, #tpu.memory_space<hbm>>
        tpu.enqueue_indirect_dma source(%dma_start3A_245 : memref<10000x64xf32, #tpu.memory_space<hbm>>) target(%arg11 : memref<80x64xf32, #tpu.memory_space<vmem>>) offsets(%dma_start3A_238 : memref<80xi32, #tpu.memory_space<vmem>>) semaphore(%arg16 : memref<!tpu.dma_semaphore, #tpu.memory_space<semaphore_mem>>)
      } else {
      }
    }
    %scan3A_43 = arith.constant 62 : i32
    %dma_wait3A = arith.constant 247 : i32
    %dma_wait3A_44 = arith.constant 0 : i32
    %dma_wait3A_45 = tpu.memref_slice %arg8[%dma_wait3A, %dma_wait3A_44] : memref<252x80xi32, #tpu.memory_space<vmem>> -> memref<1x80xi32, #tpu.memory_space<vmem>>
    %dma_wait3A_46 = tpu.memref_squeeze %dma_wait3A_45 : memref<1x80xi32, #tpu.memory_space<vmem>> -> memref<80xi32, #tpu.memory_space<vmem>>
    %dma_wait3A_47 = arith.constant 0 : i32
    %dma_wait3A_48 = arith.constant 0 : i32
    %dma_wait3A_49 = tpu.memref_slice %arg13[%dma_wait3A_47, %dma_wait3A_48] : memref<10000x64xf32, #tpu.memory_space<vmem_shared>> -> memref<10000x64xf32, #tpu.memory_space<vmem_shared>>
    tpu.wait_indirect_dma semaphore(%arg21 : memref<!tpu.dma_semaphore, #tpu.memory_space<semaphore_mem>>) src(%arg12 : memref<80x64xf32, #tpu.memory_space<vmem>>) dst(%dma_wait3A_49 : memref<10000x64xf32, #tpu.memory_space<vmem_shared>>)
    "tpu.region"() ({
      %run_scoped3A = tpu.sem_alloc : memref<!tpu.dma_semaphore, #tpu.memory_space<semaphore_mem>>
      %dma_start3A_107 = arith.constant 0 : i32
      %dma_start3A_108 = arith.constant 0 : i32
      %dma_start3A_109 = tpu.memref_slice %arg7[%dma_start3A_107, %dma_start3A_108] : memref<252x80xi32, #tpu.memory_space<vmem>> -> memref<252x80xi32, #tpu.memory_space<vmem>>
      %dma_start3A_110 = arith.constant 248 : i32
      %dma_start3A_111 = arith.constant 0 : i32
      %dma_start3A_112 = tpu.memref_slice %arg3[%arg1, %dma_start3A_110, %dma_start3A_111] : memref<16x500x80xi32, #tpu.memory_space<hbm>> -> memref<1x252x80xi32, #tpu.memory_space<hbm>>
      %dma_start3A_113 = tpu.memref_squeeze %dma_start3A_112 : memref<1x252x80xi32, #tpu.memory_space<hbm>> -> memref<252x80xi32, #tpu.memory_space<hbm>>
      %dma_start3A_114 = arith.constant 0 : i32
      %dma_start3A_115 = arith.constant 0 : i32
      %dma_start3A_116 = tpu.memref_slice %arg7[%dma_start3A_114, %dma_start3A_115] : memref<252x80xi32, #tpu.memory_space<vmem>> -> memref<252x80xi32, #tpu.memory_space<vmem>>
      %dma_start3A_117 = arith.constant 248 : i32
      %dma_start3A_118 = arith.constant 0 : i32
      %dma_start3A_119 = tpu.memref_slice %arg3[%arg1, %dma_start3A_117, %dma_start3A_118] : memref<16x500x80xi32, #tpu.memory_space<hbm>> -> memref<1x252x80xi32, #tpu.memory_space<hbm>>
      %dma_start3A_120 = tpu.memref_squeeze %dma_start3A_119 : memref<1x252x80xi32, #tpu.memory_space<hbm>> -> memref<252x80xi32, #tpu.memory_space<hbm>>
      tpu.enqueue_dma source(%dma_start3A_120 : memref<252x80xi32, #tpu.memory_space<hbm>>) target(%dma_start3A_116 : memref<252x80xi32, #tpu.memory_space<vmem>>) target_semaphore(%run_scoped3A : memref<!tpu.dma_semaphore, #tpu.memory_space<semaphore_mem>>)
      %dma_wait3A_121 = arith.constant 0 : i32
      %dma_wait3A_122 = arith.constant 0 : i32
      %dma_wait3A_123 = tpu.memref_slice %arg7[%dma_wait3A_121, %dma_wait3A_122] : memref<252x80xi32, #tpu.memory_space<vmem>> -> memref<252x80xi32, #tpu.memory_space<vmem>>
      %dma_wait3A_124 = arith.constant 248 : i32
      %dma_wait3A_125 = arith.constant 0 : i32
      %dma_wait3A_126 = tpu.memref_slice %arg3[%arg1, %dma_wait3A_124, %dma_wait3A_125] : memref<16x500x80xi32, #tpu.memory_space<hbm>> -> memref<1x252x80xi32, #tpu.memory_space<hbm>>
      %dma_wait3A_127 = tpu.memref_squeeze %dma_wait3A_126 : memref<1x252x80xi32, #tpu.memory_space<hbm>> -> memref<252x80xi32, #tpu.memory_space<hbm>>
      %dma_wait3A_128 = arith.constant 0 : i32
      %dma_wait3A_129 = arith.constant 0 : i32
      %dma_wait3A_130 = tpu.memref_slice %arg7[%dma_wait3A_128, %dma_wait3A_129] : memref<252x80xi32, #tpu.memory_space<vmem>> -> memref<252x80xi32, #tpu.memory_space<vmem>>
      %dma_wait3A_131 = arith.constant 248 : i32
      %dma_wait3A_132 = arith.constant 0 : i32
      %dma_wait3A_133 = tpu.memref_slice %arg3[%arg1, %dma_wait3A_131, %dma_wait3A_132] : memref<16x500x80xi32, #tpu.memory_space<hbm>> -> memref<1x252x80xi32, #tpu.memory_space<hbm>>
      %dma_wait3A_134 = tpu.memref_squeeze %dma_wait3A_133 : memref<1x252x80xi32, #tpu.memory_space<hbm>> -> memref<252x80xi32, #tpu.memory_space<hbm>>
      tpu.wait_dma2 semaphore(%run_scoped3A : memref<!tpu.dma_semaphore, #tpu.memory_space<semaphore_mem>>) src(%dma_wait3A_134 : memref<252x80xi32, #tpu.memory_space<hbm>>) dst(%dma_wait3A_130 : memref<252x80xi32, #tpu.memory_space<vmem>>)
      tpu.yield
    }) : () -> ()
    "tpu.region"() ({
      %run_scoped3A = tpu.sem_alloc : memref<!tpu.dma_semaphore, #tpu.memory_space<semaphore_mem>>
      %dma_start3A_107 = arith.constant 0 : i32
      %dma_start3A_108 = arith.constant 0 : i32
      %dma_start3A_109 = tpu.memref_slice %arg8[%dma_start3A_107, %dma_start3A_108] : memref<252x80xi32, #tpu.memory_space<vmem>> -> memref<252x80xi32, #tpu.memory_space<vmem>>
      %dma_start3A_110 = arith.constant 248 : i32
      %dma_start3A_111 = arith.constant 0 : i32
      %dma_start3A_112 = tpu.memref_slice %arg4[%arg1, %dma_start3A_110, %dma_start3A_111] : memref<16x500x80xi32, #tpu.memory_space<hbm>> -> memref<1x252x80xi32, #tpu.memory_space<hbm>>
      %dma_start3A_113 = tpu.memref_squeeze %dma_start3A_112 : memref<1x252x80xi32, #tpu.memory_space<hbm>> -> memref<252x80xi32, #tpu.memory_space<hbm>>
      %dma_start3A_114 = arith.constant 0 : i32
      %dma_start3A_115 = arith.constant 0 : i32
      %dma_start3A_116 = tpu.memref_slice %arg8[%dma_start3A_114, %dma_start3A_115] : memref<252x80xi32, #tpu.memory_space<vmem>> -> memref<252x80xi32, #tpu.memory_space<vmem>>
      %dma_start3A_117 = arith.constant 248 : i32
      %dma_start3A_118 = arith.constant 0 : i32
      %dma_start3A_119 = tpu.memref_slice %arg4[%arg1, %dma_start3A_117, %dma_start3A_118] : memref<16x500x80xi32, #tpu.memory_space<hbm>> -> memref<1x252x80xi32, #tpu.memory_space<hbm>>
      %dma_start3A_120 = tpu.memref_squeeze %dma_start3A_119 : memref<1x252x80xi32, #tpu.memory_space<hbm>> -> memref<252x80xi32, #tpu.memory_space<hbm>>
      tpu.enqueue_dma source(%dma_start3A_120 : memref<252x80xi32, #tpu.memory_space<hbm>>) target(%dma_start3A_116 : memref<252x80xi32, #tpu.memory_space<vmem>>) target_semaphore(%run_scoped3A : memref<!tpu.dma_semaphore, #tpu.memory_space<semaphore_mem>>)
      %dma_wait3A_121 = arith.constant 0 : i32
      %dma_wait3A_122 = arith.constant 0 : i32
      %dma_wait3A_123 = tpu.memref_slice %arg8[%dma_wait3A_121, %dma_wait3A_122] : memref<252x80xi32, #tpu.memory_space<vmem>> -> memref<252x80xi32, #tpu.memory_space<vmem>>
      %dma_wait3A_124 = arith.constant 248 : i32
      %dma_wait3A_125 = arith.constant 0 : i32
      %dma_wait3A_126 = tpu.memref_slice %arg4[%arg1, %dma_wait3A_124, %dma_wait3A_125] : memref<16x500x80xi32, #tpu.memory_space<hbm>> -> memref<1x252x80xi32, #tpu.memory_space<hbm>>
      %dma_wait3A_127 = tpu.memref_squeeze %dma_wait3A_126 : memref<1x252x80xi32, #tpu.memory_space<hbm>> -> memref<252x80xi32, #tpu.memory_space<hbm>>
      %dma_wait3A_128 = arith.constant 0 : i32
      %dma_wait3A_129 = arith.constant 0 : i32
      %dma_wait3A_130 = tpu.memref_slice %arg8[%dma_wait3A_128, %dma_wait3A_129] : memref<252x80xi32, #tpu.memory_space<vmem>> -> memref<252x80xi32, #tpu.memory_space<vmem>>
      %dma_wait3A_131 = arith.constant 248 : i32
      %dma_wait3A_132 = arith.constant 0 : i32
      %dma_wait3A_133 = tpu.memref_slice %arg4[%arg1, %dma_wait3A_131, %dma_wait3A_132] : memref<16x500x80xi32, #tpu.memory_space<hbm>> -> memref<1x252x80xi32, #tpu.memory_space<hbm>>
      %dma_wait3A_134 = tpu.memref_squeeze %dma_wait3A_133 : memref<1x252x80xi32, #tpu.memory_space<hbm>> -> memref<252x80xi32, #tpu.memory_space<hbm>>
      tpu.wait_dma2 semaphore(%run_scoped3A : memref<!tpu.dma_semaphore, #tpu.memory_space<semaphore_mem>>) src(%dma_wait3A_134 : memref<252x80xi32, #tpu.memory_space<hbm>>) dst(%dma_wait3A_130 : memref<252x80xi32, #tpu.memory_space<vmem>>)
      tpu.yield
    }) : () -> ()
    %dma_start3A_50 = arith.constant 0 : i32
    %dma_start3A_51 = arith.constant 0 : i32
    %dma_start3A_52 = tpu.memref_slice %arg7[%dma_start3A_50, %dma_start3A_51] : memref<252x80xi32, #tpu.memory_space<vmem>> -> memref<1x80xi32, #tpu.memory_space<vmem>>
    %dma_start3A_53 = tpu.memref_squeeze %dma_start3A_52 : memref<1x80xi32, #tpu.memory_space<vmem>> -> memref<80xi32, #tpu.memory_space<vmem>>
    %dma_start3A_54 = arith.constant 0 : i32
    %dma_start3A_55 = arith.constant 0 : i32
    %dma_start3A_56 = tpu.memref_slice %arg2[%arg0, %dma_start3A_54, %dma_start3A_55] : memref<2x10000x64xf32, #tpu.memory_space<hbm>> -> memref<1x10000x64xf32, #tpu.memory_space<hbm>>
    %dma_start3A_57 = tpu.memref_squeeze %dma_start3A_56 : memref<1x10000x64xf32, #tpu.memory_space<hbm>> -> memref<10000x64xf32, #tpu.memory_space<hbm>>
    %dma_start3A_58 = arith.constant 0 : i32
    %dma_start3A_59 = arith.constant 0 : i32
    %dma_start3A_60 = tpu.memref_slice %dma_start3A_57[%dma_start3A_58, %dma_start3A_59] : memref<10000x64xf32, #tpu.memory_space<hbm>> -> memref<10000x64xf32, #tpu.memory_space<hbm>>
    tpu.enqueue_indirect_dma source(%dma_start3A_60 : memref<10000x64xf32, #tpu.memory_space<hbm>>) target(%arg9 : memref<80x64xf32, #tpu.memory_space<vmem>>) offsets(%dma_start3A_53 : memref<80xi32, #tpu.memory_space<vmem>>) semaphore(%arg14 : memref<!tpu.dma_semaphore, #tpu.memory_space<semaphore_mem>>)
    %dma_start3A_61 = arith.constant 1 : i32
    %dma_start3A_62 = arith.constant 0 : i32
    %dma_start3A_63 = tpu.memref_slice %arg7[%dma_start3A_61, %dma_start3A_62] : memref<252x80xi32, #tpu.memory_space<vmem>> -> memref<1x80xi32, #tpu.memory_space<vmem>>
    %dma_start3A_64 = tpu.memref_squeeze %dma_start3A_63 : memref<1x80xi32, #tpu.memory_space<vmem>> -> memref<80xi32, #tpu.memory_space<vmem>>
    %dma_start3A_65 = arith.constant 0 : i32
    %dma_start3A_66 = arith.constant 0 : i32
    %dma_start3A_67 = tpu.memref_slice %arg2[%arg0, %dma_start3A_65, %dma_start3A_66] : memref<2x10000x64xf32, #tpu.memory_space<hbm>> -> memref<1x10000x64xf32, #tpu.memory_space<hbm>>
    %dma_start3A_68 = tpu.memref_squeeze %dma_start3A_67 : memref<1x10000x64xf32, #tpu.memory_space<hbm>> -> memref<10000x64xf32, #tpu.memory_space<hbm>>
    %dma_start3A_69 = arith.constant 0 : i32
    %dma_start3A_70 = arith.constant 0 : i32
    %dma_start3A_71 = tpu.memref_slice %dma_start3A_68[%dma_start3A_69, %dma_start3A_70] : memref<10000x64xf32, #tpu.memory_space<hbm>> -> memref<10000x64xf32, #tpu.memory_space<hbm>>
    tpu.enqueue_indirect_dma source(%dma_start3A_71 : memref<10000x64xf32, #tpu.memory_space<hbm>>) target(%arg10 : memref<80x64xf32, #tpu.memory_space<vmem>>) offsets(%dma_start3A_64 : memref<80xi32, #tpu.memory_space<vmem>>) semaphore(%arg15 : memref<!tpu.dma_semaphore, #tpu.memory_space<semaphore_mem>>)
    %dma_start3A_72 = arith.constant 2 : i32
    %dma_start3A_73 = arith.constant 0 : i32
    %dma_start3A_74 = tpu.memref_slice %arg7[%dma_start3A_72, %dma_start3A_73] : memref<252x80xi32, #tpu.memory_space<vmem>> -> memref<1x80xi32, #tpu.memory_space<vmem>>
    %dma_start3A_75 = tpu.memref_squeeze %dma_start3A_74 : memref<1x80xi32, #tpu.memory_space<vmem>> -> memref<80xi32, #tpu.memory_space<vmem>>
    %dma_start3A_76 = arith.constant 0 : i32
    %dma_start3A_77 = arith.constant 0 : i32
    %dma_start3A_78 = tpu.memref_slice %arg2[%arg0, %dma_start3A_76, %dma_start3A_77] : memref<2x10000x64xf32, #tpu.memory_space<hbm>> -> memref<1x10000x64xf32, #tpu.memory_space<hbm>>
    %dma_start3A_79 = tpu.memref_squeeze %dma_start3A_78 : memref<1x10000x64xf32, #tpu.memory_space<hbm>> -> memref<10000x64xf32, #tpu.memory_space<hbm>>
    %dma_start3A_80 = arith.constant 0 : i32
    %dma_start3A_81 = arith.constant 0 : i32
    %dma_start3A_82 = tpu.memref_slice %dma_start3A_79[%dma_start3A_80, %dma_start3A_81] : memref<10000x64xf32, #tpu.memory_space<hbm>> -> memref<10000x64xf32, #tpu.memory_space<hbm>>
    tpu.enqueue_indirect_dma source(%dma_start3A_82 : memref<10000x64xf32, #tpu.memory_space<hbm>>) target(%arg11 : memref<80x64xf32, #tpu.memory_space<vmem>>) offsets(%dma_start3A_75 : memref<80xi32, #tpu.memory_space<vmem>>) semaphore(%arg16 : memref<!tpu.dma_semaphore, #tpu.memory_space<semaphore_mem>>)
    %scan3A_83 = arith.constant 0 : i32
    %scan3A_84 = arith.constant 0 : i32
    %scan3A_85 = arith.constant 63 : i32
    %scan3A_86 = arith.addi %scan3A_84, %scan3A_85 : i32
    %scan3A_87 = arith.constant 1 : i32
    scf.for %scan3A_107 = %scan3A_84 to %scan3A_86 step %scan3A_87  : i32 {
      %mul3A_108 = arith.constant 4 : i32
      %mul3A_109 = arith.muli %mul3A_108, %scan3A_107 : i32
      %add3A = arith.constant 0 : i32
      %add3A_110 = arith.addi %mul3A_109, %add3A : i32
      %dma_wait3A_111 = arith.constant 0 : i32
      %dma_wait3A_112 = tpu.memref_slice %arg7[%add3A_110, %dma_wait3A_111] : memref<252x80xi32, #tpu.memory_space<vmem>> -> memref<1x80xi32, #tpu.memory_space<vmem>>
      %dma_wait3A_113 = tpu.memref_squeeze %dma_wait3A_112 : memref<1x80xi32, #tpu.memory_space<vmem>> -> memref<80xi32, #tpu.memory_space<vmem>>
      %dma_wait3A_114 = arith.constant 0 : i32
      %dma_wait3A_115 = arith.constant 0 : i32
      %dma_wait3A_116 = tpu.memref_slice %arg2[%arg0, %dma_wait3A_114, %dma_wait3A_115] : memref<2x10000x64xf32, #tpu.memory_space<hbm>> -> memref<1x10000x64xf32, #tpu.memory_space<hbm>>
      %dma_wait3A_117 = tpu.memref_squeeze %dma_wait3A_116 : memref<1x10000x64xf32, #tpu.memory_space<hbm>> -> memref<10000x64xf32, #tpu.memory_space<hbm>>
      %dma_wait3A_118 = arith.constant 0 : i32
      %dma_wait3A_119 = arith.constant 0 : i32
      %dma_wait3A_120 = tpu.memref_slice %dma_wait3A_117[%dma_wait3A_118, %dma_wait3A_119] : memref<10000x64xf32, #tpu.memory_space<hbm>> -> memref<10000x64xf32, #tpu.memory_space<hbm>>
      tpu.wait_indirect_dma semaphore(%arg14 : memref<!tpu.dma_semaphore, #tpu.memory_space<semaphore_mem>>) src(%dma_wait3A_120 : memref<10000x64xf32, #tpu.memory_space<hbm>>) dst(%arg9 : memref<80x64xf32, #tpu.memory_space<vmem>>)
      %dma_start3A_121 = arith.constant 0 : i32
      %dma_start3A_122 = tpu.memref_slice %arg8[%add3A_110, %dma_start3A_121] : memref<252x80xi32, #tpu.memory_space<vmem>> -> memref<1x80xi32, #tpu.memory_space<vmem>>
      %dma_start3A_123 = tpu.memref_squeeze %dma_start3A_122 : memref<1x80xi32, #tpu.memory_space<vmem>> -> memref<80xi32, #tpu.memory_space<vmem>>
      %dma_start3A_124 = arith.constant 0 : i32
      %dma_start3A_125 = arith.constant 0 : i32
      %dma_start3A_126 = tpu.memref_slice %arg13[%dma_start3A_124, %dma_start3A_125] : memref<10000x64xf32, #tpu.memory_space<vmem_shared>> -> memref<10000x64xf32, #tpu.memory_space<vmem_shared>>
      tpu.enqueue_indirect_dma source(%arg9 : memref<80x64xf32, #tpu.memory_space<vmem>>) target(%dma_start3A_126 : memref<10000x64xf32, #tpu.memory_space<vmem_shared>>) offsets(%dma_start3A_123 : memref<80xi32, #tpu.memory_space<vmem>>) semaphore(%arg18 : memref<!tpu.dma_semaphore, #tpu.memory_space<semaphore_mem>>) {add = true}
      %ge3A = arith.constant 1 : i32
      %ge3A_127 = arith.cmpi sge, %add3A_110, %ge3A : i32
      %convert_element_type3A_128 = arith.extui %ge3A_127 : i1 to i32
      %cond3A_129 = arith.constant 0 : i32
      %cond3A_130 = arith.cmpi ne, %convert_element_type3A_128, %cond3A_129 : i32
      scf.if %cond3A_130 {
        %sub3A = arith.constant 1 : i32
        %sub3A_234 = arith.subi %add3A_110, %sub3A : i32
        %dma_wait3A_235 = arith.constant 0 : i32
        %dma_wait3A_236 = tpu.memref_slice %arg8[%sub3A_234, %dma_wait3A_235] : memref<252x80xi32, #tpu.memory_space<vmem>> -> memref<1x80xi32, #tpu.memory_space<vmem>>
        %dma_wait3A_237 = tpu.memref_squeeze %dma_wait3A_236 : memref<1x80xi32, #tpu.memory_space<vmem>> -> memref<80xi32, #tpu.memory_space<vmem>>
        %dma_wait3A_238 = arith.constant 0 : i32
        %dma_wait3A_239 = arith.constant 0 : i32
        %dma_wait3A_240 = tpu.memref_slice %arg13[%dma_wait3A_238, %dma_wait3A_239] : memref<10000x64xf32, #tpu.memory_space<vmem_shared>> -> memref<10000x64xf32, #tpu.memory_space<vmem_shared>>
        tpu.wait_indirect_dma semaphore(%arg21 : memref<!tpu.dma_semaphore, #tpu.memory_space<semaphore_mem>>) src(%arg12 : memref<80x64xf32, #tpu.memory_space<vmem>>) dst(%dma_wait3A_240 : memref<10000x64xf32, #tpu.memory_space<vmem_shared>>)
      } else {
      }
      %add3A_131 = arith.constant 3 : i32
      %add3A_132 = arith.addi %add3A_110, %add3A_131 : i32
      %lt3A_133 = arith.constant 252 : i32
      %lt3A_134 = arith.cmpi slt, %add3A_132, %lt3A_133 : i32
      %convert_element_type3A_135 = arith.extui %lt3A_134 : i1 to i32
      %cond3A_136 = arith.constant 0 : i32
      %cond3A_137 = arith.cmpi ne, %convert_element_type3A_135, %cond3A_136 : i32
      scf.if %cond3A_137 {
        %add3A_234 = arith.constant 3 : i32
        %add3A_235 = arith.addi %add3A_110, %add3A_234 : i32
        %dma_start3A_236 = arith.constant 0 : i32
        %dma_start3A_237 = tpu.memref_slice %arg7[%add3A_235, %dma_start3A_236] : memref<252x80xi32, #tpu.memory_space<vmem>> -> memref<1x80xi32, #tpu.memory_space<vmem>>
        %dma_start3A_238 = tpu.memref_squeeze %dma_start3A_237 : memref<1x80xi32, #tpu.memory_space<vmem>> -> memref<80xi32, #tpu.memory_space<vmem>>
        %dma_start3A_239 = arith.constant 0 : i32
        %dma_start3A_240 = arith.constant 0 : i32
        %dma_start3A_241 = tpu.memref_slice %arg2[%arg0, %dma_start3A_239, %dma_start3A_240] : memref<2x10000x64xf32, #tpu.memory_space<hbm>> -> memref<1x10000x64xf32, #tpu.memory_space<hbm>>
        %dma_start3A_242 = tpu.memref_squeeze %dma_start3A_241 : memref<1x10000x64xf32, #tpu.memory_space<hbm>> -> memref<10000x64xf32, #tpu.memory_space<hbm>>
        %dma_start3A_243 = arith.constant 0 : i32
        %dma_start3A_244 = arith.constant 0 : i32
        %dma_start3A_245 = tpu.memref_slice %dma_start3A_242[%dma_start3A_243, %dma_start3A_244] : memref<10000x64xf32, #tpu.memory_space<hbm>> -> memref<10000x64xf32, #tpu.memory_space<hbm>>
        tpu.enqueue_indirect_dma source(%dma_start3A_245 : memref<10000x64xf32, #tpu.memory_space<hbm>>) target(%arg12 : memref<80x64xf32, #tpu.memory_space<vmem>>) offsets(%dma_start3A_238 : memref<80xi32, #tpu.memory_space<vmem>>) semaphore(%arg17 : memref<!tpu.dma_semaphore, #tpu.memory_space<semaphore_mem>>)
      } else {
      }
      %mul3A_138 = arith.constant 4 : i32
      %mul3A_139 = arith.muli %mul3A_138, %scan3A_107 : i32
      %add3A_140 = arith.constant 1 : i32
      %add3A_141 = arith.addi %mul3A_139, %add3A_140 : i32
      %dma_wait3A_142 = arith.constant 0 : i32
      %dma_wait3A_143 = tpu.memref_slice %arg7[%add3A_141, %dma_wait3A_142] : memref<252x80xi32, #tpu.memory_space<vmem>> -> memref<1x80xi32, #tpu.memory_space<vmem>>
      %dma_wait3A_144 = tpu.memref_squeeze %dma_wait3A_143 : memref<1x80xi32, #tpu.memory_space<vmem>> -> memref<80xi32, #tpu.memory_space<vmem>>
      %dma_wait3A_145 = arith.constant 0 : i32
      %dma_wait3A_146 = arith.constant 0 : i32
      %dma_wait3A_147 = tpu.memref_slice %arg2[%arg0, %dma_wait3A_145, %dma_wait3A_146] : memref<2x10000x64xf32, #tpu.memory_space<hbm>> -> memref<1x10000x64xf32, #tpu.memory_space<hbm>>
      %dma_wait3A_148 = tpu.memref_squeeze %dma_wait3A_147 : memref<1x10000x64xf32, #tpu.memory_space<hbm>> -> memref<10000x64xf32, #tpu.memory_space<hbm>>
      %dma_wait3A_149 = arith.constant 0 : i32
      %dma_wait3A_150 = arith.constant 0 : i32
      %dma_wait3A_151 = tpu.memref_slice %dma_wait3A_148[%dma_wait3A_149, %dma_wait3A_150] : memref<10000x64xf32, #tpu.memory_space<hbm>> -> memref<10000x64xf32, #tpu.memory_space<hbm>>
      tpu.wait_indirect_dma semaphore(%arg15 : memref<!tpu.dma_semaphore, #tpu.memory_space<semaphore_mem>>) src(%dma_wait3A_151 : memref<10000x64xf32, #tpu.memory_space<hbm>>) dst(%arg10 : memref<80x64xf32, #tpu.memory_space<vmem>>)
      %dma_start3A_152 = arith.constant 0 : i32
      %dma_start3A_153 = tpu.memref_slice %arg8[%add3A_141, %dma_start3A_152] : memref<252x80xi32, #tpu.memory_space<vmem>> -> memref<1x80xi32, #tpu.memory_space<vmem>>
      %dma_start3A_154 = tpu.memref_squeeze %dma_start3A_153 : memref<1x80xi32, #tpu.memory_space<vmem>> -> memref<80xi32, #tpu.memory_space<vmem>>
      %dma_start3A_155 = arith.constant 0 : i32
      %dma_start3A_156 = arith.constant 0 : i32
      %dma_start3A_157 = tpu.memref_slice %arg13[%dma_start3A_155, %dma_start3A_156] : memref<10000x64xf32, #tpu.memory_space<vmem_shared>> -> memref<10000x64xf32, #tpu.memory_space<vmem_shared>>
      tpu.enqueue_indirect_dma source(%arg10 : memref<80x64xf32, #tpu.memory_space<vmem>>) target(%dma_start3A_157 : memref<10000x64xf32, #tpu.memory_space<vmem_shared>>) offsets(%dma_start3A_154 : memref<80xi32, #tpu.memory_space<vmem>>) semaphore(%arg19 : memref<!tpu.dma_semaphore, #tpu.memory_space<semaphore_mem>>) {add = true}
      %ge3A_158 = arith.constant 1 : i32
      %ge3A_159 = arith.cmpi sge, %add3A_141, %ge3A_158 : i32
      %convert_element_type3A_160 = arith.extui %ge3A_159 : i1 to i32
      %cond3A_161 = arith.constant 0 : i32
      %cond3A_162 = arith.cmpi ne, %convert_element_type3A_160, %cond3A_161 : i32
      scf.if %cond3A_162 {
        %sub3A = arith.constant 1 : i32
        %sub3A_234 = arith.subi %add3A_141, %sub3A : i32
        %dma_wait3A_235 = arith.constant 0 : i32
        %dma_wait3A_236 = tpu.memref_slice %arg8[%sub3A_234, %dma_wait3A_235] : memref<252x80xi32, #tpu.memory_space<vmem>> -> memref<1x80xi32, #tpu.memory_space<vmem>>
        %dma_wait3A_237 = tpu.memref_squeeze %dma_wait3A_236 : memref<1x80xi32, #tpu.memory_space<vmem>> -> memref<80xi32, #tpu.memory_space<vmem>>
        %dma_wait3A_238 = arith.constant 0 : i32
        %dma_wait3A_239 = arith.constant 0 : i32
        %dma_wait3A_240 = tpu.memref_slice %arg13[%dma_wait3A_238, %dma_wait3A_239] : memref<10000x64xf32, #tpu.memory_space<vmem_shared>> -> memref<10000x64xf32, #tpu.memory_space<vmem_shared>>
        tpu.wait_indirect_dma semaphore(%arg18 : memref<!tpu.dma_semaphore, #tpu.memory_space<semaphore_mem>>) src(%arg9 : memref<80x64xf32, #tpu.memory_space<vmem>>) dst(%dma_wait3A_240 : memref<10000x64xf32, #tpu.memory_space<vmem_shared>>)
      } else {
      }
      %add3A_163 = arith.constant 3 : i32
      %add3A_164 = arith.addi %add3A_141, %add3A_163 : i32
      %lt3A_165 = arith.constant 252 : i32
      %lt3A_166 = arith.cmpi slt, %add3A_164, %lt3A_165 : i32
      %convert_element_type3A_167 = arith.extui %lt3A_166 : i1 to i32
      %cond3A_168 = arith.constant 0 : i32
      %cond3A_169 = arith.cmpi ne, %convert_element_type3A_167, %cond3A_168 : i32
      scf.if %cond3A_169 {
        %add3A_234 = arith.constant 3 : i32
        %add3A_235 = arith.addi %add3A_141, %add3A_234 : i32
        %dma_start3A_236 = arith.constant 0 : i32
        %dma_start3A_237 = tpu.memref_slice %arg7[%add3A_235, %dma_start3A_236] : memref<252x80xi32, #tpu.memory_space<vmem>> -> memref<1x80xi32, #tpu.memory_space<vmem>>
        %dma_start3A_238 = tpu.memref_squeeze %dma_start3A_237 : memref<1x80xi32, #tpu.memory_space<vmem>> -> memref<80xi32, #tpu.memory_space<vmem>>
        %dma_start3A_239 = arith.constant 0 : i32
        %dma_start3A_240 = arith.constant 0 : i32
        %dma_start3A_241 = tpu.memref_slice %arg2[%arg0, %dma_start3A_239, %dma_start3A_240] : memref<2x10000x64xf32, #tpu.memory_space<hbm>> -> memref<1x10000x64xf32, #tpu.memory_space<hbm>>
        %dma_start3A_242 = tpu.memref_squeeze %dma_start3A_241 : memref<1x10000x64xf32, #tpu.memory_space<hbm>> -> memref<10000x64xf32, #tpu.memory_space<hbm>>
        %dma_start3A_243 = arith.constant 0 : i32
        %dma_start3A_244 = arith.constant 0 : i32
        %dma_start3A_245 = tpu.memref_slice %dma_start3A_242[%dma_start3A_243, %dma_start3A_244] : memref<10000x64xf32, #tpu.memory_space<hbm>> -> memref<10000x64xf32, #tpu.memory_space<hbm>>
        tpu.enqueue_indirect_dma source(%dma_start3A_245 : memref<10000x64xf32, #tpu.memory_space<hbm>>) target(%arg9 : memref<80x64xf32, #tpu.memory_space<vmem>>) offsets(%dma_start3A_238 : memref<80xi32, #tpu.memory_space<vmem>>) semaphore(%arg14 : memref<!tpu.dma_semaphore, #tpu.memory_space<semaphore_mem>>)
      } else {
      }
      %mul3A_170 = arith.constant 4 : i32
      %mul3A_171 = arith.muli %mul3A_170, %scan3A_107 : i32
      %add3A_172 = arith.constant 2 : i32
      %add3A_173 = arith.addi %mul3A_171, %add3A_172 : i32
      %dma_wait3A_174 = arith.constant 0 : i32
      %dma_wait3A_175 = tpu.memref_slice %arg7[%add3A_173, %dma_wait3A_174] : memref<252x80xi32, #tpu.memory_space<vmem>> -> memref<1x80xi32, #tpu.memory_space<vmem>>
      %dma_wait3A_176 = tpu.memref_squeeze %dma_wait3A_175 : memref<1x80xi32, #tpu.memory_space<vmem>> -> memref<80xi32, #tpu.memory_space<vmem>>
      %dma_wait3A_177 = arith.constant 0 : i32
      %dma_wait3A_178 = arith.constant 0 : i32
      %dma_wait3A_179 = tpu.memref_slice %arg2[%arg0, %dma_wait3A_177, %dma_wait3A_178] : memref<2x10000x64xf32, #tpu.memory_space<hbm>> -> memref<1x10000x64xf32, #tpu.memory_space<hbm>>
      %dma_wait3A_180 = tpu.memref_squeeze %dma_wait3A_179 : memref<1x10000x64xf32, #tpu.memory_space<hbm>> -> memref<10000x64xf32, #tpu.memory_space<hbm>>
      %dma_wait3A_181 = arith.constant 0 : i32
      %dma_wait3A_182 = arith.constant 0 : i32
      %dma_wait3A_183 = tpu.memref_slice %dma_wait3A_180[%dma_wait3A_181, %dma_wait3A_182] : memref<10000x64xf32, #tpu.memory_space<hbm>> -> memref<10000x64xf32, #tpu.memory_space<hbm>>
      tpu.wait_indirect_dma semaphore(%arg16 : memref<!tpu.dma_semaphore, #tpu.memory_space<semaphore_mem>>) src(%dma_wait3A_183 : memref<10000x64xf32, #tpu.memory_space<hbm>>) dst(%arg11 : memref<80x64xf32, #tpu.memory_space<vmem>>)
      %dma_start3A_184 = arith.constant 0 : i32
      %dma_start3A_185 = tpu.memref_slice %arg8[%add3A_173, %dma_start3A_184] : memref<252x80xi32, #tpu.memory_space<vmem>> -> memref<1x80xi32, #tpu.memory_space<vmem>>
      %dma_start3A_186 = tpu.memref_squeeze %dma_start3A_185 : memref<1x80xi32, #tpu.memory_space<vmem>> -> memref<80xi32, #tpu.memory_space<vmem>>
      %dma_start3A_187 = arith.constant 0 : i32
      %dma_start3A_188 = arith.constant 0 : i32
      %dma_start3A_189 = tpu.memref_slice %arg13[%dma_start3A_187, %dma_start3A_188] : memref<10000x64xf32, #tpu.memory_space<vmem_shared>> -> memref<10000x64xf32, #tpu.memory_space<vmem_shared>>
      tpu.enqueue_indirect_dma source(%arg11 : memref<80x64xf32, #tpu.memory_space<vmem>>) target(%dma_start3A_189 : memref<10000x64xf32, #tpu.memory_space<vmem_shared>>) offsets(%dma_start3A_186 : memref<80xi32, #tpu.memory_space<vmem>>) semaphore(%arg20 : memref<!tpu.dma_semaphore, #tpu.memory_space<semaphore_mem>>) {add = true}
      %ge3A_190 = arith.constant 1 : i32
      %ge3A_191 = arith.cmpi sge, %add3A_173, %ge3A_190 : i32
      %convert_element_type3A_192 = arith.extui %ge3A_191 : i1 to i32
      %cond3A_193 = arith.constant 0 : i32
      %cond3A_194 = arith.cmpi ne, %convert_element_type3A_192, %cond3A_193 : i32
      scf.if %cond3A_194 {
        %sub3A = arith.constant 1 : i32
        %sub3A_234 = arith.subi %add3A_173, %sub3A : i32
        %dma_wait3A_235 = arith.constant 0 : i32
        %dma_wait3A_236 = tpu.memref_slice %arg8[%sub3A_234, %dma_wait3A_235] : memref<252x80xi32, #tpu.memory_space<vmem>> -> memref<1x80xi32, #tpu.memory_space<vmem>>
        %dma_wait3A_237 = tpu.memref_squeeze %dma_wait3A_236 : memref<1x80xi32, #tpu.memory_space<vmem>> -> memref<80xi32, #tpu.memory_space<vmem>>
        %dma_wait3A_238 = arith.constant 0 : i32
        %dma_wait3A_239 = arith.constant 0 : i32
        %dma_wait3A_240 = tpu.memref_slice %arg13[%dma_wait3A_238, %dma_wait3A_239] : memref<10000x64xf32, #tpu.memory_space<vmem_shared>> -> memref<10000x64xf32, #tpu.memory_space<vmem_shared>>
        tpu.wait_indirect_dma semaphore(%arg19 : memref<!tpu.dma_semaphore, #tpu.memory_space<semaphore_mem>>) src(%arg10 : memref<80x64xf32, #tpu.memory_space<vmem>>) dst(%dma_wait3A_240 : memref<10000x64xf32, #tpu.memory_space<vmem_shared>>)
      } else {
      }
      %add3A_195 = arith.constant 3 : i32
      %add3A_196 = arith.addi %add3A_173, %add3A_195 : i32
      %lt3A_197 = arith.constant 252 : i32
      %lt3A_198 = arith.cmpi slt, %add3A_196, %lt3A_197 : i32
      %convert_element_type3A_199 = arith.extui %lt3A_198 : i1 to i32
      %cond3A_200 = arith.constant 0 : i32
      %cond3A_201 = arith.cmpi ne, %convert_element_type3A_199, %cond3A_200 : i32
      scf.if %cond3A_201 {
        %add3A_234 = arith.constant 3 : i32
        %add3A_235 = arith.addi %add3A_173, %add3A_234 : i32
        %dma_start3A_236 = arith.constant 0 : i32
        %dma_start3A_237 = tpu.memref_slice %arg7[%add3A_235, %dma_start3A_236] : memref<252x80xi32, #tpu.memory_space<vmem>> -> memref<1x80xi32, #tpu.memory_space<vmem>>
        %dma_start3A_238 = tpu.memref_squeeze %dma_start3A_237 : memref<1x80xi32, #tpu.memory_space<vmem>> -> memref<80xi32, #tpu.memory_space<vmem>>
        %dma_start3A_239 = arith.constant 0 : i32
        %dma_start3A_240 = arith.constant 0 : i32
        %dma_start3A_241 = tpu.memref_slice %arg2[%arg0, %dma_start3A_239, %dma_start3A_240] : memref<2x10000x64xf32, #tpu.memory_space<hbm>> -> memref<1x10000x64xf32, #tpu.memory_space<hbm>>
        %dma_start3A_242 = tpu.memref_squeeze %dma_start3A_241 : memref<1x10000x64xf32, #tpu.memory_space<hbm>> -> memref<10000x64xf32, #tpu.memory_space<hbm>>
        %dma_start3A_243 = arith.constant 0 : i32
        %dma_start3A_244 = arith.constant 0 : i32
        %dma_start3A_245 = tpu.memref_slice %dma_start3A_242[%dma_start3A_243, %dma_start3A_244] : memref<10000x64xf32, #tpu.memory_space<hbm>> -> memref<10000x64xf32, #tpu.memory_space<hbm>>
        tpu.enqueue_indirect_dma source(%dma_start3A_245 : memref<10000x64xf32, #tpu.memory_space<hbm>>) target(%arg10 : memref<80x64xf32, #tpu.memory_space<vmem>>) offsets(%dma_start3A_238 : memref<80xi32, #tpu.memory_space<vmem>>) semaphore(%arg15 : memref<!tpu.dma_semaphore, #tpu.memory_space<semaphore_mem>>)
      } else {
      }
      %mul3A_202 = arith.constant 4 : i32
      %mul3A_203 = arith.muli %mul3A_202, %scan3A_107 : i32
      %add3A_204 = arith.constant 3 : i32
      %add3A_205 = arith.addi %mul3A_203, %add3A_204 : i32
      %dma_wait3A_206 = arith.constant 0 : i32
      %dma_wait3A_207 = tpu.memref_slice %arg7[%add3A_205, %dma_wait3A_206] : memref<252x80xi32, #tpu.memory_space<vmem>> -> memref<1x80xi32, #tpu.memory_space<vmem>>
      %dma_wait3A_208 = tpu.memref_squeeze %dma_wait3A_207 : memref<1x80xi32, #tpu.memory_space<vmem>> -> memref<80xi32, #tpu.memory_space<vmem>>
      %dma_wait3A_209 = arith.constant 0 : i32
      %dma_wait3A_210 = arith.constant 0 : i32
      %dma_wait3A_211 = tpu.memref_slice %arg2[%arg0, %dma_wait3A_209, %dma_wait3A_210] : memref<2x10000x64xf32, #tpu.memory_space<hbm>> -> memref<1x10000x64xf32, #tpu.memory_space<hbm>>
      %dma_wait3A_212 = tpu.memref_squeeze %dma_wait3A_211 : memref<1x10000x64xf32, #tpu.memory_space<hbm>> -> memref<10000x64xf32, #tpu.memory_space<hbm>>
      %dma_wait3A_213 = arith.constant 0 : i32
      %dma_wait3A_214 = arith.constant 0 : i32
      %dma_wait3A_215 = tpu.memref_slice %dma_wait3A_212[%dma_wait3A_213, %dma_wait3A_214] : memref<10000x64xf32, #tpu.memory_space<hbm>> -> memref<10000x64xf32, #tpu.memory_space<hbm>>
      tpu.wait_indirect_dma semaphore(%arg17 : memref<!tpu.dma_semaphore, #tpu.memory_space<semaphore_mem>>) src(%dma_wait3A_215 : memref<10000x64xf32, #tpu.memory_space<hbm>>) dst(%arg12 : memref<80x64xf32, #tpu.memory_space<vmem>>)
      %dma_start3A_216 = arith.constant 0 : i32
      %dma_start3A_217 = tpu.memref_slice %arg8[%add3A_205, %dma_start3A_216] : memref<252x80xi32, #tpu.memory_space<vmem>> -> memref<1x80xi32, #tpu.memory_space<vmem>>
      %dma_start3A_218 = tpu.memref_squeeze %dma_start3A_217 : memref<1x80xi32, #tpu.memory_space<vmem>> -> memref<80xi32, #tpu.memory_space<vmem>>
      %dma_start3A_219 = arith.constant 0 : i32
      %dma_start3A_220 = arith.constant 0 : i32
      %dma_start3A_221 = tpu.memref_slice %arg13[%dma_start3A_219, %dma_start3A_220] : memref<10000x64xf32, #tpu.memory_space<vmem_shared>> -> memref<10000x64xf32, #tpu.memory_space<vmem_shared>>
      tpu.enqueue_indirect_dma source(%arg12 : memref<80x64xf32, #tpu.memory_space<vmem>>) target(%dma_start3A_221 : memref<10000x64xf32, #tpu.memory_space<vmem_shared>>) offsets(%dma_start3A_218 : memref<80xi32, #tpu.memory_space<vmem>>) semaphore(%arg21 : memref<!tpu.dma_semaphore, #tpu.memory_space<semaphore_mem>>) {add = true}
      %ge3A_222 = arith.constant 1 : i32
      %ge3A_223 = arith.cmpi sge, %add3A_205, %ge3A_222 : i32
      %convert_element_type3A_224 = arith.extui %ge3A_223 : i1 to i32
      %cond3A_225 = arith.constant 0 : i32
      %cond3A_226 = arith.cmpi ne, %convert_element_type3A_224, %cond3A_225 : i32
      scf.if %cond3A_226 {
        %sub3A = arith.constant 1 : i32
        %sub3A_234 = arith.subi %add3A_205, %sub3A : i32
        %dma_wait3A_235 = arith.constant 0 : i32
        %dma_wait3A_236 = tpu.memref_slice %arg8[%sub3A_234, %dma_wait3A_235] : memref<252x80xi32, #tpu.memory_space<vmem>> -> memref<1x80xi32, #tpu.memory_space<vmem>>
        %dma_wait3A_237 = tpu.memref_squeeze %dma_wait3A_236 : memref<1x80xi32, #tpu.memory_space<vmem>> -> memref<80xi32, #tpu.memory_space<vmem>>
        %dma_wait3A_238 = arith.constant 0 : i32
        %dma_wait3A_239 = arith.constant 0 : i32
        %dma_wait3A_240 = tpu.memref_slice %arg13[%dma_wait3A_238, %dma_wait3A_239] : memref<10000x64xf32, #tpu.memory_space<vmem_shared>> -> memref<10000x64xf32, #tpu.memory_space<vmem_shared>>
        tpu.wait_indirect_dma semaphore(%arg20 : memref<!tpu.dma_semaphore, #tpu.memory_space<semaphore_mem>>) src(%arg11 : memref<80x64xf32, #tpu.memory_space<vmem>>) dst(%dma_wait3A_240 : memref<10000x64xf32, #tpu.memory_space<vmem_shared>>)
      } else {
      }
      %add3A_227 = arith.constant 3 : i32
      %add3A_228 = arith.addi %add3A_205, %add3A_227 : i32
      %lt3A_229 = arith.constant 252 : i32
      %lt3A_230 = arith.cmpi slt, %add3A_228, %lt3A_229 : i32
      %convert_element_type3A_231 = arith.extui %lt3A_230 : i1 to i32
      %cond3A_232 = arith.constant 0 : i32
      %cond3A_233 = arith.cmpi ne, %convert_element_type3A_231, %cond3A_232 : i32
      scf.if %cond3A_233 {
        %add3A_234 = arith.constant 3 : i32
        %add3A_235 = arith.addi %add3A_205, %add3A_234 : i32
        %dma_start3A_236 = arith.constant 0 : i32
        %dma_start3A_237 = tpu.memref_slice %arg7[%add3A_235, %dma_start3A_236] : memref<252x80xi32, #tpu.memory_space<vmem>> -> memref<1x80xi32, #tpu.memory_space<vmem>>
        %dma_start3A_238 = tpu.memref_squeeze %dma_start3A_237 : memref<1x80xi32, #tpu.memory_space<vmem>> -> memref<80xi32, #tpu.memory_space<vmem>>
        %dma_start3A_239 = arith.constant 0 : i32
        %dma_start3A_240 = arith.constant 0 : i32
        %dma_start3A_241 = tpu.memref_slice %arg2[%arg0, %dma_start3A_239, %dma_start3A_240] : memref<2x10000x64xf32, #tpu.memory_space<hbm>> -> memref<1x10000x64xf32, #tpu.memory_space<hbm>>
        %dma_start3A_242 = tpu.memref_squeeze %dma_start3A_241 : memref<1x10000x64xf32, #tpu.memory_space<hbm>> -> memref<10000x64xf32, #tpu.memory_space<hbm>>
        %dma_start3A_243 = arith.constant 0 : i32
        %dma_start3A_244 = arith.constant 0 : i32
        %dma_start3A_245 = tpu.memref_slice %dma_start3A_242[%dma_start3A_243, %dma_start3A_244] : memref<10000x64xf32, #tpu.memory_space<hbm>> -> memref<10000x64xf32, #tpu.memory_space<hbm>>
        tpu.enqueue_indirect_dma source(%dma_start3A_245 : memref<10000x64xf32, #tpu.memory_space<hbm>>) target(%arg11 : memref<80x64xf32, #tpu.memory_space<vmem>>) offsets(%dma_start3A_238 : memref<80xi32, #tpu.memory_space<vmem>>) semaphore(%arg16 : memref<!tpu.dma_semaphore, #tpu.memory_space<semaphore_mem>>)
      } else {
      }
    }
    %scan3A_88 = arith.constant 63 : i32
    %dma_wait3A_89 = arith.constant 251 : i32
    %dma_wait3A_90 = arith.constant 0 : i32
    %dma_wait3A_91 = tpu.memref_slice %arg8[%dma_wait3A_89, %dma_wait3A_90] : memref<252x80xi32, #tpu.memory_space<vmem>> -> memref<1x80xi32, #tpu.memory_space<vmem>>
    %dma_wait3A_92 = tpu.memref_squeeze %dma_wait3A_91 : memref<1x80xi32, #tpu.memory_space<vmem>> -> memref<80xi32, #tpu.memory_space<vmem>>
    %dma_wait3A_93 = arith.constant 0 : i32
    %dma_wait3A_94 = arith.constant 0 : i32
    %dma_wait3A_95 = tpu.memref_slice %arg13[%dma_wait3A_93, %dma_wait3A_94] : memref<10000x64xf32, #tpu.memory_space<vmem_shared>> -> memref<10000x64xf32, #tpu.memory_space<vmem_shared>>
    tpu.wait_indirect_dma semaphore(%arg21 : memref<!tpu.dma_semaphore, #tpu.memory_space<semaphore_mem>>) src(%arg12 : memref<80x64xf32, #tpu.memory_space<vmem>>) dst(%dma_wait3A_95 : memref<10000x64xf32, #tpu.memory_space<vmem_shared>>)
    %barrier3A_96 = arith.constant 0 : index
    tpu.barrier barrier_id(%barrier3A_96)
    %lt3A_97 = arith.constant 15 : i32
    %lt3A_98 = arith.cmpi slt, %arg1, %lt3A_97 : i32
    %convert_element_type3A_99 = arith.extui %lt3A_98 : i1 to i32
    %cond3A_100 = arith.constant 0 : i32
    %cond3A_101 = arith.cmpi ne, %convert_element_type3A_99, %cond3A_100 : i32
    scf.if %cond3A_101 {
      "tpu.region"() ({
        %run_scoped3A = tpu.sem_alloc : memref<!tpu.dma_semaphore, #tpu.memory_space<semaphore_mem>>
        %dma_start3A_107 = arith.constant 0 : i32
        %dma_start3A_108 = tpu.memref_slice %arg6[%arg0, %multiple_of3A, %dma_start3A_107] : memref<2x10000x64xf32, #tpu.memory_space<hbm>> -> memref<1x632x64xf32, #tpu.memory_space<hbm>>
        %dma_start3A_109 = tpu.memref_squeeze %dma_start3A_108 : memref<1x632x64xf32, #tpu.memory_space<hbm>> -> memref<632x64xf32, #tpu.memory_space<hbm>>
        %dma_start3A_110 = arith.constant 0 : i32
        %dma_start3A_111 = tpu.memref_slice %arg13[%multiple_of3A, %dma_start3A_110] : memref<10000x64xf32, #tpu.memory_space<vmem_shared>> -> memref<632x64xf32, #tpu.memory_space<vmem_shared>>
        tpu.enqueue_dma source(%dma_start3A_111 : memref<632x64xf32, #tpu.memory_space<vmem_shared>>) target(%dma_start3A_109 : memref<632x64xf32, #tpu.memory_space<hbm>>) target_semaphore(%run_scoped3A : memref<!tpu.dma_semaphore, #tpu.memory_space<semaphore_mem>>)
        %dma_wait3A_112 = arith.constant 0 : i32
        %dma_wait3A_113 = tpu.memref_slice %arg6[%arg0, %multiple_of3A, %dma_wait3A_112] : memref<2x10000x64xf32, #tpu.memory_space<hbm>> -> memref<1x632x64xf32, #tpu.memory_space<hbm>>
        %dma_wait3A_114 = tpu.memref_squeeze %dma_wait3A_113 : memref<1x632x64xf32, #tpu.memory_space<hbm>> -> memref<632x64xf32, #tpu.memory_space<hbm>>
        %dma_wait3A_115 = arith.constant 0 : i32
        %dma_wait3A_116 = tpu.memref_slice %arg13[%multiple_of3A, %dma_wait3A_115] : memref<10000x64xf32, #tpu.memory_space<vmem_shared>> -> memref<632x64xf32, #tpu.memory_space<vmem_shared>>
        tpu.wait_dma2 semaphore(%run_scoped3A : memref<!tpu.dma_semaphore, #tpu.memory_space<semaphore_mem>>) src(%dma_wait3A_116 : memref<632x64xf32, #tpu.memory_space<vmem_shared>>) dst(%dma_wait3A_114 : memref<632x64xf32, #tpu.memory_space<hbm>>)
        tpu.yield
      }) : () -> ()
    } else {
    }
    %eq3A_102 = arith.constant 15 : i32
    %eq3A_103 = arith.cmpi eq, %arg1, %eq3A_102 : i32
    %convert_element_type3A_104 = arith.extui %eq3A_103 : i1 to i32
    %cond3A_105 = arith.constant 0 : i32
    %cond3A_106 = arith.cmpi ne, %convert_element_type3A_104, %cond3A_105 : i32
    scf.if %cond3A_106 {
      "tpu.region"() ({
        %run_scoped3A = tpu.sem_alloc : memref<!tpu.dma_semaphore, #tpu.memory_space<semaphore_mem>>
        %dma_start3A_107 = arith.constant 9480 : i32
        %dma_start3A_108 = arith.constant 0 : i32
        %dma_start3A_109 = tpu.memref_slice %arg6[%arg0, %dma_start3A_107, %dma_start3A_108] : memref<2x10000x64xf32, #tpu.memory_space<hbm>> -> memref<1x520x64xf32, #tpu.memory_space<hbm>>
        %dma_start3A_110 = tpu.memref_squeeze %dma_start3A_109 : memref<1x520x64xf32, #tpu.memory_space<hbm>> -> memref<520x64xf32, #tpu.memory_space<hbm>>
        %dma_start3A_111 = arith.constant 9480 : i32
        %dma_start3A_112 = arith.constant 0 : i32
        %dma_start3A_113 = tpu.memref_slice %arg13[%dma_start3A_111, %dma_start3A_112] : memref<10000x64xf32, #tpu.memory_space<vmem_shared>> -> memref<520x64xf32, #tpu.memory_space<vmem_shared>>
        tpu.enqueue_dma source(%dma_start3A_113 : memref<520x64xf32, #tpu.memory_space<vmem_shared>>) target(%dma_start3A_110 : memref<520x64xf32, #tpu.memory_space<hbm>>) target_semaphore(%run_scoped3A : memref<!tpu.dma_semaphore, #tpu.memory_space<semaphore_mem>>)
        %dma_wait3A_114 = arith.constant 9480 : i32
        %dma_wait3A_115 = arith.constant 0 : i32
        %dma_wait3A_116 = tpu.memref_slice %arg6[%arg0, %dma_wait3A_114, %dma_wait3A_115] : memref<2x10000x64xf32, #tpu.memory_space<hbm>> -> memref<1x520x64xf32, #tpu.memory_space<hbm>>
        %dma_wait3A_117 = tpu.memref_squeeze %dma_wait3A_116 : memref<1x520x64xf32, #tpu.memory_space<hbm>> -> memref<520x64xf32, #tpu.memory_space<hbm>>
        %dma_wait3A_118 = arith.constant 9480 : i32
        %dma_wait3A_119 = arith.constant 0 : i32
        %dma_wait3A_120 = tpu.memref_slice %arg13[%dma_wait3A_118, %dma_wait3A_119] : memref<10000x64xf32, #tpu.memory_space<vmem_shared>> -> memref<520x64xf32, #tpu.memory_space<vmem_shared>>
        tpu.wait_dma2 semaphore(%run_scoped3A : memref<!tpu.dma_semaphore, #tpu.memory_space<semaphore_mem>>) src(%dma_wait3A_120 : memref<520x64xf32, #tpu.memory_space<vmem_shared>>) dst(%dma_wait3A_117 : memref<520x64xf32, #tpu.memory_space<hbm>>)
        tpu.yield
      }) : () -> ()
    } else {
    }
    return
  }
}

#map = affine_map<(d0, d1) -> (0, 0, 0)>
#map1 = affine_map<(d0, d1) -> (0, 0)>
module attributes {stable_mosaic.version = 14 : i64} {
  func.func @edge_agg(%arg0: i32, %arg1: i32, %arg2: memref<2x10000x64xf32, #tpu.memory_space<hbm>>, %arg3: memref<16x500x80xi32, #tpu.memory_space<hbm>>, %arg4: memref<16x500x80xi32, #tpu.memory_space<hbm>>, %arg5: memref<632x64xf32, #tpu.memory_space<hbm>>, %arg6: memref<2x10000x64xf32, #tpu.memory_space<hbm>>, %arg7: memref<252x80xi32, #tpu.memory_space<vmem>>, %arg8: memref<252x80xi32, #tpu.memory_space<vmem>>, %arg9: memref<80x64xf32, #tpu.memory_space<vmem>>, %arg10: memref<80x64xf32, #tpu.memory_space<vmem>>, %arg11: memref<80x64xf32, #tpu.memory_space<vmem>>, %arg12: memref<80x64xf32, #tpu.memory_space<vmem>>, %arg13: memref<10000x64xf32, #tpu.memory_space<vmem_shared>>, %arg14: memref<!tpu.dma_semaphore, #tpu.memory_space<semaphore_mem>>, %arg15: memref<!tpu.dma_semaphore, #tpu.memory_space<semaphore_mem>>, %arg16: memref<!tpu.dma_semaphore, #tpu.memory_space<semaphore_mem>>, %arg17: memref<!tpu.dma_semaphore, #tpu.memory_space<semaphore_mem>>, %arg18: memref<!tpu.dma_semaphore, #tpu.memory_space<semaphore_mem>>, %arg19: memref<!tpu.dma_semaphore, #tpu.memory_space<semaphore_mem>>, %arg20: memref<!tpu.dma_semaphore, #tpu.memory_space<semaphore_mem>>, %arg21: memref<!tpu.dma_semaphore, #tpu.memory_space<semaphore_mem>>) attributes {dimension_semantics = [#tpu.dimension_semantics<core_parallel>, #tpu.dimension_semantics<subcore_parallel>], iteration_bounds = array<i64: 2, 16>, scalar_prefetch = 0 : i64, scratch_operands = 15 : i64, tpu.core_type = #tpu.core_type<sc_vector_subcore>, window_params = [{transform_indices = #map}, {transform_indices = #map}, {transform_indices = #map}, {transform_indices = #map1}, {transform_indices = #map}]} {
    %mul3A = arith.constant 632 : i32
    %mul3A_0 = arith.muli %arg1, %mul3A : i32
    %multiple_of3A = tpu.assume_multiple %mul3A_0, 8 : i32
    %lt3A = arith.constant 15 : i32
    %lt3A_1 = arith.cmpi slt, %arg1, %lt3A : i32
    %convert_element_type3A = arith.extui %lt3A_1 : i1 to i32
    %cond3A = arith.constant 0 : i32
    %cond3A_2 = arith.cmpi ne, %convert_element_type3A, %cond3A : i32
    scf.if %cond3A_2 {
      "tpu.region"() ({
        %run_scoped3A = tpu.sem_alloc : memref<!tpu.dma_semaphore, #tpu.memory_space<semaphore_mem>>
        %dma_start3A_107 = arith.constant 0 : i32
        %dma_start3A_108 = tpu.memref_slice %arg13[%multiple_of3A, %dma_start3A_107] : memref<10000x64xf32, #tpu.memory_space<vmem_shared>> -> memref<632x64xf32, #tpu.memory_space<vmem_shared>>
        tpu.enqueue_dma source(%arg5 : memref<632x64xf32, #tpu.memory_space<hbm>>) target(%dma_start3A_108 : memref<632x64xf32, #tpu.memory_space<vmem_shared>>) target_semaphore(%run_scoped3A : memref<!tpu.dma_semaphore, #tpu.memory_space<semaphore_mem>>)
        %dma_wait3A_109 = arith.constant 0 : i32
        %dma_wait3A_110 = tpu.memref_slice %arg13[%multiple_of3A, %dma_wait3A_109] : memref<10000x64xf32, #tpu.memory_space<vmem_shared>> -> memref<632x64xf32, #tpu.memory_space<vmem_shared>>
        tpu.wait_dma2 semaphore(%run_scoped3A : memref<!tpu.dma_semaphore, #tpu.memory_space<semaphore_mem>>) src(%arg5 : memref<632x64xf32, #tpu.memory_space<hbm>>) dst(%dma_wait3A_110 : memref<632x64xf32, #tpu.memory_space<vmem_shared>>)
        tpu.yield
      }) : () -> ()
    } else {
    }
    %eq3A = arith.constant 15 : i32
    %eq3A_3 = arith.cmpi eq, %arg1, %eq3A : i32
    %convert_element_type3A_4 = arith.extui %eq3A_3 : i1 to i32
    %cond3A_5 = arith.constant 0 : i32
    %cond3A_6 = arith.cmpi ne, %convert_element_type3A_4, %cond3A_5 : i32
    scf.if %cond3A_6 {
      "tpu.region"() ({
        %run_scoped3A = tpu.sem_alloc : memref<!tpu.dma_semaphore, #tpu.memory_space<semaphore_mem>>
        %dma_start3A_107 = arith.constant 9480 : i32
        %dma_start3A_108 = arith.constant 0 : i32
        %dma_start3A_109 = tpu.memref_slice %arg13[%dma_start3A_107, %dma_start3A_108] : memref<10000x64xf32, #tpu.memory_space<vmem_shared>> -> memref<520x64xf32, #tpu.memory_space<vmem_shared>>
        %dma_start3A_110 = arith.constant 0 : i32
        %dma_start3A_111 = arith.constant 0 : i32
        %dma_start3A_112 = tpu.memref_slice %arg5[%dma_start3A_110, %dma_start3A_111] : memref<632x64xf32, #tpu.memory_space<hbm>> -> memref<520x64xf32, #tpu.memory_space<hbm>>
        tpu.enqueue_dma source(%dma_start3A_112 : memref<520x64xf32, #tpu.memory_space<hbm>>) target(%dma_start3A_109 : memref<520x64xf32, #tpu.memory_space<vmem_shared>>) target_semaphore(%run_scoped3A : memref<!tpu.dma_semaphore, #tpu.memory_space<semaphore_mem>>)
        %dma_wait3A_113 = arith.constant 9480 : i32
        %dma_wait3A_114 = arith.constant 0 : i32
        %dma_wait3A_115 = tpu.memref_slice %arg13[%dma_wait3A_113, %dma_wait3A_114] : memref<10000x64xf32, #tpu.memory_space<vmem_shared>> -> memref<520x64xf32, #tpu.memory_space<vmem_shared>>
        %dma_wait3A_116 = arith.constant 0 : i32
        %dma_wait3A_117 = arith.constant 0 : i32
        %dma_wait3A_118 = tpu.memref_slice %arg5[%dma_wait3A_116, %dma_wait3A_117] : memref<632x64xf32, #tpu.memory_space<hbm>> -> memref<520x64xf32, #tpu.memory_space<hbm>>
        tpu.wait_dma2 semaphore(%run_scoped3A : memref<!tpu.dma_semaphore, #tpu.memory_space<semaphore_mem>>) src(%dma_wait3A_118 : memref<520x64xf32, #tpu.memory_space<hbm>>) dst(%dma_wait3A_115 : memref<520x64xf32, #tpu.memory_space<vmem_shared>>)
        tpu.yield
      }) : () -> ()
    } else {
    }
    %barrier3A = arith.constant 0 : index
    tpu.barrier barrier_id(%barrier3A)
    "tpu.region"() ({
      %run_scoped3A = tpu.sem_alloc : memref<!tpu.dma_semaphore, #tpu.memory_space<semaphore_mem>>
      %dma_start3A_107 = arith.constant 0 : i32
      %dma_start3A_108 = arith.constant 0 : i32
      %dma_start3A_109 = tpu.memref_slice %arg7[%dma_start3A_107, %dma_start3A_108] : memref<252x80xi32, #tpu.memory_space<vmem>> -> memref<248x80xi32, #tpu.memory_space<vmem>>
      %dma_start3A_110 = arith.constant 0 : i32
      %dma_start3A_111 = arith.constant 0 : i32
      %dma_start3A_112 = tpu.memref_slice %arg3[%arg1, %dma_start3A_110, %dma_start3A_111] : memref<16x500x80xi32, #tpu.memory_space<hbm>> -> memref<1x248x80xi32, #tpu.memory_space<hbm>>
      %dma_start3A_113 = tpu.memref_squeeze %dma_start3A_112 : memref<1x248x80xi32, #tpu.memory_space<hbm>> -> memref<248x80xi32, #tpu.memory_space<hbm>>
      %dma_start3A_114 = arith.constant 0 : i32
      %dma_start3A_115 = arith.constant 0 : i32
      %dma_start3A_116 = tpu.memref_slice %arg7[%dma_start3A_114, %dma_start3A_115] : memref<252x80xi32, #tpu.memory_space<vmem>> -> memref<248x80xi32, #tpu.memory_space<vmem>>
      %dma_start3A_117 = arith.constant 0 : i32
      %dma_start3A_118 = arith.constant 0 : i32
      %dma_start3A_119 = tpu.memref_slice %arg3[%arg1, %dma_start3A_117, %dma_start3A_118] : memref<16x500x80xi32, #tpu.memory_space<hbm>> -> memref<1x248x80xi32, #tpu.memory_space<hbm>>
      %dma_start3A_120 = tpu.memref_squeeze %dma_start3A_119 : memref<1x248x80xi32, #tpu.memory_space<hbm>> -> memref<248x80xi32, #tpu.memory_space<hbm>>
      tpu.enqueue_dma source(%dma_start3A_120 : memref<248x80xi32, #tpu.memory_space<hbm>>) target(%dma_start3A_116 : memref<248x80xi32, #tpu.memory_space<vmem>>) target_semaphore(%run_scoped3A : memref<!tpu.dma_semaphore, #tpu.memory_space<semaphore_mem>>)
      %dma_wait3A_121 = arith.constant 0 : i32
      %dma_wait3A_122 = arith.constant 0 : i32
      %dma_wait3A_123 = tpu.memref_slice %arg7[%dma_wait3A_121, %dma_wait3A_122] : memref<252x80xi32, #tpu.memory_space<vmem>> -> memref<248x80xi32, #tpu.memory_space<vmem>>
      %dma_wait3A_124 = arith.constant 0 : i32
      %dma_wait3A_125 = arith.constant 0 : i32
      %dma_wait3A_126 = tpu.memref_slice %arg3[%arg1, %dma_wait3A_124, %dma_wait3A_125] : memref<16x500x80xi32, #tpu.memory_space<hbm>> -> memref<1x248x80xi32, #tpu.memory_space<hbm>>
      %dma_wait3A_127 = tpu.memref_squeeze %dma_wait3A_126 : memref<1x248x80xi32, #tpu.memory_space<hbm>> -> memref<248x80xi32, #tpu.memory_space<hbm>>
      %dma_wait3A_128 = arith.constant 0 : i32
      %dma_wait3A_129 = arith.constant 0 : i32
      %dma_wait3A_130 = tpu.memref_slice %arg7[%dma_wait3A_128, %dma_wait3A_129] : memref<252x80xi32, #tpu.memory_space<vmem>> -> memref<248x80xi32, #tpu.memory_space<vmem>>
      %dma_wait3A_131 = arith.constant 0 : i32
      %dma_wait3A_132 = arith.constant 0 : i32
      %dma_wait3A_133 = tpu.memref_slice %arg3[%arg1, %dma_wait3A_131, %dma_wait3A_132] : memref<16x500x80xi32, #tpu.memory_space<hbm>> -> memref<1x248x80xi32, #tpu.memory_space<hbm>>
      %dma_wait3A_134 = tpu.memref_squeeze %dma_wait3A_133 : memref<1x248x80xi32, #tpu.memory_space<hbm>> -> memref<248x80xi32, #tpu.memory_space<hbm>>
      tpu.wait_dma2 semaphore(%run_scoped3A : memref<!tpu.dma_semaphore, #tpu.memory_space<semaphore_mem>>) src(%dma_wait3A_134 : memref<248x80xi32, #tpu.memory_space<hbm>>) dst(%dma_wait3A_130 : memref<248x80xi32, #tpu.memory_space<vmem>>)
      tpu.yield
    }) : () -> ()
    "tpu.region"() ({
      %run_scoped3A = tpu.sem_alloc : memref<!tpu.dma_semaphore, #tpu.memory_space<semaphore_mem>>
      %dma_start3A_107 = arith.constant 0 : i32
      %dma_start3A_108 = arith.constant 0 : i32
      %dma_start3A_109 = tpu.memref_slice %arg8[%dma_start3A_107, %dma_start3A_108] : memref<252x80xi32, #tpu.memory_space<vmem>> -> memref<248x80xi32, #tpu.memory_space<vmem>>
      %dma_start3A_110 = arith.constant 0 : i32
      %dma_start3A_111 = arith.constant 0 : i32
      %dma_start3A_112 = tpu.memref_slice %arg4[%arg1, %dma_start3A_110, %dma_start3A_111] : memref<16x500x80xi32, #tpu.memory_space<hbm>> -> memref<1x248x80xi32, #tpu.memory_space<hbm>>
      %dma_start3A_113 = tpu.memref_squeeze %dma_start3A_112 : memref<1x248x80xi32, #tpu.memory_space<hbm>> -> memref<248x80xi32, #tpu.memory_space<hbm>>
      %dma_start3A_114 = arith.constant 0 : i32
      %dma_start3A_115 = arith.constant 0 : i32
      %dma_start3A_116 = tpu.memref_slice %arg8[%dma_start3A_114, %dma_start3A_115] : memref<252x80xi32, #tpu.memory_space<vmem>> -> memref<248x80xi32, #tpu.memory_space<vmem>>
      %dma_start3A_117 = arith.constant 0 : i32
      %dma_start3A_118 = arith.constant 0 : i32
      %dma_start3A_119 = tpu.memref_slice %arg4[%arg1, %dma_start3A_117, %dma_start3A_118] : memref<16x500x80xi32, #tpu.memory_space<hbm>> -> memref<1x248x80xi32, #tpu.memory_space<hbm>>
      %dma_start3A_120 = tpu.memref_squeeze %dma_start3A_119 : memref<1x248x80xi32, #tpu.memory_space<hbm>> -> memref<248x80xi32, #tpu.memory_space<hbm>>
      tpu.enqueue_dma source(%dma_start3A_120 : memref<248x80xi32, #tpu.memory_space<hbm>>) target(%dma_start3A_116 : memref<248x80xi32, #tpu.memory_space<vmem>>) target_semaphore(%run_scoped3A : memref<!tpu.dma_semaphore, #tpu.memory_space<semaphore_mem>>)
      %dma_wait3A_121 = arith.constant 0 : i32
      %dma_wait3A_122 = arith.constant 0 : i32
      %dma_wait3A_123 = tpu.memref_slice %arg8[%dma_wait3A_121, %dma_wait3A_122] : memref<252x80xi32, #tpu.memory_space<vmem>> -> memref<248x80xi32, #tpu.memory_space<vmem>>
      %dma_wait3A_124 = arith.constant 0 : i32
      %dma_wait3A_125 = arith.constant 0 : i32
      %dma_wait3A_126 = tpu.memref_slice %arg4[%arg1, %dma_wait3A_124, %dma_wait3A_125] : memref<16x500x80xi32, #tpu.memory_space<hbm>> -> memref<1x248x80xi32, #tpu.memory_space<hbm>>
      %dma_wait3A_127 = tpu.memref_squeeze %dma_wait3A_126 : memref<1x248x80xi32, #tpu.memory_space<hbm>> -> memref<248x80xi32, #tpu.memory_space<hbm>>
      %dma_wait3A_128 = arith.constant 0 : i32
      %dma_wait3A_129 = arith.constant 0 : i32
      %dma_wait3A_130 = tpu.memref_slice %arg8[%dma_wait3A_128, %dma_wait3A_129] : memref<252x80xi32, #tpu.memory_space<vmem>> -> memref<248x80xi32, #tpu.memory_space<vmem>>
      %dma_wait3A_131 = arith.constant 0 : i32
      %dma_wait3A_132 = arith.constant 0 : i32
      %dma_wait3A_133 = tpu.memref_slice %arg4[%arg1, %dma_wait3A_131, %dma_wait3A_132] : memref<16x500x80xi32, #tpu.memory_space<hbm>> -> memref<1x248x80xi32, #tpu.memory_space<hbm>>
      %dma_wait3A_134 = tpu.memref_squeeze %dma_wait3A_133 : memref<1x248x80xi32, #tpu.memory_space<hbm>> -> memref<248x80xi32, #tpu.memory_space<hbm>>
      tpu.wait_dma2 semaphore(%run_scoped3A : memref<!tpu.dma_semaphore, #tpu.memory_space<semaphore_mem>>) src(%dma_wait3A_134 : memref<248x80xi32, #tpu.memory_space<hbm>>) dst(%dma_wait3A_130 : memref<248x80xi32, #tpu.memory_space<vmem>>)
      tpu.yield
    }) : () -> ()
    %dma_start3A = arith.constant 0 : i32
    %dma_start3A_7 = arith.constant 0 : i32
    %dma_start3A_8 = tpu.memref_slice %arg7[%dma_start3A, %dma_start3A_7] : memref<252x80xi32, #tpu.memory_space<vmem>> -> memref<1x80xi32, #tpu.memory_space<vmem>>
    %dma_start3A_9 = tpu.memref_squeeze %dma_start3A_8 : memref<1x80xi32, #tpu.memory_space<vmem>> -> memref<80xi32, #tpu.memory_space<vmem>>
    %dma_start3A_10 = arith.constant 0 : i32
    %dma_start3A_11 = arith.constant 0 : i32
    %dma_start3A_12 = tpu.memref_slice %arg2[%arg0, %dma_start3A_10, %dma_start3A_11] : memref<2x10000x64xf32, #tpu.memory_space<hbm>> -> memref<1x10000x64xf32, #tpu.memory_space<hbm>>
    %dma_start3A_13 = tpu.memref_squeeze %dma_start3A_12 : memref<1x10000x64xf32, #tpu.memory_space<hbm>> -> memref<10000x64xf32, #tpu.memory_space<hbm>>
    %dma_start3A_14 = arith.constant 0 : i32
    %dma_start3A_15 = arith.constant 0 : i32
    %dma_start3A_16 = tpu.memref_slice %dma_start3A_13[%dma_start3A_14, %dma_start3A_15] : memref<10000x64xf32, #tpu.memory_space<hbm>> -> memref<10000x64xf32, #tpu.memory_space<hbm>>
    tpu.enqueue_indirect_dma source(%dma_start3A_16 : memref<10000x64xf32, #tpu.memory_space<hbm>>) target(%arg9 : memref<80x64xf32, #tpu.memory_space<vmem>>) offsets(%dma_start3A_9 : memref<80xi32, #tpu.memory_space<vmem>>) semaphore(%arg14 : memref<!tpu.dma_semaphore, #tpu.memory_space<semaphore_mem>>)
    %dma_start3A_17 = arith.constant 1 : i32
    %dma_start3A_18 = arith.constant 0 : i32
    %dma_start3A_19 = tpu.memref_slice %arg7[%dma_start3A_17, %dma_start3A_18] : memref<252x80xi32, #tpu.memory_space<vmem>> -> memref<1x80xi32, #tpu.memory_space<vmem>>
    %dma_start3A_20 = tpu.memref_squeeze %dma_start3A_19 : memref<1x80xi32, #tpu.memory_space<vmem>> -> memref<80xi32, #tpu.memory_space<vmem>>
    %dma_start3A_21 = arith.constant 0 : i32
    %dma_start3A_22 = arith.constant 0 : i32
    %dma_start3A_23 = tpu.memref_slice %arg2[%arg0, %dma_start3A_21, %dma_start3A_22] : memref<2x10000x64xf32, #tpu.memory_space<hbm>> -> memref<1x10000x64xf32, #tpu.memory_space<hbm>>
    %dma_start3A_24 = tpu.memref_squeeze %dma_start3A_23 : memref<1x10000x64xf32, #tpu.memory_space<hbm>> -> memref<10000x64xf32, #tpu.memory_space<hbm>>
    %dma_start3A_25 = arith.constant 0 : i32
    %dma_start3A_26 = arith.constant 0 : i32
    %dma_start3A_27 = tpu.memref_slice %dma_start3A_24[%dma_start3A_25, %dma_start3A_26] : memref<10000x64xf32, #tpu.memory_space<hbm>> -> memref<10000x64xf32, #tpu.memory_space<hbm>>
    tpu.enqueue_indirect_dma source(%dma_start3A_27 : memref<10000x64xf32, #tpu.memory_space<hbm>>) target(%arg10 : memref<80x64xf32, #tpu.memory_space<vmem>>) offsets(%dma_start3A_20 : memref<80xi32, #tpu.memory_space<vmem>>) semaphore(%arg15 : memref<!tpu.dma_semaphore, #tpu.memory_space<semaphore_mem>>)
    %dma_start3A_28 = arith.constant 2 : i32
    %dma_start3A_29 = arith.constant 0 : i32
    %dma_start3A_30 = tpu.memref_slice %arg7[%dma_start3A_28, %dma_start3A_29] : memref<252x80xi32, #tpu.memory_space<vmem>> -> memref<1x80xi32, #tpu.memory_space<vmem>>
    %dma_start3A_31 = tpu.memref_squeeze %dma_start3A_30 : memref<1x80xi32, #tpu.memory_space<vmem>> -> memref<80xi32, #tpu.memory_space<vmem>>
    %dma_start3A_32 = arith.constant 0 : i32
    %dma_start3A_33 = arith.constant 0 : i32
    %dma_start3A_34 = tpu.memref_slice %arg2[%arg0, %dma_start3A_32, %dma_start3A_33] : memref<2x10000x64xf32, #tpu.memory_space<hbm>> -> memref<1x10000x64xf32, #tpu.memory_space<hbm>>
    %dma_start3A_35 = tpu.memref_squeeze %dma_start3A_34 : memref<1x10000x64xf32, #tpu.memory_space<hbm>> -> memref<10000x64xf32, #tpu.memory_space<hbm>>
    %dma_start3A_36 = arith.constant 0 : i32
    %dma_start3A_37 = arith.constant 0 : i32
    %dma_start3A_38 = tpu.memref_slice %dma_start3A_35[%dma_start3A_36, %dma_start3A_37] : memref<10000x64xf32, #tpu.memory_space<hbm>> -> memref<10000x64xf32, #tpu.memory_space<hbm>>
    tpu.enqueue_indirect_dma source(%dma_start3A_38 : memref<10000x64xf32, #tpu.memory_space<hbm>>) target(%arg11 : memref<80x64xf32, #tpu.memory_space<vmem>>) offsets(%dma_start3A_31 : memref<80xi32, #tpu.memory_space<vmem>>) semaphore(%arg16 : memref<!tpu.dma_semaphore, #tpu.memory_space<semaphore_mem>>)
    %scan3A = arith.constant 0 : i32
    %scan3A_39 = arith.constant 0 : i32
    %scan3A_40 = arith.constant 62 : i32
    %scan3A_41 = arith.addi %scan3A_39, %scan3A_40 : i32
    %scan3A_42 = arith.constant 1 : i32
    scf.for %scan3A_107 = %scan3A_39 to %scan3A_41 step %scan3A_42  : i32 {
      %mul3A_108 = arith.constant 4 : i32
      %mul3A_109 = arith.muli %mul3A_108, %scan3A_107 : i32
      %add3A = arith.constant 0 : i32
      %add3A_110 = arith.addi %mul3A_109, %add3A : i32
      %dma_wait3A_111 = arith.constant 0 : i32
      %dma_wait3A_112 = tpu.memref_slice %arg7[%add3A_110, %dma_wait3A_111] : memref<252x80xi32, #tpu.memory_space<vmem>> -> memref<1x80xi32, #tpu.memory_space<vmem>>
      %dma_wait3A_113 = tpu.memref_squeeze %dma_wait3A_112 : memref<1x80xi32, #tpu.memory_space<vmem>> -> memref<80xi32, #tpu.memory_space<vmem>>
      %dma_wait3A_114 = arith.constant 0 : i32
      %dma_wait3A_115 = arith.constant 0 : i32
      %dma_wait3A_116 = tpu.memref_slice %arg2[%arg0, %dma_wait3A_114, %dma_wait3A_115] : memref<2x10000x64xf32, #tpu.memory_space<hbm>> -> memref<1x10000x64xf32, #tpu.memory_space<hbm>>
      %dma_wait3A_117 = tpu.memref_squeeze %dma_wait3A_116 : memref<1x10000x64xf32, #tpu.memory_space<hbm>> -> memref<10000x64xf32, #tpu.memory_space<hbm>>
      %dma_wait3A_118 = arith.constant 0 : i32
      %dma_wait3A_119 = arith.constant 0 : i32
      %dma_wait3A_120 = tpu.memref_slice %dma_wait3A_117[%dma_wait3A_118, %dma_wait3A_119] : memref<10000x64xf32, #tpu.memory_space<hbm>> -> memref<10000x64xf32, #tpu.memory_space<hbm>>
      tpu.wait_indirect_dma semaphore(%arg14 : memref<!tpu.dma_semaphore, #tpu.memory_space<semaphore_mem>>) src(%dma_wait3A_120 : memref<10000x64xf32, #tpu.memory_space<hbm>>) dst(%arg9 : memref<80x64xf32, #tpu.memory_space<vmem>>)
      %dma_start3A_121 = arith.constant 0 : i32
      %dma_start3A_122 = tpu.memref_slice %arg8[%add3A_110, %dma_start3A_121] : memref<252x80xi32, #tpu.memory_space<vmem>> -> memref<1x80xi32, #tpu.memory_space<vmem>>
      %dma_start3A_123 = tpu.memref_squeeze %dma_start3A_122 : memref<1x80xi32, #tpu.memory_space<vmem>> -> memref<80xi32, #tpu.memory_space<vmem>>
      %dma_start3A_124 = arith.constant 0 : i32
      %dma_start3A_125 = arith.constant 0 : i32
      %dma_start3A_126 = tpu.memref_slice %arg13[%dma_start3A_124, %dma_start3A_125] : memref<10000x64xf32, #tpu.memory_space<vmem_shared>> -> memref<10000x64xf32, #tpu.memory_space<vmem_shared>>
      tpu.enqueue_indirect_dma source(%arg9 : memref<80x64xf32, #tpu.memory_space<vmem>>) target(%dma_start3A_126 : memref<10000x64xf32, #tpu.memory_space<vmem_shared>>) offsets(%dma_start3A_123 : memref<80xi32, #tpu.memory_space<vmem>>) semaphore(%arg18 : memref<!tpu.dma_semaphore, #tpu.memory_space<semaphore_mem>>) {add = true}
      %ge3A = arith.constant 1 : i32
      %ge3A_127 = arith.cmpi sge, %add3A_110, %ge3A : i32
      %convert_element_type3A_128 = arith.extui %ge3A_127 : i1 to i32
      %cond3A_129 = arith.constant 0 : i32
      %cond3A_130 = arith.cmpi ne, %convert_element_type3A_128, %cond3A_129 : i32
      scf.if %cond3A_130 {
        %sub3A = arith.constant 1 : i32
        %sub3A_234 = arith.subi %add3A_110, %sub3A : i32
        %dma_wait3A_235 = arith.constant 0 : i32
        %dma_wait3A_236 = tpu.memref_slice %arg8[%sub3A_234, %dma_wait3A_235] : memref<252x80xi32, #tpu.memory_space<vmem>> -> memref<1x80xi32, #tpu.memory_space<vmem>>
        %dma_wait3A_237 = tpu.memref_squeeze %dma_wait3A_236 : memref<1x80xi32, #tpu.memory_space<vmem>> -> memref<80xi32, #tpu.memory_space<vmem>>
        %dma_wait3A_238 = arith.constant 0 : i32
        %dma_wait3A_239 = arith.constant 0 : i32
        %dma_wait3A_240 = tpu.memref_slice %arg13[%dma_wait3A_238, %dma_wait3A_239] : memref<10000x64xf32, #tpu.memory_space<vmem_shared>> -> memref<10000x64xf32, #tpu.memory_space<vmem_shared>>
        tpu.wait_indirect_dma semaphore(%arg21 : memref<!tpu.dma_semaphore, #tpu.memory_space<semaphore_mem>>) src(%arg12 : memref<80x64xf32, #tpu.memory_space<vmem>>) dst(%dma_wait3A_240 : memref<10000x64xf32, #tpu.memory_space<vmem_shared>>)
      } else {
      }
      %add3A_131 = arith.constant 3 : i32
      %add3A_132 = arith.addi %add3A_110, %add3A_131 : i32
      %lt3A_133 = arith.constant 248 : i32
      %lt3A_134 = arith.cmpi slt, %add3A_132, %lt3A_133 : i32
      %convert_element_type3A_135 = arith.extui %lt3A_134 : i1 to i32
      %cond3A_136 = arith.constant 0 : i32
      %cond3A_137 = arith.cmpi ne, %convert_element_type3A_135, %cond3A_136 : i32
      scf.if %cond3A_137 {
        %add3A_234 = arith.constant 3 : i32
        %add3A_235 = arith.addi %add3A_110, %add3A_234 : i32
        %dma_start3A_236 = arith.constant 0 : i32
        %dma_start3A_237 = tpu.memref_slice %arg7[%add3A_235, %dma_start3A_236] : memref<252x80xi32, #tpu.memory_space<vmem>> -> memref<1x80xi32, #tpu.memory_space<vmem>>
        %dma_start3A_238 = tpu.memref_squeeze %dma_start3A_237 : memref<1x80xi32, #tpu.memory_space<vmem>> -> memref<80xi32, #tpu.memory_space<vmem>>
        %dma_start3A_239 = arith.constant 0 : i32
        %dma_start3A_240 = arith.constant 0 : i32
        %dma_start3A_241 = tpu.memref_slice %arg2[%arg0, %dma_start3A_239, %dma_start3A_240] : memref<2x10000x64xf32, #tpu.memory_space<hbm>> -> memref<1x10000x64xf32, #tpu.memory_space<hbm>>
        %dma_start3A_242 = tpu.memref_squeeze %dma_start3A_241 : memref<1x10000x64xf32, #tpu.memory_space<hbm>> -> memref<10000x64xf32, #tpu.memory_space<hbm>>
        %dma_start3A_243 = arith.constant 0 : i32
        %dma_start3A_244 = arith.constant 0 : i32
        %dma_start3A_245 = tpu.memref_slice %dma_start3A_242[%dma_start3A_243, %dma_start3A_244] : memref<10000x64xf32, #tpu.memory_space<hbm>> -> memref<10000x64xf32, #tpu.memory_space<hbm>>
        tpu.enqueue_indirect_dma source(%dma_start3A_245 : memref<10000x64xf32, #tpu.memory_space<hbm>>) target(%arg12 : memref<80x64xf32, #tpu.memory_space<vmem>>) offsets(%dma_start3A_238 : memref<80xi32, #tpu.memory_space<vmem>>) semaphore(%arg17 : memref<!tpu.dma_semaphore, #tpu.memory_space<semaphore_mem>>)
      } else {
      }
      %mul3A_138 = arith.constant 4 : i32
      %mul3A_139 = arith.muli %mul3A_138, %scan3A_107 : i32
      %add3A_140 = arith.constant 1 : i32
      %add3A_141 = arith.addi %mul3A_139, %add3A_140 : i32
      %dma_wait3A_142 = arith.constant 0 : i32
      %dma_wait3A_143 = tpu.memref_slice %arg7[%add3A_141, %dma_wait3A_142] : memref<252x80xi32, #tpu.memory_space<vmem>> -> memref<1x80xi32, #tpu.memory_space<vmem>>
      %dma_wait3A_144 = tpu.memref_squeeze %dma_wait3A_143 : memref<1x80xi32, #tpu.memory_space<vmem>> -> memref<80xi32, #tpu.memory_space<vmem>>
      %dma_wait3A_145 = arith.constant 0 : i32
      %dma_wait3A_146 = arith.constant 0 : i32
      %dma_wait3A_147 = tpu.memref_slice %arg2[%arg0, %dma_wait3A_145, %dma_wait3A_146] : memref<2x10000x64xf32, #tpu.memory_space<hbm>> -> memref<1x10000x64xf32, #tpu.memory_space<hbm>>
      %dma_wait3A_148 = tpu.memref_squeeze %dma_wait3A_147 : memref<1x10000x64xf32, #tpu.memory_space<hbm>> -> memref<10000x64xf32, #tpu.memory_space<hbm>>
      %dma_wait3A_149 = arith.constant 0 : i32
      %dma_wait3A_150 = arith.constant 0 : i32
      %dma_wait3A_151 = tpu.memref_slice %dma_wait3A_148[%dma_wait3A_149, %dma_wait3A_150] : memref<10000x64xf32, #tpu.memory_space<hbm>> -> memref<10000x64xf32, #tpu.memory_space<hbm>>
      tpu.wait_indirect_dma semaphore(%arg15 : memref<!tpu.dma_semaphore, #tpu.memory_space<semaphore_mem>>) src(%dma_wait3A_151 : memref<10000x64xf32, #tpu.memory_space<hbm>>) dst(%arg10 : memref<80x64xf32, #tpu.memory_space<vmem>>)
      %dma_start3A_152 = arith.constant 0 : i32
      %dma_start3A_153 = tpu.memref_slice %arg8[%add3A_141, %dma_start3A_152] : memref<252x80xi32, #tpu.memory_space<vmem>> -> memref<1x80xi32, #tpu.memory_space<vmem>>
      %dma_start3A_154 = tpu.memref_squeeze %dma_start3A_153 : memref<1x80xi32, #tpu.memory_space<vmem>> -> memref<80xi32, #tpu.memory_space<vmem>>
      %dma_start3A_155 = arith.constant 0 : i32
      %dma_start3A_156 = arith.constant 0 : i32
      %dma_start3A_157 = tpu.memref_slice %arg13[%dma_start3A_155, %dma_start3A_156] : memref<10000x64xf32, #tpu.memory_space<vmem_shared>> -> memref<10000x64xf32, #tpu.memory_space<vmem_shared>>
      tpu.enqueue_indirect_dma source(%arg10 : memref<80x64xf32, #tpu.memory_space<vmem>>) target(%dma_start3A_157 : memref<10000x64xf32, #tpu.memory_space<vmem_shared>>) offsets(%dma_start3A_154 : memref<80xi32, #tpu.memory_space<vmem>>) semaphore(%arg19 : memref<!tpu.dma_semaphore, #tpu.memory_space<semaphore_mem>>) {add = true}
      %ge3A_158 = arith.constant 1 : i32
      %ge3A_159 = arith.cmpi sge, %add3A_141, %ge3A_158 : i32
      %convert_element_type3A_160 = arith.extui %ge3A_159 : i1 to i32
      %cond3A_161 = arith.constant 0 : i32
      %cond3A_162 = arith.cmpi ne, %convert_element_type3A_160, %cond3A_161 : i32
      scf.if %cond3A_162 {
        %sub3A = arith.constant 1 : i32
        %sub3A_234 = arith.subi %add3A_141, %sub3A : i32
        %dma_wait3A_235 = arith.constant 0 : i32
        %dma_wait3A_236 = tpu.memref_slice %arg8[%sub3A_234, %dma_wait3A_235] : memref<252x80xi32, #tpu.memory_space<vmem>> -> memref<1x80xi32, #tpu.memory_space<vmem>>
        %dma_wait3A_237 = tpu.memref_squeeze %dma_wait3A_236 : memref<1x80xi32, #tpu.memory_space<vmem>> -> memref<80xi32, #tpu.memory_space<vmem>>
        %dma_wait3A_238 = arith.constant 0 : i32
        %dma_wait3A_239 = arith.constant 0 : i32
        %dma_wait3A_240 = tpu.memref_slice %arg13[%dma_wait3A_238, %dma_wait3A_239] : memref<10000x64xf32, #tpu.memory_space<vmem_shared>> -> memref<10000x64xf32, #tpu.memory_space<vmem_shared>>
        tpu.wait_indirect_dma semaphore(%arg18 : memref<!tpu.dma_semaphore, #tpu.memory_space<semaphore_mem>>) src(%arg9 : memref<80x64xf32, #tpu.memory_space<vmem>>) dst(%dma_wait3A_240 : memref<10000x64xf32, #tpu.memory_space<vmem_shared>>)
      } else {
      }
      %add3A_163 = arith.constant 3 : i32
      %add3A_164 = arith.addi %add3A_141, %add3A_163 : i32
      %lt3A_165 = arith.constant 248 : i32
      %lt3A_166 = arith.cmpi slt, %add3A_164, %lt3A_165 : i32
      %convert_element_type3A_167 = arith.extui %lt3A_166 : i1 to i32
      %cond3A_168 = arith.constant 0 : i32
      %cond3A_169 = arith.cmpi ne, %convert_element_type3A_167, %cond3A_168 : i32
      scf.if %cond3A_169 {
        %add3A_234 = arith.constant 3 : i32
        %add3A_235 = arith.addi %add3A_141, %add3A_234 : i32
        %dma_start3A_236 = arith.constant 0 : i32
        %dma_start3A_237 = tpu.memref_slice %arg7[%add3A_235, %dma_start3A_236] : memref<252x80xi32, #tpu.memory_space<vmem>> -> memref<1x80xi32, #tpu.memory_space<vmem>>
        %dma_start3A_238 = tpu.memref_squeeze %dma_start3A_237 : memref<1x80xi32, #tpu.memory_space<vmem>> -> memref<80xi32, #tpu.memory_space<vmem>>
        %dma_start3A_239 = arith.constant 0 : i32
        %dma_start3A_240 = arith.constant 0 : i32
        %dma_start3A_241 = tpu.memref_slice %arg2[%arg0, %dma_start3A_239, %dma_start3A_240] : memref<2x10000x64xf32, #tpu.memory_space<hbm>> -> memref<1x10000x64xf32, #tpu.memory_space<hbm>>
        %dma_start3A_242 = tpu.memref_squeeze %dma_start3A_241 : memref<1x10000x64xf32, #tpu.memory_space<hbm>> -> memref<10000x64xf32, #tpu.memory_space<hbm>>
        %dma_start3A_243 = arith.constant 0 : i32
        %dma_start3A_244 = arith.constant 0 : i32
        %dma_start3A_245 = tpu.memref_slice %dma_start3A_242[%dma_start3A_243, %dma_start3A_244] : memref<10000x64xf32, #tpu.memory_space<hbm>> -> memref<10000x64xf32, #tpu.memory_space<hbm>>
        tpu.enqueue_indirect_dma source(%dma_start3A_245 : memref<10000x64xf32, #tpu.memory_space<hbm>>) target(%arg9 : memref<80x64xf32, #tpu.memory_space<vmem>>) offsets(%dma_start3A_238 : memref<80xi32, #tpu.memory_space<vmem>>) semaphore(%arg14 : memref<!tpu.dma_semaphore, #tpu.memory_space<semaphore_mem>>)
      } else {
      }
      %mul3A_170 = arith.constant 4 : i32
      %mul3A_171 = arith.muli %mul3A_170, %scan3A_107 : i32
      %add3A_172 = arith.constant 2 : i32
      %add3A_173 = arith.addi %mul3A_171, %add3A_172 : i32
      %dma_wait3A_174 = arith.constant 0 : i32
      %dma_wait3A_175 = tpu.memref_slice %arg7[%add3A_173, %dma_wait3A_174] : memref<252x80xi32, #tpu.memory_space<vmem>> -> memref<1x80xi32, #tpu.memory_space<vmem>>
      %dma_wait3A_176 = tpu.memref_squeeze %dma_wait3A_175 : memref<1x80xi32, #tpu.memory_space<vmem>> -> memref<80xi32, #tpu.memory_space<vmem>>
      %dma_wait3A_177 = arith.constant 0 : i32
      %dma_wait3A_178 = arith.constant 0 : i32
      %dma_wait3A_179 = tpu.memref_slice %arg2[%arg0, %dma_wait3A_177, %dma_wait3A_178] : memref<2x10000x64xf32, #tpu.memory_space<hbm>> -> memref<1x10000x64xf32, #tpu.memory_space<hbm>>
      %dma_wait3A_180 = tpu.memref_squeeze %dma_wait3A_179 : memref<1x10000x64xf32, #tpu.memory_space<hbm>> -> memref<10000x64xf32, #tpu.memory_space<hbm>>
      %dma_wait3A_181 = arith.constant 0 : i32
      %dma_wait3A_182 = arith.constant 0 : i32
      %dma_wait3A_183 = tpu.memref_slice %dma_wait3A_180[%dma_wait3A_181, %dma_wait3A_182] : memref<10000x64xf32, #tpu.memory_space<hbm>> -> memref<10000x64xf32, #tpu.memory_space<hbm>>
      tpu.wait_indirect_dma semaphore(%arg16 : memref<!tpu.dma_semaphore, #tpu.memory_space<semaphore_mem>>) src(%dma_wait3A_183 : memref<10000x64xf32, #tpu.memory_space<hbm>>) dst(%arg11 : memref<80x64xf32, #tpu.memory_space<vmem>>)
      %dma_start3A_184 = arith.constant 0 : i32
      %dma_start3A_185 = tpu.memref_slice %arg8[%add3A_173, %dma_start3A_184] : memref<252x80xi32, #tpu.memory_space<vmem>> -> memref<1x80xi32, #tpu.memory_space<vmem>>
      %dma_start3A_186 = tpu.memref_squeeze %dma_start3A_185 : memref<1x80xi32, #tpu.memory_space<vmem>> -> memref<80xi32, #tpu.memory_space<vmem>>
      %dma_start3A_187 = arith.constant 0 : i32
      %dma_start3A_188 = arith.constant 0 : i32
      %dma_start3A_189 = tpu.memref_slice %arg13[%dma_start3A_187, %dma_start3A_188] : memref<10000x64xf32, #tpu.memory_space<vmem_shared>> -> memref<10000x64xf32, #tpu.memory_space<vmem_shared>>
      tpu.enqueue_indirect_dma source(%arg11 : memref<80x64xf32, #tpu.memory_space<vmem>>) target(%dma_start3A_189 : memref<10000x64xf32, #tpu.memory_space<vmem_shared>>) offsets(%dma_start3A_186 : memref<80xi32, #tpu.memory_space<vmem>>) semaphore(%arg20 : memref<!tpu.dma_semaphore, #tpu.memory_space<semaphore_mem>>) {add = true}
      %ge3A_190 = arith.constant 1 : i32
      %ge3A_191 = arith.cmpi sge, %add3A_173, %ge3A_190 : i32
      %convert_element_type3A_192 = arith.extui %ge3A_191 : i1 to i32
      %cond3A_193 = arith.constant 0 : i32
      %cond3A_194 = arith.cmpi ne, %convert_element_type3A_192, %cond3A_193 : i32
      scf.if %cond3A_194 {
        %sub3A = arith.constant 1 : i32
        %sub3A_234 = arith.subi %add3A_173, %sub3A : i32
        %dma_wait3A_235 = arith.constant 0 : i32
        %dma_wait3A_236 = tpu.memref_slice %arg8[%sub3A_234, %dma_wait3A_235] : memref<252x80xi32, #tpu.memory_space<vmem>> -> memref<1x80xi32, #tpu.memory_space<vmem>>
        %dma_wait3A_237 = tpu.memref_squeeze %dma_wait3A_236 : memref<1x80xi32, #tpu.memory_space<vmem>> -> memref<80xi32, #tpu.memory_space<vmem>>
        %dma_wait3A_238 = arith.constant 0 : i32
        %dma_wait3A_239 = arith.constant 0 : i32
        %dma_wait3A_240 = tpu.memref_slice %arg13[%dma_wait3A_238, %dma_wait3A_239] : memref<10000x64xf32, #tpu.memory_space<vmem_shared>> -> memref<10000x64xf32, #tpu.memory_space<vmem_shared>>
        tpu.wait_indirect_dma semaphore(%arg19 : memref<!tpu.dma_semaphore, #tpu.memory_space<semaphore_mem>>) src(%arg10 : memref<80x64xf32, #tpu.memory_space<vmem>>) dst(%dma_wait3A_240 : memref<10000x64xf32, #tpu.memory_space<vmem_shared>>)
      } else {
      }
      %add3A_195 = arith.constant 3 : i32
      %add3A_196 = arith.addi %add3A_173, %add3A_195 : i32
      %lt3A_197 = arith.constant 248 : i32
      %lt3A_198 = arith.cmpi slt, %add3A_196, %lt3A_197 : i32
      %convert_element_type3A_199 = arith.extui %lt3A_198 : i1 to i32
      %cond3A_200 = arith.constant 0 : i32
      %cond3A_201 = arith.cmpi ne, %convert_element_type3A_199, %cond3A_200 : i32
      scf.if %cond3A_201 {
        %add3A_234 = arith.constant 3 : i32
        %add3A_235 = arith.addi %add3A_173, %add3A_234 : i32
        %dma_start3A_236 = arith.constant 0 : i32
        %dma_start3A_237 = tpu.memref_slice %arg7[%add3A_235, %dma_start3A_236] : memref<252x80xi32, #tpu.memory_space<vmem>> -> memref<1x80xi32, #tpu.memory_space<vmem>>
        %dma_start3A_238 = tpu.memref_squeeze %dma_start3A_237 : memref<1x80xi32, #tpu.memory_space<vmem>> -> memref<80xi32, #tpu.memory_space<vmem>>
        %dma_start3A_239 = arith.constant 0 : i32
        %dma_start3A_240 = arith.constant 0 : i32
        %dma_start3A_241 = tpu.memref_slice %arg2[%arg0, %dma_start3A_239, %dma_start3A_240] : memref<2x10000x64xf32, #tpu.memory_space<hbm>> -> memref<1x10000x64xf32, #tpu.memory_space<hbm>>
        %dma_start3A_242 = tpu.memref_squeeze %dma_start3A_241 : memref<1x10000x64xf32, #tpu.memory_space<hbm>> -> memref<10000x64xf32, #tpu.memory_space<hbm>>
        %dma_start3A_243 = arith.constant 0 : i32
        %dma_start3A_244 = arith.constant 0 : i32
        %dma_start3A_245 = tpu.memref_slice %dma_start3A_242[%dma_start3A_243, %dma_start3A_244] : memref<10000x64xf32, #tpu.memory_space<hbm>> -> memref<10000x64xf32, #tpu.memory_space<hbm>>
        tpu.enqueue_indirect_dma source(%dma_start3A_245 : memref<10000x64xf32, #tpu.memory_space<hbm>>) target(%arg10 : memref<80x64xf32, #tpu.memory_space<vmem>>) offsets(%dma_start3A_238 : memref<80xi32, #tpu.memory_space<vmem>>) semaphore(%arg15 : memref<!tpu.dma_semaphore, #tpu.memory_space<semaphore_mem>>)
      } else {
      }
      %mul3A_202 = arith.constant 4 : i32
      %mul3A_203 = arith.muli %mul3A_202, %scan3A_107 : i32
      %add3A_204 = arith.constant 3 : i32
      %add3A_205 = arith.addi %mul3A_203, %add3A_204 : i32
      %dma_wait3A_206 = arith.constant 0 : i32
      %dma_wait3A_207 = tpu.memref_slice %arg7[%add3A_205, %dma_wait3A_206] : memref<252x80xi32, #tpu.memory_space<vmem>> -> memref<1x80xi32, #tpu.memory_space<vmem>>
      %dma_wait3A_208 = tpu.memref_squeeze %dma_wait3A_207 : memref<1x80xi32, #tpu.memory_space<vmem>> -> memref<80xi32, #tpu.memory_space<vmem>>
      %dma_wait3A_209 = arith.constant 0 : i32
      %dma_wait3A_210 = arith.constant 0 : i32
      %dma_wait3A_211 = tpu.memref_slice %arg2[%arg0, %dma_wait3A_209, %dma_wait3A_210] : memref<2x10000x64xf32, #tpu.memory_space<hbm>> -> memref<1x10000x64xf32, #tpu.memory_space<hbm>>
      %dma_wait3A_212 = tpu.memref_squeeze %dma_wait3A_211 : memref<1x10000x64xf32, #tpu.memory_space<hbm>> -> memref<10000x64xf32, #tpu.memory_space<hbm>>
      %dma_wait3A_213 = arith.constant 0 : i32
      %dma_wait3A_214 = arith.constant 0 : i32
      %dma_wait3A_215 = tpu.memref_slice %dma_wait3A_212[%dma_wait3A_213, %dma_wait3A_214] : memref<10000x64xf32, #tpu.memory_space<hbm>> -> memref<10000x64xf32, #tpu.memory_space<hbm>>
      tpu.wait_indirect_dma semaphore(%arg17 : memref<!tpu.dma_semaphore, #tpu.memory_space<semaphore_mem>>) src(%dma_wait3A_215 : memref<10000x64xf32, #tpu.memory_space<hbm>>) dst(%arg12 : memref<80x64xf32, #tpu.memory_space<vmem>>)
      %dma_start3A_216 = arith.constant 0 : i32
      %dma_start3A_217 = tpu.memref_slice %arg8[%add3A_205, %dma_start3A_216] : memref<252x80xi32, #tpu.memory_space<vmem>> -> memref<1x80xi32, #tpu.memory_space<vmem>>
      %dma_start3A_218 = tpu.memref_squeeze %dma_start3A_217 : memref<1x80xi32, #tpu.memory_space<vmem>> -> memref<80xi32, #tpu.memory_space<vmem>>
      %dma_start3A_219 = arith.constant 0 : i32
      %dma_start3A_220 = arith.constant 0 : i32
      %dma_start3A_221 = tpu.memref_slice %arg13[%dma_start3A_219, %dma_start3A_220] : memref<10000x64xf32, #tpu.memory_space<vmem_shared>> -> memref<10000x64xf32, #tpu.memory_space<vmem_shared>>
      tpu.enqueue_indirect_dma source(%arg12 : memref<80x64xf32, #tpu.memory_space<vmem>>) target(%dma_start3A_221 : memref<10000x64xf32, #tpu.memory_space<vmem_shared>>) offsets(%dma_start3A_218 : memref<80xi32, #tpu.memory_space<vmem>>) semaphore(%arg21 : memref<!tpu.dma_semaphore, #tpu.memory_space<semaphore_mem>>) {add = true}
      %ge3A_222 = arith.constant 1 : i32
      %ge3A_223 = arith.cmpi sge, %add3A_205, %ge3A_222 : i32
      %convert_element_type3A_224 = arith.extui %ge3A_223 : i1 to i32
      %cond3A_225 = arith.constant 0 : i32
      %cond3A_226 = arith.cmpi ne, %convert_element_type3A_224, %cond3A_225 : i32
      scf.if %cond3A_226 {
        %sub3A = arith.constant 1 : i32
        %sub3A_234 = arith.subi %add3A_205, %sub3A : i32
        %dma_wait3A_235 = arith.constant 0 : i32
        %dma_wait3A_236 = tpu.memref_slice %arg8[%sub3A_234, %dma_wait3A_235] : memref<252x80xi32, #tpu.memory_space<vmem>> -> memref<1x80xi32, #tpu.memory_space<vmem>>
        %dma_wait3A_237 = tpu.memref_squeeze %dma_wait3A_236 : memref<1x80xi32, #tpu.memory_space<vmem>> -> memref<80xi32, #tpu.memory_space<vmem>>
        %dma_wait3A_238 = arith.constant 0 : i32
        %dma_wait3A_239 = arith.constant 0 : i32
        %dma_wait3A_240 = tpu.memref_slice %arg13[%dma_wait3A_238, %dma_wait3A_239] : memref<10000x64xf32, #tpu.memory_space<vmem_shared>> -> memref<10000x64xf32, #tpu.memory_space<vmem_shared>>
        tpu.wait_indirect_dma semaphore(%arg20 : memref<!tpu.dma_semaphore, #tpu.memory_space<semaphore_mem>>) src(%arg11 : memref<80x64xf32, #tpu.memory_space<vmem>>) dst(%dma_wait3A_240 : memref<10000x64xf32, #tpu.memory_space<vmem_shared>>)
      } else {
      }
      %add3A_227 = arith.constant 3 : i32
      %add3A_228 = arith.addi %add3A_205, %add3A_227 : i32
      %lt3A_229 = arith.constant 248 : i32
      %lt3A_230 = arith.cmpi slt, %add3A_228, %lt3A_229 : i32
      %convert_element_type3A_231 = arith.extui %lt3A_230 : i1 to i32
      %cond3A_232 = arith.constant 0 : i32
      %cond3A_233 = arith.cmpi ne, %convert_element_type3A_231, %cond3A_232 : i32
      scf.if %cond3A_233 {
        %add3A_234 = arith.constant 3 : i32
        %add3A_235 = arith.addi %add3A_205, %add3A_234 : i32
        %dma_start3A_236 = arith.constant 0 : i32
        %dma_start3A_237 = tpu.memref_slice %arg7[%add3A_235, %dma_start3A_236] : memref<252x80xi32, #tpu.memory_space<vmem>> -> memref<1x80xi32, #tpu.memory_space<vmem>>
        %dma_start3A_238 = tpu.memref_squeeze %dma_start3A_237 : memref<1x80xi32, #tpu.memory_space<vmem>> -> memref<80xi32, #tpu.memory_space<vmem>>
        %dma_start3A_239 = arith.constant 0 : i32
        %dma_start3A_240 = arith.constant 0 : i32
        %dma_start3A_241 = tpu.memref_slice %arg2[%arg0, %dma_start3A_239, %dma_start3A_240] : memref<2x10000x64xf32, #tpu.memory_space<hbm>> -> memref<1x10000x64xf32, #tpu.memory_space<hbm>>
        %dma_start3A_242 = tpu.memref_squeeze %dma_start3A_241 : memref<1x10000x64xf32, #tpu.memory_space<hbm>> -> memref<10000x64xf32, #tpu.memory_space<hbm>>
        %dma_start3A_243 = arith.constant 0 : i32
        %dma_start3A_244 = arith.constant 0 : i32
        %dma_start3A_245 = tpu.memref_slice %dma_start3A_242[%dma_start3A_243, %dma_start3A_244] : memref<10000x64xf32, #tpu.memory_space<hbm>> -> memref<10000x64xf32, #tpu.memory_space<hbm>>
        tpu.enqueue_indirect_dma source(%dma_start3A_245 : memref<10000x64xf32, #tpu.memory_space<hbm>>) target(%arg11 : memref<80x64xf32, #tpu.memory_space<vmem>>) offsets(%dma_start3A_238 : memref<80xi32, #tpu.memory_space<vmem>>) semaphore(%arg16 : memref<!tpu.dma_semaphore, #tpu.memory_space<semaphore_mem>>)
      } else {
      }
    }
    %scan3A_43 = arith.constant 62 : i32
    %dma_wait3A = arith.constant 247 : i32
    %dma_wait3A_44 = arith.constant 0 : i32
    %dma_wait3A_45 = tpu.memref_slice %arg8[%dma_wait3A, %dma_wait3A_44] : memref<252x80xi32, #tpu.memory_space<vmem>> -> memref<1x80xi32, #tpu.memory_space<vmem>>
    %dma_wait3A_46 = tpu.memref_squeeze %dma_wait3A_45 : memref<1x80xi32, #tpu.memory_space<vmem>> -> memref<80xi32, #tpu.memory_space<vmem>>
    %dma_wait3A_47 = arith.constant 0 : i32
    %dma_wait3A_48 = arith.constant 0 : i32
    %dma_wait3A_49 = tpu.memref_slice %arg13[%dma_wait3A_47, %dma_wait3A_48] : memref<10000x64xf32, #tpu.memory_space<vmem_shared>> -> memref<10000x64xf32, #tpu.memory_space<vmem_shared>>
    tpu.wait_indirect_dma semaphore(%arg21 : memref<!tpu.dma_semaphore, #tpu.memory_space<semaphore_mem>>) src(%arg12 : memref<80x64xf32, #tpu.memory_space<vmem>>) dst(%dma_wait3A_49 : memref<10000x64xf32, #tpu.memory_space<vmem_shared>>)
    "tpu.region"() ({
      %run_scoped3A = tpu.sem_alloc : memref<!tpu.dma_semaphore, #tpu.memory_space<semaphore_mem>>
      %dma_start3A_107 = arith.constant 0 : i32
      %dma_start3A_108 = arith.constant 0 : i32
      %dma_start3A_109 = tpu.memref_slice %arg7[%dma_start3A_107, %dma_start3A_108] : memref<252x80xi32, #tpu.memory_space<vmem>> -> memref<252x80xi32, #tpu.memory_space<vmem>>
      %dma_start3A_110 = arith.constant 248 : i32
      %dma_start3A_111 = arith.constant 0 : i32
      %dma_start3A_112 = tpu.memref_slice %arg3[%arg1, %dma_start3A_110, %dma_start3A_111] : memref<16x500x80xi32, #tpu.memory_space<hbm>> -> memref<1x252x80xi32, #tpu.memory_space<hbm>>
      %dma_start3A_113 = tpu.memref_squeeze %dma_start3A_112 : memref<1x252x80xi32, #tpu.memory_space<hbm>> -> memref<252x80xi32, #tpu.memory_space<hbm>>
      %dma_start3A_114 = arith.constant 0 : i32
      %dma_start3A_115 = arith.constant 0 : i32
      %dma_start3A_116 = tpu.memref_slice %arg7[%dma_start3A_114, %dma_start3A_115] : memref<252x80xi32, #tpu.memory_space<vmem>> -> memref<252x80xi32, #tpu.memory_space<vmem>>
      %dma_start3A_117 = arith.constant 248 : i32
      %dma_start3A_118 = arith.constant 0 : i32
      %dma_start3A_119 = tpu.memref_slice %arg3[%arg1, %dma_start3A_117, %dma_start3A_118] : memref<16x500x80xi32, #tpu.memory_space<hbm>> -> memref<1x252x80xi32, #tpu.memory_space<hbm>>
      %dma_start3A_120 = tpu.memref_squeeze %dma_start3A_119 : memref<1x252x80xi32, #tpu.memory_space<hbm>> -> memref<252x80xi32, #tpu.memory_space<hbm>>
      tpu.enqueue_dma source(%dma_start3A_120 : memref<252x80xi32, #tpu.memory_space<hbm>>) target(%dma_start3A_116 : memref<252x80xi32, #tpu.memory_space<vmem>>) target_semaphore(%run_scoped3A : memref<!tpu.dma_semaphore, #tpu.memory_space<semaphore_mem>>)
      %dma_wait3A_121 = arith.constant 0 : i32
      %dma_wait3A_122 = arith.constant 0 : i32
      %dma_wait3A_123 = tpu.memref_slice %arg7[%dma_wait3A_121, %dma_wait3A_122] : memref<252x80xi32, #tpu.memory_space<vmem>> -> memref<252x80xi32, #tpu.memory_space<vmem>>
      %dma_wait3A_124 = arith.constant 248 : i32
      %dma_wait3A_125 = arith.constant 0 : i32
      %dma_wait3A_126 = tpu.memref_slice %arg3[%arg1, %dma_wait3A_124, %dma_wait3A_125] : memref<16x500x80xi32, #tpu.memory_space<hbm>> -> memref<1x252x80xi32, #tpu.memory_space<hbm>>
      %dma_wait3A_127 = tpu.memref_squeeze %dma_wait3A_126 : memref<1x252x80xi32, #tpu.memory_space<hbm>> -> memref<252x80xi32, #tpu.memory_space<hbm>>
      %dma_wait3A_128 = arith.constant 0 : i32
      %dma_wait3A_129 = arith.constant 0 : i32
      %dma_wait3A_130 = tpu.memref_slice %arg7[%dma_wait3A_128, %dma_wait3A_129] : memref<252x80xi32, #tpu.memory_space<vmem>> -> memref<252x80xi32, #tpu.memory_space<vmem>>
      %dma_wait3A_131 = arith.constant 248 : i32
      %dma_wait3A_132 = arith.constant 0 : i32
      %dma_wait3A_133 = tpu.memref_slice %arg3[%arg1, %dma_wait3A_131, %dma_wait3A_132] : memref<16x500x80xi32, #tpu.memory_space<hbm>> -> memref<1x252x80xi32, #tpu.memory_space<hbm>>
      %dma_wait3A_134 = tpu.memref_squeeze %dma_wait3A_133 : memref<1x252x80xi32, #tpu.memory_space<hbm>> -> memref<252x80xi32, #tpu.memory_space<hbm>>
      tpu.wait_dma2 semaphore(%run_scoped3A : memref<!tpu.dma_semaphore, #tpu.memory_space<semaphore_mem>>) src(%dma_wait3A_134 : memref<252x80xi32, #tpu.memory_space<hbm>>) dst(%dma_wait3A_130 : memref<252x80xi32, #tpu.memory_space<vmem>>)
      tpu.yield
    }) : () -> ()
    "tpu.region"() ({
      %run_scoped3A = tpu.sem_alloc : memref<!tpu.dma_semaphore, #tpu.memory_space<semaphore_mem>>
      %dma_start3A_107 = arith.constant 0 : i32
      %dma_start3A_108 = arith.constant 0 : i32
      %dma_start3A_109 = tpu.memref_slice %arg8[%dma_start3A_107, %dma_start3A_108] : memref<252x80xi32, #tpu.memory_space<vmem>> -> memref<252x80xi32, #tpu.memory_space<vmem>>
      %dma_start3A_110 = arith.constant 248 : i32
      %dma_start3A_111 = arith.constant 0 : i32
      %dma_start3A_112 = tpu.memref_slice %arg4[%arg1, %dma_start3A_110, %dma_start3A_111] : memref<16x500x80xi32, #tpu.memory_space<hbm>> -> memref<1x252x80xi32, #tpu.memory_space<hbm>>
      %dma_start3A_113 = tpu.memref_squeeze %dma_start3A_112 : memref<1x252x80xi32, #tpu.memory_space<hbm>> -> memref<252x80xi32, #tpu.memory_space<hbm>>
      %dma_start3A_114 = arith.constant 0 : i32
      %dma_start3A_115 = arith.constant 0 : i32
      %dma_start3A_116 = tpu.memref_slice %arg8[%dma_start3A_114, %dma_start3A_115] : memref<252x80xi32, #tpu.memory_space<vmem>> -> memref<252x80xi32, #tpu.memory_space<vmem>>
      %dma_start3A_117 = arith.constant 248 : i32
      %dma_start3A_118 = arith.constant 0 : i32
      %dma_start3A_119 = tpu.memref_slice %arg4[%arg1, %dma_start3A_117, %dma_start3A_118] : memref<16x500x80xi32, #tpu.memory_space<hbm>> -> memref<1x252x80xi32, #tpu.memory_space<hbm>>
      %dma_start3A_120 = tpu.memref_squeeze %dma_start3A_119 : memref<1x252x80xi32, #tpu.memory_space<hbm>> -> memref<252x80xi32, #tpu.memory_space<hbm>>
      tpu.enqueue_dma source(%dma_start3A_120 : memref<252x80xi32, #tpu.memory_space<hbm>>) target(%dma_start3A_116 : memref<252x80xi32, #tpu.memory_space<vmem>>) target_semaphore(%run_scoped3A : memref<!tpu.dma_semaphore, #tpu.memory_space<semaphore_mem>>)
      %dma_wait3A_121 = arith.constant 0 : i32
      %dma_wait3A_122 = arith.constant 0 : i32
      %dma_wait3A_123 = tpu.memref_slice %arg8[%dma_wait3A_121, %dma_wait3A_122] : memref<252x80xi32, #tpu.memory_space<vmem>> -> memref<252x80xi32, #tpu.memory_space<vmem>>
      %dma_wait3A_124 = arith.constant 248 : i32
      %dma_wait3A_125 = arith.constant 0 : i32
      %dma_wait3A_126 = tpu.memref_slice %arg4[%arg1, %dma_wait3A_124, %dma_wait3A_125] : memref<16x500x80xi32, #tpu.memory_space<hbm>> -> memref<1x252x80xi32, #tpu.memory_space<hbm>>
      %dma_wait3A_127 = tpu.memref_squeeze %dma_wait3A_126 : memref<1x252x80xi32, #tpu.memory_space<hbm>> -> memref<252x80xi32, #tpu.memory_space<hbm>>
      %dma_wait3A_128 = arith.constant 0 : i32
      %dma_wait3A_129 = arith.constant 0 : i32
      %dma_wait3A_130 = tpu.memref_slice %arg8[%dma_wait3A_128, %dma_wait3A_129] : memref<252x80xi32, #tpu.memory_space<vmem>> -> memref<252x80xi32, #tpu.memory_space<vmem>>
      %dma_wait3A_131 = arith.constant 248 : i32
      %dma_wait3A_132 = arith.constant 0 : i32
      %dma_wait3A_133 = tpu.memref_slice %arg4[%arg1, %dma_wait3A_131, %dma_wait3A_132] : memref<16x500x80xi32, #tpu.memory_space<hbm>> -> memref<1x252x80xi32, #tpu.memory_space<hbm>>
      %dma_wait3A_134 = tpu.memref_squeeze %dma_wait3A_133 : memref<1x252x80xi32, #tpu.memory_space<hbm>> -> memref<252x80xi32, #tpu.memory_space<hbm>>
      tpu.wait_dma2 semaphore(%run_scoped3A : memref<!tpu.dma_semaphore, #tpu.memory_space<semaphore_mem>>) src(%dma_wait3A_134 : memref<252x80xi32, #tpu.memory_space<hbm>>) dst(%dma_wait3A_130 : memref<252x80xi32, #tpu.memory_space<vmem>>)
      tpu.yield
    }) : () -> ()
    %dma_start3A_50 = arith.constant 0 : i32
    %dma_start3A_51 = arith.constant 0 : i32
    %dma_start3A_52 = tpu.memref_slice %arg7[%dma_start3A_50, %dma_start3A_51] : memref<252x80xi32, #tpu.memory_space<vmem>> -> memref<1x80xi32, #tpu.memory_space<vmem>>
    %dma_start3A_53 = tpu.memref_squeeze %dma_start3A_52 : memref<1x80xi32, #tpu.memory_space<vmem>> -> memref<80xi32, #tpu.memory_space<vmem>>
    %dma_start3A_54 = arith.constant 0 : i32
    %dma_start3A_55 = arith.constant 0 : i32
    %dma_start3A_56 = tpu.memref_slice %arg2[%arg0, %dma_start3A_54, %dma_start3A_55] : memref<2x10000x64xf32, #tpu.memory_space<hbm>> -> memref<1x10000x64xf32, #tpu.memory_space<hbm>>
    %dma_start3A_57 = tpu.memref_squeeze %dma_start3A_56 : memref<1x10000x64xf32, #tpu.memory_space<hbm>> -> memref<10000x64xf32, #tpu.memory_space<hbm>>
    %dma_start3A_58 = arith.constant 0 : i32
    %dma_start3A_59 = arith.constant 0 : i32
    %dma_start3A_60 = tpu.memref_slice %dma_start3A_57[%dma_start3A_58, %dma_start3A_59] : memref<10000x64xf32, #tpu.memory_space<hbm>> -> memref<10000x64xf32, #tpu.memory_space<hbm>>
    tpu.enqueue_indirect_dma source(%dma_start3A_60 : memref<10000x64xf32, #tpu.memory_space<hbm>>) target(%arg9 : memref<80x64xf32, #tpu.memory_space<vmem>>) offsets(%dma_start3A_53 : memref<80xi32, #tpu.memory_space<vmem>>) semaphore(%arg14 : memref<!tpu.dma_semaphore, #tpu.memory_space<semaphore_mem>>)
    %dma_start3A_61 = arith.constant 1 : i32
    %dma_start3A_62 = arith.constant 0 : i32
    %dma_start3A_63 = tpu.memref_slice %arg7[%dma_start3A_61, %dma_start3A_62] : memref<252x80xi32, #tpu.memory_space<vmem>> -> memref<1x80xi32, #tpu.memory_space<vmem>>
    %dma_start3A_64 = tpu.memref_squeeze %dma_start3A_63 : memref<1x80xi32, #tpu.memory_space<vmem>> -> memref<80xi32, #tpu.memory_space<vmem>>
    %dma_start3A_65 = arith.constant 0 : i32
    %dma_start3A_66 = arith.constant 0 : i32
    %dma_start3A_67 = tpu.memref_slice %arg2[%arg0, %dma_start3A_65, %dma_start3A_66] : memref<2x10000x64xf32, #tpu.memory_space<hbm>> -> memref<1x10000x64xf32, #tpu.memory_space<hbm>>
    %dma_start3A_68 = tpu.memref_squeeze %dma_start3A_67 : memref<1x10000x64xf32, #tpu.memory_space<hbm>> -> memref<10000x64xf32, #tpu.memory_space<hbm>>
    %dma_start3A_69 = arith.constant 0 : i32
    %dma_start3A_70 = arith.constant 0 : i32
    %dma_start3A_71 = tpu.memref_slice %dma_start3A_68[%dma_start3A_69, %dma_start3A_70] : memref<10000x64xf32, #tpu.memory_space<hbm>> -> memref<10000x64xf32, #tpu.memory_space<hbm>>
    tpu.enqueue_indirect_dma source(%dma_start3A_71 : memref<10000x64xf32, #tpu.memory_space<hbm>>) target(%arg10 : memref<80x64xf32, #tpu.memory_space<vmem>>) offsets(%dma_start3A_64 : memref<80xi32, #tpu.memory_space<vmem>>) semaphore(%arg15 : memref<!tpu.dma_semaphore, #tpu.memory_space<semaphore_mem>>)
    %dma_start3A_72 = arith.constant 2 : i32
    %dma_start3A_73 = arith.constant 0 : i32
    %dma_start3A_74 = tpu.memref_slice %arg7[%dma_start3A_72, %dma_start3A_73] : memref<252x80xi32, #tpu.memory_space<vmem>> -> memref<1x80xi32, #tpu.memory_space<vmem>>
    %dma_start3A_75 = tpu.memref_squeeze %dma_start3A_74 : memref<1x80xi32, #tpu.memory_space<vmem>> -> memref<80xi32, #tpu.memory_space<vmem>>
    %dma_start3A_76 = arith.constant 0 : i32
    %dma_start3A_77 = arith.constant 0 : i32
    %dma_start3A_78 = tpu.memref_slice %arg2[%arg0, %dma_start3A_76, %dma_start3A_77] : memref<2x10000x64xf32, #tpu.memory_space<hbm>> -> memref<1x10000x64xf32, #tpu.memory_space<hbm>>
    %dma_start3A_79 = tpu.memref_squeeze %dma_start3A_78 : memref<1x10000x64xf32, #tpu.memory_space<hbm>> -> memref<10000x64xf32, #tpu.memory_space<hbm>>
    %dma_start3A_80 = arith.constant 0 : i32
    %dma_start3A_81 = arith.constant 0 : i32
    %dma_start3A_82 = tpu.memref_slice %dma_start3A_79[%dma_start3A_80, %dma_start3A_81] : memref<10000x64xf32, #tpu.memory_space<hbm>> -> memref<10000x64xf32, #tpu.memory_space<hbm>>
    tpu.enqueue_indirect_dma source(%dma_start3A_82 : memref<10000x64xf32, #tpu.memory_space<hbm>>) target(%arg11 : memref<80x64xf32, #tpu.memory_space<vmem>>) offsets(%dma_start3A_75 : memref<80xi32, #tpu.memory_space<vmem>>) semaphore(%arg16 : memref<!tpu.dma_semaphore, #tpu.memory_space<semaphore_mem>>)
    %scan3A_83 = arith.constant 0 : i32
    %scan3A_84 = arith.constant 0 : i32
    %scan3A_85 = arith.constant 63 : i32
    %scan3A_86 = arith.addi %scan3A_84, %scan3A_85 : i32
    %scan3A_87 = arith.constant 1 : i32
    scf.for %scan3A_107 = %scan3A_84 to %scan3A_86 step %scan3A_87  : i32 {
      %mul3A_108 = arith.constant 4 : i32
      %mul3A_109 = arith.muli %mul3A_108, %scan3A_107 : i32
      %add3A = arith.constant 0 : i32
      %add3A_110 = arith.addi %mul3A_109, %add3A : i32
      %dma_wait3A_111 = arith.constant 0 : i32
      %dma_wait3A_112 = tpu.memref_slice %arg7[%add3A_110, %dma_wait3A_111] : memref<252x80xi32, #tpu.memory_space<vmem>> -> memref<1x80xi32, #tpu.memory_space<vmem>>
      %dma_wait3A_113 = tpu.memref_squeeze %dma_wait3A_112 : memref<1x80xi32, #tpu.memory_space<vmem>> -> memref<80xi32, #tpu.memory_space<vmem>>
      %dma_wait3A_114 = arith.constant 0 : i32
      %dma_wait3A_115 = arith.constant 0 : i32
      %dma_wait3A_116 = tpu.memref_slice %arg2[%arg0, %dma_wait3A_114, %dma_wait3A_115] : memref<2x10000x64xf32, #tpu.memory_space<hbm>> -> memref<1x10000x64xf32, #tpu.memory_space<hbm>>
      %dma_wait3A_117 = tpu.memref_squeeze %dma_wait3A_116 : memref<1x10000x64xf32, #tpu.memory_space<hbm>> -> memref<10000x64xf32, #tpu.memory_space<hbm>>
      %dma_wait3A_118 = arith.constant 0 : i32
      %dma_wait3A_119 = arith.constant 0 : i32
      %dma_wait3A_120 = tpu.memref_slice %dma_wait3A_117[%dma_wait3A_118, %dma_wait3A_119] : memref<10000x64xf32, #tpu.memory_space<hbm>> -> memref<10000x64xf32, #tpu.memory_space<hbm>>
      tpu.wait_indirect_dma semaphore(%arg14 : memref<!tpu.dma_semaphore, #tpu.memory_space<semaphore_mem>>) src(%dma_wait3A_120 : memref<10000x64xf32, #tpu.memory_space<hbm>>) dst(%arg9 : memref<80x64xf32, #tpu.memory_space<vmem>>)
      %dma_start3A_121 = arith.constant 0 : i32
      %dma_start3A_122 = tpu.memref_slice %arg8[%add3A_110, %dma_start3A_121] : memref<252x80xi32, #tpu.memory_space<vmem>> -> memref<1x80xi32, #tpu.memory_space<vmem>>
      %dma_start3A_123 = tpu.memref_squeeze %dma_start3A_122 : memref<1x80xi32, #tpu.memory_space<vmem>> -> memref<80xi32, #tpu.memory_space<vmem>>
      %dma_start3A_124 = arith.constant 0 : i32
      %dma_start3A_125 = arith.constant 0 : i32
      %dma_start3A_126 = tpu.memref_slice %arg13[%dma_start3A_124, %dma_start3A_125] : memref<10000x64xf32, #tpu.memory_space<vmem_shared>> -> memref<10000x64xf32, #tpu.memory_space<vmem_shared>>
      tpu.enqueue_indirect_dma source(%arg9 : memref<80x64xf32, #tpu.memory_space<vmem>>) target(%dma_start3A_126 : memref<10000x64xf32, #tpu.memory_space<vmem_shared>>) offsets(%dma_start3A_123 : memref<80xi32, #tpu.memory_space<vmem>>) semaphore(%arg18 : memref<!tpu.dma_semaphore, #tpu.memory_space<semaphore_mem>>) {add = true}
      %ge3A = arith.constant 1 : i32
      %ge3A_127 = arith.cmpi sge, %add3A_110, %ge3A : i32
      %convert_element_type3A_128 = arith.extui %ge3A_127 : i1 to i32
      %cond3A_129 = arith.constant 0 : i32
      %cond3A_130 = arith.cmpi ne, %convert_element_type3A_128, %cond3A_129 : i32
      scf.if %cond3A_130 {
        %sub3A = arith.constant 1 : i32
        %sub3A_234 = arith.subi %add3A_110, %sub3A : i32
        %dma_wait3A_235 = arith.constant 0 : i32
        %dma_wait3A_236 = tpu.memref_slice %arg8[%sub3A_234, %dma_wait3A_235] : memref<252x80xi32, #tpu.memory_space<vmem>> -> memref<1x80xi32, #tpu.memory_space<vmem>>
        %dma_wait3A_237 = tpu.memref_squeeze %dma_wait3A_236 : memref<1x80xi32, #tpu.memory_space<vmem>> -> memref<80xi32, #tpu.memory_space<vmem>>
        %dma_wait3A_238 = arith.constant 0 : i32
        %dma_wait3A_239 = arith.constant 0 : i32
        %dma_wait3A_240 = tpu.memref_slice %arg13[%dma_wait3A_238, %dma_wait3A_239] : memref<10000x64xf32, #tpu.memory_space<vmem_shared>> -> memref<10000x64xf32, #tpu.memory_space<vmem_shared>>
        tpu.wait_indirect_dma semaphore(%arg21 : memref<!tpu.dma_semaphore, #tpu.memory_space<semaphore_mem>>) src(%arg12 : memref<80x64xf32, #tpu.memory_space<vmem>>) dst(%dma_wait3A_240 : memref<10000x64xf32, #tpu.memory_space<vmem_shared>>)
      } else {
      }
      %add3A_131 = arith.constant 3 : i32
      %add3A_132 = arith.addi %add3A_110, %add3A_131 : i32
      %lt3A_133 = arith.constant 252 : i32
      %lt3A_134 = arith.cmpi slt, %add3A_132, %lt3A_133 : i32
      %convert_element_type3A_135 = arith.extui %lt3A_134 : i1 to i32
      %cond3A_136 = arith.constant 0 : i32
      %cond3A_137 = arith.cmpi ne, %convert_element_type3A_135, %cond3A_136 : i32
      scf.if %cond3A_137 {
        %add3A_234 = arith.constant 3 : i32
        %add3A_235 = arith.addi %add3A_110, %add3A_234 : i32
        %dma_start3A_236 = arith.constant 0 : i32
        %dma_start3A_237 = tpu.memref_slice %arg7[%add3A_235, %dma_start3A_236] : memref<252x80xi32, #tpu.memory_space<vmem>> -> memref<1x80xi32, #tpu.memory_space<vmem>>
        %dma_start3A_238 = tpu.memref_squeeze %dma_start3A_237 : memref<1x80xi32, #tpu.memory_space<vmem>> -> memref<80xi32, #tpu.memory_space<vmem>>
        %dma_start3A_239 = arith.constant 0 : i32
        %dma_start3A_240 = arith.constant 0 : i32
        %dma_start3A_241 = tpu.memref_slice %arg2[%arg0, %dma_start3A_239, %dma_start3A_240] : memref<2x10000x64xf32, #tpu.memory_space<hbm>> -> memref<1x10000x64xf32, #tpu.memory_space<hbm>>
        %dma_start3A_242 = tpu.memref_squeeze %dma_start3A_241 : memref<1x10000x64xf32, #tpu.memory_space<hbm>> -> memref<10000x64xf32, #tpu.memory_space<hbm>>
        %dma_start3A_243 = arith.constant 0 : i32
        %dma_start3A_244 = arith.constant 0 : i32
        %dma_start3A_245 = tpu.memref_slice %dma_start3A_242[%dma_start3A_243, %dma_start3A_244] : memref<10000x64xf32, #tpu.memory_space<hbm>> -> memref<10000x64xf32, #tpu.memory_space<hbm>>
        tpu.enqueue_indirect_dma source(%dma_start3A_245 : memref<10000x64xf32, #tpu.memory_space<hbm>>) target(%arg12 : memref<80x64xf32, #tpu.memory_space<vmem>>) offsets(%dma_start3A_238 : memref<80xi32, #tpu.memory_space<vmem>>) semaphore(%arg17 : memref<!tpu.dma_semaphore, #tpu.memory_space<semaphore_mem>>)
      } else {
      }
      %mul3A_138 = arith.constant 4 : i32
      %mul3A_139 = arith.muli %mul3A_138, %scan3A_107 : i32
      %add3A_140 = arith.constant 1 : i32
      %add3A_141 = arith.addi %mul3A_139, %add3A_140 : i32
      %dma_wait3A_142 = arith.constant 0 : i32
      %dma_wait3A_143 = tpu.memref_slice %arg7[%add3A_141, %dma_wait3A_142] : memref<252x80xi32, #tpu.memory_space<vmem>> -> memref<1x80xi32, #tpu.memory_space<vmem>>
      %dma_wait3A_144 = tpu.memref_squeeze %dma_wait3A_143 : memref<1x80xi32, #tpu.memory_space<vmem>> -> memref<80xi32, #tpu.memory_space<vmem>>
      %dma_wait3A_145 = arith.constant 0 : i32
      %dma_wait3A_146 = arith.constant 0 : i32
      %dma_wait3A_147 = tpu.memref_slice %arg2[%arg0, %dma_wait3A_145, %dma_wait3A_146] : memref<2x10000x64xf32, #tpu.memory_space<hbm>> -> memref<1x10000x64xf32, #tpu.memory_space<hbm>>
      %dma_wait3A_148 = tpu.memref_squeeze %dma_wait3A_147 : memref<1x10000x64xf32, #tpu.memory_space<hbm>> -> memref<10000x64xf32, #tpu.memory_space<hbm>>
      %dma_wait3A_149 = arith.constant 0 : i32
      %dma_wait3A_150 = arith.constant 0 : i32
      %dma_wait3A_151 = tpu.memref_slice %dma_wait3A_148[%dma_wait3A_149, %dma_wait3A_150] : memref<10000x64xf32, #tpu.memory_space<hbm>> -> memref<10000x64xf32, #tpu.memory_space<hbm>>
      tpu.wait_indirect_dma semaphore(%arg15 : memref<!tpu.dma_semaphore, #tpu.memory_space<semaphore_mem>>) src(%dma_wait3A_151 : memref<10000x64xf32, #tpu.memory_space<hbm>>) dst(%arg10 : memref<80x64xf32, #tpu.memory_space<vmem>>)
      %dma_start3A_152 = arith.constant 0 : i32
      %dma_start3A_153 = tpu.memref_slice %arg8[%add3A_141, %dma_start3A_152] : memref<252x80xi32, #tpu.memory_space<vmem>> -> memref<1x80xi32, #tpu.memory_space<vmem>>
      %dma_start3A_154 = tpu.memref_squeeze %dma_start3A_153 : memref<1x80xi32, #tpu.memory_space<vmem>> -> memref<80xi32, #tpu.memory_space<vmem>>
      %dma_start3A_155 = arith.constant 0 : i32
      %dma_start3A_156 = arith.constant 0 : i32
      %dma_start3A_157 = tpu.memref_slice %arg13[%dma_start3A_155, %dma_start3A_156] : memref<10000x64xf32, #tpu.memory_space<vmem_shared>> -> memref<10000x64xf32, #tpu.memory_space<vmem_shared>>
      tpu.enqueue_indirect_dma source(%arg10 : memref<80x64xf32, #tpu.memory_space<vmem>>) target(%dma_start3A_157 : memref<10000x64xf32, #tpu.memory_space<vmem_shared>>) offsets(%dma_start3A_154 : memref<80xi32, #tpu.memory_space<vmem>>) semaphore(%arg19 : memref<!tpu.dma_semaphore, #tpu.memory_space<semaphore_mem>>) {add = true}
      %ge3A_158 = arith.constant 1 : i32
      %ge3A_159 = arith.cmpi sge, %add3A_141, %ge3A_158 : i32
      %convert_element_type3A_160 = arith.extui %ge3A_159 : i1 to i32
      %cond3A_161 = arith.constant 0 : i32
      %cond3A_162 = arith.cmpi ne, %convert_element_type3A_160, %cond3A_161 : i32
      scf.if %cond3A_162 {
        %sub3A = arith.constant 1 : i32
        %sub3A_234 = arith.subi %add3A_141, %sub3A : i32
        %dma_wait3A_235 = arith.constant 0 : i32
        %dma_wait3A_236 = tpu.memref_slice %arg8[%sub3A_234, %dma_wait3A_235] : memref<252x80xi32, #tpu.memory_space<vmem>> -> memref<1x80xi32, #tpu.memory_space<vmem>>
        %dma_wait3A_237 = tpu.memref_squeeze %dma_wait3A_236 : memref<1x80xi32, #tpu.memory_space<vmem>> -> memref<80xi32, #tpu.memory_space<vmem>>
        %dma_wait3A_238 = arith.constant 0 : i32
        %dma_wait3A_239 = arith.constant 0 : i32
        %dma_wait3A_240 = tpu.memref_slice %arg13[%dma_wait3A_238, %dma_wait3A_239] : memref<10000x64xf32, #tpu.memory_space<vmem_shared>> -> memref<10000x64xf32, #tpu.memory_space<vmem_shared>>
        tpu.wait_indirect_dma semaphore(%arg18 : memref<!tpu.dma_semaphore, #tpu.memory_space<semaphore_mem>>) src(%arg9 : memref<80x64xf32, #tpu.memory_space<vmem>>) dst(%dma_wait3A_240 : memref<10000x64xf32, #tpu.memory_space<vmem_shared>>)
      } else {
      }
      %add3A_163 = arith.constant 3 : i32
      %add3A_164 = arith.addi %add3A_141, %add3A_163 : i32
      %lt3A_165 = arith.constant 252 : i32
      %lt3A_166 = arith.cmpi slt, %add3A_164, %lt3A_165 : i32
      %convert_element_type3A_167 = arith.extui %lt3A_166 : i1 to i32
      %cond3A_168 = arith.constant 0 : i32
      %cond3A_169 = arith.cmpi ne, %convert_element_type3A_167, %cond3A_168 : i32
      scf.if %cond3A_169 {
        %add3A_234 = arith.constant 3 : i32
        %add3A_235 = arith.addi %add3A_141, %add3A_234 : i32
        %dma_start3A_236 = arith.constant 0 : i32
        %dma_start3A_237 = tpu.memref_slice %arg7[%add3A_235, %dma_start3A_236] : memref<252x80xi32, #tpu.memory_space<vmem>> -> memref<1x80xi32, #tpu.memory_space<vmem>>
        %dma_start3A_238 = tpu.memref_squeeze %dma_start3A_237 : memref<1x80xi32, #tpu.memory_space<vmem>> -> memref<80xi32, #tpu.memory_space<vmem>>
        %dma_start3A_239 = arith.constant 0 : i32
        %dma_start3A_240 = arith.constant 0 : i32
        %dma_start3A_241 = tpu.memref_slice %arg2[%arg0, %dma_start3A_239, %dma_start3A_240] : memref<2x10000x64xf32, #tpu.memory_space<hbm>> -> memref<1x10000x64xf32, #tpu.memory_space<hbm>>
        %dma_start3A_242 = tpu.memref_squeeze %dma_start3A_241 : memref<1x10000x64xf32, #tpu.memory_space<hbm>> -> memref<10000x64xf32, #tpu.memory_space<hbm>>
        %dma_start3A_243 = arith.constant 0 : i32
        %dma_start3A_244 = arith.constant 0 : i32
        %dma_start3A_245 = tpu.memref_slice %dma_start3A_242[%dma_start3A_243, %dma_start3A_244] : memref<10000x64xf32, #tpu.memory_space<hbm>> -> memref<10000x64xf32, #tpu.memory_space<hbm>>
        tpu.enqueue_indirect_dma source(%dma_start3A_245 : memref<10000x64xf32, #tpu.memory_space<hbm>>) target(%arg9 : memref<80x64xf32, #tpu.memory_space<vmem>>) offsets(%dma_start3A_238 : memref<80xi32, #tpu.memory_space<vmem>>) semaphore(%arg14 : memref<!tpu.dma_semaphore, #tpu.memory_space<semaphore_mem>>)
      } else {
      }
      %mul3A_170 = arith.constant 4 : i32
      %mul3A_171 = arith.muli %mul3A_170, %scan3A_107 : i32
      %add3A_172 = arith.constant 2 : i32
      %add3A_173 = arith.addi %mul3A_171, %add3A_172 : i32
      %dma_wait3A_174 = arith.constant 0 : i32
      %dma_wait3A_175 = tpu.memref_slice %arg7[%add3A_173, %dma_wait3A_174] : memref<252x80xi32, #tpu.memory_space<vmem>> -> memref<1x80xi32, #tpu.memory_space<vmem>>
      %dma_wait3A_176 = tpu.memref_squeeze %dma_wait3A_175 : memref<1x80xi32, #tpu.memory_space<vmem>> -> memref<80xi32, #tpu.memory_space<vmem>>
      %dma_wait3A_177 = arith.constant 0 : i32
      %dma_wait3A_178 = arith.constant 0 : i32
      %dma_wait3A_179 = tpu.memref_slice %arg2[%arg0, %dma_wait3A_177, %dma_wait3A_178] : memref<2x10000x64xf32, #tpu.memory_space<hbm>> -> memref<1x10000x64xf32, #tpu.memory_space<hbm>>
      %dma_wait3A_180 = tpu.memref_squeeze %dma_wait3A_179 : memref<1x10000x64xf32, #tpu.memory_space<hbm>> -> memref<10000x64xf32, #tpu.memory_space<hbm>>
      %dma_wait3A_181 = arith.constant 0 : i32
      %dma_wait3A_182 = arith.constant 0 : i32
      %dma_wait3A_183 = tpu.memref_slice %dma_wait3A_180[%dma_wait3A_181, %dma_wait3A_182] : memref<10000x64xf32, #tpu.memory_space<hbm>> -> memref<10000x64xf32, #tpu.memory_space<hbm>>
      tpu.wait_indirect_dma semaphore(%arg16 : memref<!tpu.dma_semaphore, #tpu.memory_space<semaphore_mem>>) src(%dma_wait3A_183 : memref<10000x64xf32, #tpu.memory_space<hbm>>) dst(%arg11 : memref<80x64xf32, #tpu.memory_space<vmem>>)
      %dma_start3A_184 = arith.constant 0 : i32
      %dma_start3A_185 = tpu.memref_slice %arg8[%add3A_173, %dma_start3A_184] : memref<252x80xi32, #tpu.memory_space<vmem>> -> memref<1x80xi32, #tpu.memory_space<vmem>>
      %dma_start3A_186 = tpu.memref_squeeze %dma_start3A_185 : memref<1x80xi32, #tpu.memory_space<vmem>> -> memref<80xi32, #tpu.memory_space<vmem>>
      %dma_start3A_187 = arith.constant 0 : i32
      %dma_start3A_188 = arith.constant 0 : i32
      %dma_start3A_189 = tpu.memref_slice %arg13[%dma_start3A_187, %dma_start3A_188] : memref<10000x64xf32, #tpu.memory_space<vmem_shared>> -> memref<10000x64xf32, #tpu.memory_space<vmem_shared>>
      tpu.enqueue_indirect_dma source(%arg11 : memref<80x64xf32, #tpu.memory_space<vmem>>) target(%dma_start3A_189 : memref<10000x64xf32, #tpu.memory_space<vmem_shared>>) offsets(%dma_start3A_186 : memref<80xi32, #tpu.memory_space<vmem>>) semaphore(%arg20 : memref<!tpu.dma_semaphore, #tpu.memory_space<semaphore_mem>>) {add = true}
      %ge3A_190 = arith.constant 1 : i32
      %ge3A_191 = arith.cmpi sge, %add3A_173, %ge3A_190 : i32
      %convert_element_type3A_192 = arith.extui %ge3A_191 : i1 to i32
      %cond3A_193 = arith.constant 0 : i32
      %cond3A_194 = arith.cmpi ne, %convert_element_type3A_192, %cond3A_193 : i32
      scf.if %cond3A_194 {
        %sub3A = arith.constant 1 : i32
        %sub3A_234 = arith.subi %add3A_173, %sub3A : i32
        %dma_wait3A_235 = arith.constant 0 : i32
        %dma_wait3A_236 = tpu.memref_slice %arg8[%sub3A_234, %dma_wait3A_235] : memref<252x80xi32, #tpu.memory_space<vmem>> -> memref<1x80xi32, #tpu.memory_space<vmem>>
        %dma_wait3A_237 = tpu.memref_squeeze %dma_wait3A_236 : memref<1x80xi32, #tpu.memory_space<vmem>> -> memref<80xi32, #tpu.memory_space<vmem>>
        %dma_wait3A_238 = arith.constant 0 : i32
        %dma_wait3A_239 = arith.constant 0 : i32
        %dma_wait3A_240 = tpu.memref_slice %arg13[%dma_wait3A_238, %dma_wait3A_239] : memref<10000x64xf32, #tpu.memory_space<vmem_shared>> -> memref<10000x64xf32, #tpu.memory_space<vmem_shared>>
        tpu.wait_indirect_dma semaphore(%arg19 : memref<!tpu.dma_semaphore, #tpu.memory_space<semaphore_mem>>) src(%arg10 : memref<80x64xf32, #tpu.memory_space<vmem>>) dst(%dma_wait3A_240 : memref<10000x64xf32, #tpu.memory_space<vmem_shared>>)
      } else {
      }
      %add3A_195 = arith.constant 3 : i32
      %add3A_196 = arith.addi %add3A_173, %add3A_195 : i32
      %lt3A_197 = arith.constant 252 : i32
      %lt3A_198 = arith.cmpi slt, %add3A_196, %lt3A_197 : i32
      %convert_element_type3A_199 = arith.extui %lt3A_198 : i1 to i32
      %cond3A_200 = arith.constant 0 : i32
      %cond3A_201 = arith.cmpi ne, %convert_element_type3A_199, %cond3A_200 : i32
      scf.if %cond3A_201 {
        %add3A_234 = arith.constant 3 : i32
        %add3A_235 = arith.addi %add3A_173, %add3A_234 : i32
        %dma_start3A_236 = arith.constant 0 : i32
        %dma_start3A_237 = tpu.memref_slice %arg7[%add3A_235, %dma_start3A_236] : memref<252x80xi32, #tpu.memory_space<vmem>> -> memref<1x80xi32, #tpu.memory_space<vmem>>
        %dma_start3A_238 = tpu.memref_squeeze %dma_start3A_237 : memref<1x80xi32, #tpu.memory_space<vmem>> -> memref<80xi32, #tpu.memory_space<vmem>>
        %dma_start3A_239 = arith.constant 0 : i32
        %dma_start3A_240 = arith.constant 0 : i32
        %dma_start3A_241 = tpu.memref_slice %arg2[%arg0, %dma_start3A_239, %dma_start3A_240] : memref<2x10000x64xf32, #tpu.memory_space<hbm>> -> memref<1x10000x64xf32, #tpu.memory_space<hbm>>
        %dma_start3A_242 = tpu.memref_squeeze %dma_start3A_241 : memref<1x10000x64xf32, #tpu.memory_space<hbm>> -> memref<10000x64xf32, #tpu.memory_space<hbm>>
        %dma_start3A_243 = arith.constant 0 : i32
        %dma_start3A_244 = arith.constant 0 : i32
        %dma_start3A_245 = tpu.memref_slice %dma_start3A_242[%dma_start3A_243, %dma_start3A_244] : memref<10000x64xf32, #tpu.memory_space<hbm>> -> memref<10000x64xf32, #tpu.memory_space<hbm>>
        tpu.enqueue_indirect_dma source(%dma_start3A_245 : memref<10000x64xf32, #tpu.memory_space<hbm>>) target(%arg10 : memref<80x64xf32, #tpu.memory_space<vmem>>) offsets(%dma_start3A_238 : memref<80xi32, #tpu.memory_space<vmem>>) semaphore(%arg15 : memref<!tpu.dma_semaphore, #tpu.memory_space<semaphore_mem>>)
      } else {
      }
      %mul3A_202 = arith.constant 4 : i32
      %mul3A_203 = arith.muli %mul3A_202, %scan3A_107 : i32
      %add3A_204 = arith.constant 3 : i32
      %add3A_205 = arith.addi %mul3A_203, %add3A_204 : i32
      %dma_wait3A_206 = arith.constant 0 : i32
      %dma_wait3A_207 = tpu.memref_slice %arg7[%add3A_205, %dma_wait3A_206] : memref<252x80xi32, #tpu.memory_space<vmem>> -> memref<1x80xi32, #tpu.memory_space<vmem>>
      %dma_wait3A_208 = tpu.memref_squeeze %dma_wait3A_207 : memref<1x80xi32, #tpu.memory_space<vmem>> -> memref<80xi32, #tpu.memory_space<vmem>>
      %dma_wait3A_209 = arith.constant 0 : i32
      %dma_wait3A_210 = arith.constant 0 : i32
      %dma_wait3A_211 = tpu.memref_slice %arg2[%arg0, %dma_wait3A_209, %dma_wait3A_210] : memref<2x10000x64xf32, #tpu.memory_space<hbm>> -> memref<1x10000x64xf32, #tpu.memory_space<hbm>>
      %dma_wait3A_212 = tpu.memref_squeeze %dma_wait3A_211 : memref<1x10000x64xf32, #tpu.memory_space<hbm>> -> memref<10000x64xf32, #tpu.memory_space<hbm>>
      %dma_wait3A_213 = arith.constant 0 : i32
      %dma_wait3A_214 = arith.constant 0 : i32
      %dma_wait3A_215 = tpu.memref_slice %dma_wait3A_212[%dma_wait3A_213, %dma_wait3A_214] : memref<10000x64xf32, #tpu.memory_space<hbm>> -> memref<10000x64xf32, #tpu.memory_space<hbm>>
      tpu.wait_indirect_dma semaphore(%arg17 : memref<!tpu.dma_semaphore, #tpu.memory_space<semaphore_mem>>) src(%dma_wait3A_215 : memref<10000x64xf32, #tpu.memory_space<hbm>>) dst(%arg12 : memref<80x64xf32, #tpu.memory_space<vmem>>)
      %dma_start3A_216 = arith.constant 0 : i32
      %dma_start3A_217 = tpu.memref_slice %arg8[%add3A_205, %dma_start3A_216] : memref<252x80xi32, #tpu.memory_space<vmem>> -> memref<1x80xi32, #tpu.memory_space<vmem>>
      %dma_start3A_218 = tpu.memref_squeeze %dma_start3A_217 : memref<1x80xi32, #tpu.memory_space<vmem>> -> memref<80xi32, #tpu.memory_space<vmem>>
      %dma_start3A_219 = arith.constant 0 : i32
      %dma_start3A_220 = arith.constant 0 : i32
      %dma_start3A_221 = tpu.memref_slice %arg13[%dma_start3A_219, %dma_start3A_220] : memref<10000x64xf32, #tpu.memory_space<vmem_shared>> -> memref<10000x64xf32, #tpu.memory_space<vmem_shared>>
      tpu.enqueue_indirect_dma source(%arg12 : memref<80x64xf32, #tpu.memory_space<vmem>>) target(%dma_start3A_221 : memref<10000x64xf32, #tpu.memory_space<vmem_shared>>) offsets(%dma_start3A_218 : memref<80xi32, #tpu.memory_space<vmem>>) semaphore(%arg21 : memref<!tpu.dma_semaphore, #tpu.memory_space<semaphore_mem>>) {add = true}
      %ge3A_222 = arith.constant 1 : i32
      %ge3A_223 = arith.cmpi sge, %add3A_205, %ge3A_222 : i32
      %convert_element_type3A_224 = arith.extui %ge3A_223 : i1 to i32
      %cond3A_225 = arith.constant 0 : i32
      %cond3A_226 = arith.cmpi ne, %convert_element_type3A_224, %cond3A_225 : i32
      scf.if %cond3A_226 {
        %sub3A = arith.constant 1 : i32
        %sub3A_234 = arith.subi %add3A_205, %sub3A : i32
        %dma_wait3A_235 = arith.constant 0 : i32
        %dma_wait3A_236 = tpu.memref_slice %arg8[%sub3A_234, %dma_wait3A_235] : memref<252x80xi32, #tpu.memory_space<vmem>> -> memref<1x80xi32, #tpu.memory_space<vmem>>
        %dma_wait3A_237 = tpu.memref_squeeze %dma_wait3A_236 : memref<1x80xi32, #tpu.memory_space<vmem>> -> memref<80xi32, #tpu.memory_space<vmem>>
        %dma_wait3A_238 = arith.constant 0 : i32
        %dma_wait3A_239 = arith.constant 0 : i32
        %dma_wait3A_240 = tpu.memref_slice %arg13[%dma_wait3A_238, %dma_wait3A_239] : memref<10000x64xf32, #tpu.memory_space<vmem_shared>> -> memref<10000x64xf32, #tpu.memory_space<vmem_shared>>
        tpu.wait_indirect_dma semaphore(%arg20 : memref<!tpu.dma_semaphore, #tpu.memory_space<semaphore_mem>>) src(%arg11 : memref<80x64xf32, #tpu.memory_space<vmem>>) dst(%dma_wait3A_240 : memref<10000x64xf32, #tpu.memory_space<vmem_shared>>)
      } else {
      }
      %add3A_227 = arith.constant 3 : i32
      %add3A_228 = arith.addi %add3A_205, %add3A_227 : i32
      %lt3A_229 = arith.constant 252 : i32
      %lt3A_230 = arith.cmpi slt, %add3A_228, %lt3A_229 : i32
      %convert_element_type3A_231 = arith.extui %lt3A_230 : i1 to i32
      %cond3A_232 = arith.constant 0 : i32
      %cond3A_233 = arith.cmpi ne, %convert_element_type3A_231, %cond3A_232 : i32
      scf.if %cond3A_233 {
        %add3A_234 = arith.constant 3 : i32
        %add3A_235 = arith.addi %add3A_205, %add3A_234 : i32
        %dma_start3A_236 = arith.constant 0 : i32
        %dma_start3A_237 = tpu.memref_slice %arg7[%add3A_235, %dma_start3A_236] : memref<252x80xi32, #tpu.memory_space<vmem>> -> memref<1x80xi32, #tpu.memory_space<vmem>>
        %dma_start3A_238 = tpu.memref_squeeze %dma_start3A_237 : memref<1x80xi32, #tpu.memory_space<vmem>> -> memref<80xi32, #tpu.memory_space<vmem>>
        %dma_start3A_239 = arith.constant 0 : i32
        %dma_start3A_240 = arith.constant 0 : i32
        %dma_start3A_241 = tpu.memref_slice %arg2[%arg0, %dma_start3A_239, %dma_start3A_240] : memref<2x10000x64xf32, #tpu.memory_space<hbm>> -> memref<1x10000x64xf32, #tpu.memory_space<hbm>>
        %dma_start3A_242 = tpu.memref_squeeze %dma_start3A_241 : memref<1x10000x64xf32, #tpu.memory_space<hbm>> -> memref<10000x64xf32, #tpu.memory_space<hbm>>
        %dma_start3A_243 = arith.constant 0 : i32
        %dma_start3A_244 = arith.constant 0 : i32
        %dma_start3A_245 = tpu.memref_slice %dma_start3A_242[%dma_start3A_243, %dma_start3A_244] : memref<10000x64xf32, #tpu.memory_space<hbm>> -> memref<10000x64xf32, #tpu.memory_space<hbm>>
        tpu.enqueue_indirect_dma source(%dma_start3A_245 : memref<10000x64xf32, #tpu.memory_space<hbm>>) target(%arg11 : memref<80x64xf32, #tpu.memory_space<vmem>>) offsets(%dma_start3A_238 : memref<80xi32, #tpu.memory_space<vmem>>) semaphore(%arg16 : memref<!tpu.dma_semaphore, #tpu.memory_space<semaphore_mem>>)
      } else {
      }
    }
    %scan3A_88 = arith.constant 63 : i32
    %dma_wait3A_89 = arith.constant 251 : i32
    %dma_wait3A_90 = arith.constant 0 : i32
    %dma_wait3A_91 = tpu.memref_slice %arg8[%dma_wait3A_89, %dma_wait3A_90] : memref<252x80xi32, #tpu.memory_space<vmem>> -> memref<1x80xi32, #tpu.memory_space<vmem>>
    %dma_wait3A_92 = tpu.memref_squeeze %dma_wait3A_91 : memref<1x80xi32, #tpu.memory_space<vmem>> -> memref<80xi32, #tpu.memory_space<vmem>>
    %dma_wait3A_93 = arith.constant 0 : i32
    %dma_wait3A_94 = arith.constant 0 : i32
    %dma_wait3A_95 = tpu.memref_slice %arg13[%dma_wait3A_93, %dma_wait3A_94] : memref<10000x64xf32, #tpu.memory_space<vmem_shared>> -> memref<10000x64xf32, #tpu.memory_space<vmem_shared>>
    tpu.wait_indirect_dma semaphore(%arg21 : memref<!tpu.dma_semaphore, #tpu.memory_space<semaphore_mem>>) src(%arg12 : memref<80x64xf32, #tpu.memory_space<vmem>>) dst(%dma_wait3A_95 : memref<10000x64xf32, #tpu.memory_space<vmem_shared>>)
    %barrier3A_96 = arith.constant 0 : index
    tpu.barrier barrier_id(%barrier3A_96)
    %lt3A_97 = arith.constant 15 : i32
    %lt3A_98 = arith.cmpi slt, %arg1, %lt3A_97 : i32
    %convert_element_type3A_99 = arith.extui %lt3A_98 : i1 to i32
    %cond3A_100 = arith.constant 0 : i32
    %cond3A_101 = arith.cmpi ne, %convert_element_type3A_99, %cond3A_100 : i32
    scf.if %cond3A_101 {
      "tpu.region"() ({
        %run_scoped3A = tpu.sem_alloc : memref<!tpu.dma_semaphore, #tpu.memory_space<semaphore_mem>>
        %dma_start3A_107 = arith.constant 0 : i32
        %dma_start3A_108 = tpu.memref_slice %arg6[%arg0, %multiple_of3A, %dma_start3A_107] : memref<2x10000x64xf32, #tpu.memory_space<hbm>> -> memref<1x632x64xf32, #tpu.memory_space<hbm>>
        %dma_start3A_109 = tpu.memref_squeeze %dma_start3A_108 : memref<1x632x64xf32, #tpu.memory_space<hbm>> -> memref<632x64xf32, #tpu.memory_space<hbm>>
        %dma_start3A_110 = arith.constant 0 : i32
        %dma_start3A_111 = tpu.memref_slice %arg13[%multiple_of3A, %dma_start3A_110] : memref<10000x64xf32, #tpu.memory_space<vmem_shared>> -> memref<632x64xf32, #tpu.memory_space<vmem_shared>>
        tpu.enqueue_dma source(%dma_start3A_111 : memref<632x64xf32, #tpu.memory_space<vmem_shared>>) target(%dma_start3A_109 : memref<632x64xf32, #tpu.memory_space<hbm>>) target_semaphore(%run_scoped3A : memref<!tpu.dma_semaphore, #tpu.memory_space<semaphore_mem>>)
        %dma_wait3A_112 = arith.constant 0 : i32
        %dma_wait3A_113 = tpu.memref_slice %arg6[%arg0, %multiple_of3A, %dma_wait3A_112] : memref<2x10000x64xf32, #tpu.memory_space<hbm>> -> memref<1x632x64xf32, #tpu.memory_space<hbm>>
        %dma_wait3A_114 = tpu.memref_squeeze %dma_wait3A_113 : memref<1x632x64xf32, #tpu.memory_space<hbm>> -> memref<632x64xf32, #tpu.memory_space<hbm>>
        %dma_wait3A_115 = arith.constant 0 : i32
        %dma_wait3A_116 = tpu.memref_slice %arg13[%multiple_of3A, %dma_wait3A_115] : memref<10000x64xf32, #tpu.memory_space<vmem_shared>> -> memref<632x64xf32, #tpu.memory_space<vmem_shared>>
        tpu.wait_dma2 semaphore(%run_scoped3A : memref<!tpu.dma_semaphore, #tpu.memory_space<semaphore_mem>>) src(%dma_wait3A_116 : memref<632x64xf32, #tpu.memory_space<vmem_shared>>) dst(%dma_wait3A_114 : memref<632x64xf32, #tpu.memory_space<hbm>>)
        tpu.yield
      }) : () -> ()
    } else {
    }
    %eq3A_102 = arith.constant 15 : i32
    %eq3A_103 = arith.cmpi eq, %arg1, %eq3A_102 : i32
    %convert_element_type3A_104 = arith.extui %eq3A_103 : i1 to i32
    %cond3A_105 = arith.constant 0 : i32
    %cond3A_106 = arith.cmpi ne, %convert_element_type3A_104, %cond3A_105 : i32
    scf.if %cond3A_106 {
      "tpu.region"() ({
        %run_scoped3A = tpu.sem_alloc : memref<!tpu.dma_semaphore, #tpu.memory_space<semaphore_mem>>
        %dma_start3A_107 = arith.constant 9480 : i32
        %dma_start3A_108 = arith.constant 0 : i32
        %dma_start3A_109 = tpu.memref_slice %arg6[%arg0, %dma_start3A_107, %dma_start3A_108] : memref<2x10000x64xf32, #tpu.memory_space<hbm>> -> memref<1x520x64xf32, #tpu.memory_space<hbm>>
        %dma_start3A_110 = tpu.memref_squeeze %dma_start3A_109 : memref<1x520x64xf32, #tpu.memory_space<hbm>> -> memref<520x64xf32, #tpu.memory_space<hbm>>
        %dma_start3A_111 = arith.constant 9480 : i32
        %dma_start3A_112 = arith.constant 0 : i32
        %dma_start3A_113 = tpu.memref_slice %arg13[%dma_start3A_111, %dma_start3A_112] : memref<10000x64xf32, #tpu.memory_space<vmem_shared>> -> memref<520x64xf32, #tpu.memory_space<vmem_shared>>
        tpu.enqueue_dma source(%dma_start3A_113 : memref<520x64xf32, #tpu.memory_space<vmem_shared>>) target(%dma_start3A_110 : memref<520x64xf32, #tpu.memory_space<hbm>>) target_semaphore(%run_scoped3A : memref<!tpu.dma_semaphore, #tpu.memory_space<semaphore_mem>>)
        %dma_wait3A_114 = arith.constant 9480 : i32
        %dma_wait3A_115 = arith.constant 0 : i32
        %dma_wait3A_116 = tpu.memref_slice %arg6[%arg0, %dma_wait3A_114, %dma_wait3A_115] : memref<2x10000x64xf32, #tpu.memory_space<hbm>> -> memref<1x520x64xf32, #tpu.memory_space<hbm>>
        %dma_wait3A_117 = tpu.memref_squeeze %dma_wait3A_116 : memref<1x520x64xf32, #tpu.memory_space<hbm>> -> memref<520x64xf32, #tpu.memory_space<hbm>>
        %dma_wait3A_118 = arith.constant 9480 : i32
        %dma_wait3A_119 = arith.constant 0 : i32
        %dma_wait3A_120 = tpu.memref_slice %arg13[%dma_wait3A_118, %dma_wait3A_119] : memref<10000x64xf32, #tpu.memory_space<vmem_shared>> -> memref<520x64xf32, #tpu.memory_space<vmem_shared>>
        tpu.wait_dma2 semaphore(%run_scoped3A : memref<!tpu.dma_semaphore, #tpu.memory_space<semaphore_mem>>) src(%dma_wait3A_120 : memref<520x64xf32, #tpu.memory_space<vmem_shared>>) dst(%dma_wait3A_117 : memref<520x64xf32, #tpu.memory_space<hbm>>)
        tpu.yield
      }) : () -> ()
    } else {
    }
    return
  }
}

module attributes {stable_mosaic.version = 14 : i64} {
  func.func @_stage_a_body(%arg0: i32, %arg1: memref<1000x1536xf32, #tpu.memory_space<vmem>>, %arg2: memref<1536x64xf32, #tpu.memory_space<vmem>>, %arg3: memref<1x64xf32, #tpu.memory_space<vmem>>, %arg4: memref<1x64xf32, #tpu.memory_space<vmem>>, %arg5: memref<1000x64xf32, #tpu.memory_space<vmem>>, %arg6: memref<2x1000x64xf32, #tpu.memory_space<vmem>>) attributes {dimension_semantics = [#tpu.dimension_semantics<arbitrary>], iteration_bounds = array<i64: 10>, scalar_prefetch = 0 : i64, scratch_operands = 0 : i64, tpu.core_type = #tpu.core_type<tc>, window_params = [{transform_indices = @transform_0, window_bounds = array<i64: 1000, 1536>}, {pipeline_mode = #tpu.pipeline_mode<synchronous>, transform_indices = @transform_1, window_bounds = array<i64: 1536, 64>}, {pipeline_mode = #tpu.pipeline_mode<synchronous>, transform_indices = @transform_2, window_bounds = array<i64: 1, 64>}, {pipeline_mode = #tpu.pipeline_mode<synchronous>, transform_indices = @transform_3, window_bounds = array<i64: 1, 64>}, {transform_indices = @transform_4, window_bounds = array<i64: 1000, 64>}, {transform_indices = @transform_5, window_bounds = array<i64: 2, 1000, 64>}]} {
    %get3A = arith.constant 0 : index
    %get3A_0 = arith.constant 0 : index
    %get3A_1 = vector.load %arg1[%get3A, %get3A_0] : memref<1000x1536xf32, #tpu.memory_space<vmem>>, vector<1000x1536xf32>
    %get3A_2 = arith.constant 0 : index
    %get3A_3 = arith.constant 0 : index
    %get3A_4 = vector.load %arg2[%get3A_2, %get3A_3] : memref<1536x64xf32, #tpu.memory_space<vmem>>, vector<1536x64xf32>
    %dot_general3A = arith.constant dense<0.000000e+00> : vector<1000x64xf32>
    %dot_general3A_5 = tpu.matmul %get3A_1, %get3A_4, %dot_general3A {dimension_numbers = #tpu.dot_dimension_numbers<[1], [0], [0], [1], [0, 0, 1, 1], [], []>, transpose_lhs_hint = false} : vector<1000x1536xf32>, vector<1536x64xf32>, vector<1000x64xf32> -> vector<1000x64xf32>
    %get3A_6 = arith.constant 0 : index
    %get3A_7 = arith.constant 0 : index
    %get3A_8 = vector.load %arg3[%get3A_6, %get3A_7] : memref<1x64xf32, #tpu.memory_space<vmem>>, vector<1x64xf32>
    %add3A = vector.broadcast %get3A_8 : vector<1x64xf32> to vector<1000x64xf32>
    %add3A_9 = arith.addf %dot_general3A_5, %add3A : vector<1000x64xf32>
    %max3A = arith.constant 0.000000e+00 : f32
    %max3A_10 = vector.broadcast %max3A : f32 to vector<1000x64xf32>
    %max3A_11 = arith.maximumf %add3A_9, %max3A_10 : vector<1000x64xf32>
    %swap3A = arith.constant 0 : index
    %swap3A_12 = arith.constant 0 : index
    %swap3A_13 = vector.load %arg5[%swap3A, %swap3A_12] : memref<1000x64xf32, #tpu.memory_space<vmem>>, vector<1000x64xf32>
    tpu.vector_store %arg5[%swap3A, %swap3A_12], %max3A_11 {strides = array<i32>} : memref<1000x64xf32, #tpu.memory_space<vmem>>, vector<1000x64xf32>,
    %get3A_14 = arith.constant 0 : index
    %get3A_15 = arith.constant 0 : index
    %get3A_16 = vector.load %arg4[%get3A_14, %get3A_15] : memref<1x64xf32, #tpu.memory_space<vmem>>, vector<1x64xf32>
    %max3A_17 = arith.constant 0.000000e+00 : f32
    %max3A_18 = vector.broadcast %max3A_17 : f32 to vector<1000x64xf32>
    %max3A_19 = arith.maximumf %max3A_11, %max3A_18 : vector<1000x64xf32>
    %add3A_20 = arith.constant 1.000000e-07 : f32
    %add3A_21 = vector.broadcast %add3A_20 : f32 to vector<1000x64xf32>
    %add3A_22 = arith.addf %max3A_19, %add3A_21 : vector<1000x64xf32>
    %mul3A = vector.broadcast %get3A_16 : vector<1x64xf32> to vector<1000x64xf32>
    %mul3A_23 = arith.mulf %mul3A, %add3A_22 : vector<1000x64xf32>
    %exp3A = math.exp %mul3A_23 : vector<1000x64xf32>
    %mul3A_24 = arith.mulf %add3A_22, %exp3A : vector<1000x64xf32>
    %stack3A = vector.shape_cast %exp3A : vector<1000x64xf32> to vector<1x1000x64xf32>
    %stack3A_25 = vector.shape_cast %mul3A_24 : vector<1000x64xf32> to vector<1x1000x64xf32>
    %stack3A_26 = tpu.concatenate %stack3A, %stack3A_25 in 0 : vector<1x1000x64xf32>, vector<1x1000x64xf32> -> vector<2x1000x64xf32>
    %swap3A_27 = arith.constant 0 : index
    %swap3A_28 = arith.constant 0 : index
    %swap3A_29 = arith.constant 0 : index
    %swap3A_30 = vector.load %arg6[%swap3A_27, %swap3A_28, %swap3A_29] : memref<2x1000x64xf32, #tpu.memory_space<vmem>>, vector<2x1000x64xf32>
    tpu.vector_store %arg6[%swap3A_27, %swap3A_28, %swap3A_29], %stack3A_26 {strides = array<i32>} : memref<2x1000x64xf32, #tpu.memory_space<vmem>>, vector<2x1000x64xf32>,
    return
  }
  func.func @transform_0(%arg0: i32) -> (i32, i32) {
    %c0_i32 = arith.constant 0 : i32
    %c0_i32_0 = arith.constant 0 : i32
    return %arg0, %c0_i32 : i32, i32
  }
  func.func @transform_1(%arg0: i32) -> (i32, i32) {
    %c0_i32 = arith.constant 0 : i32
    %c0_i32_0 = arith.constant 0 : i32
    %c0_i32_1 = arith.constant 0 : i32
    return %c0_i32, %c0_i32_0 : i32, i32
  }
  func.func @transform_2(%arg0: i32) -> (i32, i32) {
    %c0_i32 = arith.constant 0 : i32
    %c0_i32_0 = arith.constant 0 : i32
    %c0_i32_1 = arith.constant 0 : i32
    return %c0_i32, %c0_i32_0 : i32, i32
  }
  func.func @transform_3(%arg0: i32) -> (i32, i32) {
    %c0_i32 = arith.constant 0 : i32
    %c0_i32_0 = arith.constant 0 : i32
    %c0_i32_1 = arith.constant 0 : i32
    return %c0_i32, %c0_i32_0 : i32, i32
  }
  func.func @transform_4(%arg0: i32) -> (i32, i32) {
    %c0_i32 = arith.constant 0 : i32
    %c0_i32_0 = arith.constant 0 : i32
    return %arg0, %c0_i32 : i32, i32
  }
  func.func @transform_5(%arg0: i32) -> (i32, i32, i32) {
    %c0_i32 = arith.constant 0 : i32
    %c0_i32_0 = arith.constant 0 : i32
    %c0_i32_1 = arith.constant 0 : i32
    return %c0_i32, %arg0, %c0_i32_0 : i32, i32, i32
  }
}

module attributes {stable_mosaic.version = 14 : i64} {
  func.func @body(%arg0: i32, %arg1: memref<2x1000x64xf32, #tpu.memory_space<vmem>>, %arg2: memref<1000x64xf32, #tpu.memory_space<vmem>>, %arg3: memref<64x128xf32, #tpu.memory_space<vmem>>, %arg4: memref<1x128xf32, #tpu.memory_space<vmem>>, %arg5: memref<1x128xf32, #tpu.memory_space<vmem>>, %arg6: memref<1x128xf32, #tpu.memory_space<vmem>>, %arg7: memref<128x64xf32, #tpu.memory_space<vmem>>, %arg8: memref<1x64xf32, #tpu.memory_space<vmem>>, %arg9: memref<1x64xf32, #tpu.memory_space<vmem>>, %arg10: memref<1000x64xf32, #tpu.memory_space<vmem>>, %arg11: memref<2x1000x64xf32, #tpu.memory_space<vmem>>) attributes {dimension_semantics = [#tpu.dimension_semantics<arbitrary>], iteration_bounds = array<i64: 10>, scalar_prefetch = 0 : i64, scratch_operands = 0 : i64, tpu.core_type = #tpu.core_type<tc>, window_params = [{transform_indices = @transform_0, window_bounds = array<i64: 2, 1000, 64>}, {transform_indices = @transform_1, window_bounds = array<i64: 1000, 64>}, {pipeline_mode = #tpu.pipeline_mode<synchronous>, transform_indices = @transform_2, window_bounds = array<i64: 64, 128>}, {pipeline_mode = #tpu.pipeline_mode<synchronous>, transform_indices = @transform_3, window_bounds = array<i64: 1, 128>}, {pipeline_mode = #tpu.pipeline_mode<synchronous>, transform_indices = @transform_4, window_bounds = array<i64: 1, 128>}, {pipeline_mode = #tpu.pipeline_mode<synchronous>, transform_indices = @transform_5, window_bounds = array<i64: 1, 128>}, {pipeline_mode = #tpu.pipeline_mode<synchronous>, transform_indices = @transform_6, window_bounds = array<i64: 128, 64>}, {pipeline_mode = #tpu.pipeline_mode<synchronous>, transform_indices = @transform_7, window_bounds = array<i64: 1, 64>}, {pipeline_mode = #tpu.pipeline_mode<synchronous>, transform_indices = @transform_8, window_bounds = array<i64: 1, 64>}, {transform_indices = @transform_9, window_bounds = array<i64: 1000, 64>}, {transform_indices = @transform_10, window_bounds = array<i64: 2, 1000, 64>}]} {
    %get3A = arith.constant 0 : index
    %get3A_0 = arith.constant 0 : index
    %get3A_1 = arith.constant 0 : index
    %get3A_2 = vector.load %arg1[%get3A, %get3A_0, %get3A_1] : memref<2x1000x64xf32, #tpu.memory_space<vmem>>, vector<2x1000x64xf32>
    %slice3A = vector.extract_strided_slice %get3A_2 {offsets = [0, 0, 0], sizes = [1, 1000, 64], strides = [1, 1, 1]} : vector<2x1000x64xf32> to vector<1x1000x64xf32>
    %squeeze3A = vector.shape_cast %slice3A : vector<1x1000x64xf32> to vector<1000x64xf32>
    %slice3A_3 = vector.extract_strided_slice %get3A_2 {offsets = [1, 0, 0], sizes = [1, 1000, 64], strides = [1, 1, 1]} : vector<2x1000x64xf32> to vector<1x1000x64xf32>
    %squeeze3A_4 = vector.shape_cast %slice3A_3 : vector<1x1000x64xf32> to vector<1000x64xf32>
    %get3A_5 = arith.constant 0 : index
    %get3A_6 = arith.constant 0 : index
    %get3A_7 = vector.load %arg2[%get3A_5, %get3A_6] : memref<1000x64xf32, #tpu.memory_space<vmem>>, vector<1000x64xf32>
    %add3A = arith.constant 1.000000e-30 : f32
    %add3A_8 = vector.broadcast %add3A : f32 to vector<1000x64xf32>
    %add3A_9 = arith.addf %squeeze3A, %add3A_8 : vector<1000x64xf32>
    %div3A = arith.divf %squeeze3A_4, %add3A_9 : vector<1000x64xf32>
    %add3A_10 = arith.addf %div3A, %get3A_7 : vector<1000x64xf32>
    %get3A_11 = arith.constant 0 : index
    %get3A_12 = arith.constant 0 : index
    %get3A_13 = vector.load %arg3[%get3A_11, %get3A_12] : memref<64x128xf32, #tpu.memory_space<vmem>>, vector<64x128xf32>
    %dot_general3A = arith.constant dense<0.000000e+00> : vector<1000x128xf32>
    %dot_general3A_14 = tpu.matmul %add3A_10, %get3A_13, %dot_general3A {dimension_numbers = #tpu.dot_dimension_numbers<[1], [0], [0], [1], [0, 0, 1, 1], [], []>, transpose_lhs_hint = false} : vector<1000x64xf32>, vector<64x128xf32>, vector<1000x128xf32> -> vector<1000x128xf32>
    %get3A_15 = arith.constant 0 : index
    %get3A_16 = arith.constant 0 : index
    %get3A_17 = vector.load %arg4[%get3A_15, %get3A_16] : memref<1x128xf32, #tpu.memory_space<vmem>>, vector<1x128xf32>
    %add3A_18 = vector.broadcast %get3A_17 : vector<1x128xf32> to vector<1000x128xf32>
    %add3A_19 = arith.addf %dot_general3A_14, %add3A_18 : vector<1000x128xf32>
    %get3A_20 = arith.constant 0 : index
    %get3A_21 = arith.constant 0 : index
    %get3A_22 = vector.load %arg5[%get3A_20, %get3A_21] : memref<1x128xf32, #tpu.memory_space<vmem>>, vector<1x128xf32>
    %get3A_23 = arith.constant 0 : index
    %get3A_24 = arith.constant 0 : index
    %get3A_25 = vector.load %arg6[%get3A_23, %get3A_24] : memref<1x128xf32, #tpu.memory_space<vmem>>, vector<1x128xf32>
    %reduce_sum3A = arith.constant dense<0.000000e+00> : vector<1000xf32>
    %reduce_sum3A_26 = vector.multi_reduction <add>, %add3A_19, %reduce_sum3A [1] : vector<1000x128xf32> to vector<1000xf32>
    %broadcast_in_dim3A = vector.shape_cast %reduce_sum3A_26 : vector<1000xf32> to vector<1000x1xf32>
    %div3A_27 = arith.constant 1.280000e+02 : f32
    %div3A_28 = vector.broadcast %div3A_27 : f32 to vector<1000x1xf32>
    %div3A_29 = arith.divf %broadcast_in_dim3A, %div3A_28 : vector<1000x1xf32>
    %jit3A = arith.constant 0 : i32
    %reduce_sum3A_30 = arith.constant dense<0.000000e+00> : vector<1000xf32>
    %reduce_sum3A_31 = vector.multi_reduction <add>, %add3A_19, %reduce_sum3A_30 [1] : vector<1000x128xf32> to vector<1000xf32>
    %broadcast_in_dim3A_32 = vector.shape_cast %reduce_sum3A_31 : vector<1000xf32> to vector<1000x1xf32>
    %div3A_33 = arith.constant 1.280000e+02 : f32
    %div3A_34 = vector.broadcast %div3A_33 : f32 to vector<1000x1xf32>
    %div3A_35 = arith.divf %broadcast_in_dim3A_32, %div3A_34 : vector<1000x1xf32>
    %sub3A = vector.broadcast %div3A_35 : vector<1000x1xf32> to vector<1000x128xf32>
    %sub3A_36 = arith.subf %add3A_19, %sub3A : vector<1000x128xf32>
    %square3A = arith.mulf %sub3A_36, %sub3A_36 : vector<1000x128xf32>
    %convert_element_type3A = arith.sitofp %jit3A : i32 to f32
    %sub3A_37 = arith.constant 1.280000e+02 : f32
    %sub3A_38 = arith.subf %sub3A_37, %convert_element_type3A : f32
    %reduce_sum3A_39 = arith.constant dense<0.000000e+00> : vector<1000xf32>
    %reduce_sum3A_40 = vector.multi_reduction <add>, %square3A, %reduce_sum3A_39 [1] : vector<1000x128xf32> to vector<1000xf32>
    %broadcast_in_dim3A_41 = vector.shape_cast %reduce_sum3A_40 : vector<1000xf32> to vector<1000x1xf32>
    %div3A_42 = vector.broadcast %sub3A_38 : f32 to vector<1000x1xf32>
    %div3A_43 = arith.divf %broadcast_in_dim3A_41, %div3A_42 : vector<1000x1xf32>
    %gt3A = arith.constant 0.000000e+00 : f32
    %gt3A_44 = arith.cmpf ogt, %sub3A_38, %gt3A : f32
    %jit3A_45 = arith.constant 0x7FC00000 : f32
    %broadcast_in_dim3A_46 = vector.broadcast %jit3A_45 : f32 to vector<1000x1xf32>
    %select_n3A = arith.select %gt3A_44, %div3A_43, %broadcast_in_dim3A_46 : vector<1000x1xf32>
    %sub3A_47 = vector.broadcast %div3A_29 : vector<1000x1xf32> to vector<1000x128xf32>
    %sub3A_48 = arith.subf %add3A_19, %sub3A_47 : vector<1000x128xf32>
    %add3A_49 = arith.constant 9.99999974E-6 : f32
    %add3A_50 = vector.broadcast %add3A_49 : f32 to vector<1000x1xf32>
    %add3A_51 = arith.addf %select_n3A, %add3A_50 : vector<1000x1xf32>
    %sqrt3A = math.sqrt %add3A_51 : vector<1000x1xf32>
    %div3A_52 = vector.broadcast %sqrt3A : vector<1000x1xf32> to vector<1000x128xf32>
    %div3A_53 = arith.divf %sub3A_48, %div3A_52 : vector<1000x128xf32>
    %mul3A = vector.broadcast %get3A_22 : vector<1x128xf32> to vector<1000x128xf32>
    %mul3A_54 = arith.mulf %div3A_53, %mul3A : vector<1000x128xf32>
    %add3A_55 = vector.broadcast %get3A_25 : vector<1x128xf32> to vector<1000x128xf32>
    %add3A_56 = arith.addf %mul3A_54, %add3A_55 : vector<1000x128xf32>
    %max3A = arith.constant 0.000000e+00 : f32
    %max3A_57 = vector.broadcast %max3A : f32 to vector<1000x128xf32>
    %max3A_58 = arith.maximumf %add3A_56, %max3A_57 : vector<1000x128xf32>
    %get3A_59 = arith.constant 0 : index
    %get3A_60 = arith.constant 0 : index
    %get3A_61 = vector.load %arg7[%get3A_59, %get3A_60] : memref<128x64xf32, #tpu.memory_space<vmem>>, vector<128x64xf32>
    %dot_general3A_62 = arith.constant dense<0.000000e+00> : vector<1000x64xf32>
    %dot_general3A_63 = tpu.matmul %max3A_58, %get3A_61, %dot_general3A_62 {dimension_numbers = #tpu.dot_dimension_numbers<[1], [0], [0], [1], [0, 0, 1, 1], [], []>, transpose_lhs_hint = false} : vector<1000x128xf32>, vector<128x64xf32>, vector<1000x64xf32> -> vector<1000x64xf32>
    %get3A_64 = arith.constant 0 : index
    %get3A_65 = arith.constant 0 : index
    %get3A_66 = vector.load %arg8[%get3A_64, %get3A_65] : memref<1x64xf32, #tpu.memory_space<vmem>>, vector<1x64xf32>
    %add3A_67 = vector.broadcast %get3A_66 : vector<1x64xf32> to vector<1000x64xf32>
    %add3A_68 = arith.addf %dot_general3A_63, %add3A_67 : vector<1000x64xf32>
    %swap3A = arith.constant 0 : index
    %swap3A_69 = arith.constant 0 : index
    %swap3A_70 = vector.load %arg10[%swap3A, %swap3A_69] : memref<1000x64xf32, #tpu.memory_space<vmem>>, vector<1000x64xf32>
    tpu.vector_store %arg10[%swap3A, %swap3A_69], %add3A_68 {strides = array<i32>} : memref<1000x64xf32, #tpu.memory_space<vmem>>, vector<1000x64xf32>,
    %get3A_71 = arith.constant 0 : index
    %get3A_72 = arith.constant 0 : index
    %get3A_73 = vector.load %arg9[%get3A_71, %get3A_72] : memref<1x64xf32, #tpu.memory_space<vmem>>, vector<1x64xf32>
    %max3A_74 = arith.constant 0.000000e+00 : f32
    %max3A_75 = vector.broadcast %max3A_74 : f32 to vector<1000x64xf32>
    %max3A_76 = arith.maximumf %add3A_68, %max3A_75 : vector<1000x64xf32>
    %add3A_77 = arith.constant 1.000000e-07 : f32
    %add3A_78 = vector.broadcast %add3A_77 : f32 to vector<1000x64xf32>
    %add3A_79 = arith.addf %max3A_76, %add3A_78 : vector<1000x64xf32>
    %mul3A_80 = vector.broadcast %get3A_73 : vector<1x64xf32> to vector<1000x64xf32>
    %mul3A_81 = arith.mulf %mul3A_80, %add3A_79 : vector<1000x64xf32>
    %exp3A = math.exp %mul3A_81 : vector<1000x64xf32>
    %mul3A_82 = arith.mulf %add3A_79, %exp3A : vector<1000x64xf32>
    %stack3A = vector.shape_cast %exp3A : vector<1000x64xf32> to vector<1x1000x64xf32>
    %stack3A_83 = vector.shape_cast %mul3A_82 : vector<1000x64xf32> to vector<1x1000x64xf32>
    %stack3A_84 = tpu.concatenate %stack3A, %stack3A_83 in 0 : vector<1x1000x64xf32>, vector<1x1000x64xf32> -> vector<2x1000x64xf32>
    %swap3A_85 = arith.constant 0 : index
    %swap3A_86 = arith.constant 0 : index
    %swap3A_87 = arith.constant 0 : index
    %swap3A_88 = vector.load %arg11[%swap3A_85, %swap3A_86, %swap3A_87] : memref<2x1000x64xf32, #tpu.memory_space<vmem>>, vector<2x1000x64xf32>
    tpu.vector_store %arg11[%swap3A_85, %swap3A_86, %swap3A_87], %stack3A_84 {strides = array<i32>} : memref<2x1000x64xf32, #tpu.memory_space<vmem>>, vector<2x1000x64xf32>,
    return
  }
  func.func @transform_0(%arg0: i32) -> (i32, i32, i32) {
    %c0_i32 = arith.constant 0 : i32
    %c0_i32_0 = arith.constant 0 : i32
    %c0_i32_1 = arith.constant 0 : i32
    return %c0_i32, %arg0, %c0_i32_0 : i32, i32, i32
  }
  func.func @transform_1(%arg0: i32) -> (i32, i32) {
    %c0_i32 = arith.constant 0 : i32
    %c0_i32_0 = arith.constant 0 : i32
    return %arg0, %c0_i32 : i32, i32
  }
  func.func @transform_2(%arg0: i32) -> (i32, i32) {
    %c0_i32 = arith.constant 0 : i32
    %c0_i32_0 = arith.constant 0 : i32
    %c0_i32_1 = arith.constant 0 : i32
    return %c0_i32, %c0_i32_0 : i32, i32
  }
  func.func @transform_3(%arg0: i32) -> (i32, i32) {
    %c0_i32 = arith.constant 0 : i32
    %c0_i32_0 = arith.constant 0 : i32
    %c0_i32_1 = arith.constant 0 : i32
    return %c0_i32, %c0_i32_0 : i32, i32
  }
  func.func @transform_4(%arg0: i32) -> (i32, i32) {
    %c0_i32 = arith.constant 0 : i32
    %c0_i32_0 = arith.constant 0 : i32
    %c0_i32_1 = arith.constant 0 : i32
    return %c0_i32, %c0_i32_0 : i32, i32
  }
  func.func @transform_5(%arg0: i32) -> (i32, i32) {
    %c0_i32 = arith.constant 0 : i32
    %c0_i32_0 = arith.constant 0 : i32
    %c0_i32_1 = arith.constant 0 : i32
    return %c0_i32, %c0_i32_0 : i32, i32
  }
  func.func @transform_6(%arg0: i32) -> (i32, i32) {
    %c0_i32 = arith.constant 0 : i32
    %c0_i32_0 = arith.constant 0 : i32
    %c0_i32_1 = arith.constant 0 : i32
    return %c0_i32, %c0_i32_0 : i32, i32
  }
  func.func @transform_7(%arg0: i32) -> (i32, i32) {
    %c0_i32 = arith.constant 0 : i32
    %c0_i32_0 = arith.constant 0 : i32
    %c0_i32_1 = arith.constant 0 : i32
    return %c0_i32, %c0_i32_0 : i32, i32
  }
  func.func @transform_8(%arg0: i32) -> (i32, i32) {
    %c0_i32 = arith.constant 0 : i32
    %c0_i32_0 = arith.constant 0 : i32
    %c0_i32_1 = arith.constant 0 : i32
    return %c0_i32, %c0_i32_0 : i32, i32
  }
  func.func @transform_9(%arg0: i32) -> (i32, i32) {
    %c0_i32 = arith.constant 0 : i32
    %c0_i32_0 = arith.constant 0 : i32
    return %arg0, %c0_i32 : i32, i32
  }
  func.func @transform_10(%arg0: i32) -> (i32, i32, i32) {
    %c0_i32 = arith.constant 0 : i32
    %c0_i32_0 = arith.constant 0 : i32
    %c0_i32_1 = arith.constant 0 : i32
    return %c0_i32, %arg0, %c0_i32_0 : i32, i32, i32
  }
}

module attributes {stable_mosaic.version = 14 : i64} {
  func.func @body(%arg0: i32, %arg1: memref<2x1000x64xf32, #tpu.memory_space<vmem>>, %arg2: memref<1000x64xf32, #tpu.memory_space<vmem>>, %arg3: memref<64x128xf32, #tpu.memory_space<vmem>>, %arg4: memref<1x128xf32, #tpu.memory_space<vmem>>, %arg5: memref<1x128xf32, #tpu.memory_space<vmem>>, %arg6: memref<1x128xf32, #tpu.memory_space<vmem>>, %arg7: memref<128x64xf32, #tpu.memory_space<vmem>>, %arg8: memref<1x64xf32, #tpu.memory_space<vmem>>, %arg9: memref<1x64xf32, #tpu.memory_space<vmem>>, %arg10: memref<1x64xf32, #tpu.memory_space<vmem>>, %arg11: memref<1x64xf32, #tpu.memory_space<vmem>>, %arg12: memref<1000x64xf32, #tpu.memory_space<vmem>>, %arg13: memref<2x1000x64xf32, #tpu.memory_space<vmem>>) attributes {dimension_semantics = [#tpu.dimension_semantics<arbitrary>], iteration_bounds = array<i64: 10>, scalar_prefetch = 0 : i64, scratch_operands = 0 : i64, tpu.core_type = #tpu.core_type<tc>, window_params = [{transform_indices = @transform_0, window_bounds = array<i64: 2, 1000, 64>}, {transform_indices = @transform_1, window_bounds = array<i64: 1000, 64>}, {pipeline_mode = #tpu.pipeline_mode<synchronous>, transform_indices = @transform_2, window_bounds = array<i64: 64, 128>}, {pipeline_mode = #tpu.pipeline_mode<synchronous>, transform_indices = @transform_3, window_bounds = array<i64: 1, 128>}, {pipeline_mode = #tpu.pipeline_mode<synchronous>, transform_indices = @transform_4, window_bounds = array<i64: 1, 128>}, {pipeline_mode = #tpu.pipeline_mode<synchronous>, transform_indices = @transform_5, window_bounds = array<i64: 1, 128>}, {pipeline_mode = #tpu.pipeline_mode<synchronous>, transform_indices = @transform_6, window_bounds = array<i64: 128, 64>}, {pipeline_mode = #tpu.pipeline_mode<synchronous>, transform_indices = @transform_7, window_bounds = array<i64: 1, 64>}, {pipeline_mode = #tpu.pipeline_mode<synchronous>, transform_indices = @transform_8, window_bounds = array<i64: 1, 64>}, {pipeline_mode = #tpu.pipeline_mode<synchronous>, transform_indices = @transform_9, window_bounds = array<i64: 1, 64>}, {pipeline_mode = #tpu.pipeline_mode<synchronous>, transform_indices = @transform_10, window_bounds = array<i64: 1, 64>}, {transform_indices = @transform_11, window_bounds = array<i64: 1000, 64>}, {transform_indices = @transform_12, window_bounds = array<i64: 2, 1000, 64>}]} {
    %get3A = arith.constant 0 : index
    %get3A_0 = arith.constant 0 : index
    %get3A_1 = arith.constant 0 : index
    %get3A_2 = vector.load %arg1[%get3A, %get3A_0, %get3A_1] : memref<2x1000x64xf32, #tpu.memory_space<vmem>>, vector<2x1000x64xf32>
    %slice3A = vector.extract_strided_slice %get3A_2 {offsets = [0, 0, 0], sizes = [1, 1000, 64], strides = [1, 1, 1]} : vector<2x1000x64xf32> to vector<1x1000x64xf32>
    %squeeze3A = vector.shape_cast %slice3A : vector<1x1000x64xf32> to vector<1000x64xf32>
    %slice3A_3 = vector.extract_strided_slice %get3A_2 {offsets = [1, 0, 0], sizes = [1, 1000, 64], strides = [1, 1, 1]} : vector<2x1000x64xf32> to vector<1x1000x64xf32>
    %squeeze3A_4 = vector.shape_cast %slice3A_3 : vector<1x1000x64xf32> to vector<1000x64xf32>
    %get3A_5 = arith.constant 0 : index
    %get3A_6 = arith.constant 0 : index
    %get3A_7 = vector.load %arg2[%get3A_5, %get3A_6] : memref<1000x64xf32, #tpu.memory_space<vmem>>, vector<1000x64xf32>
    %add3A = arith.constant 1.000000e-30 : f32
    %add3A_8 = vector.broadcast %add3A : f32 to vector<1000x64xf32>
    %add3A_9 = arith.addf %squeeze3A, %add3A_8 : vector<1000x64xf32>
    %div3A = arith.divf %squeeze3A_4, %add3A_9 : vector<1000x64xf32>
    %add3A_10 = arith.addf %div3A, %get3A_7 : vector<1000x64xf32>
    %get3A_11 = arith.constant 0 : index
    %get3A_12 = arith.constant 0 : index
    %get3A_13 = vector.load %arg3[%get3A_11, %get3A_12] : memref<64x128xf32, #tpu.memory_space<vmem>>, vector<64x128xf32>
    %dot_general3A = arith.constant dense<0.000000e+00> : vector<1000x128xf32>
    %dot_general3A_14 = tpu.matmul %add3A_10, %get3A_13, %dot_general3A {dimension_numbers = #tpu.dot_dimension_numbers<[1], [0], [0], [1], [0, 0, 1, 1], [], []>, transpose_lhs_hint = false} : vector<1000x64xf32>, vector<64x128xf32>, vector<1000x128xf32> -> vector<1000x128xf32>
    %get3A_15 = arith.constant 0 : index
    %get3A_16 = arith.constant 0 : index
    %get3A_17 = vector.load %arg4[%get3A_15, %get3A_16] : memref<1x128xf32, #tpu.memory_space<vmem>>, vector<1x128xf32>
    %add3A_18 = vector.broadcast %get3A_17 : vector<1x128xf32> to vector<1000x128xf32>
    %add3A_19 = arith.addf %dot_general3A_14, %add3A_18 : vector<1000x128xf32>
    %get3A_20 = arith.constant 0 : index
    %get3A_21 = arith.constant 0 : index
    %get3A_22 = vector.load %arg5[%get3A_20, %get3A_21] : memref<1x128xf32, #tpu.memory_space<vmem>>, vector<1x128xf32>
    %get3A_23 = arith.constant 0 : index
    %get3A_24 = arith.constant 0 : index
    %get3A_25 = vector.load %arg6[%get3A_23, %get3A_24] : memref<1x128xf32, #tpu.memory_space<vmem>>, vector<1x128xf32>
    %reduce_sum3A = arith.constant dense<0.000000e+00> : vector<1000xf32>
    %reduce_sum3A_26 = vector.multi_reduction <add>, %add3A_19, %reduce_sum3A [1] : vector<1000x128xf32> to vector<1000xf32>
    %broadcast_in_dim3A = vector.shape_cast %reduce_sum3A_26 : vector<1000xf32> to vector<1000x1xf32>
    %div3A_27 = arith.constant 1.280000e+02 : f32
    %div3A_28 = vector.broadcast %div3A_27 : f32 to vector<1000x1xf32>
    %div3A_29 = arith.divf %broadcast_in_dim3A, %div3A_28 : vector<1000x1xf32>
    %jit3A = arith.constant 0 : i32
    %reduce_sum3A_30 = arith.constant dense<0.000000e+00> : vector<1000xf32>
    %reduce_sum3A_31 = vector.multi_reduction <add>, %add3A_19, %reduce_sum3A_30 [1] : vector<1000x128xf32> to vector<1000xf32>
    %broadcast_in_dim3A_32 = vector.shape_cast %reduce_sum3A_31 : vector<1000xf32> to vector<1000x1xf32>
    %div3A_33 = arith.constant 1.280000e+02 : f32
    %div3A_34 = vector.broadcast %div3A_33 : f32 to vector<1000x1xf32>
    %div3A_35 = arith.divf %broadcast_in_dim3A_32, %div3A_34 : vector<1000x1xf32>
    %sub3A = vector.broadcast %div3A_35 : vector<1000x1xf32> to vector<1000x128xf32>
    %sub3A_36 = arith.subf %add3A_19, %sub3A : vector<1000x128xf32>
    %square3A = arith.mulf %sub3A_36, %sub3A_36 : vector<1000x128xf32>
    %convert_element_type3A = arith.sitofp %jit3A : i32 to f32
    %sub3A_37 = arith.constant 1.280000e+02 : f32
    %sub3A_38 = arith.subf %sub3A_37, %convert_element_type3A : f32
    %reduce_sum3A_39 = arith.constant dense<0.000000e+00> : vector<1000xf32>
    %reduce_sum3A_40 = vector.multi_reduction <add>, %square3A, %reduce_sum3A_39 [1] : vector<1000x128xf32> to vector<1000xf32>
    %broadcast_in_dim3A_41 = vector.shape_cast %reduce_sum3A_40 : vector<1000xf32> to vector<1000x1xf32>
    %div3A_42 = vector.broadcast %sub3A_38 : f32 to vector<1000x1xf32>
    %div3A_43 = arith.divf %broadcast_in_dim3A_41, %div3A_42 : vector<1000x1xf32>
    %gt3A = arith.constant 0.000000e+00 : f32
    %gt3A_44 = arith.cmpf ogt, %sub3A_38, %gt3A : f32
    %jit3A_45 = arith.constant 0x7FC00000 : f32
    %broadcast_in_dim3A_46 = vector.broadcast %jit3A_45 : f32 to vector<1000x1xf32>
    %select_n3A = arith.select %gt3A_44, %div3A_43, %broadcast_in_dim3A_46 : vector<1000x1xf32>
    %sub3A_47 = vector.broadcast %div3A_29 : vector<1000x1xf32> to vector<1000x128xf32>
    %sub3A_48 = arith.subf %add3A_19, %sub3A_47 : vector<1000x128xf32>
    %add3A_49 = arith.constant 9.99999974E-6 : f32
    %add3A_50 = vector.broadcast %add3A_49 : f32 to vector<1000x1xf32>
    %add3A_51 = arith.addf %select_n3A, %add3A_50 : vector<1000x1xf32>
    %sqrt3A = math.sqrt %add3A_51 : vector<1000x1xf32>
    %div3A_52 = vector.broadcast %sqrt3A : vector<1000x1xf32> to vector<1000x128xf32>
    %div3A_53 = arith.divf %sub3A_48, %div3A_52 : vector<1000x128xf32>
    %mul3A = vector.broadcast %get3A_22 : vector<1x128xf32> to vector<1000x128xf32>
    %mul3A_54 = arith.mulf %div3A_53, %mul3A : vector<1000x128xf32>
    %add3A_55 = vector.broadcast %get3A_25 : vector<1x128xf32> to vector<1000x128xf32>
    %add3A_56 = arith.addf %mul3A_54, %add3A_55 : vector<1000x128xf32>
    %max3A = arith.constant 0.000000e+00 : f32
    %max3A_57 = vector.broadcast %max3A : f32 to vector<1000x128xf32>
    %max3A_58 = arith.maximumf %add3A_56, %max3A_57 : vector<1000x128xf32>
    %get3A_59 = arith.constant 0 : index
    %get3A_60 = arith.constant 0 : index
    %get3A_61 = vector.load %arg7[%get3A_59, %get3A_60] : memref<128x64xf32, #tpu.memory_space<vmem>>, vector<128x64xf32>
    %dot_general3A_62 = arith.constant dense<0.000000e+00> : vector<1000x64xf32>
    %dot_general3A_63 = tpu.matmul %max3A_58, %get3A_61, %dot_general3A_62 {dimension_numbers = #tpu.dot_dimension_numbers<[1], [0], [0], [1], [0, 0, 1, 1], [], []>, transpose_lhs_hint = false} : vector<1000x128xf32>, vector<128x64xf32>, vector<1000x64xf32> -> vector<1000x64xf32>
    %get3A_64 = arith.constant 0 : index
    %get3A_65 = arith.constant 0 : index
    %get3A_66 = vector.load %arg8[%get3A_64, %get3A_65] : memref<1x64xf32, #tpu.memory_space<vmem>>, vector<1x64xf32>
    %add3A_67 = vector.broadcast %get3A_66 : vector<1x64xf32> to vector<1000x64xf32>
    %add3A_68 = arith.addf %dot_general3A_63, %add3A_67 : vector<1000x64xf32>
    %get3A_69 = arith.constant 0 : index
    %get3A_70 = arith.constant 0 : index
    %get3A_71 = vector.load %arg9[%get3A_69, %get3A_70] : memref<1x64xf32, #tpu.memory_space<vmem>>, vector<1x64xf32>
    %get3A_72 = arith.constant 0 : index
    %get3A_73 = arith.constant 0 : index
    %get3A_74 = vector.load %arg10[%get3A_72, %get3A_73] : memref<1x64xf32, #tpu.memory_space<vmem>>, vector<1x64xf32>
    %reduce_sum3A_75 = arith.constant dense<0.000000e+00> : vector<1000xf32>
    %reduce_sum3A_76 = vector.multi_reduction <add>, %add3A_68, %reduce_sum3A_75 [1] : vector<1000x64xf32> to vector<1000xf32>
    %broadcast_in_dim3A_77 = vector.shape_cast %reduce_sum3A_76 : vector<1000xf32> to vector<1000x1xf32>
    %div3A_78 = arith.constant 6.400000e+01 : f32
    %div3A_79 = vector.broadcast %div3A_78 : f32 to vector<1000x1xf32>
    %div3A_80 = arith.divf %broadcast_in_dim3A_77, %div3A_79 : vector<1000x1xf32>
    %jit3A_81 = arith.constant 0 : i32
    %reduce_sum3A_82 = arith.constant dense<0.000000e+00> : vector<1000xf32>
    %reduce_sum3A_83 = vector.multi_reduction <add>, %add3A_68, %reduce_sum3A_82 [1] : vector<1000x64xf32> to vector<1000xf32>
    %broadcast_in_dim3A_84 = vector.shape_cast %reduce_sum3A_83 : vector<1000xf32> to vector<1000x1xf32>
    %div3A_85 = arith.constant 6.400000e+01 : f32
    %div3A_86 = vector.broadcast %div3A_85 : f32 to vector<1000x1xf32>
    %div3A_87 = arith.divf %broadcast_in_dim3A_84, %div3A_86 : vector<1000x1xf32>
    %sub3A_88 = vector.broadcast %div3A_87 : vector<1000x1xf32> to vector<1000x64xf32>
    %sub3A_89 = arith.subf %add3A_68, %sub3A_88 : vector<1000x64xf32>
    %square3A_90 = arith.mulf %sub3A_89, %sub3A_89 : vector<1000x64xf32>
    %convert_element_type3A_91 = arith.sitofp %jit3A_81 : i32 to f32
    %sub3A_92 = arith.constant 6.400000e+01 : f32
    %sub3A_93 = arith.subf %sub3A_92, %convert_element_type3A_91 : f32
    %reduce_sum3A_94 = arith.constant dense<0.000000e+00> : vector<1000xf32>
    %reduce_sum3A_95 = vector.multi_reduction <add>, %square3A_90, %reduce_sum3A_94 [1] : vector<1000x64xf32> to vector<1000xf32>
    %broadcast_in_dim3A_96 = vector.shape_cast %reduce_sum3A_95 : vector<1000xf32> to vector<1000x1xf32>
    %div3A_97 = vector.broadcast %sub3A_93 : f32 to vector<1000x1xf32>
    %div3A_98 = arith.divf %broadcast_in_dim3A_96, %div3A_97 : vector<1000x1xf32>
    %gt3A_99 = arith.constant 0.000000e+00 : f32
    %gt3A_100 = arith.cmpf ogt, %sub3A_93, %gt3A_99 : f32
    %jit3A_101 = arith.constant 0x7FC00000 : f32
    %broadcast_in_dim3A_102 = vector.broadcast %jit3A_101 : f32 to vector<1000x1xf32>
    %select_n3A_103 = arith.select %gt3A_100, %div3A_98, %broadcast_in_dim3A_102 : vector<1000x1xf32>
    %sub3A_104 = vector.broadcast %div3A_80 : vector<1000x1xf32> to vector<1000x64xf32>
    %sub3A_105 = arith.subf %add3A_68, %sub3A_104 : vector<1000x64xf32>
    %add3A_106 = arith.constant 9.99999974E-6 : f32
    %add3A_107 = vector.broadcast %add3A_106 : f32 to vector<1000x1xf32>
    %add3A_108 = arith.addf %select_n3A_103, %add3A_107 : vector<1000x1xf32>
    %sqrt3A_109 = math.sqrt %add3A_108 : vector<1000x1xf32>
    %div3A_110 = vector.broadcast %sqrt3A_109 : vector<1000x1xf32> to vector<1000x64xf32>
    %div3A_111 = arith.divf %sub3A_105, %div3A_110 : vector<1000x64xf32>
    %mul3A_112 = vector.broadcast %get3A_71 : vector<1x64xf32> to vector<1000x64xf32>
    %mul3A_113 = arith.mulf %div3A_111, %mul3A_112 : vector<1000x64xf32>
    %add3A_114 = vector.broadcast %get3A_74 : vector<1x64xf32> to vector<1000x64xf32>
    %add3A_115 = arith.addf %mul3A_113, %add3A_114 : vector<1000x64xf32>
    %max3A_116 = arith.constant 0.000000e+00 : f32
    %max3A_117 = vector.broadcast %max3A_116 : f32 to vector<1000x64xf32>
    %max3A_118 = arith.maximumf %add3A_115, %max3A_117 : vector<1000x64xf32>
    %add3A_119 = arith.addf %get3A_7, %max3A_118 : vector<1000x64xf32>
    %swap3A = arith.constant 0 : index
    %swap3A_120 = arith.constant 0 : index
    %swap3A_121 = vector.load %arg12[%swap3A, %swap3A_120] : memref<1000x64xf32, #tpu.memory_space<vmem>>, vector<1000x64xf32>
    tpu.vector_store %arg12[%swap3A, %swap3A_120], %add3A_119 {strides = array<i32>} : memref<1000x64xf32, #tpu.memory_space<vmem>>, vector<1000x64xf32>,
    %get3A_122 = arith.constant 0 : index
    %get3A_123 = arith.constant 0 : index
    %get3A_124 = vector.load %arg11[%get3A_122, %get3A_123] : memref<1x64xf32, #tpu.memory_space<vmem>>, vector<1x64xf32>
    %max3A_125 = arith.constant 0.000000e+00 : f32
    %max3A_126 = vector.broadcast %max3A_125 : f32 to vector<1000x64xf32>
    %max3A_127 = arith.maximumf %add3A_119, %max3A_126 : vector<1000x64xf32>
    %add3A_128 = arith.constant 1.000000e-07 : f32
    %add3A_129 = vector.broadcast %add3A_128 : f32 to vector<1000x64xf32>
    %add3A_130 = arith.addf %max3A_127, %add3A_129 : vector<1000x64xf32>
    %mul3A_131 = vector.broadcast %get3A_124 : vector<1x64xf32> to vector<1000x64xf32>
    %mul3A_132 = arith.mulf %mul3A_131, %add3A_130 : vector<1000x64xf32>
    %exp3A = math.exp %mul3A_132 : vector<1000x64xf32>
    %mul3A_133 = arith.mulf %add3A_130, %exp3A : vector<1000x64xf32>
    %stack3A = vector.shape_cast %exp3A : vector<1000x64xf32> to vector<1x1000x64xf32>
    %stack3A_134 = vector.shape_cast %mul3A_133 : vector<1000x64xf32> to vector<1x1000x64xf32>
    %stack3A_135 = tpu.concatenate %stack3A, %stack3A_134 in 0 : vector<1x1000x64xf32>, vector<1x1000x64xf32> -> vector<2x1000x64xf32>
    %swap3A_136 = arith.constant 0 : index
    %swap3A_137 = arith.constant 0 : index
    %swap3A_138 = arith.constant 0 : index
    %swap3A_139 = vector.load %arg13[%swap3A_136, %swap3A_137, %swap3A_138] : memref<2x1000x64xf32, #tpu.memory_space<vmem>>, vector<2x1000x64xf32>
    tpu.vector_store %arg13[%swap3A_136, %swap3A_137, %swap3A_138], %stack3A_135 {strides = array<i32>} : memref<2x1000x64xf32, #tpu.memory_space<vmem>>, vector<2x1000x64xf32>,
    return
  }
  func.func @transform_0(%arg0: i32) -> (i32, i32, i32) {
    %c0_i32 = arith.constant 0 : i32
    %c0_i32_0 = arith.constant 0 : i32
    %c0_i32_1 = arith.constant 0 : i32
    return %c0_i32, %arg0, %c0_i32_0 : i32, i32, i32
  }
  func.func @transform_1(%arg0: i32) -> (i32, i32) {
    %c0_i32 = arith.constant 0 : i32
    %c0_i32_0 = arith.constant 0 : i32
    return %arg0, %c0_i32 : i32, i32
  }
  func.func @transform_2(%arg0: i32) -> (i32, i32) {
    %c0_i32 = arith.constant 0 : i32
    %c0_i32_0 = arith.constant 0 : i32
    %c0_i32_1 = arith.constant 0 : i32
    return %c0_i32, %c0_i32_0 : i32, i32
  }
  func.func @transform_3(%arg0: i32) -> (i32, i32) {
    %c0_i32 = arith.constant 0 : i32
    %c0_i32_0 = arith.constant 0 : i32
    %c0_i32_1 = arith.constant 0 : i32
    return %c0_i32, %c0_i32_0 : i32, i32
  }
  func.func @transform_4(%arg0: i32) -> (i32, i32) {
    %c0_i32 = arith.constant 0 : i32
    %c0_i32_0 = arith.constant 0 : i32
    %c0_i32_1 = arith.constant 0 : i32
    return %c0_i32, %c0_i32_0 : i32, i32
  }
  func.func @transform_5(%arg0: i32) -> (i32, i32) {
    %c0_i32 = arith.constant 0 : i32
    %c0_i32_0 = arith.constant 0 : i32
    %c0_i32_1 = arith.constant 0 : i32
    return %c0_i32, %c0_i32_0 : i32, i32
  }
  func.func @transform_6(%arg0: i32) -> (i32, i32) {
    %c0_i32 = arith.constant 0 : i32
    %c0_i32_0 = arith.constant 0 : i32
    %c0_i32_1 = arith.constant 0 : i32
    return %c0_i32, %c0_i32_0 : i32, i32
  }
  func.func @transform_7(%arg0: i32) -> (i32, i32) {
    %c0_i32 = arith.constant 0 : i32
    %c0_i32_0 = arith.constant 0 : i32
    %c0_i32_1 = arith.constant 0 : i32
    return %c0_i32, %c0_i32_0 : i32, i32
  }
  func.func @transform_8(%arg0: i32) -> (i32, i32) {
    %c0_i32 = arith.constant 0 : i32
    %c0_i32_0 = arith.constant 0 : i32
    %c0_i32_1 = arith.constant 0 : i32
    return %c0_i32, %c0_i32_0 : i32, i32
  }
  func.func @transform_9(%arg0: i32) -> (i32, i32) {
    %c0_i32 = arith.constant 0 : i32
    %c0_i32_0 = arith.constant 0 : i32
    %c0_i32_1 = arith.constant 0 : i32
    return %c0_i32, %c0_i32_0 : i32, i32
  }
  func.func @transform_10(%arg0: i32) -> (i32, i32) {
    %c0_i32 = arith.constant 0 : i32
    %c0_i32_0 = arith.constant 0 : i32
    %c0_i32_1 = arith.constant 0 : i32
    return %c0_i32, %c0_i32_0 : i32, i32
  }
  func.func @transform_11(%arg0: i32) -> (i32, i32) {
    %c0_i32 = arith.constant 0 : i32
    %c0_i32_0 = arith.constant 0 : i32
    return %arg0, %c0_i32 : i32, i32
  }
  func.func @transform_12(%arg0: i32) -> (i32, i32, i32) {
    %c0_i32 = arith.constant 0 : i32
    %c0_i32_0 = arith.constant 0 : i32
    %c0_i32_1 = arith.constant 0 : i32
    return %c0_i32, %arg0, %c0_i32_0 : i32, i32, i32
  }
}

module attributes {stable_mosaic.version = 14 : i64} {
  func.func @body(%arg0: i32, %arg1: memref<2x1000x64xf32, #tpu.memory_space<vmem>>, %arg2: memref<1000x64xf32, #tpu.memory_space<vmem>>, %arg3: memref<64x128xf32, #tpu.memory_space<vmem>>, %arg4: memref<1x128xf32, #tpu.memory_space<vmem>>, %arg5: memref<1x128xf32, #tpu.memory_space<vmem>>, %arg6: memref<1x128xf32, #tpu.memory_space<vmem>>, %arg7: memref<128x64xf32, #tpu.memory_space<vmem>>, %arg8: memref<1x64xf32, #tpu.memory_space<vmem>>, %arg9: memref<1x64xf32, #tpu.memory_space<vmem>>, %arg10: memref<1x64xf32, #tpu.memory_space<vmem>>, %arg11: memref<1000x64xf32, #tpu.memory_space<vmem>>) attributes {dimension_semantics = [#tpu.dimension_semantics<arbitrary>], iteration_bounds = array<i64: 10>, scalar_prefetch = 0 : i64, scratch_operands = 0 : i64, tpu.core_type = #tpu.core_type<tc>, window_params = [{transform_indices = @transform_0, window_bounds = array<i64: 2, 1000, 64>}, {transform_indices = @transform_1, window_bounds = array<i64: 1000, 64>}, {pipeline_mode = #tpu.pipeline_mode<synchronous>, transform_indices = @transform_2, window_bounds = array<i64: 64, 128>}, {pipeline_mode = #tpu.pipeline_mode<synchronous>, transform_indices = @transform_3, window_bounds = array<i64: 1, 128>}, {pipeline_mode = #tpu.pipeline_mode<synchronous>, transform_indices = @transform_4, window_bounds = array<i64: 1, 128>}, {pipeline_mode = #tpu.pipeline_mode<synchronous>, transform_indices = @transform_5, window_bounds = array<i64: 1, 128>}, {pipeline_mode = #tpu.pipeline_mode<synchronous>, transform_indices = @transform_6, window_bounds = array<i64: 128, 64>}, {pipeline_mode = #tpu.pipeline_mode<synchronous>, transform_indices = @transform_7, window_bounds = array<i64: 1, 64>}, {pipeline_mode = #tpu.pipeline_mode<synchronous>, transform_indices = @transform_8, window_bounds = array<i64: 1, 64>}, {pipeline_mode = #tpu.pipeline_mode<synchronous>, transform_indices = @transform_9, window_bounds = array<i64: 1, 64>}, {transform_indices = @transform_10, window_bounds = array<i64: 1000, 64>}]} {
    %get3A = arith.constant 0 : index
    %get3A_0 = arith.constant 0 : index
    %get3A_1 = arith.constant 0 : index
    %get3A_2 = vector.load %arg1[%get3A, %get3A_0, %get3A_1] : memref<2x1000x64xf32, #tpu.memory_space<vmem>>, vector<2x1000x64xf32>
    %slice3A = vector.extract_strided_slice %get3A_2 {offsets = [0, 0, 0], sizes = [1, 1000, 64], strides = [1, 1, 1]} : vector<2x1000x64xf32> to vector<1x1000x64xf32>
    %squeeze3A = vector.shape_cast %slice3A : vector<1x1000x64xf32> to vector<1000x64xf32>
    %slice3A_3 = vector.extract_strided_slice %get3A_2 {offsets = [1, 0, 0], sizes = [1, 1000, 64], strides = [1, 1, 1]} : vector<2x1000x64xf32> to vector<1x1000x64xf32>
    %squeeze3A_4 = vector.shape_cast %slice3A_3 : vector<1x1000x64xf32> to vector<1000x64xf32>
    %get3A_5 = arith.constant 0 : index
    %get3A_6 = arith.constant 0 : index
    %get3A_7 = vector.load %arg2[%get3A_5, %get3A_6] : memref<1000x64xf32, #tpu.memory_space<vmem>>, vector<1000x64xf32>
    %add3A = arith.constant 1.000000e-30 : f32
    %add3A_8 = vector.broadcast %add3A : f32 to vector<1000x64xf32>
    %add3A_9 = arith.addf %squeeze3A, %add3A_8 : vector<1000x64xf32>
    %div3A = arith.divf %squeeze3A_4, %add3A_9 : vector<1000x64xf32>
    %add3A_10 = arith.addf %div3A, %get3A_7 : vector<1000x64xf32>
    %get3A_11 = arith.constant 0 : index
    %get3A_12 = arith.constant 0 : index
    %get3A_13 = vector.load %arg3[%get3A_11, %get3A_12] : memref<64x128xf32, #tpu.memory_space<vmem>>, vector<64x128xf32>
    %dot_general3A = arith.constant dense<0.000000e+00> : vector<1000x128xf32>
    %dot_general3A_14 = tpu.matmul %add3A_10, %get3A_13, %dot_general3A {dimension_numbers = #tpu.dot_dimension_numbers<[1], [0], [0], [1], [0, 0, 1, 1], [], []>, transpose_lhs_hint = false} : vector<1000x64xf32>, vector<64x128xf32>, vector<1000x128xf32> -> vector<1000x128xf32>
    %get3A_15 = arith.constant 0 : index
    %get3A_16 = arith.constant 0 : index
    %get3A_17 = vector.load %arg4[%get3A_15, %get3A_16] : memref<1x128xf32, #tpu.memory_space<vmem>>, vector<1x128xf32>
    %add3A_18 = vector.broadcast %get3A_17 : vector<1x128xf32> to vector<1000x128xf32>
    %add3A_19 = arith.addf %dot_general3A_14, %add3A_18 : vector<1000x128xf32>
    %get3A_20 = arith.constant 0 : index
    %get3A_21 = arith.constant 0 : index
    %get3A_22 = vector.load %arg5[%get3A_20, %get3A_21] : memref<1x128xf32, #tpu.memory_space<vmem>>, vector<1x128xf32>
    %get3A_23 = arith.constant 0 : index
    %get3A_24 = arith.constant 0 : index
    %get3A_25 = vector.load %arg6[%get3A_23, %get3A_24] : memref<1x128xf32, #tpu.memory_space<vmem>>, vector<1x128xf32>
    %reduce_sum3A = arith.constant dense<0.000000e+00> : vector<1000xf32>
    %reduce_sum3A_26 = vector.multi_reduction <add>, %add3A_19, %reduce_sum3A [1] : vector<1000x128xf32> to vector<1000xf32>
    %broadcast_in_dim3A = vector.shape_cast %reduce_sum3A_26 : vector<1000xf32> to vector<1000x1xf32>
    %div3A_27 = arith.constant 1.280000e+02 : f32
    %div3A_28 = vector.broadcast %div3A_27 : f32 to vector<1000x1xf32>
    %div3A_29 = arith.divf %broadcast_in_dim3A, %div3A_28 : vector<1000x1xf32>
    %jit3A = arith.constant 0 : i32
    %reduce_sum3A_30 = arith.constant dense<0.000000e+00> : vector<1000xf32>
    %reduce_sum3A_31 = vector.multi_reduction <add>, %add3A_19, %reduce_sum3A_30 [1] : vector<1000x128xf32> to vector<1000xf32>
    %broadcast_in_dim3A_32 = vector.shape_cast %reduce_sum3A_31 : vector<1000xf32> to vector<1000x1xf32>
    %div3A_33 = arith.constant 1.280000e+02 : f32
    %div3A_34 = vector.broadcast %div3A_33 : f32 to vector<1000x1xf32>
    %div3A_35 = arith.divf %broadcast_in_dim3A_32, %div3A_34 : vector<1000x1xf32>
    %sub3A = vector.broadcast %div3A_35 : vector<1000x1xf32> to vector<1000x128xf32>
    %sub3A_36 = arith.subf %add3A_19, %sub3A : vector<1000x128xf32>
    %square3A = arith.mulf %sub3A_36, %sub3A_36 : vector<1000x128xf32>
    %convert_element_type3A = arith.sitofp %jit3A : i32 to f32
    %sub3A_37 = arith.constant 1.280000e+02 : f32
    %sub3A_38 = arith.subf %sub3A_37, %convert_element_type3A : f32
    %reduce_sum3A_39 = arith.constant dense<0.000000e+00> : vector<1000xf32>
    %reduce_sum3A_40 = vector.multi_reduction <add>, %square3A, %reduce_sum3A_39 [1] : vector<1000x128xf32> to vector<1000xf32>
    %broadcast_in_dim3A_41 = vector.shape_cast %reduce_sum3A_40 : vector<1000xf32> to vector<1000x1xf32>
    %div3A_42 = vector.broadcast %sub3A_38 : f32 to vector<1000x1xf32>
    %div3A_43 = arith.divf %broadcast_in_dim3A_41, %div3A_42 : vector<1000x1xf32>
    %gt3A = arith.constant 0.000000e+00 : f32
    %gt3A_44 = arith.cmpf ogt, %sub3A_38, %gt3A : f32
    %jit3A_45 = arith.constant 0x7FC00000 : f32
    %broadcast_in_dim3A_46 = vector.broadcast %jit3A_45 : f32 to vector<1000x1xf32>
    %select_n3A = arith.select %gt3A_44, %div3A_43, %broadcast_in_dim3A_46 : vector<1000x1xf32>
    %sub3A_47 = vector.broadcast %div3A_29 : vector<1000x1xf32> to vector<1000x128xf32>
    %sub3A_48 = arith.subf %add3A_19, %sub3A_47 : vector<1000x128xf32>
    %add3A_49 = arith.constant 9.99999974E-6 : f32
    %add3A_50 = vector.broadcast %add3A_49 : f32 to vector<1000x1xf32>
    %add3A_51 = arith.addf %select_n3A, %add3A_50 : vector<1000x1xf32>
    %sqrt3A = math.sqrt %add3A_51 : vector<1000x1xf32>
    %div3A_52 = vector.broadcast %sqrt3A : vector<1000x1xf32> to vector<1000x128xf32>
    %div3A_53 = arith.divf %sub3A_48, %div3A_52 : vector<1000x128xf32>
    %mul3A = vector.broadcast %get3A_22 : vector<1x128xf32> to vector<1000x128xf32>
    %mul3A_54 = arith.mulf %div3A_53, %mul3A : vector<1000x128xf32>
    %add3A_55 = vector.broadcast %get3A_25 : vector<1x128xf32> to vector<1000x128xf32>
    %add3A_56 = arith.addf %mul3A_54, %add3A_55 : vector<1000x128xf32>
    %max3A = arith.constant 0.000000e+00 : f32
    %max3A_57 = vector.broadcast %max3A : f32 to vector<1000x128xf32>
    %max3A_58 = arith.maximumf %add3A_56, %max3A_57 : vector<1000x128xf32>
    %get3A_59 = arith.constant 0 : index
    %get3A_60 = arith.constant 0 : index
    %get3A_61 = vector.load %arg7[%get3A_59, %get3A_60] : memref<128x64xf32, #tpu.memory_space<vmem>>, vector<128x64xf32>
    %dot_general3A_62 = arith.constant dense<0.000000e+00> : vector<1000x64xf32>
    %dot_general3A_63 = tpu.matmul %max3A_58, %get3A_61, %dot_general3A_62 {dimension_numbers = #tpu.dot_dimension_numbers<[1], [0], [0], [1], [0, 0, 1, 1], [], []>, transpose_lhs_hint = false} : vector<1000x128xf32>, vector<128x64xf32>, vector<1000x64xf32> -> vector<1000x64xf32>
    %get3A_64 = arith.constant 0 : index
    %get3A_65 = arith.constant 0 : index
    %get3A_66 = vector.load %arg8[%get3A_64, %get3A_65] : memref<1x64xf32, #tpu.memory_space<vmem>>, vector<1x64xf32>
    %add3A_67 = vector.broadcast %get3A_66 : vector<1x64xf32> to vector<1000x64xf32>
    %add3A_68 = arith.addf %dot_general3A_63, %add3A_67 : vector<1000x64xf32>
    %get3A_69 = arith.constant 0 : index
    %get3A_70 = arith.constant 0 : index
    %get3A_71 = vector.load %arg9[%get3A_69, %get3A_70] : memref<1x64xf32, #tpu.memory_space<vmem>>, vector<1x64xf32>
    %get3A_72 = arith.constant 0 : index
    %get3A_73 = arith.constant 0 : index
    %get3A_74 = vector.load %arg10[%get3A_72, %get3A_73] : memref<1x64xf32, #tpu.memory_space<vmem>>, vector<1x64xf32>
    %reduce_sum3A_75 = arith.constant dense<0.000000e+00> : vector<1000xf32>
    %reduce_sum3A_76 = vector.multi_reduction <add>, %add3A_68, %reduce_sum3A_75 [1] : vector<1000x64xf32> to vector<1000xf32>
    %broadcast_in_dim3A_77 = vector.shape_cast %reduce_sum3A_76 : vector<1000xf32> to vector<1000x1xf32>
    %div3A_78 = arith.constant 6.400000e+01 : f32
    %div3A_79 = vector.broadcast %div3A_78 : f32 to vector<1000x1xf32>
    %div3A_80 = arith.divf %broadcast_in_dim3A_77, %div3A_79 : vector<1000x1xf32>
    %jit3A_81 = arith.constant 0 : i32
    %reduce_sum3A_82 = arith.constant dense<0.000000e+00> : vector<1000xf32>
    %reduce_sum3A_83 = vector.multi_reduction <add>, %add3A_68, %reduce_sum3A_82 [1] : vector<1000x64xf32> to vector<1000xf32>
    %broadcast_in_dim3A_84 = vector.shape_cast %reduce_sum3A_83 : vector<1000xf32> to vector<1000x1xf32>
    %div3A_85 = arith.constant 6.400000e+01 : f32
    %div3A_86 = vector.broadcast %div3A_85 : f32 to vector<1000x1xf32>
    %div3A_87 = arith.divf %broadcast_in_dim3A_84, %div3A_86 : vector<1000x1xf32>
    %sub3A_88 = vector.broadcast %div3A_87 : vector<1000x1xf32> to vector<1000x64xf32>
    %sub3A_89 = arith.subf %add3A_68, %sub3A_88 : vector<1000x64xf32>
    %square3A_90 = arith.mulf %sub3A_89, %sub3A_89 : vector<1000x64xf32>
    %convert_element_type3A_91 = arith.sitofp %jit3A_81 : i32 to f32
    %sub3A_92 = arith.constant 6.400000e+01 : f32
    %sub3A_93 = arith.subf %sub3A_92, %convert_element_type3A_91 : f32
    %reduce_sum3A_94 = arith.constant dense<0.000000e+00> : vector<1000xf32>
    %reduce_sum3A_95 = vector.multi_reduction <add>, %square3A_90, %reduce_sum3A_94 [1] : vector<1000x64xf32> to vector<1000xf32>
    %broadcast_in_dim3A_96 = vector.shape_cast %reduce_sum3A_95 : vector<1000xf32> to vector<1000x1xf32>
    %div3A_97 = vector.broadcast %sub3A_93 : f32 to vector<1000x1xf32>
    %div3A_98 = arith.divf %broadcast_in_dim3A_96, %div3A_97 : vector<1000x1xf32>
    %gt3A_99 = arith.constant 0.000000e+00 : f32
    %gt3A_100 = arith.cmpf ogt, %sub3A_93, %gt3A_99 : f32
    %jit3A_101 = arith.constant 0x7FC00000 : f32
    %broadcast_in_dim3A_102 = vector.broadcast %jit3A_101 : f32 to vector<1000x1xf32>
    %select_n3A_103 = arith.select %gt3A_100, %div3A_98, %broadcast_in_dim3A_102 : vector<1000x1xf32>
    %sub3A_104 = vector.broadcast %div3A_80 : vector<1000x1xf32> to vector<1000x64xf32>
    %sub3A_105 = arith.subf %add3A_68, %sub3A_104 : vector<1000x64xf32>
    %add3A_106 = arith.constant 9.99999974E-6 : f32
    %add3A_107 = vector.broadcast %add3A_106 : f32 to vector<1000x1xf32>
    %add3A_108 = arith.addf %select_n3A_103, %add3A_107 : vector<1000x1xf32>
    %sqrt3A_109 = math.sqrt %add3A_108 : vector<1000x1xf32>
    %div3A_110 = vector.broadcast %sqrt3A_109 : vector<1000x1xf32> to vector<1000x64xf32>
    %div3A_111 = arith.divf %sub3A_105, %div3A_110 : vector<1000x64xf32>
    %mul3A_112 = vector.broadcast %get3A_71 : vector<1x64xf32> to vector<1000x64xf32>
    %mul3A_113 = arith.mulf %div3A_111, %mul3A_112 : vector<1000x64xf32>
    %add3A_114 = vector.broadcast %get3A_74 : vector<1x64xf32> to vector<1000x64xf32>
    %add3A_115 = arith.addf %mul3A_113, %add3A_114 : vector<1000x64xf32>
    %max3A_116 = arith.constant 0.000000e+00 : f32
    %max3A_117 = vector.broadcast %max3A_116 : f32 to vector<1000x64xf32>
    %max3A_118 = arith.maximumf %add3A_115, %max3A_117 : vector<1000x64xf32>
    %add3A_119 = arith.addf %get3A_7, %max3A_118 : vector<1000x64xf32>
    %swap3A = arith.constant 0 : index
    %swap3A_120 = arith.constant 0 : index
    %swap3A_121 = vector.load %arg11[%swap3A, %swap3A_120] : memref<1000x64xf32, #tpu.memory_space<vmem>>, vector<1000x64xf32>
    tpu.vector_store %arg11[%swap3A, %swap3A_120], %add3A_119 {strides = array<i32>} : memref<1000x64xf32, #tpu.memory_space<vmem>>, vector<1000x64xf32>,
    return
  }
  func.func @transform_0(%arg0: i32) -> (i32, i32, i32) {
    %c0_i32 = arith.constant 0 : i32
    %c0_i32_0 = arith.constant 0 : i32
    %c0_i32_1 = arith.constant 0 : i32
    return %c0_i32, %arg0, %c0_i32_0 : i32, i32, i32
  }
  func.func @transform_1(%arg0: i32) -> (i32, i32) {
    %c0_i32 = arith.constant 0 : i32
    %c0_i32_0 = arith.constant 0 : i32
    return %arg0, %c0_i32 : i32, i32
  }
  func.func @transform_2(%arg0: i32) -> (i32, i32) {
    %c0_i32 = arith.constant 0 : i32
    %c0_i32_0 = arith.constant 0 : i32
    %c0_i32_1 = arith.constant 0 : i32
    return %c0_i32, %c0_i32_0 : i32, i32
  }
  func.func @transform_3(%arg0: i32) -> (i32, i32) {
    %c0_i32 = arith.constant 0 : i32
    %c0_i32_0 = arith.constant 0 : i32
    %c0_i32_1 = arith.constant 0 : i32
    return %c0_i32, %c0_i32_0 : i32, i32
  }
  func.func @transform_4(%arg0: i32) -> (i32, i32) {
    %c0_i32 = arith.constant 0 : i32
    %c0_i32_0 = arith.constant 0 : i32
    %c0_i32_1 = arith.constant 0 : i32
    return %c0_i32, %c0_i32_0 : i32, i32
  }
  func.func @transform_5(%arg0: i32) -> (i32, i32) {
    %c0_i32 = arith.constant 0 : i32
    %c0_i32_0 = arith.constant 0 : i32
    %c0_i32_1 = arith.constant 0 : i32
    return %c0_i32, %c0_i32_0 : i32, i32
  }
  func.func @transform_6(%arg0: i32) -> (i32, i32) {
    %c0_i32 = arith.constant 0 : i32
    %c0_i32_0 = arith.constant 0 : i32
    %c0_i32_1 = arith.constant 0 : i32
    return %c0_i32, %c0_i32_0 : i32, i32
  }
  func.func @transform_7(%arg0: i32) -> (i32, i32) {
    %c0_i32 = arith.constant 0 : i32
    %c0_i32_0 = arith.constant 0 : i32
    %c0_i32_1 = arith.constant 0 : i32
    return %c0_i32, %c0_i32_0 : i32, i32
  }
  func.func @transform_8(%arg0: i32) -> (i32, i32) {
    %c0_i32 = arith.constant 0 : i32
    %c0_i32_0 = arith.constant 0 : i32
    %c0_i32_1 = arith.constant 0 : i32
    return %c0_i32, %c0_i32_0 : i32, i32
  }
  func.func @transform_9(%arg0: i32) -> (i32, i32) {
    %c0_i32 = arith.constant 0 : i32
    %c0_i32_0 = arith.constant 0 : i32
    %c0_i32_1 = arith.constant 0 : i32
    return %c0_i32, %c0_i32_0 : i32, i32
  }
  func.func @transform_10(%arg0: i32) -> (i32, i32) {
    %c0_i32 = arith.constant 0 : i32
    %c0_i32_0 = arith.constant 0 : i32
    return %arg0, %c0_i32 : i32, i32
  }
}

module attributes {stable_mosaic.version = 14 : i64} {
  func.func @_stage_c1_body(%arg0: i32, %arg1: memref<1000x64xf32, #tpu.memory_space<vmem>>, %arg2: memref<1000x64xf32, #tpu.memory_space<vmem>>, %arg3: memref<1000x64xf32, #tpu.memory_space<vmem>>, %arg4: memref<1000x64xf32, #tpu.memory_space<vmem>>, %arg5: memref<256x256xf32, #tpu.memory_space<vmem>>, %arg6: memref<1x256xf32, #tpu.memory_space<vmem>>, %arg7: memref<256x256xf32, #tpu.memory_space<vmem>>, %arg8: memref<1x256xf32, #tpu.memory_space<vmem>>, %arg9: memref<256x256xf32, #tpu.memory_space<vmem>>, %arg10: memref<1x256xf32, #tpu.memory_space<vmem>>, %arg11: memref<256x1xf32, #tpu.memory_space<vmem>>, %arg12: memref<1x1xf32, #tpu.memory_space<vmem>>, %arg13: memref<1000x256xf32, #tpu.memory_space<vmem>>, %arg14: memref<1000x1xf32, #tpu.memory_space<vmem>>) attributes {dimension_semantics = [#tpu.dimension_semantics<arbitrary>], iteration_bounds = array<i64: 10>, scalar_prefetch = 0 : i64, scratch_operands = 0 : i64, tpu.core_type = #tpu.core_type<tc>, window_params = [{transform_indices = @transform_0, window_bounds = array<i64: 1000, 64>}, {transform_indices = @transform_1, window_bounds = array<i64: 1000, 64>}, {transform_indices = @transform_2, window_bounds = array<i64: 1000, 64>}, {transform_indices = @transform_3, window_bounds = array<i64: 1000, 64>}, {pipeline_mode = #tpu.pipeline_mode<synchronous>, transform_indices = @transform_4, window_bounds = array<i64: 256, 256>}, {pipeline_mode = #tpu.pipeline_mode<synchronous>, transform_indices = @transform_5, window_bounds = array<i64: 1, 256>}, {pipeline_mode = #tpu.pipeline_mode<synchronous>, transform_indices = @transform_6, window_bounds = array<i64: 256, 256>}, {pipeline_mode = #tpu.pipeline_mode<synchronous>, transform_indices = @transform_7, window_bounds = array<i64: 1, 256>}, {pipeline_mode = #tpu.pipeline_mode<synchronous>, transform_indices = @transform_8, window_bounds = array<i64: 256, 256>}, {pipeline_mode = #tpu.pipeline_mode<synchronous>, transform_indices = @transform_9, window_bounds = array<i64: 1, 256>}, {pipeline_mode = #tpu.pipeline_mode<synchronous>, transform_indices = @transform_10, window_bounds = array<i64: 256, 1>}, {pipeline_mode = #tpu.pipeline_mode<synchronous>, transform_indices = @transform_11, window_bounds = array<i64: 1, 1>}, {transform_indices = @transform_12, window_bounds = array<i64: 1000, 256>}, {transform_indices = @transform_13, window_bounds = array<i64: 1000, 1>}]} {
    %get3A = arith.constant 0 : index
    %get3A_0 = arith.constant 0 : index
    %get3A_1 = vector.load %arg1[%get3A, %get3A_0] : memref<1000x64xf32, #tpu.memory_space<vmem>>, vector<1000x64xf32>
    %get3A_2 = arith.constant 0 : index
    %get3A_3 = arith.constant 0 : index
    %get3A_4 = vector.load %arg2[%get3A_2, %get3A_3] : memref<1000x64xf32, #tpu.memory_space<vmem>>, vector<1000x64xf32>
    %get3A_5 = arith.constant 0 : index
    %get3A_6 = arith.constant 0 : index
    %get3A_7 = vector.load %arg3[%get3A_5, %get3A_6] : memref<1000x64xf32, #tpu.memory_space<vmem>>, vector<1000x64xf32>
    %get3A_8 = arith.constant 0 : index
    %get3A_9 = arith.constant 0 : index
    %get3A_10 = vector.load %arg4[%get3A_8, %get3A_9] : memref<1000x64xf32, #tpu.memory_space<vmem>>, vector<1000x64xf32>
    %concatenate3A = tpu.concatenate %get3A_1, %get3A_4, %get3A_7, %get3A_10 in 1 : vector<1000x64xf32>, vector<1000x64xf32>, vector<1000x64xf32>, vector<1000x64xf32> -> vector<1000x256xf32>
    %get3A_11 = arith.constant 0 : index
    %get3A_12 = arith.constant 0 : index
    %get3A_13 = vector.load %arg5[%get3A_11, %get3A_12] : memref<256x256xf32, #tpu.memory_space<vmem>>, vector<256x256xf32>
    %dot_general3A = arith.constant dense<0.000000e+00> : vector<1000x256xf32>
    %dot_general3A_14 = tpu.matmul %concatenate3A, %get3A_13, %dot_general3A {dimension_numbers = #tpu.dot_dimension_numbers<[1], [0], [0], [1], [0, 0, 1, 1], [], []>, transpose_lhs_hint = false} : vector<1000x256xf32>, vector<256x256xf32>, vector<1000x256xf32> -> vector<1000x256xf32>
    %get3A_15 = arith.constant 0 : index
    %get3A_16 = arith.constant 0 : index
    %get3A_17 = vector.load %arg6[%get3A_15, %get3A_16] : memref<1x256xf32, #tpu.memory_space<vmem>>, vector<1x256xf32>
    %add3A = vector.broadcast %get3A_17 : vector<1x256xf32> to vector<1000x256xf32>
    %add3A_18 = arith.addf %dot_general3A_14, %add3A : vector<1000x256xf32>
    %max3A = arith.constant 0.000000e+00 : f32
    %max3A_19 = vector.broadcast %max3A : f32 to vector<1000x256xf32>
    %max3A_20 = arith.maximumf %add3A_18, %max3A_19 : vector<1000x256xf32>
    %get3A_21 = arith.constant 0 : index
    %get3A_22 = arith.constant 0 : index
    %get3A_23 = vector.load %arg7[%get3A_21, %get3A_22] : memref<256x256xf32, #tpu.memory_space<vmem>>, vector<256x256xf32>
    %dot_general3A_24 = arith.constant dense<0.000000e+00> : vector<1000x256xf32>
    %dot_general3A_25 = tpu.matmul %max3A_20, %get3A_23, %dot_general3A_24 {dimension_numbers = #tpu.dot_dimension_numbers<[1], [0], [0], [1], [0, 0, 1, 1], [], []>, transpose_lhs_hint = false} : vector<1000x256xf32>, vector<256x256xf32>, vector<1000x256xf32> -> vector<1000x256xf32>
    %get3A_26 = arith.constant 0 : index
    %get3A_27 = arith.constant 0 : index
    %get3A_28 = vector.load %arg8[%get3A_26, %get3A_27] : memref<1x256xf32, #tpu.memory_space<vmem>>, vector<1x256xf32>
    %add3A_29 = vector.broadcast %get3A_28 : vector<1x256xf32> to vector<1000x256xf32>
    %add3A_30 = arith.addf %dot_general3A_25, %add3A_29 : vector<1000x256xf32>
    %tanh3A = math.tanh %add3A_30 : vector<1000x256xf32>
    %get3A_31 = arith.constant 0 : index
    %get3A_32 = arith.constant 0 : index
    %get3A_33 = vector.load %arg9[%get3A_31, %get3A_32] : memref<256x256xf32, #tpu.memory_space<vmem>>, vector<256x256xf32>
    %dot_general3A_34 = arith.constant dense<0.000000e+00> : vector<1000x256xf32>
    %dot_general3A_35 = tpu.matmul %max3A_20, %get3A_33, %dot_general3A_34 {dimension_numbers = #tpu.dot_dimension_numbers<[1], [0], [0], [1], [0, 0, 1, 1], [], []>, transpose_lhs_hint = false} : vector<1000x256xf32>, vector<256x256xf32>, vector<1000x256xf32> -> vector<1000x256xf32>
    %get3A_36 = arith.constant 0 : index
    %get3A_37 = arith.constant 0 : index
    %get3A_38 = vector.load %arg10[%get3A_36, %get3A_37] : memref<1x256xf32, #tpu.memory_space<vmem>>, vector<1x256xf32>
    %add3A_39 = vector.broadcast %get3A_38 : vector<1x256xf32> to vector<1000x256xf32>
    %add3A_40 = arith.addf %dot_general3A_35, %add3A_39 : vector<1000x256xf32>
    %logistic3A = arith.negf %add3A_40 : vector<1000x256xf32>
    %logistic3A_41 = math.exp %logistic3A : vector<1000x256xf32>
    %logistic3A_42 = arith.constant 1.000000e+00 : f32
    %logistic3A_43 = vector.broadcast %logistic3A_42 : f32 to vector<1000x256xf32>
    %logistic3A_44 = arith.addf %logistic3A_43, %logistic3A_41 : vector<1000x256xf32>
    %logistic3A_45 = arith.divf %logistic3A_43, %logistic3A_44 : vector<1000x256xf32>
    %mul3A = arith.mulf %tanh3A, %logistic3A_45 : vector<1000x256xf32>
    %get3A_46 = arith.constant 0 : index
    %get3A_47 = arith.constant 0 : index
    %get3A_48 = vector.load %arg11[%get3A_46, %get3A_47] : memref<256x1xf32, #tpu.memory_space<vmem>>, vector<256x1xf32>
    %dot_general3A_49 = arith.constant dense<0.000000e+00> : vector<1000x1xf32>
    %dot_general3A_50 = tpu.matmul %mul3A, %get3A_48, %dot_general3A_49 {dimension_numbers = #tpu.dot_dimension_numbers<[1], [0], [0], [1], [0, 0, 1, 1], [], []>, transpose_lhs_hint = false} : vector<1000x256xf32>, vector<256x1xf32>, vector<1000x1xf32> -> vector<1000x1xf32>
    %get3A_51 = arith.constant 0 : index
    %get3A_52 = arith.constant 0 : index
    %get3A_53 = vector.load %arg12[%get3A_51, %get3A_52] : memref<1x1xf32, #tpu.memory_space<vmem>>, vector<1x1xf32>
    %add3A_54 = vector.broadcast %get3A_53 : vector<1x1xf32> to vector<1000x1xf32>
    %add3A_55 = arith.addf %dot_general3A_50, %add3A_54 : vector<1000x1xf32>
    %swap3A = arith.constant 0 : index
    %swap3A_56 = arith.constant 0 : index
    %swap3A_57 = vector.load %arg13[%swap3A, %swap3A_56] : memref<1000x256xf32, #tpu.memory_space<vmem>>, vector<1000x256xf32>
    tpu.vector_store %arg13[%swap3A, %swap3A_56], %max3A_20 {strides = array<i32>} : memref<1000x256xf32, #tpu.memory_space<vmem>>, vector<1000x256xf32>,
    %swap3A_58 = arith.constant 0 : index
    %swap3A_59 = arith.constant 0 : index
    %swap3A_60 = vector.load %arg14[%swap3A_58, %swap3A_59] : memref<1000x1xf32, #tpu.memory_space<vmem>>, vector<1000x1xf32>
    tpu.vector_store %arg14[%swap3A_58, %swap3A_59], %add3A_55 {strides = array<i32>} : memref<1000x1xf32, #tpu.memory_space<vmem>>, vector<1000x1xf32>,
    return
  }
  func.func @transform_0(%arg0: i32) -> (i32, i32) {
    %c0_i32 = arith.constant 0 : i32
    %c0_i32_0 = arith.constant 0 : i32
    return %arg0, %c0_i32 : i32, i32
  }
  func.func @transform_1(%arg0: i32) -> (i32, i32) {
    %c0_i32 = arith.constant 0 : i32
    %c0_i32_0 = arith.constant 0 : i32
    return %arg0, %c0_i32 : i32, i32
  }
  func.func @transform_2(%arg0: i32) -> (i32, i32) {
    %c0_i32 = arith.constant 0 : i32
    %c0_i32_0 = arith.constant 0 : i32
    return %arg0, %c0_i32 : i32, i32
  }
  func.func @transform_3(%arg0: i32) -> (i32, i32) {
    %c0_i32 = arith.constant 0 : i32
    %c0_i32_0 = arith.constant 0 : i32
    return %arg0, %c0_i32 : i32, i32
  }
  func.func @transform_4(%arg0: i32) -> (i32, i32) {
    %c0_i32 = arith.constant 0 : i32
    %c0_i32_0 = arith.constant 0 : i32
    %c0_i32_1 = arith.constant 0 : i32
    return %c0_i32, %c0_i32_0 : i32, i32
  }
  func.func @transform_5(%arg0: i32) -> (i32, i32) {
    %c0_i32 = arith.constant 0 : i32
    %c0_i32_0 = arith.constant 0 : i32
    %c0_i32_1 = arith.constant 0 : i32
    return %c0_i32, %c0_i32_0 : i32, i32
  }
  func.func @transform_6(%arg0: i32) -> (i32, i32) {
    %c0_i32 = arith.constant 0 : i32
    %c0_i32_0 = arith.constant 0 : i32
    %c0_i32_1 = arith.constant 0 : i32
    return %c0_i32, %c0_i32_0 : i32, i32
  }
  func.func @transform_7(%arg0: i32) -> (i32, i32) {
    %c0_i32 = arith.constant 0 : i32
    %c0_i32_0 = arith.constant 0 : i32
    %c0_i32_1 = arith.constant 0 : i32
    return %c0_i32, %c0_i32_0 : i32, i32
  }
  func.func @transform_8(%arg0: i32) -> (i32, i32) {
    %c0_i32 = arith.constant 0 : i32
    %c0_i32_0 = arith.constant 0 : i32
    %c0_i32_1 = arith.constant 0 : i32
    return %c0_i32, %c0_i32_0 : i32, i32
  }
  func.func @transform_9(%arg0: i32) -> (i32, i32) {
    %c0_i32 = arith.constant 0 : i32
    %c0_i32_0 = arith.constant 0 : i32
    %c0_i32_1 = arith.constant 0 : i32
    return %c0_i32, %c0_i32_0 : i32, i32
  }
  func.func @transform_10(%arg0: i32) -> (i32, i32) {
    %c0_i32 = arith.constant 0 : i32
    %c0_i32_0 = arith.constant 0 : i32
    %c0_i32_1 = arith.constant 0 : i32
    return %c0_i32, %c0_i32_0 : i32, i32
  }
  func.func @transform_11(%arg0: i32) -> (i32, i32) {
    %c0_i32 = arith.constant 0 : i32
    %c0_i32_0 = arith.constant 0 : i32
    %c0_i32_1 = arith.constant 0 : i32
    return %c0_i32, %c0_i32_0 : i32, i32
  }
  func.func @transform_12(%arg0: i32) -> (i32, i32) {
    %c0_i32 = arith.constant 0 : i32
    %c0_i32_0 = arith.constant 0 : i32
    return %arg0, %c0_i32 : i32, i32
  }
  func.func @transform_13(%arg0: i32) -> (i32, i32) {
    %c0_i32 = arith.constant 0 : i32
    %c0_i32_0 = arith.constant 0 : i32
    return %arg0, %c0_i32 : i32, i32
  }
}

module attributes {stable_mosaic.version = 14 : i64} {
  func.func @_stage_c2_body(%arg0: i32, %arg1: memref<10000x1xf32, #tpu.memory_space<vmem>>, %arg2: memref<10000x1xi32, #tpu.memory_space<vmem>>, %arg3: memref<10000x256xf32, #tpu.memory_space<vmem>>, %arg4: memref<256x256xf32, #tpu.memory_space<vmem>>, %arg5: memref<1x256xf32, #tpu.memory_space<vmem>>, %arg6: memref<256x1xf32, #tpu.memory_space<vmem>>, %arg7: memref<1x1xf32, #tpu.memory_space<vmem>>, %arg8: memref<4x1xf32, #tpu.memory_space<vmem>>) attributes {dimension_semantics = [#tpu.dimension_semantics<arbitrary>], iteration_bounds = array<i64: 1>, scalar_prefetch = 0 : i64, scratch_operands = 0 : i64, tpu.core_type = #tpu.core_type<tc>, window_params = [{pipeline_mode = #tpu.pipeline_mode<synchronous>, transform_indices = @transform_0, window_bounds = array<i64: 10000, 1>}, {pipeline_mode = #tpu.pipeline_mode<synchronous>, transform_indices = @transform_1, window_bounds = array<i64: 10000, 1>}, {pipeline_mode = #tpu.pipeline_mode<synchronous>, transform_indices = @transform_2, window_bounds = array<i64: 10000, 256>}, {pipeline_mode = #tpu.pipeline_mode<synchronous>, transform_indices = @transform_3, window_bounds = array<i64: 256, 256>}, {pipeline_mode = #tpu.pipeline_mode<synchronous>, transform_indices = @transform_4, window_bounds = array<i64: 1, 256>}, {pipeline_mode = #tpu.pipeline_mode<synchronous>, transform_indices = @transform_5, window_bounds = array<i64: 256, 1>}, {pipeline_mode = #tpu.pipeline_mode<synchronous>, transform_indices = @transform_6, window_bounds = array<i64: 1, 1>}, {pipeline_mode = #tpu.pipeline_mode<synchronous>, transform_indices = @transform_7, window_bounds = array<i64: 4, 1>}]} {
    %get3A = arith.constant 0 : index
    %get3A_0 = arith.constant 0 : index
    %get3A_1 = vector.load %arg1[%get3A, %get3A_0] : memref<10000x1xf32, #tpu.memory_space<vmem>>, vector<10000x1xf32>
    %get3A_2 = arith.constant 0 : index
    %get3A_3 = arith.constant 0 : index
    %get3A_4 = vector.load %arg2[%get3A_2, %get3A_3] : memref<10000x1xi32, #tpu.memory_space<vmem>>, vector<10000x1xi32>
    %get3A_5 = arith.constant 0 : index
    %get3A_6 = arith.constant 0 : index
    %get3A_7 = vector.load %arg3[%get3A_5, %get3A_6] : memref<10000x256xf32, #tpu.memory_space<vmem>>, vector<10000x256xf32>
    %eq3A = arith.constant 0 : i32
    %eq3A_8 = vector.broadcast %eq3A : i32 to vector<10000x1xi32>
    %eq3A_9 = arith.cmpi eq, %get3A_4, %eq3A_8 : vector<10000x1xi32>
    %jit3A = arith.constant 0xFF800000 : f32
    %broadcast_in_dim3A = vector.broadcast %jit3A : f32 to vector<10000x1xf32>
    %select_n3A = arith.select %eq3A_9, %get3A_1, %broadcast_in_dim3A : vector<10000x1xi1>, vector<10000x1xf32>
    %reduce_max3A = vector.shape_cast %select_n3A : vector<10000x1xf32> to vector<1x10000x1xf32>
    %reduce_max3A_10 = arith.constant dense<0xFF800000> : vector<1xf32>
    %reduce_max3A_11 = vector.multi_reduction <maximumf>, %reduce_max3A, %reduce_max3A_10 [1, 2] : vector<1x10000x1xf32> to vector<1xf32>
    %reduce_max3A_12 = vector.shape_cast %reduce_max3A_11 : vector<1xf32> to vector<1x1x1xf32>
    %reduce_max3A_13 = vector.extract %reduce_max3A_12[0, 0, 0] : f32 from vector<1x1x1xf32>
    %is_finite3A = tpu.weird %reduce_max3A_13 : f32 -> i1
    %is_finite3A_14 = arith.constant true
    %is_finite3A_15 = arith.xori %is_finite3A, %is_finite3A_14 : i1
    %jit3A_16 = arith.constant 0.000000e+00 : f32
    %select_n3A_17 = arith.select %is_finite3A_15, %reduce_max3A_13, %jit3A_16 : f32
    %eq3A_18 = arith.constant 1 : i32
    %eq3A_19 = vector.broadcast %eq3A_18 : i32 to vector<10000x1xi32>
    %eq3A_20 = arith.cmpi eq, %get3A_4, %eq3A_19 : vector<10000x1xi32>
    %jit3A_21 = arith.constant 0xFF800000 : f32
    %broadcast_in_dim3A_22 = vector.broadcast %jit3A_21 : f32 to vector<10000x1xf32>
    %select_n3A_23 = arith.select %eq3A_20, %get3A_1, %broadcast_in_dim3A_22 : vector<10000x1xi1>, vector<10000x1xf32>
    %reduce_max3A_24 = vector.shape_cast %select_n3A_23 : vector<10000x1xf32> to vector<1x10000x1xf32>
    %reduce_max3A_25 = arith.constant dense<0xFF800000> : vector<1xf32>
    %reduce_max3A_26 = vector.multi_reduction <maximumf>, %reduce_max3A_24, %reduce_max3A_25 [1, 2] : vector<1x10000x1xf32> to vector<1xf32>
    %reduce_max3A_27 = vector.shape_cast %reduce_max3A_26 : vector<1xf32> to vector<1x1x1xf32>
    %reduce_max3A_28 = vector.extract %reduce_max3A_27[0, 0, 0] : f32 from vector<1x1x1xf32>
    %is_finite3A_29 = tpu.weird %reduce_max3A_28 : f32 -> i1
    %is_finite3A_30 = arith.constant true
    %is_finite3A_31 = arith.xori %is_finite3A_29, %is_finite3A_30 : i1
    %jit3A_32 = arith.constant 0.000000e+00 : f32
    %select_n3A_33 = arith.select %is_finite3A_31, %reduce_max3A_28, %jit3A_32 : f32
    %eq3A_34 = arith.constant 2 : i32
    %eq3A_35 = vector.broadcast %eq3A_34 : i32 to vector<10000x1xi32>
    %eq3A_36 = arith.cmpi eq, %get3A_4, %eq3A_35 : vector<10000x1xi32>
    %jit3A_37 = arith.constant 0xFF800000 : f32
    %broadcast_in_dim3A_38 = vector.broadcast %jit3A_37 : f32 to vector<10000x1xf32>
    %select_n3A_39 = arith.select %eq3A_36, %get3A_1, %broadcast_in_dim3A_38 : vector<10000x1xi1>, vector<10000x1xf32>
    %reduce_max3A_40 = vector.shape_cast %select_n3A_39 : vector<10000x1xf32> to vector<1x10000x1xf32>
    %reduce_max3A_41 = arith.constant dense<0xFF800000> : vector<1xf32>
    %reduce_max3A_42 = vector.multi_reduction <maximumf>, %reduce_max3A_40, %reduce_max3A_41 [1, 2] : vector<1x10000x1xf32> to vector<1xf32>
    %reduce_max3A_43 = vector.shape_cast %reduce_max3A_42 : vector<1xf32> to vector<1x1x1xf32>
    %reduce_max3A_44 = vector.extract %reduce_max3A_43[0, 0, 0] : f32 from vector<1x1x1xf32>
    %is_finite3A_45 = tpu.weird %reduce_max3A_44 : f32 -> i1
    %is_finite3A_46 = arith.constant true
    %is_finite3A_47 = arith.xori %is_finite3A_45, %is_finite3A_46 : i1
    %jit3A_48 = arith.constant 0.000000e+00 : f32
    %select_n3A_49 = arith.select %is_finite3A_47, %reduce_max3A_44, %jit3A_48 : f32
    %eq3A_50 = arith.constant 3 : i32
    %eq3A_51 = vector.broadcast %eq3A_50 : i32 to vector<10000x1xi32>
    %eq3A_52 = arith.cmpi eq, %get3A_4, %eq3A_51 : vector<10000x1xi32>
    %jit3A_53 = arith.constant 0xFF800000 : f32
    %broadcast_in_dim3A_54 = vector.broadcast %jit3A_53 : f32 to vector<10000x1xf32>
    %select_n3A_55 = arith.select %eq3A_52, %get3A_1, %broadcast_in_dim3A_54 : vector<10000x1xi1>, vector<10000x1xf32>
    %reduce_max3A_56 = vector.shape_cast %select_n3A_55 : vector<10000x1xf32> to vector<1x10000x1xf32>
    %reduce_max3A_57 = arith.constant dense<0xFF800000> : vector<1xf32>
    %reduce_max3A_58 = vector.multi_reduction <maximumf>, %reduce_max3A_56, %reduce_max3A_57 [1, 2] : vector<1x10000x1xf32> to vector<1xf32>
    %reduce_max3A_59 = vector.shape_cast %reduce_max3A_58 : vector<1xf32> to vector<1x1x1xf32>
    %reduce_max3A_60 = vector.extract %reduce_max3A_59[0, 0, 0] : f32 from vector<1x1x1xf32>
    %is_finite3A_61 = tpu.weird %reduce_max3A_60 : f32 -> i1
    %is_finite3A_62 = arith.constant true
    %is_finite3A_63 = arith.xori %is_finite3A_61, %is_finite3A_62 : i1
    %jit3A_64 = arith.constant 0.000000e+00 : f32
    %select_n3A_65 = arith.select %is_finite3A_63, %reduce_max3A_60, %jit3A_64 : f32
    %broadcast_in_dim3A_66 = arith.constant 0.000000e+00 : f32
    %broadcast_in_dim3A_67 = vector.broadcast %broadcast_in_dim3A_66 : f32 to vector<10000x1xf32>
    %eq3A_68 = arith.constant 0 : i32
    %eq3A_69 = vector.broadcast %eq3A_68 : i32 to vector<10000x1xi32>
    %eq3A_70 = arith.cmpi eq, %get3A_4, %eq3A_69 : vector<10000x1xi32>
    %broadcast_in_dim3A_71 = vector.broadcast %select_n3A_17 : f32 to vector<10000x1xf32>
    %select_n3A_72 = arith.select %eq3A_70, %broadcast_in_dim3A_71, %broadcast_in_dim3A_67 : vector<10000x1xi1>, vector<10000x1xf32>
    %eq3A_73 = arith.constant 1 : i32
    %eq3A_74 = vector.broadcast %eq3A_73 : i32 to vector<10000x1xi32>
    %eq3A_75 = arith.cmpi eq, %get3A_4, %eq3A_74 : vector<10000x1xi32>
    %broadcast_in_dim3A_76 = vector.broadcast %select_n3A_33 : f32 to vector<10000x1xf32>
    %select_n3A_77 = arith.select %eq3A_75, %broadcast_in_dim3A_76, %select_n3A_72 : vector<10000x1xi1>, vector<10000x1xf32>
    %eq3A_78 = arith.constant 2 : i32
    %eq3A_79 = vector.broadcast %eq3A_78 : i32 to vector<10000x1xi32>
    %eq3A_80 = arith.cmpi eq, %get3A_4, %eq3A_79 : vector<10000x1xi32>
    %broadcast_in_dim3A_81 = vector.broadcast %select_n3A_49 : f32 to vector<10000x1xf32>
    %select_n3A_82 = arith.select %eq3A_80, %broadcast_in_dim3A_81, %select_n3A_77 : vector<10000x1xi1>, vector<10000x1xf32>
    %eq3A_83 = arith.constant 3 : i32
    %eq3A_84 = vector.broadcast %eq3A_83 : i32 to vector<10000x1xi32>
    %eq3A_85 = arith.cmpi eq, %get3A_4, %eq3A_84 : vector<10000x1xi32>
    %broadcast_in_dim3A_86 = vector.broadcast %select_n3A_65 : f32 to vector<10000x1xf32>
    %select_n3A_87 = arith.select %eq3A_85, %broadcast_in_dim3A_86, %select_n3A_82 : vector<10000x1xi1>, vector<10000x1xf32>
    %sub3A = arith.subf %get3A_1, %select_n3A_87 : vector<10000x1xf32>
    %exp3A = math.exp %sub3A : vector<10000x1xf32>
    %eq3A_88 = arith.constant 0 : i32
    %eq3A_89 = vector.broadcast %eq3A_88 : i32 to vector<10000x1xi32>
    %eq3A_90 = arith.cmpi eq, %get3A_4, %eq3A_89 : vector<10000x1xi32>
    %jit3A_91 = arith.constant 0.000000e+00 : f32
    %broadcast_in_dim3A_92 = vector.broadcast %jit3A_91 : f32 to vector<10000x1xf32>
    %select_n3A_93 = arith.select %eq3A_90, %exp3A, %broadcast_in_dim3A_92 : vector<10000x1xi1>, vector<10000x1xf32>
    %reduce_sum3A = vector.shape_cast %select_n3A_93 : vector<10000x1xf32> to vector<1x10000x1xf32>
    %reduce_sum3A_94 = arith.constant dense<0.000000e+00> : vector<1xf32>
    %reduce_sum3A_95 = vector.multi_reduction <add>, %reduce_sum3A, %reduce_sum3A_94 [1, 2] : vector<1x10000x1xf32> to vector<1xf32>
    %reduce_sum3A_96 = vector.shape_cast %reduce_sum3A_95 : vector<1xf32> to vector<1x1x1xf32>
    %reduce_sum3A_97 = vector.extract %reduce_sum3A_96[0, 0, 0] : f32 from vector<1x1x1xf32>
    %mul3A = vector.broadcast %select_n3A_93 : vector<10000x1xf32> to vector<10000x256xf32>
    %mul3A_98 = arith.mulf %get3A_7, %mul3A : vector<10000x256xf32>
    %reduce_sum3A_99 = arith.constant dense<0.000000e+00> : vector<256xf32>
    %reduce_sum3A_100 = vector.multi_reduction <add>, %mul3A_98, %reduce_sum3A_99 [0] : vector<10000x256xf32> to vector<256xf32>
    %broadcast_in_dim3A_101 = vector.shape_cast %reduce_sum3A_100 : vector<256xf32> to vector<1x256xf32>
    %add3A = arith.constant 1.000000e-16 : f32
    %add3A_102 = arith.addf %reduce_sum3A_97, %add3A : f32
    %div3A = vector.broadcast %add3A_102 : f32 to vector<1x256xf32>
    %div3A_103 = arith.divf %broadcast_in_dim3A_101, %div3A : vector<1x256xf32>
    %eq3A_104 = arith.constant 1 : i32
    %eq3A_105 = vector.broadcast %eq3A_104 : i32 to vector<10000x1xi32>
    %eq3A_106 = arith.cmpi eq, %get3A_4, %eq3A_105 : vector<10000x1xi32>
    %jit3A_107 = arith.constant 0.000000e+00 : f32
    %broadcast_in_dim3A_108 = vector.broadcast %jit3A_107 : f32 to vector<10000x1xf32>
    %select_n3A_109 = arith.select %eq3A_106, %exp3A, %broadcast_in_dim3A_108 : vector<10000x1xi1>, vector<10000x1xf32>
    %reduce_sum3A_110 = vector.shape_cast %select_n3A_109 : vector<10000x1xf32> to vector<1x10000x1xf32>
    %reduce_sum3A_111 = arith.constant dense<0.000000e+00> : vector<1xf32>
    %reduce_sum3A_112 = vector.multi_reduction <add>, %reduce_sum3A_110, %reduce_sum3A_111 [1, 2] : vector<1x10000x1xf32> to vector<1xf32>
    %reduce_sum3A_113 = vector.shape_cast %reduce_sum3A_112 : vector<1xf32> to vector<1x1x1xf32>
    %reduce_sum3A_114 = vector.extract %reduce_sum3A_113[0, 0, 0] : f32 from vector<1x1x1xf32>
    %mul3A_115 = vector.broadcast %select_n3A_109 : vector<10000x1xf32> to vector<10000x256xf32>
    %mul3A_116 = arith.mulf %get3A_7, %mul3A_115 : vector<10000x256xf32>
    %reduce_sum3A_117 = arith.constant dense<0.000000e+00> : vector<256xf32>
    %reduce_sum3A_118 = vector.multi_reduction <add>, %mul3A_116, %reduce_sum3A_117 [0] : vector<10000x256xf32> to vector<256xf32>
    %broadcast_in_dim3A_119 = vector.shape_cast %reduce_sum3A_118 : vector<256xf32> to vector<1x256xf32>
    %add3A_120 = arith.constant 1.000000e-16 : f32
    %add3A_121 = arith.addf %reduce_sum3A_114, %add3A_120 : f32
    %div3A_122 = vector.broadcast %add3A_121 : f32 to vector<1x256xf32>
    %div3A_123 = arith.divf %broadcast_in_dim3A_119, %div3A_122 : vector<1x256xf32>
    %eq3A_124 = arith.constant 2 : i32
    %eq3A_125 = vector.broadcast %eq3A_124 : i32 to vector<10000x1xi32>
    %eq3A_126 = arith.cmpi eq, %get3A_4, %eq3A_125 : vector<10000x1xi32>
    %jit3A_127 = arith.constant 0.000000e+00 : f32
    %broadcast_in_dim3A_128 = vector.broadcast %jit3A_127 : f32 to vector<10000x1xf32>
    %select_n3A_129 = arith.select %eq3A_126, %exp3A, %broadcast_in_dim3A_128 : vector<10000x1xi1>, vector<10000x1xf32>
    %reduce_sum3A_130 = vector.shape_cast %select_n3A_129 : vector<10000x1xf32> to vector<1x10000x1xf32>
    %reduce_sum3A_131 = arith.constant dense<0.000000e+00> : vector<1xf32>
    %reduce_sum3A_132 = vector.multi_reduction <add>, %reduce_sum3A_130, %reduce_sum3A_131 [1, 2] : vector<1x10000x1xf32> to vector<1xf32>
    %reduce_sum3A_133 = vector.shape_cast %reduce_sum3A_132 : vector<1xf32> to vector<1x1x1xf32>
    %reduce_sum3A_134 = vector.extract %reduce_sum3A_133[0, 0, 0] : f32 from vector<1x1x1xf32>
    %mul3A_135 = vector.broadcast %select_n3A_129 : vector<10000x1xf32> to vector<10000x256xf32>
    %mul3A_136 = arith.mulf %get3A_7, %mul3A_135 : vector<10000x256xf32>
    %reduce_sum3A_137 = arith.constant dense<0.000000e+00> : vector<256xf32>
    %reduce_sum3A_138 = vector.multi_reduction <add>, %mul3A_136, %reduce_sum3A_137 [0] : vector<10000x256xf32> to vector<256xf32>
    %broadcast_in_dim3A_139 = vector.shape_cast %reduce_sum3A_138 : vector<256xf32> to vector<1x256xf32>
    %add3A_140 = arith.constant 1.000000e-16 : f32
    %add3A_141 = arith.addf %reduce_sum3A_134, %add3A_140 : f32
    %div3A_142 = vector.broadcast %add3A_141 : f32 to vector<1x256xf32>
    %div3A_143 = arith.divf %broadcast_in_dim3A_139, %div3A_142 : vector<1x256xf32>
    %eq3A_144 = arith.constant 3 : i32
    %eq3A_145 = vector.broadcast %eq3A_144 : i32 to vector<10000x1xi32>
    %eq3A_146 = arith.cmpi eq, %get3A_4, %eq3A_145 : vector<10000x1xi32>
    %jit3A_147 = arith.constant 0.000000e+00 : f32
    %broadcast_in_dim3A_148 = vector.broadcast %jit3A_147 : f32 to vector<10000x1xf32>
    %select_n3A_149 = arith.select %eq3A_146, %exp3A, %broadcast_in_dim3A_148 : vector<10000x1xi1>, vector<10000x1xf32>
    %reduce_sum3A_150 = vector.shape_cast %select_n3A_149 : vector<10000x1xf32> to vector<1x10000x1xf32>
    %reduce_sum3A_151 = arith.constant dense<0.000000e+00> : vector<1xf32>
    %reduce_sum3A_152 = vector.multi_reduction <add>, %reduce_sum3A_150, %reduce_sum3A_151 [1, 2] : vector<1x10000x1xf32> to vector<1xf32>
    %reduce_sum3A_153 = vector.shape_cast %reduce_sum3A_152 : vector<1xf32> to vector<1x1x1xf32>
    %reduce_sum3A_154 = vector.extract %reduce_sum3A_153[0, 0, 0] : f32 from vector<1x1x1xf32>
    %mul3A_155 = vector.broadcast %select_n3A_149 : vector<10000x1xf32> to vector<10000x256xf32>
    %mul3A_156 = arith.mulf %get3A_7, %mul3A_155 : vector<10000x256xf32>
    %reduce_sum3A_157 = arith.constant dense<0.000000e+00> : vector<256xf32>
    %reduce_sum3A_158 = vector.multi_reduction <add>, %mul3A_156, %reduce_sum3A_157 [0] : vector<10000x256xf32> to vector<256xf32>
    %broadcast_in_dim3A_159 = vector.shape_cast %reduce_sum3A_158 : vector<256xf32> to vector<1x256xf32>
    %add3A_160 = arith.constant 1.000000e-16 : f32
    %add3A_161 = arith.addf %reduce_sum3A_154, %add3A_160 : f32
    %div3A_162 = vector.broadcast %add3A_161 : f32 to vector<1x256xf32>
    %div3A_163 = arith.divf %broadcast_in_dim3A_159, %div3A_162 : vector<1x256xf32>
    %concatenate3A = tpu.concatenate %div3A_103, %div3A_123, %div3A_143, %div3A_163 in 0 : vector<1x256xf32>, vector<1x256xf32>, vector<1x256xf32>, vector<1x256xf32> -> vector<4x256xf32>
    %get3A_164 = arith.constant 0 : index
    %get3A_165 = arith.constant 0 : index
    %get3A_166 = vector.load %arg4[%get3A_164, %get3A_165] : memref<256x256xf32, #tpu.memory_space<vmem>>, vector<256x256xf32>
    %dot_general3A = arith.constant dense<0.000000e+00> : vector<4x256xf32>
    %dot_general3A_167 = tpu.matmul %concatenate3A, %get3A_166, %dot_general3A {dimension_numbers = #tpu.dot_dimension_numbers<[1], [0], [0], [1], [0, 0, 1, 1], [], []>, transpose_lhs_hint = false} : vector<4x256xf32>, vector<256x256xf32>, vector<4x256xf32> -> vector<4x256xf32>
    %get3A_168 = arith.constant 0 : index
    %get3A_169 = arith.constant 0 : index
    %get3A_170 = vector.load %arg5[%get3A_168, %get3A_169] : memref<1x256xf32, #tpu.memory_space<vmem>>, vector<1x256xf32>
    %add3A_171 = vector.broadcast %get3A_170 : vector<1x256xf32> to vector<4x256xf32>
    %add3A_172 = arith.addf %dot_general3A_167, %add3A_171 : vector<4x256xf32>
    %max3A = arith.constant 0.000000e+00 : f32
    %max3A_173 = vector.broadcast %max3A : f32 to vector<4x256xf32>
    %max3A_174 = arith.maximumf %add3A_172, %max3A_173 : vector<4x256xf32>
    %get3A_175 = arith.constant 0 : index
    %get3A_176 = arith.constant 0 : index
    %get3A_177 = vector.load %arg6[%get3A_175, %get3A_176] : memref<256x1xf32, #tpu.memory_space<vmem>>, vector<256x1xf32>
    %dot_general3A_178 = arith.constant dense<0.000000e+00> : vector<4x1xf32>
    %dot_general3A_179 = tpu.matmul %max3A_174, %get3A_177, %dot_general3A_178 {dimension_numbers = #tpu.dot_dimension_numbers<[1], [0], [0], [1], [0, 0, 1, 1], [], []>, transpose_lhs_hint = false} : vector<4x256xf32>, vector<256x1xf32>, vector<4x1xf32> -> vector<4x1xf32>
    %get3A_180 = arith.constant 0 : index
    %get3A_181 = arith.constant 0 : index
    %get3A_182 = vector.load %arg7[%get3A_180, %get3A_181] : memref<1x1xf32, #tpu.memory_space<vmem>>, vector<1x1xf32>
    %add3A_183 = vector.broadcast %get3A_182 : vector<1x1xf32> to vector<4x1xf32>
    %add3A_184 = arith.addf %dot_general3A_179, %add3A_183 : vector<4x1xf32>
    %swap3A = arith.constant 0 : index
    %swap3A_185 = arith.constant 0 : index
    %swap3A_186 = vector.load %arg8[%swap3A, %swap3A_185] : memref<4x1xf32, #tpu.memory_space<vmem>>, vector<4x1xf32>
    tpu.vector_store %arg8[%swap3A, %swap3A_185], %add3A_184 {strides = array<i32>} : memref<4x1xf32, #tpu.memory_space<vmem>>, vector<4x1xf32>,
    return
  }
  func.func @transform_0(%arg0: i32) -> (i32, i32) {
    %c0_i32 = arith.constant 0 : i32
    %c0_i32_0 = arith.constant 0 : i32
    %c0_i32_1 = arith.constant 0 : i32
    return %c0_i32, %c0_i32_0 : i32, i32
  }
  func.func @transform_1(%arg0: i32) -> (i32, i32) {
    %c0_i32 = arith.constant 0 : i32
    %c0_i32_0 = arith.constant 0 : i32
    %c0_i32_1 = arith.constant 0 : i32
    return %c0_i32, %c0_i32_0 : i32, i32
  }
  func.func @transform_2(%arg0: i32) -> (i32, i32) {
    %c0_i32 = arith.constant 0 : i32
    %c0_i32_0 = arith.constant 0 : i32
    %c0_i32_1 = arith.constant 0 : i32
    return %c0_i32, %c0_i32_0 : i32, i32
  }
  func.func @transform_3(%arg0: i32) -> (i32, i32) {
    %c0_i32 = arith.constant 0 : i32
    %c0_i32_0 = arith.constant 0 : i32
    %c0_i32_1 = arith.constant 0 : i32
    return %c0_i32, %c0_i32_0 : i32, i32
  }
  func.func @transform_4(%arg0: i32) -> (i32, i32) {
    %c0_i32 = arith.constant 0 : i32
    %c0_i32_0 = arith.constant 0 : i32
    %c0_i32_1 = arith.constant 0 : i32
    return %c0_i32, %c0_i32_0 : i32, i32
  }
  func.func @transform_5(%arg0: i32) -> (i32, i32) {
    %c0_i32 = arith.constant 0 : i32
    %c0_i32_0 = arith.constant 0 : i32
    %c0_i32_1 = arith.constant 0 : i32
    return %c0_i32, %c0_i32_0 : i32, i32
  }
  func.func @transform_6(%arg0: i32) -> (i32, i32) {
    %c0_i32 = arith.constant 0 : i32
    %c0_i32_0 = arith.constant 0 : i32
    %c0_i32_1 = arith.constant 0 : i32
    return %c0_i32, %c0_i32_0 : i32, i32
  }
  func.func @transform_7(%arg0: i32) -> (i32, i32) {
    %c0_i32 = arith.constant 0 : i32
    %c0_i32_0 = arith.constant 0 : i32
    %c0_i32_1 = arith.constant 0 : i32
    return %c0_i32, %c0_i32_0 : i32, i32
  }
}

</mosaic_0001>

<sc_bundles>
// kernel: kernel.11.cloned.1.call-start
scs
__scs_entry_jumppad:
0x0: {  	(pc) =	sbr.rel $0x88, $3  }
0x1: {  	(tag) =	ssettag $0x0;
	lr =	simm.s32 $0x1  }
0x2: {  	[smem:$0x3F77] =	sst lr;
	_ =	strace $0xD0000000  }
0x3: {  	_ = 	snop  }
0x4: {  	_ = 	snop  }
0x5: {  	_ = 	snop  }
0x6: {  	_ = 	snop  }
0x7: {  	_ = 	snop  }
__scs_overlays_trampoline_lowered:
0x8: {  	[smem:$0x3F86] =	sst s0  }
0x9: {  	[smem:$0x3F87] =	sst s1  }
0xa: {  	[smem:$0x3F88] =	sst s2  }
0xb: {  	[smem:$0x3F89] =	sst s3  }
0xc: {  	[smem:$0x3F8A] =	sst s4  }
0xd: {  	[smem:$0x3F8B] =	sst s5  }
0xe: {  	[smem:$0x3F8C] =	sst s6  }
0xf: {  	[smem:$0x3F8D] =	sst s7  }
0x10: {  	[smem:$0x3F8E] =	sst s8  }
0x11: {  	[smem:$0x3F8F] =	sst s9;
	s0 =	simm.s32 @!p0 $0x0  }
0x12: {  	s1 =	sld [smem:$0x3F75];
	s0 =	simm.s32 @p0 $0x1  }
0x13: {  	[smem:$0x3F90] =	sst s0;
	s0 =	simm.s32 @!p1 $0x0  }
0x14: {  	s2 =	sld [smem:$0x3F74];
	s0 =	simm.s32 @p1 $0x1  }
0x15: {  	[smem:$0x3F91] =	sst s0;
	s0 =	simm.s32 @!p2 $0x0  }
0x16: {  	s3 =	sld [smem:$0x3FDB];
	s0 =	simm.s32 @p2 $0x1  }
0x17: {  	s4 =	simm.s32 $0x1BF5;
	[smem:$0x3F93] =	sst s0  }
0x18: {  	s0 =	sld [smem:$0x3F76];
	_ =	swait.ge [sflag:s4], $0x0  }
0x19: {  	s7 =	sld [smem:$0x3F77]  }
0x1a: {  	s8 =	sadd.s32 $0xFFFFE003, lr  }
0x1b: {  	s9 =	sadd.s32 $0xFFFFFEF7, lr;
	s5 =	simm.s32 $0xFFFFFFFF;
	p2 =	slt.u32 s8, $0xFFFFF086  }
0x1c: {  	p1 =	slt.u32 s9, $0xF7A;
	s5 =	simm.s32 @!p2 $0x0  }
0x1d: {  	s5 =	simm.s32 @p1 $0x1;
	p0 =	seq.s32 s7, s2  }
0x1e: {  	s7 =	smul.u32 @!p0 $0xF7A, s2;
	p2 =	seq.s32 @!p0 s5, $0x0  }
0x1f: {  	s9 =	smul.u32 $0xF7A, s1;
	s8 =	simm.s32 @!p0 $0x1BF5;
	p2 =	por !p2, p0  }
0x20: {  	[sflag:s8] =	ssyncset.s32 @!p0 $0xFFFFF086;
	s6 =	sadd.s32 @!p0 s3, s7;
	s7 =	simm.s32 @!p0 $0x108  }
0x21: {  	s3 =	sadd.s32 s3, s9;
	s6 =	sadd.s32 @!p0 $0x88, s6;
	s7 =	simm.s32 @p2 $0x1082  }
0x22: {  	[simem:s7], [sflag:s8] =	dma.local @!p0 [hbm:s6], $0xF7A  }
0x23: {  	s9 =	sor.u32 $0xD0000000, s2;
	s6 =	simm.s32 $0x108;
	_ =	swait.ge @!p0 [sflag:s8], $0x0  }
0x24: {  	s3 =	sadd.s32 $0x88, s3;
	s6 =	simm.s32 @!p1 $0x1082;
	[sflag:s4] =	ssyncset.s32 $0xFFFFF086  }
0x25: {  	[simem:s6], [sflag:s4] =	dma.local [hbm:s3], $0xF7A  }
0x26: {  	[smem:$0x3F77] =	sst s1;
	(tag) =	ssettag s2;
	_ =	strace s9  }
0x27: {  	s1 =	sld [smem:$0x3F87]  }
0x28: {  	s2 =	sld [smem:$0x3F88]  }
0x29: {  	s4 =	sld [smem:$0x3F8A]  }
0x2a: {  	p0 =	seq.s32 s5, $0x0;
	s5 =	sld [smem:$0x3F8B]  }
0x2b: {  	s6 =	sld [smem:$0x3F8C]  }
0x2c: {  	s7 =	sld [smem:$0x3F8D]  }
0x2d: {  	s3 =	simm.s32 $0x108;
	s8 =	sld [smem:$0x3F8E]  }
0x2e: {  	s3 =	simm.s32 @!p0 $0x1082;
	s9 =	sld [smem:$0x3F8F]  }
0x2f: {  	lr =	sadd.s32 s0, s3;
	s0 =	sld [smem:$0x3F86]  }
0x30: {  	s3 =	sld [smem:$0x3F89]  }
0x31: {  	[smem:$0x3F92] =	sst s10  }
0x32: {  	s10 =	sld [smem:$0x3F90];
	_ =	sdelay $0x3  }
0x33: {  	p0 =	seq.s32 s10, $0x1;
	s10 =	sld [smem:$0x3F92];
	_ =	sdelay $0x3  }
0x34: {  	[smem:$0x3F92] =	sst s10  }
0x35: {  	s10 =	sld [smem:$0x3F91];
	_ =	sdelay $0x3  }
0x36: {  	p1 =	seq.s32 s10, $0x1;
	s10 =	sld [smem:$0x3F92];
	_ =	sdelay $0x3  }
0x37: {  	[smem:$0x3F92] =	sst s10  }
0x38: {  	s10 =	sld [smem:$0x3F93]  }
0x39: {  	_ = 	snop;
	(pc) =	sbr.ind lr, $3  }
0x3a: {  	_ = 	snop  }
0x3b: {  	_ = 	snop  }
0x3c: {  	p2 =	seq.s32 s10, $0x1;
	s10 =	sld [smem:$0x3F92]  }
0x3d: {  	_ =	shalt  }
0x3e: {  	_ =	shalt  }
0x3f: {  	_ =	shalt  }
0x40: {  	_ =	shalt  }
0x41: {  	_ =	shalt  }
0x42: {  	_ =	shalt  }
0x43: {  	_ =	shalt  }
0x44: {  	_ =	shalt  }
0x45: {  	_ =	shalt  }
0x46: {  	_ =	shalt  }
0x47: {  	_ =	shalt  }
0x48: {  	_ =	shalt  }
0x49: {  	_ =	shalt  }
0x4a: {  	_ =	shalt  }
0x4b: {  	_ =	shalt  }
0x4c: {  	_ =	shalt  }
0x4d: {  	_ =	shalt  }
0x4e: {  	_ =	shalt  }
0x4f: {  	_ =	shalt  }
0x50: {  	_ =	shalt  }
0x51: {  	_ =	shalt  }
0x52: {  	_ =	shalt  }
0x53: {  	_ =	shalt  }
0x54: {  	_ =	shalt  }
0x55: {  	_ =	shalt  }
0x56: {  	_ =	shalt  }
0x57: {  	_ =	shalt  }
0x58: {  	_ =	shalt  }
0x59: {  	_ =	shalt  }
0x5a: {  	_ =	shalt  }
0x5b: {  	_ =	shalt  }
0x5c: {  	_ =	shalt  }
0x5d: {  	_ =	shalt  }
0x5e: {  	_ =	shalt  }
0x5f: {  	_ =	shalt  }
0x60: {  	_ =	shalt  }
0x61: {  	_ =	shalt  }
0x62: {  	_ =	shalt  }
0x63: {  	_ =	shalt  }
0x64: {  	_ =	shalt  }
0x65: {  	_ =	shalt  }
0x66: {  	_ =	shalt  }
0x67: {  	_ =	shalt  }
0x68: {  	_ =	shalt  }
0x69: {  	_ =	shalt  }
0x6a: {  	_ =	shalt  }
0x6b: {  	_ =	shalt  }
0x6c: {  	_ =	shalt  }
0x6d: {  	_ =	shalt  }
0x6e: {  	_ =	shalt  }
0x6f: {  	_ =	shalt  }
0x70: {  	_ =	shalt  }
0x71: {  	_ =	shalt  }
0x72: {  	_ =	shalt  }
0x73: {  	_ =	shalt  }
0x74: {  	_ =	shalt  }
0x75: {  	_ =	shalt  }
0x76: {  	_ =	shalt  }
0x77: {  	_ =	shalt  }
0x78: {  	_ =	shalt  }
0x79: {  	_ =	shalt  }
0x7a: {  	_ =	shalt  }
0x7b: {  	_ =	shalt  }
0x7c: {  	_ =	shalt  }
0x7d: {  	_ =	shalt  }
0x7e: {  	_ =	shalt  }
0x7f: {  	_ =	shalt  }
0x80: {  	_ =	shalt  }
0x81: {  	_ =	shalt  }
0x82: {  	_ =	shalt  }
0x83: {  	_ =	shalt  }
0x84: {  	_ =	shalt  }
0x85: {  	_ =	shalt  }
0x86: {  	_ =	shalt  }
0x87: {  	_ =	shalt  }
.Lfunc_end0:
.L_simem_size_0:
called_computation_lowered:
.L_overlay_start_0:
0x88: {  	s2 =	sld [smem:$0x3FD9]  }
0x89: {  	s3 =	sld [smem:$0x3FFE];
	_ =	sdelay $0x1  }
0x8a: {  	s1 =	srdreg.scid  }
0x8b: {  	s0 =	sand.u32 $0x1, s1  }
0x8c: {  	s16 =	sshll.u32 s0, $0xA;
	s2 =	sadd.s32 s3, s2  }
0x8d: {  	s2 =	sadd.s32 s2, s16  }
0x8e: {  	[smem:$0x3F9E] =	sst s2  }
0x8f: {  	_ = 	snop  }
0x90: {  	(tm) =	ssettm $0x1  }
0x91: {  	s17 =	sld [smem:$0x3FFB];
	_ =	sdelay $0x3  }
0x92: {  	_ =	strace s17  }
0x93: {  	s2 =	sld [smem:$0x3FFC];
	_ =	sdelay $0x3  }
0x94: {  	_ =	strace s2  }
0x95: {  	s2 =	sld [smem:$0x3FFD];
	_ =	sdelay $0x3  }
0x96: {  	_ =	strace s2  }
0x97: {  	_ =	strace $0x8FFFFFFF  }
0x98: {  	s18 =	sld [smem:$0x3FDB];
	_ =	sdelay $0x1  }
0x99: {  	s19 =	simm.s32 $_scs_section_size  }
0x9a: {  	s4 =	simm.s32 $_size__tile_overlayer_lowered;
	s5 =	simm.s32 $_tile_overlayer_lowered  }
0x9b: {  	s22 =	simm.s32 $0x1BFF;
	s21 =	sshll.u32 s5, $0x1;
	s2 =	sadd.s32 s19, s18  }
0x9c: {  	s6 =	simm.s32 $0x0;
	s20 =	sshll.u32 s4, $0x1;
	s4 =	sadd.s32 s21, s2  }
0x9d: {  	[timem:s6], [sflag:s22] =	dma.local [hbm:s4], s20  }
0x9e: {  	_ =	swait.ge [sflag:s22], s20  }
0x9f: {  	s3 =	ssub.s32 $0x0, s20;
	[sflag:s22] =	ssyncset.done $0x0  }
0xa0: {  	[sflag:s22] =	ssyncadd.s32 s3;
	_ =	sdelay $0x1  }
0xa1: {  	s23 =	simm.s32 $0x1B8B  }
0xa2: {  	_ =	swait.ge [sflag:s23], $0x1  }
0xa3: {  	[sflag:s23] =	ssyncset.done $0x0  }
0xa4: {  	s25 =	simm.s32 $0x1B8E;
	s24 =	sld [smem:$0x3FFE];
	[sflag:s23] =	ssyncadd.s32 $0xFFFFFFFF  }
0xa5: {  	s26 =	simm.s32 $execute0_lowered;
	[smem:$0x3FD2] =	sst s25  }
0xa6: {  	s4 =	sshll.u32 s26, $0x1;
	_ =	strace $0x80000046;
	[dreg:$0x1] =	wrdreg $0xFFFFFFFF  }
0xa7: {  	s28 =	simm.s32 $_size_execute0_lowered;
	s2 =	sadd.s32 s2, s4;
	[dreg:$0x0] =	wrdreg $0x0  }
0xa8: {  	s4 =	sshll.u32 s28, $0x1;
	[dreg:$0x2] =	wrdreg s2  }
0xa9: {  	[dreg:$0x3] =	wrdreg s4  }
0xaa: {  	[dreg:$0x4] =	wrdreg $0xC0  }
0xab: {  	_ =	task [dreg:s6], $0x5FFFF  }
0xac: {  	[dreg:$0x1] =	wrdreg $0xFFFFFFFF  }
0xad: {  	[dreg:$0x0] =	wrdreg $0x60  }
0xae: {  	[dreg:$0x2] =	wrdreg s24  }
0xaf: {  	[dreg:$0x3] =	wrdreg $0xED800  }
0xb0: {  	[dreg:$0x4] =	wrdreg $0x9  }
0xb1: {  	_ =	task.clear_ibuf [dreg:s6], $0x5FFFF;
	_ =	strace $0x90000046  }
0xb2: {  	s29 =	simm.s32 $0x9;
	_ =	strace $0x80000048  }
0xb3: {  	_ =	swait.ge [sflag:s29], $0x1  }
0xb4: {  	[sflag:s29] =	ssyncadd.s32 $0xFFFFFFFF  }
0xb5: {  	_ =	strace $0x90000048  }
0xb6: {  	_ =	sfence  }
0xb7: {  	s30 =	sld [smem:$0x0];
	_ =	sdelay $0x2  }
0xb8: {  	s31 =	sshll.u32 s1, $0xD;
	s1 =	sshrl.u32 s1, $0x2  }
0xb9: {  	s3 =	sand.u32 $0x4000, s31;
	s1 =	sadd.s32 s1, s30  }
0xba: {  	s0 =	sor.u32 s3, s0;
	s1 =	sshll.u32 s1, $0x11  }
0xbb: {  	s0 =	sor.u32 s1, s0  }
0xbc: {  	s0 =	sadd.s32 $0x8F2B, s0  }
0xbd: {  	[sflag:s0] =	ssyncadd.remote.s32 $0x1  }
0xbe: {  	_ =	sfence.sel $0xFFFF  }
0xbf: {  	[dreg:$0x0] =	wrdreg $0xFFFFFFFF;
	(pc) =	sbr.abs _section_cstart, $3  }
0xc0: {  	[dreg:$0x1] =	wrdreg $0xFFFFFFFF  }
0xc1: {  	_ =	task.clear_ibuf [dreg:s6], $0x2FFFF;
	_ =	strace $0x9FFFFFFF  }
0xc2: {  	(tm) =	ssettm $0x7FFFFFFF  }
0xc3: {  	_ =	shalt  }
tec
execute0_lowered:
.L_overlay_start_1:
0x0: {  	(tag) =	ssettag $0x1  }
0x1: {  	s3 =	rddreg [dreg:$0x0]  }
0x2: {  	s0 =	srdreg.scid;
	s1 =	rddreg [dreg:$0x1];
	s2 =	simm.s32 $0x0  }
0x3: {  	s14 =	stileid.u32;
	s16 =	simm.s32 $0x9;
	s17 =	simm.s32 $0x4EC0  }
0x4: {  	s18 =	simm.s32 $0x50;
	s19 =	simm.s32 $0x9D80;
	s20 =	simm.s32 $0xB180  }
0x5: {  	s22 =	simm.s32 $0xC580;
	s23 =	simm.s32 $0x1;
	s28 =	simm.s32 $0x2  }
0x6: {  	s30 =	simm.s32 $0x5;
	s0 =	sand.u32 $0x1, s0;
	s9 =	smul.u32 $0x27800, s14  }
0x7: {  	[smem:$0x7FF] =	sst s2;
	s8 =	sadd.s32 $0x19C00, s3;
	s12 =	smul.u32 $0x9C40, s14  }
0x8: {  	s10 =	sadd.s32 $0x6200, s3;
	s4 =	sadd.s32 $0x7BA00, s3;
	s26 =	smul.u32 $0x9E00, s14  }
0x9: {  	s13 =	sadd.s32 $0x94200, s1;
	p0 =	seq.s32 s14, $0xF;
	s5 =	smul.u32 $0x9C400, s0  }
0xa: {  	_ =	strace $0x80000047;
	s0 =	ssub.s32 $0x2, s0;
	s13 =	sshrl.u32 @p0 s13, $0x3  }
0xb: {  	s11 =	sshrl.u32 s0, $0x1;
	s9 =	sshrl.u32 s9, $0x2;
	s25 =	sshrl.u32 s12, $0x3  }
0xc: {  	s12 =	simm.s32 $0x8;
	s6 =	sshrl.u32 s5, $0x3;
	s0 =	ssub.s32 s0, s11  }
0xd: {  	s9 =	sadd.s32 s9, s1;
	s15 =	sadd.s32 s8, s25;
	s29 =	sadd.s32 s10, s25  }
0xe: {  	s11 =	sadd.s32 $0x9B0, s25;
	s5 =	sadd.s32 s26, s5;
	[dreg:$0x3] =	wrdreg s15  }
0xf: {  	s7 =	sadd.s32 s6, s3;
	s3 =	sadd.s32 $0x7CE00, s3;
	[dreg:$0x4] =	wrdreg s29  }
0x10: {  	s8 =	sadd.s32 s8, s11;
	s5 =	sshrl.u32 s5, $0x3;
	s31 =	sadd.s32 s10, s11  }
0x11: {  	s0 =	smax.u32 s0, $0x1;
	s10 =	simm.s32 $0x7;
	s11 =	simm.s32 $0x1E0  }
0x12: {  	s15 =	simm.s32 $0x0;
	s7 =	sadd.s32 $0x54800, s7;
	[dreg:$0x5] =	wrdreg s8  }
0x13: {  	[dreg:$0x6] =	wrdreg s31;
	s5 =	sadd.s32 s3, s5;
	s3 =	sadd.s32 s3, s6  }
0x14: {  	[dreg:$0x9] =	wrdreg s0;
	s0 =	sshll.u32 @!p0 s14, $0x6;
	s6 =	simm.s32 $0x190  }
.Ltmp0:
0x15: {  	s8 =	simm.s32 $0x4;
	[dreg:$0x7] =	wrdreg s5;
	(pc) =	sbr.rel .LBB2_1-.Ltmp0, $4  }
0x16: {  	s5 =	sadd.s32 s26, s1;
	s3 =	sadd.s32 $0x12840, s3;
	s14 =	sor.u32 @!p0 $0x1C09, s0  }
0x17: {  	s0 =	sshrl.u32 @!p0 s9, $0x3;
	s26 =	simm.s32 $0xD980;
	[dreg:$0x8] =	wrdreg s3  }
0x18: {  	s9 =	simm.s32 $0x4FB0;
	[dreg:$0xa] =	wrdreg s0;
	s0 =	sshrl.u32 @!p0 s5, $0x3  }
0x19: {  	s5 =	simm.s32 $0x6;
	[dreg:$0xb] =	wrdreg s0;
	s0 =	simm.s32 $0x3  }
.LBB2_7:
0x1a: {  	_ =	swait.ge [sflag:s12], $0x1400  }
0x1b: {  	[sflag:s12] =	ssyncset.done $0x0  }
0x1c: {  	[sflag:s12] =	ssyncadd.s32 $0xFFFFEC00  }
0x1d: {  	[bflag:$0x0] =	sbarrier.arrive $0xFFFF  }
0x1e: {  	s3 =	simm.s32 @p0 $0x1FC9;
	s21 =	rddreg [dreg:$0x8]  }
0x1f: {  	[hbm:s21], [sflag:s3] =	dma.local @p0 [spmem:s13], $0x1040  }
0x20: {  	s3 =	simm.s32 @p0 $0x9  }
0x21: {  	_ =	swait.ge @p0 [sflag:s3], $0x1040  }
0x22: {  	[sflag:s3] =	ssyncset.done @p0 $0x0;
	s21 =	rddreg [dreg:$0xb]  }
0x23: {  	[sflag:s3] =	ssyncadd.s32 @p0 $0xFFFFEFC0;
	s3 =	rddreg [dreg:$0x7]  }
0x24: {  	[hbm:s3], [sflag:s14] =	dma.local @!p0 [spmem:s21], $0x13C0  }
0x25: {  	s3 =	simm.s32 @!p0 $0x9  }
0x26: {  	_ =	swait.ge @!p0 [sflag:s3], $0x13C0  }
0x27: {  	s15 =	sadd.s32 $0x1, s15;
	s31 =	rddreg [dreg:$0x9]  }
0x28: {  	p1 =	sne.s32 s15, s31  }
.Ltmp1:
0x29: {  	_ = 	snop;
	(pc) =	sbr.rel @!p1 .LBB2_8-.Ltmp1, $3  }
0x2a: {  	_ =	sdelay $0x1  }
0x2b: {  	[sflag:s3] =	ssyncset.done @!p0 $0x0  }
0x2c: {  	[sflag:s3] =	ssyncadd.s32 @!p0 $0xFFFFEC40  }
.LBB2_1:
0x2d: {  	s21 =	simm.s32 @p0 $0x1FC9  }
0x2e: {  	[spmem:s13], [sflag:s21] =	dma.local @p0 [hbm:s4], $0x1040  }
0x2f: {  	s21 =	simm.s32 @p0 $0x9  }
0x30: {  	_ =	swait.ge @p0 [sflag:s21], $0x1040  }
0x31: {  	[sflag:s21] =	ssyncset.done @p0 $0x0  }
0x32: {  	s3 =	rddreg [dreg:$0xa];
	[sflag:s21] =	ssyncadd.s32 @p0 $0xFFFFEFC0;
	s21 =	simm.s32 @!p0 $0x9  }
0x33: {  	[spmem:s3], [sflag:s14] =	dma.local @!p0 [hbm:s4], $0x13C0  }
0x34: {  	_ =	swait.ge @!p0 [sflag:s21], $0x13C0  }
0x35: {  	[sflag:s21] =	ssyncset.done @!p0 $0x0  }
0x36: {  	[sflag:s21] =	ssyncadd.s32 @!p0 $0xFFFFEC40  }
0x37: {  	[bflag:$0x0] =	sbarrier.arrive $0xFFFF  }
0x38: {  	s29 =	rddreg [dreg:$0x3]  }
0x39: {  	[tilespmem:s2], [sflag:$0x9] =	stream.linear.gather [hbm4b:s29+s2], $0x4D80, $0x38;
	[tilespmem:$0x189C0] =	vst v63  }
0x3a: {  	_ =	swait.ge [sflag:s16], $0x4D80  }
0x3b: {  	[sflag:s16] =	ssyncset.done $0x0  }
0x3c: {  	s31 =	rddreg [dreg:$0x4];
	[sflag:s16] =	ssyncadd.s32 $0xFFFFB280  }
0x3d: {  	[tilespmem:s17], [sflag:$0x9] =	stream.linear.gather [hbm4b:s31+s2], $0x4D80, $0x38;
	[tilespmem:$0x189C0] =	vst v63  }
0x3e: {  	_ =	swait.ge [sflag:s16], $0x4D80  }
0x3f: {  	[sflag:s16] =	ssyncset.done $0x0  }
0x40: {  	[sflag:s16] =	ssyncadd.s32 $0xFFFFB280  }
0x41: {  	[tilespmem:s19], [sflag:$0x1] =	stream.indirect.gather [hbm4b:s7+s18], $0x40, s2, s18, $0xb8;
	[tilespmem:$0x189C0] =	vst v63  }
0x42: {  	_ = 	snop  }
0x43: {  	[tilespmem:s20], [sflag:$0x2] =	stream.indirect.gather [hbm4b:s7+s18], $0x40, s18, s18, $0xb8;
	[tilespmem:$0x189C0] =	vst v63  }
0x44: {  	s21 =	simm.s32 $0xA0  }
0x45: {  	[tilespmem:s22], [sflag:$0x3] =	stream.indirect.gather [hbm4b:s7+s18], $0x40, s21, s18, $0xb8;
	[tilespmem:$0x189C0] =	vst v63  }
0x46: {  	_ =	swait.ge [sflag:s23], $0x1400  }
0x47: {  	[sflag:s23] =	ssyncset.done $0x0  }
0x48: {  	[sflag:s23] =	ssyncadd.s32 $0xFFFFEC00  }
0x49: {  	[spmem:s1] =	stream.indirect.scatter.add.f32 [tilespmem:s19], [sflag:$0x5], $0x40, s17, s18, $0xb8;
	[tilespmem:$0x189C0] =	vst v63  }
0x4a: {  	s24 =	simm.s32 $0xF0  }
0x4b: {  	[tilespmem:s26], [sflag:$0x4] =	stream.indirect.gather [hbm4b:s7+s18], $0x40, s24, s18, $0xb8;
	[tilespmem:$0x189C0] =	vst v63  }
0x4c: {  	_ =	swait.ge [sflag:s28], $0x1400  }
0x4d: {  	[sflag:s28] =	ssyncset.done $0x0  }
0x4e: {  	s25 =	simm.s32 $0x4F10;
	[sflag:s28] =	ssyncadd.s32 $0xFFFFEC00  }
0x4f: {  	[spmem:s1] =	stream.indirect.scatter.add.f32 [tilespmem:s20], [sflag:$0x6], $0x40, s25, s18, $0xb8;
	[tilespmem:$0x189C0] =	vst v63  }
0x50: {  	_ =	swait.ge [sflag:s30], $0x1400  }
0x51: {  	[sflag:s30] =	ssyncset.done $0x0  }
0x52: {  	s29 =	simm.s32 $0x140;
	[sflag:s30] =	ssyncadd.s32 $0xFFFFEC00  }
0x53: {  	[tilespmem:s19], [sflag:$0x1] =	stream.indirect.gather [hbm4b:s7+s18], $0x40, s29, s18, $0xb8;
	[tilespmem:$0x189C0] =	vst v63  }
0x54: {  	_ =	swait.ge [sflag:s0], $0x1400  }
0x55: {  	[sflag:s0] =	ssyncset.done $0x0  }
0x56: {  	s31 =	simm.s32 $0x4F60;
	[sflag:s0] =	ssyncadd.s32 $0xFFFFEC00  }
0x57: {  	[spmem:s1] =	stream.indirect.scatter.add.f32 [tilespmem:s22], [sflag:$0x7], $0x40, s31, s18, $0xb8;
	[tilespmem:$0x189C0] =	vst v63  }
0x58: {  	_ =	swait.ge [sflag:s5], $0x1400  }
0x59: {  	[sflag:s5] =	ssyncset.done $0x0  }
0x5a: {  	[sflag:s5] =	ssyncadd.s32 $0xFFFFEC00  }
0x5b: {  	[tilespmem:s20], [sflag:$0x2] =	stream.indirect.gather [hbm4b:s7+s18], $0x40, s6, s18, $0xb8;
	[tilespmem:$0x189C0] =	vst v63  }
0x5c: {  	_ =	swait.ge [sflag:s8], $0x1400  }
0x5d: {  	[sflag:s8] =	ssyncset.done $0x0  }
0x5e: {  	[sflag:s8] =	ssyncadd.s32 $0xFFFFEC00  }
0x5f: {  	[spmem:s1] =	stream.indirect.scatter.add.f32 [tilespmem:s26], [sflag:$0x8], $0x40, s9, s18, $0xb8;
	[tilespmem:$0x189C0] =	vst v63  }
0x60: {  	_ =	swait.ge [sflag:s10], $0x1400  }
0x61: {  	[sflag:s10] =	ssyncset.done $0x0  }
0x62: {  	s21 =	simm.s32 $0x0;
	[sflag:s10] =	ssyncadd.s32 $0xFFFFEC00  }
0x63: {  	[tilespmem:s22], [sflag:$0x3] =	stream.indirect.gather [hbm4b:s7+s18], $0x40, s11, s18, $0xb8;
	[tilespmem:$0x189C0] =	vst v63  }
.LBB2_2:
0x64: {  	_ =	swait.ge [sflag:s23], $0x1400  }
0x65: {  	s24 =	sshra.s32 s21, $0x2;
	[sflag:s23] =	ssyncset.done $0x0  }
0x66: {  	s29 =	sadd.s32 $0x5000, s24;
	[sflag:s23] =	ssyncadd.s32 $0xFFFFEC00  }
0x67: {  	[spmem:s1] =	stream.indirect.scatter.add.f32 [tilespmem:s19], [sflag:$0x5], $0x40, s29, s18, $0xb8;
	[tilespmem:$0x189C0] =	vst v63  }
0x68: {  	_ =	swait.ge [sflag:s12], $0x1400  }
0x69: {  	[sflag:s12] =	ssyncset.done $0x0  }
0x6a: {  	s3 =	sadd.s32 $0x230, s24;
	[sflag:s12] =	ssyncadd.s32 $0xFFFFEC00  }
0x6b: {  	[tilespmem:s26], [sflag:$0x4] =	stream.indirect.gather [hbm4b:s7+s18], $0x40, s3, s18, $0xb8;
	[tilespmem:$0x189C0] =	vst v63  }
0x6c: {  	_ =	swait.ge [sflag:s28], $0x1400  }
0x6d: {  	[sflag:s28] =	ssyncset.done $0x0  }
0x6e: {  	s25 =	sadd.s32 $0x5050, s24;
	[sflag:s28] =	ssyncadd.s32 $0xFFFFEC00  }
0x6f: {  	[spmem:s1] =	stream.indirect.scatter.add.f32 [tilespmem:s20], [sflag:$0x6], $0x40, s25, s18, $0xb8;
	[tilespmem:$0x189C0] =	vst v63  }
0x70: {  	_ =	swait.ge [sflag:s30], $0x1400  }
0x71: {  	p1 =	seq.s32 s21, $0x12C00;
	[sflag:s30] =	ssyncset.done $0x0  }
0x72: {  	s29 =	simm.s32 @p1 $0x3;
	[sflag:s30] =	ssyncadd.s32 $0xFFFFEC00  }
0x73: {  	_ =	swait.ge @p1 [sflag:s29], $0x1400  }
0x74: {  	[sflag:s29] =	ssyncset.done @p1 $0x0  }
0x75: {  	[sflag:s29] =	ssyncadd.s32 @p1 $0xFFFFEC00;
	s29 =	sshra.s32 @p1 s21, $0x2  }
0x76: {  	s31 =	simm.s32 @p1 $0xC580;
	s25 =	simm.s32 @p1 $0x50;
	s29 =	sadd.s32 @p1 $0x50A0, s29  }
0x77: {  	[spmem:s1] =	stream.indirect.scatter.add.f32 @p1 [tilespmem:s31], [sflag:$0x7], $0x40, s29, s25, $0xb8;
	[tilespmem:$0x189C0] =	vst v63  }
0x78: {  	s25 =	simm.s32 @p1 $0x6  }
0x79: {  	_ =	swait.ge @p1 [sflag:s25], $0x1400  }
0x7a: {  	[sflag:s25] =	ssyncset.done @p1 $0x0  }
0x7b: {  	[sflag:s25] =	ssyncadd.s32 @p1 $0xFFFFEC00;
	s25 =	sshra.s32 @!p1 s21, $0x2  }
0x7c: {  	s3 =	simm.s32 @!p1 $0x9D80;
	s31 =	simm.s32 @!p1 $0x50;
	s29 =	sadd.s32 @!p1 $0x280, s25  }
0x7d: {  	[tilespmem:s3], [sflag:$0x1] =	stream.indirect.gather @!p1 [hbm4b:s7+s31], $0x40, s29, s31, $0xb8;
	[tilespmem:$0x189C0] =	vst v63  }
0x7e: {  	s3 =	simm.s32 @!p1 $0x3  }
0x7f: {  	_ =	swait.ge @!p1 [sflag:s3], $0x1400  }
0x80: {  	[sflag:s3] =	ssyncset.done @!p1 $0x0  }
0x81: {  	s29 =	simm.s32 @!p1 $0xC580;
	[sflag:s3] =	ssyncadd.s32 @!p1 $0xFFFFEC00;
	s3 =	sadd.s32 @!p1 $0x50A0, s25  }
0x82: {  	[spmem:s1] =	stream.indirect.scatter.add.f32 @!p1 [tilespmem:s29], [sflag:$0x7], $0x40, s3, s31, $0xb8;
	[tilespmem:$0x189C0] =	vst v63  }
0x83: {  	s3 =	simm.s32 @!p1 $0x6  }
0x84: {  	_ =	swait.ge @!p1 [sflag:s3], $0x1400  }
0x85: {  	[sflag:s3] =	ssyncset.done @!p1 $0x0  }
0x86: {  	[sflag:s3] =	ssyncadd.s32 @!p1 $0xFFFFEC00;
	s3 =	sadd.s32 @!p1 $0x2D0, s25;
	s25 =	simm.s32 @!p1 $0xB180  }
0x87: {  	[tilespmem:s25], [sflag:$0x2] =	stream.indirect.gather @!p1 [hbm4b:s7+s31], $0x40, s3, s31, $0xb8;
	[tilespmem:$0x189C0] =	vst v63  }
0x88: {  	_ =	swait.ge [sflag:s8], $0x1400  }
0x89: {  	[sflag:s8] =	ssyncset.done $0x0  }
.Ltmp2:
0x8a: {  	s31 =	sadd.s32 $0x50F0, s24;
	[sflag:s8] =	ssyncadd.s32 $0xFFFFEC00;
	(pc) =	sbr.rel @p1 .LBB2_4-.Ltmp2, $4  }
0x8b: {  	[spmem:s1] =	stream.indirect.scatter.add.f32 [tilespmem:s26], [sflag:$0x8], $0x40, s31, s18, $0xb8;
	[tilespmem:$0x189C0] =	vst v63  }
0x8c: {  	_ =	swait.ge [sflag:s10], $0x1400  }
0x8d: {  	[sflag:s10] =	ssyncset.done $0x0  }
0x8e: {  	[sflag:s10] =	ssyncadd.s32 $0xFFFFEC00  }
.Ltmp3:
0x8f: {  	(pc) =	sbr.rel .LBB2_2-.Ltmp3, $3  }
0x90: {  	_ =	sdelay $0x1  }
0x91: {  	s3 =	sadd.s32 $0x320, s24;
	s21 =	sadd.s32 $0x500, s21  }
0x92: {  	[tilespmem:s22], [sflag:$0x3] =	stream.indirect.gather [hbm4b:s7+s18], $0x40, s3, s18, $0xb8;
	[tilespmem:$0x189C0] =	vst v63  }
.LBB2_4:
0x93: {  	_ =	swait.ge [sflag:s12], $0x1400  }
0x94: {  	[sflag:s12] =	ssyncset.done $0x0  }
0x95: {  	s21 =	simm.s32 $0x0;
	s3 =	rddreg [dreg:$0x5];
	[sflag:s12] =	ssyncadd.s32 $0xFFFFEC00  }
0x96: {  	[tilespmem:s21], [sflag:$0x9] =	stream.linear.gather [hbm4b:s3+s21], $0x4EC0, $0x38;
	[tilespmem:$0x189C0] =	vst v63  }
0x97: {  	_ =	swait.ge [sflag:s16], $0x4EC0  }
0x98: {  	[sflag:s16] =	ssyncset.done $0x0  }
0x99: {  	s29 =	rddreg [dreg:$0x6];
	[sflag:s16] =	ssyncadd.s32 $0xFFFFB140  }
0x9a: {  	[tilespmem:s17], [sflag:$0x9] =	stream.linear.gather [hbm4b:s29+s21], $0x4EC0, $0x38;
	[tilespmem:$0x189C0] =	vst v63  }
0x9b: {  	_ =	swait.ge [sflag:s16], $0x4EC0  }
0x9c: {  	[sflag:s16] =	ssyncset.done $0x0  }
0x9d: {  	[sflag:s16] =	ssyncadd.s32 $0xFFFFB140  }
0x9e: {  	[tilespmem:s19], [sflag:$0x1] =	stream.indirect.gather [hbm4b:s7+s18], $0x40, s21, s18, $0xb8;
	[tilespmem:$0x189C0] =	vst v63  }
0x9f: {  	_ = 	snop  }
0xa0: {  	[tilespmem:s20], [sflag:$0x2] =	stream.indirect.gather [hbm4b:s7+s18], $0x40, s18, s18, $0xb8;
	[tilespmem:$0x189C0] =	vst v63  }
0xa1: {  	s31 =	simm.s32 $0xA0  }
0xa2: {  	[tilespmem:s22], [sflag:$0x3] =	stream.indirect.gather [hbm4b:s7+s18], $0x40, s31, s18, $0xb8;
	[tilespmem:$0x189C0] =	vst v63  }
0xa3: {  	_ =	swait.ge [sflag:s23], $0x1400  }
0xa4: {  	[sflag:s23] =	ssyncset.done $0x0  }
0xa5: {  	[sflag:s23] =	ssyncadd.s32 $0xFFFFEC00  }
0xa6: {  	[spmem:s1] =	stream.indirect.scatter.add.f32 [tilespmem:s19], [sflag:$0x5], $0x40, s17, s18, $0xb8;
	[tilespmem:$0x189C0] =	vst v63  }
0xa7: {  	s24 =	simm.s32 $0xF0  }
0xa8: {  	[tilespmem:s26], [sflag:$0x4] =	stream.indirect.gather [hbm4b:s7+s18], $0x40, s24, s18, $0xb8;
	[tilespmem:$0x189C0] =	vst v63  }
0xa9: {  	_ =	swait.ge [sflag:s28], $0x1400  }
0xaa: {  	[sflag:s28] =	ssyncset.done $0x0  }
0xab: {  	s25 =	simm.s32 $0x4F10;
	[sflag:s28] =	ssyncadd.s32 $0xFFFFEC00  }
0xac: {  	[spmem:s1] =	stream.indirect.scatter.add.f32 [tilespmem:s20], [sflag:$0x6], $0x40, s25, s18, $0xb8;
	[tilespmem:$0x189C0] =	vst v63  }
0xad: {  	_ =	swait.ge [sflag:s30], $0x1400  }
0xae: {  	[sflag:s30] =	ssyncset.done $0x0  }
0xaf: {  	s29 =	simm.s32 $0x140;
	[sflag:s30] =	ssyncadd.s32 $0xFFFFEC00  }
0xb0: {  	[tilespmem:s19], [sflag:$0x1] =	stream.indirect.gather [hbm4b:s7+s18], $0x40, s29, s18, $0xb8;
	[tilespmem:$0x189C0] =	vst v63  }
0xb1: {  	_ =	swait.ge [sflag:s0], $0x1400  }
0xb2: {  	[sflag:s0] =	ssyncset.done $0x0  }
0xb3: {  	s31 =	simm.s32 $0x4F60;
	[sflag:s0] =	ssyncadd.s32 $0xFFFFEC00  }
0xb4: {  	[spmem:s1] =	stream.indirect.scatter.add.f32 [tilespmem:s22], [sflag:$0x7], $0x40, s31, s18, $0xb8;
	[tilespmem:$0x189C0] =	vst v63  }
0xb5: {  	_ =	swait.ge [sflag:s5], $0x1400  }
0xb6: {  	[sflag:s5] =	ssyncset.done $0x0  }
0xb7: {  	[sflag:s5] =	ssyncadd.s32 $0xFFFFEC00  }
0xb8: {  	[tilespmem:s20], [sflag:$0x2] =	stream.indirect.gather [hbm4b:s7+s18], $0x40, s6, s18, $0xb8;
	[tilespmem:$0x189C0] =	vst v63  }
0xb9: {  	_ =	swait.ge [sflag:s8], $0x1400  }
0xba: {  	[sflag:s8] =	ssyncset.done $0x0  }
0xbb: {  	[sflag:s8] =	ssyncadd.s32 $0xFFFFEC00  }
0xbc: {  	[spmem:s1] =	stream.indirect.scatter.add.f32 [tilespmem:s26], [sflag:$0x8], $0x40, s9, s18, $0xb8;
	[tilespmem:$0x189C0] =	vst v63  }
0xbd: {  	_ =	swait.ge [sflag:s10], $0x1400  }
0xbe: {  	[sflag:s10] =	ssyncset.done $0x0  }
0xbf: {  	[sflag:s10] =	ssyncadd.s32 $0xFFFFEC00  }
0xc0: {  	[tilespmem:s22], [sflag:$0x3] =	stream.indirect.gather [hbm4b:s7+s18], $0x40, s11, s18, $0xb8;
	[tilespmem:$0x189C0] =	vst v63  }
.LBB2_5:
0xc1: {  	_ =	swait.ge [sflag:s23], $0x1400  }
0xc2: {  	s24 =	sshra.s32 s21, $0x2;
	[sflag:s23] =	ssyncset.done $0x0  }
0xc3: {  	s3 =	sadd.s32 $0x5000, s24;
	[sflag:s23] =	ssyncadd.s32 $0xFFFFEC00  }
0xc4: {  	[spmem:s1] =	stream.indirect.scatter.add.f32 [tilespmem:s19], [sflag:$0x5], $0x40, s3, s18, $0xb8;
	[tilespmem:$0x189C0] =	vst v63  }
0xc5: {  	_ =	swait.ge [sflag:s12], $0x1400  }
0xc6: {  	[sflag:s12] =	ssyncset.done $0x0  }
0xc7: {  	s25 =	sadd.s32 $0x230, s24;
	[sflag:s12] =	ssyncadd.s32 $0xFFFFEC00  }
0xc8: {  	[tilespmem:s26], [sflag:$0x4] =	stream.indirect.gather [hbm4b:s7+s18], $0x40, s25, s18, $0xb8;
	[tilespmem:$0x189C0] =	vst v63  }
0xc9: {  	_ =	swait.ge [sflag:s28], $0x1400  }
0xca: {  	[sflag:s28] =	ssyncset.done $0x0  }
0xcb: {  	s29 =	sadd.s32 $0x5050, s24;
	[sflag:s28] =	ssyncadd.s32 $0xFFFFEC00  }
0xcc: {  	[spmem:s1] =	stream.indirect.scatter.add.f32 [tilespmem:s20], [sflag:$0x6], $0x40, s29, s18, $0xb8;
	[tilespmem:$0x189C0] =	vst v63  }
0xcd: {  	_ =	swait.ge [sflag:s30], $0x1400  }
0xce: {  	p1 =	seq.s32 s21, $0x13100;
	[sflag:s30] =	ssyncset.done $0x0  }
0xcf: {  	s3 =	simm.s32 @p1 $0x3;
	[sflag:s30] =	ssyncadd.s32 $0xFFFFEC00  }
0xd0: {  	_ =	swait.ge @p1 [sflag:s3], $0x1400  }
0xd1: {  	[sflag:s3] =	ssyncset.done @p1 $0x0  }
0xd2: {  	[sflag:s3] =	ssyncadd.s32 @p1 $0xFFFFEC00;
	s3 =	sshra.s32 @p1 s21, $0x2  }
0xd3: {  	s25 =	simm.s32 @p1 $0x50;
	s29 =	simm.s32 @p1 $0xC580;
	s3 =	sadd.s32 @p1 $0x50A0, s3  }
0xd4: {  	[spmem:s1] =	stream.indirect.scatter.add.f32 @p1 [tilespmem:s29], [sflag:$0x7], $0x40, s3, s25, $0xb8;
	[tilespmem:$0x189C0] =	vst v63  }
0xd5: {  	s3 =	simm.s32 @p1 $0x6  }
0xd6: {  	_ =	swait.ge @p1 [sflag:s3], $0x1400  }
0xd7: {  	[sflag:s3] =	ssyncset.done @p1 $0x0  }
0xd8: {  	[sflag:s3] =	ssyncadd.s32 @p1 $0xFFFFEC00;
	s3 =	sshra.s32 @!p1 s21, $0x2  }
0xd9: {  	s31 =	simm.s32 @!p1 $0x9D80;
	s29 =	simm.s32 @!p1 $0x50;
	s25 =	sadd.s32 @!p1 $0x280, s3  }
0xda: {  	[tilespmem:s31], [sflag:$0x1] =	stream.indirect.gather @!p1 [hbm4b:s7+s29], $0x40, s25, s29, $0xb8;
	[tilespmem:$0x189C0] =	vst v63  }
0xdb: {  	s25 =	simm.s32 @!p1 $0x3  }
0xdc: {  	_ =	swait.ge @!p1 [sflag:s25], $0x1400  }
0xdd: {  	[sflag:s25] =	ssyncset.done @!p1 $0x0  }
0xde: {  	s31 =	simm.s32 @!p1 $0xC580;
	[sflag:s25] =	ssyncadd.s32 @!p1 $0xFFFFEC00;
	s25 =	sadd.s32 @!p1 $0x50A0, s3  }
0xdf: {  	[spmem:s1] =	stream.indirect.scatter.add.f32 @!p1 [tilespmem:s31], [sflag:$0x7], $0x40, s25, s29, $0xb8;
	[tilespmem:$0x189C0] =	vst v63  }
0xe0: {  	s25 =	simm.s32 @!p1 $0x6  }
0xe1: {  	_ =	swait.ge @!p1 [sflag:s25], $0x1400  }
0xe2: {  	[sflag:s25] =	ssyncset.done @!p1 $0x0  }
0xe3: {  	s3 =	sadd.s32 @!p1 $0x2D0, s3;
	[sflag:s25] =	ssyncadd.s32 @!p1 $0xFFFFEC00;
	s25 =	simm.s32 @!p1 $0xB180  }
0xe4: {  	[tilespmem:s25], [sflag:$0x2] =	stream.indirect.gather @!p1 [hbm4b:s7+s29], $0x40, s3, s29, $0xb8;
	[tilespmem:$0x189C0] =	vst v63  }
0xe5: {  	_ =	swait.ge [sflag:s8], $0x1400  }
0xe6: {  	[sflag:s8] =	ssyncset.done $0x0  }
.Ltmp4:
0xe7: {  	s31 =	sadd.s32 $0x50F0, s24;
	[sflag:s8] =	ssyncadd.s32 $0xFFFFEC00;
	(pc) =	sbr.rel @p1 .LBB2_7-.Ltmp4, $4  }
0xe8: {  	[spmem:s1] =	stream.indirect.scatter.add.f32 [tilespmem:s26], [sflag:$0x8], $0x40, s31, s18, $0xb8;
	[tilespmem:$0x189C0] =	vst v63  }
0xe9: {  	_ =	swait.ge [sflag:s10], $0x1400  }
0xea: {  	[sflag:s10] =	ssyncset.done $0x0  }
0xeb: {  	[sflag:s10] =	ssyncadd.s32 $0xFFFFEC00  }
.Ltmp5:
0xec: {  	(pc) =	sbr.rel .LBB2_5-.Ltmp5, $3  }
0xed: {  	_ =	sdelay $0x1  }
0xee: {  	s3 =	sadd.s32 $0x320, s24;
	s21 =	sadd.s32 $0x500, s21  }
0xef: {  	[tilespmem:s22], [sflag:$0x3] =	stream.indirect.gather [hbm4b:s7+s18], $0x40, s3, s18, $0xb8;
	[tilespmem:$0x189C0] =	vst v63  }
.LBB2_8:
0xf0: {  	_ =	sfence.sel $0x180000  }
0xf1: {  	[bflag:$0x0] =	sbarrier.arrive $0xFFFF  }
0xf2: {  	_ =	strace $0x90000047  }
0xf3: {  	s0 =	stileid.u32;
	[bflag:$0x2] =	sbarrier.arrive $0xFFFF  }
0xf4: {  	p0 =	sne.s32 s0, $0x0;
	s0 =	rddreg [dreg:$0x2]  }
0xf5: {  	s0 =	sadd.s32 @!p0 $0x100000, s0  }
0xf6: {  	[sflag:s0] =	ssyncadd.tile.s32 @!p0 $0x1;
	_ =	shalt  }
.Lfunc_end2:
_tile_overlayer_lowered:
.L_overlay_start_2:
0xf7: {  	(tag) =	ssettag $0x2  }
0xf8: {  	s0 =	rddreg [dreg:$0x0];
	s2 =	stileid.u32  }
0xf9: {  	s1 =	rddreg [dreg:$0x1];
	p0 =	sne.s32 s2, $0x0  }
0xfa: {  	s3 =	rddreg [dreg:$0x2];
	[bflag:$0x3] =	sbarrier.arrive $0xFFFF;
	s2 =	simm.s32 @!p0 $0x1C09  }
0xfb: {  	[timem:s3], [sflag:s2] =	dma.local @!p0 [hbm:s0], s1  }
0xfc: {  	s0 =	simm.s32 @!p0 $0x9  }
0xfd: {  	_ =	swait.ge @!p0 [sflag:s0], s1  }
0xfe: {  	s1 =	ssub.s32 @!p0 $0x0, s1;
	[sflag:s0] =	ssyncset.done @!p0 $0x0  }
0xff: {  	[sflag:s0] =	ssyncadd.s32 @!p0 s1  }
0x100: {  	[bflag:$0x3] =	sbarrier.arrive $0xFFFF  }
0x101: {  	_ =	shalt  }

// kernel: kernel.14.cloned.1.call-start
scs
__scs_entry_jumppad:
0x0: {  	(pc) =	sbr.rel $0x88, $3  }
0x1: {  	(tag) =	ssettag $0x0;
	lr =	simm.s32 $0x1  }
0x2: {  	[smem:$0x3F77] =	sst lr;
	_ =	strace $0xD0000000  }
0x3: {  	_ = 	snop  }
0x4: {  	_ = 	snop  }
0x5: {  	_ = 	snop  }
0x6: {  	_ = 	snop  }
0x7: {  	_ = 	snop  }
__scs_overlays_trampoline_lowered:
0x8: {  	[smem:$0x3F86] =	sst s0  }
0x9: {  	[smem:$0x3F87] =	sst s1  }
0xa: {  	[smem:$0x3F88] =	sst s2  }
0xb: {  	[smem:$0x3F89] =	sst s3  }
0xc: {  	[smem:$0x3F8A] =	sst s4  }
0xd: {  	[smem:$0x3F8B] =	sst s5  }
0xe: {  	[smem:$0x3F8C] =	sst s6  }
0xf: {  	[smem:$0x3F8D] =	sst s7  }
0x10: {  	[smem:$0x3F8E] =	sst s8  }
0x11: {  	[smem:$0x3F8F] =	sst s9;
	s0 =	simm.s32 @!p0 $0x0  }
0x12: {  	s1 =	sld [smem:$0x3F75];
	s0 =	simm.s32 @p0 $0x1  }
0x13: {  	[smem:$0x3F90] =	sst s0;
	s0 =	simm.s32 @!p1 $0x0  }
0x14: {  	s2 =	sld [smem:$0x3F74];
	s0 =	simm.s32 @p1 $0x1  }
0x15: {  	[smem:$0x3F91] =	sst s0;
	s0 =	simm.s32 @!p2 $0x0  }
0x16: {  	s3 =	sld [smem:$0x3FDB];
	s0 =	simm.s32 @p2 $0x1  }
0x17: {  	s4 =	simm.s32 $0x1BF5;
	[smem:$0x3F93] =	sst s0  }
0x18: {  	s0 =	sld [smem:$0x3F76];
	_ =	swait.ge [sflag:s4], $0x0  }
0x19: {  	s7 =	sld [smem:$0x3F77]  }
0x1a: {  	s8 =	sadd.s32 $0xFFFFE003, lr  }
0x1b: {  	s9 =	sadd.s32 $0xFFFFFEF7, lr;
	s5 =	simm.s32 $0xFFFFFFFF;
	p2 =	slt.u32 s8, $0xFFFFF086  }
0x1c: {  	p1 =	slt.u32 s9, $0xF7A;
	s5 =	simm.s32 @!p2 $0x0  }
0x1d: {  	s5 =	simm.s32 @p1 $0x1;
	p0 =	seq.s32 s7, s2  }
0x1e: {  	s7 =	smul.u32 @!p0 $0xF7A, s2;
	p2 =	seq.s32 @!p0 s5, $0x0  }
0x1f: {  	s9 =	smul.u32 $0xF7A, s1;
	s8 =	simm.s32 @!p0 $0x1BF5;
	p2 =	por !p2, p0  }
0x20: {  	[sflag:s8] =	ssyncset.s32 @!p0 $0xFFFFF086;
	s6 =	sadd.s32 @!p0 s3, s7;
	s7 =	simm.s32 @!p0 $0x108  }
0x21: {  	s3 =	sadd.s32 s3, s9;
	s6 =	sadd.s32 @!p0 $0x88, s6;
	s7 =	simm.s32 @p2 $0x1082  }
0x22: {  	[simem:s7], [sflag:s8] =	dma.local @!p0 [hbm:s6], $0xF7A  }
0x23: {  	s9 =	sor.u32 $0xD0000000, s2;
	s6 =	simm.s32 $0x108;
	_ =	swait.ge @!p0 [sflag:s8], $0x0  }
0x24: {  	s3 =	sadd.s32 $0x88, s3;
	s6 =	simm.s32 @!p1 $0x1082;
	[sflag:s4] =	ssyncset.s32 $0xFFFFF086  }
0x25: {  	[simem:s6], [sflag:s4] =	dma.local [hbm:s3], $0xF7A  }
0x26: {  	[smem:$0x3F77] =	sst s1;
	(tag) =	ssettag s2;
	_ =	strace s9  }
0x27: {  	s1 =	sld [smem:$0x3F87]  }
0x28: {  	s2 =	sld [smem:$0x3F88]  }
0x29: {  	s4 =	sld [smem:$0x3F8A]  }
0x2a: {  	p0 =	seq.s32 s5, $0x0;
	s5 =	sld [smem:$0x3F8B]  }
0x2b: {  	s6 =	sld [smem:$0x3F8C]  }
0x2c: {  	s7 =	sld [smem:$0x3F8D]  }
0x2d: {  	s3 =	simm.s32 $0x108;
	s8 =	sld [smem:$0x3F8E]  }
0x2e: {  	s3 =	simm.s32 @!p0 $0x1082;
	s9 =	sld [smem:$0x3F8F]  }
0x2f: {  	lr =	sadd.s32 s0, s3;
	s0 =	sld [smem:$0x3F86]  }
0x30: {  	s3 =	sld [smem:$0x3F89]  }
0x31: {  	[smem:$0x3F92] =	sst s10  }
0x32: {  	s10 =	sld [smem:$0x3F90];
	_ =	sdelay $0x3  }
0x33: {  	p0 =	seq.s32 s10, $0x1;
	s10 =	sld [smem:$0x3F92];
	_ =	sdelay $0x3  }
0x34: {  	[smem:$0x3F92] =	sst s10  }
0x35: {  	s10 =	sld [smem:$0x3F91];
	_ =	sdelay $0x3  }
0x36: {  	p1 =	seq.s32 s10, $0x1;
	s10 =	sld [smem:$0x3F92];
	_ =	sdelay $0x3  }
0x37: {  	[smem:$0x3F92] =	sst s10  }
0x38: {  	s10 =	sld [smem:$0x3F93]  }
0x39: {  	_ = 	snop;
	(pc) =	sbr.ind lr, $3  }
0x3a: {  	_ = 	snop  }
0x3b: {  	_ = 	snop  }
0x3c: {  	p2 =	seq.s32 s10, $0x1;
	s10 =	sld [smem:$0x3F92]  }
0x3d: {  	_ =	shalt  }
0x3e: {  	_ =	shalt  }
0x3f: {  	_ =	shalt  }
0x40: {  	_ =	shalt  }
0x41: {  	_ =	shalt  }
0x42: {  	_ =	shalt  }
0x43: {  	_ =	shalt  }
0x44: {  	_ =	shalt  }
0x45: {  	_ =	shalt  }
0x46: {  	_ =	shalt  }
0x47: {  	_ =	shalt  }
0x48: {  	_ =	shalt  }
0x49: {  	_ =	shalt  }
0x4a: {  	_ =	shalt  }
0x4b: {  	_ =	shalt  }
0x4c: {  	_ =	shalt  }
0x4d: {  	_ =	shalt  }
0x4e: {  	_ =	shalt  }
0x4f: {  	_ =	shalt  }
0x50: {  	_ =	shalt  }
0x51: {  	_ =	shalt  }
0x52: {  	_ =	shalt  }
0x53: {  	_ =	shalt  }
0x54: {  	_ =	shalt  }
0x55: {  	_ =	shalt  }
0x56: {  	_ =	shalt  }
0x57: {  	_ =	shalt  }
0x58: {  	_ =	shalt  }
0x59: {  	_ =	shalt  }
0x5a: {  	_ =	shalt  }
0x5b: {  	_ =	shalt  }
0x5c: {  	_ =	shalt  }
0x5d: {  	_ =	shalt  }
0x5e: {  	_ =	shalt  }
0x5f: {  	_ =	shalt  }
0x60: {  	_ =	shalt  }
0x61: {  	_ =	shalt  }
0x62: {  	_ =	shalt  }
0x63: {  	_ =	shalt  }
0x64: {  	_ =	shalt  }
0x65: {  	_ =	shalt  }
0x66: {  	_ =	shalt  }
0x67: {  	_ =	shalt  }
0x68: {  	_ =	shalt  }
0x69: {  	_ =	shalt  }
0x6a: {  	_ =	shalt  }
0x6b: {  	_ =	shalt  }
0x6c: {  	_ =	shalt  }
0x6d: {  	_ =	shalt  }
0x6e: {  	_ =	shalt  }
0x6f: {  	_ =	shalt  }
0x70: {  	_ =	shalt  }
0x71: {  	_ =	shalt  }
0x72: {  	_ =	shalt  }
0x73: {  	_ =	shalt  }
0x74: {  	_ =	shalt  }
0x75: {  	_ =	shalt  }
0x76: {  	_ =	shalt  }
0x77: {  	_ =	shalt  }
0x78: {  	_ =	shalt  }
0x79: {  	_ =	shalt  }
0x7a: {  	_ =	shalt  }
0x7b: {  	_ =	shalt  }
0x7c: {  	_ =	shalt  }
0x7d: {  	_ =	shalt  }
0x7e: {  	_ =	shalt  }
0x7f: {  	_ =	shalt  }
0x80: {  	_ =	shalt  }
0x81: {  	_ =	shalt  }
0x82: {  	_ =	shalt  }
0x83: {  	_ =	shalt  }
0x84: {  	_ =	shalt  }
0x85: {  	_ =	shalt  }
0x86: {  	_ =	shalt  }
0x87: {  	_ =	shalt  }
.Lfunc_end0:
.L_simem_size_0:
called_computation.1_lowered:
.L_overlay_start_0:
0x88: {  	s2 =	sld [smem:$0x3FD9]  }
0x89: {  	s3 =	sld [smem:$0x3FFE];
	_ =	sdelay $0x1  }
0x8a: {  	s1 =	srdreg.scid  }
0x8b: {  	s0 =	sand.u32 $0x1, s1  }
0x8c: {  	s16 =	sshll.u32 s0, $0xA;
	s2 =	sadd.s32 s3, s2  }
0x8d: {  	s2 =	sadd.s32 s2, s16  }
0x8e: {  	[smem:$0x3F9E] =	sst s2  }
0x8f: {  	_ = 	snop  }
0x90: {  	(tm) =	ssettm $0x1  }
0x91: {  	s17 =	sld [smem:$0x3FFB];
	_ =	sdelay $0x3  }
0x92: {  	_ =	strace s17  }
0x93: {  	s2 =	sld [smem:$0x3FFC];
	_ =	sdelay $0x3  }
0x94: {  	_ =	strace s2  }
0x95: {  	s2 =	sld [smem:$0x3FFD];
	_ =	sdelay $0x3  }
0x96: {  	_ =	strace s2  }
0x97: {  	_ =	strace $0x8FFFFFFF  }
0x98: {  	s18 =	sld [smem:$0x3FDB];
	_ =	sdelay $0x1  }
0x99: {  	s19 =	simm.s32 $_scs_section_size  }
0x9a: {  	s4 =	simm.s32 $_size__tile_overlayer_lowered;
	s5 =	simm.s32 $_tile_overlayer_lowered  }
0x9b: {  	s22 =	simm.s32 $0x1BFF;
	s21 =	sshll.u32 s5, $0x1;
	s2 =	sadd.s32 s19, s18  }
0x9c: {  	s6 =	simm.s32 $0x0;
	s20 =	sshll.u32 s4, $0x1;
	s4 =	sadd.s32 s21, s2  }
0x9d: {  	[timem:s6], [sflag:s22] =	dma.local [hbm:s4], s20  }
0x9e: {  	_ =	swait.ge [sflag:s22], s20  }
0x9f: {  	s3 =	ssub.s32 $0x0, s20;
	[sflag:s22] =	ssyncset.done $0x0  }
0xa0: {  	[sflag:s22] =	ssyncadd.s32 s3;
	_ =	sdelay $0x1  }
0xa1: {  	s23 =	simm.s32 $0x1B8B  }
0xa2: {  	_ =	swait.ge [sflag:s23], $0x1  }
0xa3: {  	[sflag:s23] =	ssyncset.done $0x0  }
0xa4: {  	s25 =	simm.s32 $0x1B8E;
	s24 =	sld [smem:$0x3FFE];
	[sflag:s23] =	ssyncadd.s32 $0xFFFFFFFF  }
0xa5: {  	s26 =	simm.s32 $execute0_lowered;
	[smem:$0x3FD2] =	sst s25  }
0xa6: {  	s4 =	sshll.u32 s26, $0x1;
	_ =	strace $0x80000049;
	[dreg:$0x1] =	wrdreg $0xFFFFFFFF  }
0xa7: {  	s28 =	simm.s32 $_size_execute0_lowered;
	s2 =	sadd.s32 s2, s4;
	[dreg:$0x0] =	wrdreg $0x0  }
0xa8: {  	s4 =	sshll.u32 s28, $0x1;
	[dreg:$0x2] =	wrdreg s2  }
0xa9: {  	[dreg:$0x3] =	wrdreg s4  }
0xaa: {  	[dreg:$0x4] =	wrdreg $0xC0  }
0xab: {  	_ =	task [dreg:s6], $0x5FFFF  }
0xac: {  	[dreg:$0x1] =	wrdreg $0xFFFFFFFF  }
0xad: {  	[dreg:$0x0] =	wrdreg $0x60  }
0xae: {  	[dreg:$0x2] =	wrdreg s24  }
0xaf: {  	[dreg:$0x3] =	wrdreg $0xED800  }
0xb0: {  	[dreg:$0x4] =	wrdreg $0x9  }
0xb1: {  	_ =	task.clear_ibuf [dreg:s6], $0x5FFFF;
	_ =	strace $0x90000049  }
0xb2: {  	s29 =	simm.s32 $0x9;
	_ =	strace $0x8000004B  }
0xb3: {  	_ =	swait.ge [sflag:s29], $0x1  }
0xb4: {  	[sflag:s29] =	ssyncadd.s32 $0xFFFFFFFF  }
0xb5: {  	_ =	strace $0x9000004B  }
0xb6: {  	_ =	sfence  }
0xb7: {  	s30 =	sld [smem:$0x0];
	_ =	sdelay $0x2  }
0xb8: {  	s31 =	sshll.u32 s1, $0xD;
	s1 =	sshrl.u32 s1, $0x2  }
0xb9: {  	s3 =	sand.u32 $0x4000, s31;
	s1 =	sadd.s32 s1, s30  }
0xba: {  	s0 =	sor.u32 s3, s0;
	s1 =	sshll.u32 s1, $0x11  }
0xbb: {  	s0 =	sor.u32 s1, s0  }
0xbc: {  	s0 =	sadd.s32 $0x8F2B, s0  }
0xbd: {  	[sflag:s0] =	ssyncadd.remote.s32 $0x1  }
0xbe: {  	_ =	sfence.sel $0xFFFF  }
0xbf: {  	[dreg:$0x0] =	wrdreg $0xFFFFFFFF;
	(pc) =	sbr.abs _section_cstart, $3  }
0xc0: {  	[dreg:$0x1] =	wrdreg $0xFFFFFFFF  }
0xc1: {  	_ =	task.clear_ibuf [dreg:s6], $0x2FFFF;
	_ =	strace $0x9FFFFFFF  }
0xc2: {  	(tm) =	ssettm $0x7FFFFFFF  }
0xc3: {  	_ =	shalt  }
tec
execute0_lowered:
.L_overlay_start_1:
0x0: {  	(tag) =	ssettag $0x1  }
0x1: {  	s3 =	rddreg [dreg:$0x0]  }
0x2: {  	s0 =	srdreg.scid;
	s1 =	rddreg [dreg:$0x1];
	s2 =	simm.s32 $0x0  }
0x3: {  	s14 =	stileid.u32;
	s16 =	simm.s32 $0x9;
	s17 =	simm.s32 $0x4EC0  }
0x4: {  	s18 =	simm.s32 $0x50;
	s19 =	simm.s32 $0x9D80;
	s20 =	simm.s32 $0xB180  }
0x5: {  	s22 =	simm.s32 $0xC580;
	s23 =	simm.s32 $0x1;
	s28 =	simm.s32 $0x2  }
0x6: {  	s30 =	simm.s32 $0x5;
	s0 =	sand.u32 $0x1, s0;
	s9 =	smul.u32 $0x27800, s14  }
0x7: {  	[smem:$0x7FF] =	sst s2;
	s8 =	sadd.s32 $0x19C00, s3;
	s12 =	smul.u32 $0x9C40, s14  }
0x8: {  	s10 =	sadd.s32 $0x6200, s3;
	s4 =	sadd.s32 $0x7BA00, s3;
	s26 =	smul.u32 $0x9E00, s14  }
0x9: {  	s13 =	sadd.s32 $0x94200, s1;
	p0 =	seq.s32 s14, $0xF;
	s5 =	smul.u32 $0x9C400, s0  }
0xa: {  	_ =	strace $0x8000004A;
	s0 =	ssub.s32 $0x2, s0;
	s13 =	sshrl.u32 @p0 s13, $0x3  }
0xb: {  	s11 =	sshrl.u32 s0, $0x1;
	s9 =	sshrl.u32 s9, $0x2;
	s25 =	sshrl.u32 s12, $0x3  }
0xc: {  	s12 =	simm.s32 $0x8;
	s6 =	sshrl.u32 s5, $0x3;
	s0 =	ssub.s32 s0, s11  }
0xd: {  	s9 =	sadd.s32 s9, s1;
	s15 =	sadd.s32 s8, s25;
	s29 =	sadd.s32 s10, s25  }
0xe: {  	s11 =	sadd.s32 $0x9B0, s25;
	s5 =	sadd.s32 s26, s5;
	[dreg:$0x3] =	wrdreg s15  }
0xf: {  	s7 =	sadd.s32 s6, s3;
	s3 =	sadd.s32 $0xA4000, s3;
	[dreg:$0x4] =	wrdreg s29  }
0x10: {  	s8 =	sadd.s32 s8, s11;
	s5 =	sshrl.u32 s5, $0x3;
	s31 =	sadd.s32 s10, s11  }
0x11: {  	s0 =	smax.u32 s0, $0x1;
	s10 =	simm.s32 $0x7;
	s11 =	simm.s32 $0x1E0  }
0x12: {  	s15 =	simm.s32 $0x0;
	s7 =	sadd.s32 $0x7CE00, s7;
	[dreg:$0x5] =	wrdreg s8  }
0x13: {  	[dreg:$0x6] =	wrdreg s31;
	s5 =	sadd.s32 s3, s5;
	s3 =	sadd.s32 s3, s6  }
0x14: {  	[dreg:$0x9] =	wrdreg s0;
	s0 =	sshll.u32 @!p0 s14, $0x6;
	s6 =	simm.s32 $0x190  }
.Ltmp0:
0x15: {  	s8 =	simm.s32 $0x4;
	[dreg:$0x7] =	wrdreg s5;
	(pc) =	sbr.rel .LBB2_1-.Ltmp0, $4  }
0x16: {  	s5 =	sadd.s32 s26, s1;
	s3 =	sadd.s32 $0x12840, s3;
	s14 =	sor.u32 @!p0 $0x1C09, s0  }
0x17: {  	s0 =	sshrl.u32 @!p0 s9, $0x3;
	s26 =	simm.s32 $0xD980;
	[dreg:$0x8] =	wrdreg s3  }
0x18: {  	s9 =	simm.s32 $0x4FB0;
	[dreg:$0xa] =	wrdreg s0;
	s0 =	sshrl.u32 @!p0 s5, $0x3  }
0x19: {  	s5 =	simm.s32 $0x6;
	[dreg:$0xb] =	wrdreg s0;
	s0 =	simm.s32 $0x3  }
.LBB2_7:
0x1a: {  	_ =	swait.ge [sflag:s12], $0x1400  }
0x1b: {  	[sflag:s12] =	ssyncset.done $0x0  }
0x1c: {  	[sflag:s12] =	ssyncadd.s32 $0xFFFFEC00  }
0x1d: {  	[bflag:$0x0] =	sbarrier.arrive $0xFFFF  }
0x1e: {  	s3 =	simm.s32 @p0 $0x1FC9;
	s21 =	rddreg [dreg:$0x8]  }
0x1f: {  	[hbm:s21], [sflag:s3] =	dma.local @p0 [spmem:s13], $0x1040  }
0x20: {  	s3 =	simm.s32 @p0 $0x9  }
0x21: {  	_ =	swait.ge @p0 [sflag:s3], $0x1040  }
0x22: {  	[sflag:s3] =	ssyncset.done @p0 $0x0;
	s21 =	rddreg [dreg:$0xb]  }
0x23: {  	[sflag:s3] =	ssyncadd.s32 @p0 $0xFFFFEFC0;
	s3 =	rddreg [dreg:$0x7]  }
0x24: {  	[hbm:s3], [sflag:s14] =	dma.local @!p0 [spmem:s21], $0x13C0  }
0x25: {  	s3 =	simm.s32 @!p0 $0x9  }
0x26: {  	_ =	swait.ge @!p0 [sflag:s3], $0x13C0  }
0x27: {  	s15 =	sadd.s32 $0x1, s15;
	s31 =	rddreg [dreg:$0x9]  }
0x28: {  	p1 =	sne.s32 s15, s31  }
.Ltmp1:
0x29: {  	_ = 	snop;
	(pc) =	sbr.rel @!p1 .LBB2_8-.Ltmp1, $3  }
0x2a: {  	_ =	sdelay $0x1  }
0x2b: {  	[sflag:s3] =	ssyncset.done @!p0 $0x0  }
0x2c: {  	[sflag:s3] =	ssyncadd.s32 @!p0 $0xFFFFEC40  }
.LBB2_1:
0x2d: {  	s21 =	simm.s32 @p0 $0x1FC9  }
0x2e: {  	[spmem:s13], [sflag:s21] =	dma.local @p0 [hbm:s4], $0x1040  }
0x2f: {  	s21 =	simm.s32 @p0 $0x9  }
0x30: {  	_ =	swait.ge @p0 [sflag:s21], $0x1040  }
0x31: {  	[sflag:s21] =	ssyncset.done @p0 $0x0  }
0x32: {  	s3 =	rddreg [dreg:$0xa];
	[sflag:s21] =	ssyncadd.s32 @p0 $0xFFFFEFC0;
	s21 =	simm.s32 @!p0 $0x9  }
0x33: {  	[spmem:s3], [sflag:s14] =	dma.local @!p0 [hbm:s4], $0x13C0  }
0x34: {  	_ =	swait.ge @!p0 [sflag:s21], $0x13C0  }
0x35: {  	[sflag:s21] =	ssyncset.done @!p0 $0x0  }
0x36: {  	[sflag:s21] =	ssyncadd.s32 @!p0 $0xFFFFEC40  }
0x37: {  	[bflag:$0x0] =	sbarrier.arrive $0xFFFF  }
0x38: {  	s29 =	rddreg [dreg:$0x3]  }
0x39: {  	[tilespmem:s2], [sflag:$0x9] =	stream.linear.gather [hbm4b:s29+s2], $0x4D80, $0x38;
	[tilespmem:$0x189C0] =	vst v63  }
0x3a: {  	_ =	swait.ge [sflag:s16], $0x4D80  }
0x3b: {  	[sflag:s16] =	ssyncset.done $0x0  }
0x3c: {  	s31 =	rddreg [dreg:$0x4];
	[sflag:s16] =	ssyncadd.s32 $0xFFFFB280  }
0x3d: {  	[tilespmem:s17], [sflag:$0x9] =	stream.linear.gather [hbm4b:s31+s2], $0x4D80, $0x38;
	[tilespmem:$0x189C0] =	vst v63  }
0x3e: {  	_ =	swait.ge [sflag:s16], $0x4D80  }
0x3f: {  	[sflag:s16] =	ssyncset.done $0x0  }
0x40: {  	[sflag:s16] =	ssyncadd.s32 $0xFFFFB280  }
0x41: {  	[tilespmem:s19], [sflag:$0x1] =	stream.indirect.gather [hbm4b:s7+s18], $0x40, s2, s18, $0xb8;
	[tilespmem:$0x189C0] =	vst v63  }
0x42: {  	_ = 	snop  }
0x43: {  	[tilespmem:s20], [sflag:$0x2] =	stream.indirect.gather [hbm4b:s7+s18], $0x40, s18, s18, $0xb8;
	[tilespmem:$0x189C0] =	vst v63  }
0x44: {  	s21 =	simm.s32 $0xA0  }
0x45: {  	[tilespmem:s22], [sflag:$0x3] =	stream.indirect.gather [hbm4b:s7+s18], $0x40, s21, s18, $0xb8;
	[tilespmem:$0x189C0] =	vst v63  }
0x46: {  	_ =	swait.ge [sflag:s23], $0x1400  }
0x47: {  	[sflag:s23] =	ssyncset.done $0x0  }
0x48: {  	[sflag:s23] =	ssyncadd.s32 $0xFFFFEC00  }
0x49: {  	[spmem:s1] =	stream.indirect.scatter.add.f32 [tilespmem:s19], [sflag:$0x5], $0x40, s17, s18, $0xb8;
	[tilespmem:$0x189C0] =	vst v63  }
0x4a: {  	s24 =	simm.s32 $0xF0  }
0x4b: {  	[tilespmem:s26], [sflag:$0x4] =	stream.indirect.gather [hbm4b:s7+s18], $0x40, s24, s18, $0xb8;
	[tilespmem:$0x189C0] =	vst v63  }
0x4c: {  	_ =	swait.ge [sflag:s28], $0x1400  }
0x4d: {  	[sflag:s28] =	ssyncset.done $0x0  }
0x4e: {  	s25 =	simm.s32 $0x4F10;
	[sflag:s28] =	ssyncadd.s32 $0xFFFFEC00  }
0x4f: {  	[spmem:s1] =	stream.indirect.scatter.add.f32 [tilespmem:s20], [sflag:$0x6], $0x40, s25, s18, $0xb8;
	[tilespmem:$0x189C0] =	vst v63  }
0x50: {  	_ =	swait.ge [sflag:s30], $0x1400  }
0x51: {  	[sflag:s30] =	ssyncset.done $0x0  }
0x52: {  	s29 =	simm.s32 $0x140;
	[sflag:s30] =	ssyncadd.s32 $0xFFFFEC00  }
0x53: {  	[tilespmem:s19], [sflag:$0x1] =	stream.indirect.gather [hbm4b:s7+s18], $0x40, s29, s18, $0xb8;
	[tilespmem:$0x189C0] =	vst v63  }
0x54: {  	_ =	swait.ge [sflag:s0], $0x1400  }
0x55: {  	[sflag:s0] =	ssyncset.done $0x0  }
0x56: {  	s31 =	simm.s32 $0x4F60;
	[sflag:s0] =	ssyncadd.s32 $0xFFFFEC00  }
0x57: {  	[spmem:s1] =	stream.indirect.scatter.add.f32 [tilespmem:s22], [sflag:$0x7], $0x40, s31, s18, $0xb8;
	[tilespmem:$0x189C0] =	vst v63  }
0x58: {  	_ =	swait.ge [sflag:s5], $0x1400  }
0x59: {  	[sflag:s5] =	ssyncset.done $0x0  }
0x5a: {  	[sflag:s5] =	ssyncadd.s32 $0xFFFFEC00  }
0x5b: {  	[tilespmem:s20], [sflag:$0x2] =	stream.indirect.gather [hbm4b:s7+s18], $0x40, s6, s18, $0xb8;
	[tilespmem:$0x189C0] =	vst v63  }
0x5c: {  	_ =	swait.ge [sflag:s8], $0x1400  }
0x5d: {  	[sflag:s8] =	ssyncset.done $0x0  }
0x5e: {  	[sflag:s8] =	ssyncadd.s32 $0xFFFFEC00  }
0x5f: {  	[spmem:s1] =	stream.indirect.scatter.add.f32 [tilespmem:s26], [sflag:$0x8], $0x40, s9, s18, $0xb8;
	[tilespmem:$0x189C0] =	vst v63  }
0x60: {  	_ =	swait.ge [sflag:s10], $0x1400  }
0x61: {  	[sflag:s10] =	ssyncset.done $0x0  }
0x62: {  	s21 =	simm.s32 $0x0;
	[sflag:s10] =	ssyncadd.s32 $0xFFFFEC00  }
0x63: {  	[tilespmem:s22], [sflag:$0x3] =	stream.indirect.gather [hbm4b:s7+s18], $0x40, s11, s18, $0xb8;
	[tilespmem:$0x189C0] =	vst v63  }
.LBB2_2:
0x64: {  	_ =	swait.ge [sflag:s23], $0x1400  }
0x65: {  	s24 =	sshra.s32 s21, $0x2;
	[sflag:s23] =	ssyncset.done $0x0  }
0x66: {  	s29 =	sadd.s32 $0x5000, s24;
	[sflag:s23] =	ssyncadd.s32 $0xFFFFEC00  }
0x67: {  	[spmem:s1] =	stream.indirect.scatter.add.f32 [tilespmem:s19], [sflag:$0x5], $0x40, s29, s18, $0xb8;
	[tilespmem:$0x189C0] =	vst v63  }
0x68: {  	_ =	swait.ge [sflag:s12], $0x1400  }
0x69: {  	[sflag:s12] =	ssyncset.done $0x0  }
0x6a: {  	s3 =	sadd.s32 $0x230, s24;
	[sflag:s12] =	ssyncadd.s32 $0xFFFFEC00  }
0x6b: {  	[tilespmem:s26], [sflag:$0x4] =	stream.indirect.gather [hbm4b:s7+s18], $0x40, s3, s18, $0xb8;
	[tilespmem:$0x189C0] =	vst v63  }
0x6c: {  	_ =	swait.ge [sflag:s28], $0x1400  }
0x6d: {  	[sflag:s28] =	ssyncset.done $0x0  }
0x6e: {  	s25 =	sadd.s32 $0x5050, s24;
	[sflag:s28] =	ssyncadd.s32 $0xFFFFEC00  }
0x6f: {  	[spmem:s1] =	stream.indirect.scatter.add.f32 [tilespmem:s20], [sflag:$0x6], $0x40, s25, s18, $0xb8;
	[tilespmem:$0x189C0] =	vst v63  }
0x70: {  	_ =	swait.ge [sflag:s30], $0x1400  }
0x71: {  	p1 =	seq.s32 s21, $0x12C00;
	[sflag:s30] =	ssyncset.done $0x0  }
0x72: {  	s29 =	simm.s32 @p1 $0x3;
	[sflag:s30] =	ssyncadd.s32 $0xFFFFEC00  }
0x73: {  	_ =	swait.ge @p1 [sflag:s29], $0x1400  }
0x74: {  	[sflag:s29] =	ssyncset.done @p1 $0x0  }
0x75: {  	[sflag:s29] =	ssyncadd.s32 @p1 $0xFFFFEC00;
	s29 =	sshra.s32 @p1 s21, $0x2  }
0x76: {  	s31 =	simm.s32 @p1 $0xC580;
	s25 =	simm.s32 @p1 $0x50;
	s29 =	sadd.s32 @p1 $0x50A0, s29  }
0x77: {  	[spmem:s1] =	stream.indirect.scatter.add.f32 @p1 [tilespmem:s31], [sflag:$0x7], $0x40, s29, s25, $0xb8;
	[tilespmem:$0x189C0] =	vst v63  }
0x78: {  	s25 =	simm.s32 @p1 $0x6  }
0x79: {  	_ =	swait.ge @p1 [sflag:s25], $0x1400  }
0x7a: {  	[sflag:s25] =	ssyncset.done @p1 $0x0  }
0x7b: {  	[sflag:s25] =	ssyncadd.s32 @p1 $0xFFFFEC00;
	s25 =	sshra.s32 @!p1 s21, $0x2  }
0x7c: {  	s3 =	simm.s32 @!p1 $0x9D80;
	s31 =	simm.s32 @!p1 $0x50;
	s29 =	sadd.s32 @!p1 $0x280, s25  }
0x7d: {  	[tilespmem:s3], [sflag:$0x1] =	stream.indirect.gather @!p1 [hbm4b:s7+s31], $0x40, s29, s31, $0xb8;
	[tilespmem:$0x189C0] =	vst v63  }
0x7e: {  	s3 =	simm.s32 @!p1 $0x3  }
0x7f: {  	_ =	swait.ge @!p1 [sflag:s3], $0x1400  }
0x80: {  	[sflag:s3] =	ssyncset.done @!p1 $0x0  }
0x81: {  	s29 =	simm.s32 @!p1 $0xC580;
	[sflag:s3] =	ssyncadd.s32 @!p1 $0xFFFFEC00;
	s3 =	sadd.s32 @!p1 $0x50A0, s25  }
0x82: {  	[spmem:s1] =	stream.indirect.scatter.add.f32 @!p1 [tilespmem:s29], [sflag:$0x7], $0x40, s3, s31, $0xb8;
	[tilespmem:$0x189C0] =	vst v63  }
0x83: {  	s3 =	simm.s32 @!p1 $0x6  }
0x84: {  	_ =	swait.ge @!p1 [sflag:s3], $0x1400  }
0x85: {  	[sflag:s3] =	ssyncset.done @!p1 $0x0  }
0x86: {  	[sflag:s3] =	ssyncadd.s32 @!p1 $0xFFFFEC00;
	s3 =	sadd.s32 @!p1 $0x2D0, s25;
	s25 =	simm.s32 @!p1 $0xB180  }
0x87: {  	[tilespmem:s25], [sflag:$0x2] =	stream.indirect.gather @!p1 [hbm4b:s7+s31], $0x40, s3, s31, $0xb8;
	[tilespmem:$0x189C0] =	vst v63  }
0x88: {  	_ =	swait.ge [sflag:s8], $0x1400  }
0x89: {  	[sflag:s8] =	ssyncset.done $0x0  }
.Ltmp2:
0x8a: {  	s31 =	sadd.s32 $0x50F0, s24;
	[sflag:s8] =	ssyncadd.s32 $0xFFFFEC00;
	(pc) =	sbr.rel @p1 .LBB2_4-.Ltmp2, $4  }
0x8b: {  	[spmem:s1] =	stream.indirect.scatter.add.f32 [tilespmem:s26], [sflag:$0x8], $0x40, s31, s18, $0xb8;
	[tilespmem:$0x189C0] =	vst v63  }
0x8c: {  	_ =	swait.ge [sflag:s10], $0x1400  }
0x8d: {  	[sflag:s10] =	ssyncset.done $0x0  }
0x8e: {  	[sflag:s10] =	ssyncadd.s32 $0xFFFFEC00  }
.Ltmp3:
0x8f: {  	(pc) =	sbr.rel .LBB2_2-.Ltmp3, $3  }
0x90: {  	_ =	sdelay $0x1  }
0x91: {  	s3 =	sadd.s32 $0x320, s24;
	s21 =	sadd.s32 $0x500, s21  }
0x92: {  	[tilespmem:s22], [sflag:$0x3] =	stream.indirect.gather [hbm4b:s7+s18], $0x40, s3, s18, $0xb8;
	[tilespmem:$0x189C0] =	vst v63  }
.LBB2_4:
0x93: {  	_ =	swait.ge [sflag:s12], $0x1400  }
0x94: {  	[sflag:s12] =	ssyncset.done $0x0  }
0x95: {  	s21 =	simm.s32 $0x0;
	s3 =	rddreg [dreg:$0x5];
	[sflag:s12] =	ssyncadd.s32 $0xFFFFEC00  }
0x96: {  	[tilespmem:s21], [sflag:$0x9] =	stream.linear.gather [hbm4b:s3+s21], $0x4EC0, $0x38;
	[tilespmem:$0x189C0] =	vst v63  }
0x97: {  	_ =	swait.ge [sflag:s16], $0x4EC0  }
0x98: {  	[sflag:s16] =	ssyncset.done $0x0  }
0x99: {  	s29 =	rddreg [dreg:$0x6];
	[sflag:s16] =	ssyncadd.s32 $0xFFFFB140  }
0x9a: {  	[tilespmem:s17], [sflag:$0x9] =	stream.linear.gather [hbm4b:s29+s21], $0x4EC0, $0x38;
	[tilespmem:$0x189C0] =	vst v63  }
0x9b: {  	_ =	swait.ge [sflag:s16], $0x4EC0  }
0x9c: {  	[sflag:s16] =	ssyncset.done $0x0  }
0x9d: {  	[sflag:s16] =	ssyncadd.s32 $0xFFFFB140  }
0x9e: {  	[tilespmem:s19], [sflag:$0x1] =	stream.indirect.gather [hbm4b:s7+s18], $0x40, s21, s18, $0xb8;
	[tilespmem:$0x189C0] =	vst v63  }
0x9f: {  	_ = 	snop  }
0xa0: {  	[tilespmem:s20], [sflag:$0x2] =	stream.indirect.gather [hbm4b:s7+s18], $0x40, s18, s18, $0xb8;
	[tilespmem:$0x189C0] =	vst v63  }
0xa1: {  	s31 =	simm.s32 $0xA0  }
0xa2: {  	[tilespmem:s22], [sflag:$0x3] =	stream.indirect.gather [hbm4b:s7+s18], $0x40, s31, s18, $0xb8;
	[tilespmem:$0x189C0] =	vst v63  }
0xa3: {  	_ =	swait.ge [sflag:s23], $0x1400  }
0xa4: {  	[sflag:s23] =	ssyncset.done $0x0  }
0xa5: {  	[sflag:s23] =	ssyncadd.s32 $0xFFFFEC00  }
0xa6: {  	[spmem:s1] =	stream.indirect.scatter.add.f32 [tilespmem:s19], [sflag:$0x5], $0x40, s17, s18, $0xb8;
	[tilespmem:$0x189C0] =	vst v63  }
0xa7: {  	s24 =	simm.s32 $0xF0  }
0xa8: {  	[tilespmem:s26], [sflag:$0x4] =	stream.indirect.gather [hbm4b:s7+s18], $0x40, s24, s18, $0xb8;
	[tilespmem:$0x189C0] =	vst v63  }
0xa9: {  	_ =	swait.ge [sflag:s28], $0x1400  }
0xaa: {  	[sflag:s28] =	ssyncset.done $0x0  }
0xab: {  	s25 =	simm.s32 $0x4F10;
	[sflag:s28] =	ssyncadd.s32 $0xFFFFEC00  }
0xac: {  	[spmem:s1] =	stream.indirect.scatter.add.f32 [tilespmem:s20], [sflag:$0x6], $0x40, s25, s18, $0xb8;
	[tilespmem:$0x189C0] =	vst v63  }
0xad: {  	_ =	swait.ge [sflag:s30], $0x1400  }
0xae: {  	[sflag:s30] =	ssyncset.done $0x0  }
0xaf: {  	s29 =	simm.s32 $0x140;
	[sflag:s30] =	ssyncadd.s32 $0xFFFFEC00  }
0xb0: {  	[tilespmem:s19], [sflag:$0x1] =	stream.indirect.gather [hbm4b:s7+s18], $0x40, s29, s18, $0xb8;
	[tilespmem:$0x189C0] =	vst v63  }
0xb1: {  	_ =	swait.ge [sflag:s0], $0x1400  }
0xb2: {  	[sflag:s0] =	ssyncset.done $0x0  }
0xb3: {  	s31 =	simm.s32 $0x4F60;
	[sflag:s0] =	ssyncadd.s32 $0xFFFFEC00  }
0xb4: {  	[spmem:s1] =	stream.indirect.scatter.add.f32 [tilespmem:s22], [sflag:$0x7], $0x40, s31, s18, $0xb8;
	[tilespmem:$0x189C0] =	vst v63  }
0xb5: {  	_ =	swait.ge [sflag:s5], $0x1400  }
0xb6: {  	[sflag:s5] =	ssyncset.done $0x0  }
0xb7: {  	[sflag:s5] =	ssyncadd.s32 $0xFFFFEC00  }
0xb8: {  	[tilespmem:s20], [sflag:$0x2] =	stream.indirect.gather [hbm4b:s7+s18], $0x40, s6, s18, $0xb8;
	[tilespmem:$0x189C0] =	vst v63  }
0xb9: {  	_ =	swait.ge [sflag:s8], $0x1400  }
0xba: {  	[sflag:s8] =	ssyncset.done $0x0  }
0xbb: {  	[sflag:s8] =	ssyncadd.s32 $0xFFFFEC00  }
0xbc: {  	[spmem:s1] =	stream.indirect.scatter.add.f32 [tilespmem:s26], [sflag:$0x8], $0x40, s9, s18, $0xb8;
	[tilespmem:$0x189C0] =	vst v63  }
0xbd: {  	_ =	swait.ge [sflag:s10], $0x1400  }
0xbe: {  	[sflag:s10] =	ssyncset.done $0x0  }
0xbf: {  	[sflag:s10] =	ssyncadd.s32 $0xFFFFEC00  }
0xc0: {  	[tilespmem:s22], [sflag:$0x3] =	stream.indirect.gather [hbm4b:s7+s18], $0x40, s11, s18, $0xb8;
	[tilespmem:$0x189C0] =	vst v63  }
.LBB2_5:
0xc1: {  	_ =	swait.ge [sflag:s23], $0x1400  }
0xc2: {  	s24 =	sshra.s32 s21, $0x2;
	[sflag:s23] =	ssyncset.done $0x0  }
0xc3: {  	s3 =	sadd.s32 $0x5000, s24;
	[sflag:s23] =	ssyncadd.s32 $0xFFFFEC00  }
0xc4: {  	[spmem:s1] =	stream.indirect.scatter.add.f32 [tilespmem:s19], [sflag:$0x5], $0x40, s3, s18, $0xb8;
	[tilespmem:$0x189C0] =	vst v63  }
0xc5: {  	_ =	swait.ge [sflag:s12], $0x1400  }
0xc6: {  	[sflag:s12] =	ssyncset.done $0x0  }
0xc7: {  	s25 =	sadd.s32 $0x230, s24;
	[sflag:s12] =	ssyncadd.s32 $0xFFFFEC00  }
0xc8: {  	[tilespmem:s26], [sflag:$0x4] =	stream.indirect.gather [hbm4b:s7+s18], $0x40, s25, s18, $0xb8;
	[tilespmem:$0x189C0] =	vst v63  }
0xc9: {  	_ =	swait.ge [sflag:s28], $0x1400  }
0xca: {  	[sflag:s28] =	ssyncset.done $0x0  }
0xcb: {  	s29 =	sadd.s32 $0x5050, s24;
	[sflag:s28] =	ssyncadd.s32 $0xFFFFEC00  }
0xcc: {  	[spmem:s1] =	stream.indirect.scatter.add.f32 [tilespmem:s20], [sflag:$0x6], $0x40, s29, s18, $0xb8;
	[tilespmem:$0x189C0] =	vst v63  }
0xcd: {  	_ =	swait.ge [sflag:s30], $0x1400  }
0xce: {  	p1 =	seq.s32 s21, $0x13100;
	[sflag:s30] =	ssyncset.done $0x0  }
0xcf: {  	s3 =	simm.s32 @p1 $0x3;
	[sflag:s30] =	ssyncadd.s32 $0xFFFFEC00  }
0xd0: {  	_ =	swait.ge @p1 [sflag:s3], $0x1400  }
0xd1: {  	[sflag:s3] =	ssyncset.done @p1 $0x0  }
0xd2: {  	[sflag:s3] =	ssyncadd.s32 @p1 $0xFFFFEC00;
	s3 =	sshra.s32 @p1 s21, $0x2  }
0xd3: {  	s25 =	simm.s32 @p1 $0x50;
	s29 =	simm.s32 @p1 $0xC580;
	s3 =	sadd.s32 @p1 $0x50A0, s3  }
0xd4: {  	[spmem:s1] =	stream.indirect.scatter.add.f32 @p1 [tilespmem:s29], [sflag:$0x7], $0x40, s3, s25, $0xb8;
	[tilespmem:$0x189C0] =	vst v63  }
0xd5: {  	s3 =	simm.s32 @p1 $0x6  }
0xd6: {  	_ =	swait.ge @p1 [sflag:s3], $0x1400  }
0xd7: {  	[sflag:s3] =	ssyncset.done @p1 $0x0  }
0xd8: {  	[sflag:s3] =	ssyncadd.s32 @p1 $0xFFFFEC00;
	s3 =	sshra.s32 @!p1 s21, $0x2  }
0xd9: {  	s31 =	simm.s32 @!p1 $0x9D80;
	s29 =	simm.s32 @!p1 $0x50;
	s25 =	sadd.s32 @!p1 $0x280, s3  }
0xda: {  	[tilespmem:s31], [sflag:$0x1] =	stream.indirect.gather @!p1 [hbm4b:s7+s29], $0x40, s25, s29, $0xb8;
	[tilespmem:$0x189C0] =	vst v63  }
0xdb: {  	s25 =	simm.s32 @!p1 $0x3  }
0xdc: {  	_ =	swait.ge @!p1 [sflag:s25], $0x1400  }
0xdd: {  	[sflag:s25] =	ssyncset.done @!p1 $0x0  }
0xde: {  	s31 =	simm.s32 @!p1 $0xC580;
	[sflag:s25] =	ssyncadd.s32 @!p1 $0xFFFFEC00;
	s25 =	sadd.s32 @!p1 $0x50A0, s3  }
0xdf: {  	[spmem:s1] =	stream.indirect.scatter.add.f32 @!p1 [tilespmem:s31], [sflag:$0x7], $0x40, s25, s29, $0xb8;
	[tilespmem:$0x189C0] =	vst v63  }
0xe0: {  	s25 =	simm.s32 @!p1 $0x6  }
0xe1: {  	_ =	swait.ge @!p1 [sflag:s25], $0x1400  }
0xe2: {  	[sflag:s25] =	ssyncset.done @!p1 $0x0  }
0xe3: {  	s3 =	sadd.s32 @!p1 $0x2D0, s3;
	[sflag:s25] =	ssyncadd.s32 @!p1 $0xFFFFEC00;
	s25 =	simm.s32 @!p1 $0xB180  }
0xe4: {  	[tilespmem:s25], [sflag:$0x2] =	stream.indirect.gather @!p1 [hbm4b:s7+s29], $0x40, s3, s29, $0xb8;
	[tilespmem:$0x189C0] =	vst v63  }
0xe5: {  	_ =	swait.ge [sflag:s8], $0x1400  }
0xe6: {  	[sflag:s8] =	ssyncset.done $0x0  }
.Ltmp4:
0xe7: {  	s31 =	sadd.s32 $0x50F0, s24;
	[sflag:s8] =	ssyncadd.s32 $0xFFFFEC00;
	(pc) =	sbr.rel @p1 .LBB2_7-.Ltmp4, $4  }
0xe8: {  	[spmem:s1] =	stream.indirect.scatter.add.f32 [tilespmem:s26], [sflag:$0x8], $0x40, s31, s18, $0xb8;
	[tilespmem:$0x189C0] =	vst v63  }
0xe9: {  	_ =	swait.ge [sflag:s10], $0x1400  }
0xea: {  	[sflag:s10] =	ssyncset.done $0x0  }
0xeb: {  	[sflag:s10] =	ssyncadd.s32 $0xFFFFEC00  }
.Ltmp5:
0xec: {  	(pc) =	sbr.rel .LBB2_5-.Ltmp5, $3  }
0xed: {  	_ =	sdelay $0x1  }
0xee: {  	s3 =	sadd.s32 $0x320, s24;
	s21 =	sadd.s32 $0x500, s21  }
0xef: {  	[tilespmem:s22], [sflag:$0x3] =	stream.indirect.gather [hbm4b:s7+s18], $0x40, s3, s18, $0xb8;
	[tilespmem:$0x189C0] =	vst v63  }
.LBB2_8:
0xf0: {  	_ =	sfence.sel $0x180000  }
0xf1: {  	[bflag:$0x0] =	sbarrier.arrive $0xFFFF  }
0xf2: {  	_ =	strace $0x9000004A  }
0xf3: {  	s0 =	stileid.u32;
	[bflag:$0x2] =	sbarrier.arrive $0xFFFF  }
0xf4: {  	p0 =	sne.s32 s0, $0x0;
	s0 =	rddreg [dreg:$0x2]  }
0xf5: {  	s0 =	sadd.s32 @!p0 $0x100000, s0  }
0xf6: {  	[sflag:s0] =	ssyncadd.tile.s32 @!p0 $0x1;
	_ =	shalt  }
.Lfunc_end2:
_tile_overlayer_lowered:
.L_overlay_start_2:
0xf7: {  	(tag) =	ssettag $0x2  }
0xf8: {  	s0 =	rddreg [dreg:$0x0];
	s2 =	stileid.u32  }
0xf9: {  	s1 =	rddreg [dreg:$0x1];
	p0 =	sne.s32 s2, $0x0  }
0xfa: {  	s3 =	rddreg [dreg:$0x2];
	[bflag:$0x3] =	sbarrier.arrive $0xFFFF;
	s2 =	simm.s32 @!p0 $0x1C09  }
0xfb: {  	[timem:s3], [sflag:s2] =	dma.local @!p0 [hbm:s0], s1  }
0xfc: {  	s0 =	simm.s32 @!p0 $0x9  }
0xfd: {  	_ =	swait.ge @!p0 [sflag:s0], s1  }
0xfe: {  	s1 =	ssub.s32 @!p0 $0x0, s1;
	[sflag:s0] =	ssyncset.done @!p0 $0x0  }
0xff: {  	[sflag:s0] =	ssyncadd.s32 @!p0 s1  }
0x100: {  	[bflag:$0x3] =	sbarrier.arrive $0xFFFF  }
0x101: {  	_ =	shalt  }

// kernel: kernel.17.cloned.1.call-start
scs
__scs_entry_jumppad:
0x0: {  	(pc) =	sbr.rel $0x88, $3  }
0x1: {  	(tag) =	ssettag $0x0;
	lr =	simm.s32 $0x1  }
0x2: {  	[smem:$0x3F77] =	sst lr;
	_ =	strace $0xD0000000  }
0x3: {  	_ = 	snop  }
0x4: {  	_ = 	snop  }
0x5: {  	_ = 	snop  }
0x6: {  	_ = 	snop  }
0x7: {  	_ = 	snop  }
__scs_overlays_trampoline_lowered:
0x8: {  	[smem:$0x3F86] =	sst s0  }
0x9: {  	[smem:$0x3F87] =	sst s1  }
0xa: {  	[smem:$0x3F88] =	sst s2  }
0xb: {  	[smem:$0x3F89] =	sst s3  }
0xc: {  	[smem:$0x3F8A] =	sst s4  }
0xd: {  	[smem:$0x3F8B] =	sst s5  }
0xe: {  	[smem:$0x3F8C] =	sst s6  }
0xf: {  	[smem:$0x3F8D] =	sst s7  }
0x10: {  	[smem:$0x3F8E] =	sst s8  }
0x11: {  	[smem:$0x3F8F] =	sst s9;
	s0 =	simm.s32 @!p0 $0x0  }
0x12: {  	s1 =	sld [smem:$0x3F75];
	s0 =	simm.s32 @p0 $0x1  }
0x13: {  	[smem:$0x3F90] =	sst s0;
	s0 =	simm.s32 @!p1 $0x0  }
0x14: {  	s2 =	sld [smem:$0x3F74];
	s0 =	simm.s32 @p1 $0x1  }
0x15: {  	[smem:$0x3F91] =	sst s0;
	s0 =	simm.s32 @!p2 $0x0  }
0x16: {  	s3 =	sld [smem:$0x3FDB];
	s0 =	simm.s32 @p2 $0x1  }
0x17: {  	s4 =	simm.s32 $0x1BF5;
	[smem:$0x3F93] =	sst s0  }
0x18: {  	s0 =	sld [smem:$0x3F76];
	_ =	swait.ge [sflag:s4], $0x0  }
0x19: {  	s7 =	sld [smem:$0x3F77]  }
0x1a: {  	s8 =	sadd.s32 $0xFFFFE003, lr  }
0x1b: {  	s9 =	sadd.s32 $0xFFFFFEF7, lr;
	s5 =	simm.s32 $0xFFFFFFFF;
	p2 =	slt.u32 s8, $0xFFFFF086  }
0x1c: {  	p1 =	slt.u32 s9, $0xF7A;
	s5 =	simm.s32 @!p2 $0x0  }
0x1d: {  	s5 =	simm.s32 @p1 $0x1;
	p0 =	seq.s32 s7, s2  }
0x1e: {  	s7 =	smul.u32 @!p0 $0xF7A, s2;
	p2 =	seq.s32 @!p0 s5, $0x0  }
0x1f: {  	s9 =	smul.u32 $0xF7A, s1;
	s8 =	simm.s32 @!p0 $0x1BF5;
	p2 =	por !p2, p0  }
0x20: {  	[sflag:s8] =	ssyncset.s32 @!p0 $0xFFFFF086;
	s6 =	sadd.s32 @!p0 s3, s7;
	s7 =	simm.s32 @!p0 $0x108  }
0x21: {  	s3 =	sadd.s32 s3, s9;
	s6 =	sadd.s32 @!p0 $0x88, s6;
	s7 =	simm.s32 @p2 $0x1082  }
0x22: {  	[simem:s7], [sflag:s8] =	dma.local @!p0 [hbm:s6], $0xF7A  }
0x23: {  	s9 =	sor.u32 $0xD0000000, s2;
	s6 =	simm.s32 $0x108;
	_ =	swait.ge @!p0 [sflag:s8], $0x0  }
0x24: {  	s3 =	sadd.s32 $0x88, s3;
	s6 =	simm.s32 @!p1 $0x1082;
	[sflag:s4] =	ssyncset.s32 $0xFFFFF086  }
0x25: {  	[simem:s6], [sflag:s4] =	dma.local [hbm:s3], $0xF7A  }
0x26: {  	[smem:$0x3F77] =	sst s1;
	(tag) =	ssettag s2;
	_ =	strace s9  }
0x27: {  	s1 =	sld [smem:$0x3F87]  }
0x28: {  	s2 =	sld [smem:$0x3F88]  }
0x29: {  	s4 =	sld [smem:$0x3F8A]  }
0x2a: {  	p0 =	seq.s32 s5, $0x0;
	s5 =	sld [smem:$0x3F8B]  }
0x2b: {  	s6 =	sld [smem:$0x3F8C]  }
0x2c: {  	s7 =	sld [smem:$0x3F8D]  }
0x2d: {  	s3 =	simm.s32 $0x108;
	s8 =	sld [smem:$0x3F8E]  }
0x2e: {  	s3 =	simm.s32 @!p0 $0x1082;
	s9 =	sld [smem:$0x3F8F]  }
0x2f: {  	lr =	sadd.s32 s0, s3;
	s0 =	sld [smem:$0x3F86]  }
0x30: {  	s3 =	sld [smem:$0x3F89]  }
0x31: {  	[smem:$0x3F92] =	sst s10  }
0x32: {  	s10 =	sld [smem:$0x3F90];
	_ =	sdelay $0x3  }
0x33: {  	p0 =	seq.s32 s10, $0x1;
	s10 =	sld [smem:$0x3F92];
	_ =	sdelay $0x3  }
0x34: {  	[smem:$0x3F92] =	sst s10  }
0x35: {  	s10 =	sld [smem:$0x3F91];
	_ =	sdelay $0x3  }
0x36: {  	p1 =	seq.s32 s10, $0x1;
	s10 =	sld [smem:$0x3F92];
	_ =	sdelay $0x3  }
0x37: {  	[smem:$0x3F92] =	sst s10  }
0x38: {  	s10 =	sld [smem:$0x3F93]  }
0x39: {  	_ = 	snop;
	(pc) =	sbr.ind lr, $3  }
0x3a: {  	_ = 	snop  }
0x3b: {  	_ = 	snop  }
0x3c: {  	p2 =	seq.s32 s10, $0x1;
	s10 =	sld [smem:$0x3F92]  }
0x3d: {  	_ =	shalt  }
0x3e: {  	_ =	shalt  }
0x3f: {  	_ =	shalt  }
0x40: {  	_ =	shalt  }
0x41: {  	_ =	shalt  }
0x42: {  	_ =	shalt  }
0x43: {  	_ =	shalt  }
0x44: {  	_ =	shalt  }
0x45: {  	_ =	shalt  }
0x46: {  	_ =	shalt  }
0x47: {  	_ =	shalt  }
0x48: {  	_ =	shalt  }
0x49: {  	_ =	shalt  }
0x4a: {  	_ =	shalt  }
0x4b: {  	_ =	shalt  }
0x4c: {  	_ =	shalt  }
0x4d: {  	_ =	shalt  }
0x4e: {  	_ =	shalt  }
0x4f: {  	_ =	shalt  }
0x50: {  	_ =	shalt  }
0x51: {  	_ =	shalt  }
0x52: {  	_ =	shalt  }
0x53: {  	_ =	shalt  }
0x54: {  	_ =	shalt  }
0x55: {  	_ =	shalt  }
0x56: {  	_ =	shalt  }
0x57: {  	_ =	shalt  }
0x58: {  	_ =	shalt  }
0x59: {  	_ =	shalt  }
0x5a: {  	_ =	shalt  }
0x5b: {  	_ =	shalt  }
0x5c: {  	_ =	shalt  }
0x5d: {  	_ =	shalt  }
0x5e: {  	_ =	shalt  }
0x5f: {  	_ =	shalt  }
0x60: {  	_ =	shalt  }
0x61: {  	_ =	shalt  }
0x62: {  	_ =	shalt  }
0x63: {  	_ =	shalt  }
0x64: {  	_ =	shalt  }
0x65: {  	_ =	shalt  }
0x66: {  	_ =	shalt  }
0x67: {  	_ =	shalt  }
0x68: {  	_ =	shalt  }
0x69: {  	_ =	shalt  }
0x6a: {  	_ =	shalt  }
0x6b: {  	_ =	shalt  }
0x6c: {  	_ =	shalt  }
0x6d: {  	_ =	shalt  }
0x6e: {  	_ =	shalt  }
0x6f: {  	_ =	shalt  }
0x70: {  	_ =	shalt  }
0x71: {  	_ =	shalt  }
0x72: {  	_ =	shalt  }
0x73: {  	_ =	shalt  }
0x74: {  	_ =	shalt  }
0x75: {  	_ =	shalt  }
0x76: {  	_ =	shalt  }
0x77: {  	_ =	shalt  }
0x78: {  	_ =	shalt  }
0x79: {  	_ =	shalt  }
0x7a: {  	_ =	shalt  }
0x7b: {  	_ =	shalt  }
0x7c: {  	_ =	shalt  }
0x7d: {  	_ =	shalt  }
0x7e: {  	_ =	shalt  }
0x7f: {  	_ =	shalt  }
0x80: {  	_ =	shalt  }
0x81: {  	_ =	shalt  }
0x82: {  	_ =	shalt  }
0x83: {  	_ =	shalt  }
0x84: {  	_ =	shalt  }
0x85: {  	_ =	shalt  }
0x86: {  	_ =	shalt  }
0x87: {  	_ =	shalt  }
.Lfunc_end0:
.L_simem_size_0:
called_computation.2_lowered:
.L_overlay_start_0:
0x88: {  	s2 =	sld [smem:$0x3FD9]  }
0x89: {  	s3 =	sld [smem:$0x3FFE];
	_ =	sdelay $0x1  }
0x8a: {  	s1 =	srdreg.scid  }
0x8b: {  	s0 =	sand.u32 $0x1, s1  }
0x8c: {  	s16 =	sshll.u32 s0, $0xA;
	s2 =	sadd.s32 s3, s2  }
0x8d: {  	s2 =	sadd.s32 s2, s16  }
0x8e: {  	[smem:$0x3F9E] =	sst s2  }
0x8f: {  	_ = 	snop  }
0x90: {  	(tm) =	ssettm $0x1  }
0x91: {  	s17 =	sld [smem:$0x3FFB];
	_ =	sdelay $0x3  }
0x92: {  	_ =	strace s17  }
0x93: {  	s2 =	sld [smem:$0x3FFC];
	_ =	sdelay $0x3  }
0x94: {  	_ =	strace s2  }
0x95: {  	s2 =	sld [smem:$0x3FFD];
	_ =	sdelay $0x3  }
0x96: {  	_ =	strace s2  }
0x97: {  	_ =	strace $0x8FFFFFFF  }
0x98: {  	s18 =	sld [smem:$0x3FDB];
	_ =	sdelay $0x1  }
0x99: {  	s19 =	simm.s32 $_scs_section_size  }
0x9a: {  	s4 =	simm.s32 $_size__tile_overlayer_lowered;
	s5 =	simm.s32 $_tile_overlayer_lowered  }
0x9b: {  	s22 =	simm.s32 $0x1BFF;
	s21 =	sshll.u32 s5, $0x1;
	s2 =	sadd.s32 s19, s18  }
0x9c: {  	s6 =	simm.s32 $0x0;
	s20 =	sshll.u32 s4, $0x1;
	s4 =	sadd.s32 s21, s2  }
0x9d: {  	[timem:s6], [sflag:s22] =	dma.local [hbm:s4], s20  }
0x9e: {  	_ =	swait.ge [sflag:s22], s20  }
0x9f: {  	s3 =	ssub.s32 $0x0, s20;
	[sflag:s22] =	ssyncset.done $0x0  }
0xa0: {  	[sflag:s22] =	ssyncadd.s32 s3;
	_ =	sdelay $0x1  }
0xa1: {  	s23 =	simm.s32 $0x1B8B  }
0xa2: {  	_ =	swait.ge [sflag:s23], $0x1  }
0xa3: {  	[sflag:s23] =	ssyncset.done $0x0  }
0xa4: {  	s25 =	simm.s32 $0x1B8E;
	s24 =	sld [smem:$0x3FFE];
	[sflag:s23] =	ssyncadd.s32 $0xFFFFFFFF  }
0xa5: {  	s26 =	simm.s32 $execute0_lowered;
	[smem:$0x3FD2] =	sst s25  }
0xa6: {  	s4 =	sshll.u32 s26, $0x1;
	_ =	strace $0x8000004C;
	[dreg:$0x1] =	wrdreg $0xFFFFFFFF  }
0xa7: {  	s28 =	simm.s32 $_size_execute0_lowered;
	s2 =	sadd.s32 s2, s4;
	[dreg:$0x0] =	wrdreg $0x0  }
0xa8: {  	s4 =	sshll.u32 s28, $0x1;
	[dreg:$0x2] =	wrdreg s2  }
0xa9: {  	[dreg:$0x3] =	wrdreg s4  }
0xaa: {  	[dreg:$0x4] =	wrdreg $0xC0  }
0xab: {  	_ =	task [dreg:s6], $0x5FFFF  }
0xac: {  	[dreg:$0x1] =	wrdreg $0xFFFFFFFF  }
0xad: {  	[dreg:$0x0] =	wrdreg $0x60  }
0xae: {  	[dreg:$0x2] =	wrdreg s24  }
0xaf: {  	[dreg:$0x3] =	wrdreg $0xED800  }
0xb0: {  	[dreg:$0x4] =	wrdreg $0x9  }
0xb1: {  	_ =	task.clear_ibuf [dreg:s6], $0x5FFFF;
	_ =	strace $0x9000004C  }
0xb2: {  	s29 =	simm.s32 $0x9;
	_ =	strace $0x8000004E  }
0xb3: {  	_ =	swait.ge [sflag:s29], $0x1  }
0xb4: {  	[sflag:s29] =	ssyncadd.s32 $0xFFFFFFFF  }
0xb5: {  	_ =	strace $0x9000004E  }
0xb6: {  	_ =	sfence  }
0xb7: {  	s30 =	sld [smem:$0x0];
	_ =	sdelay $0x2  }
0xb8: {  	s31 =	sshll.u32 s1, $0xD;
	s1 =	sshrl.u32 s1, $0x2  }
0xb9: {  	s3 =	sand.u32 $0x4000, s31;
	s1 =	sadd.s32 s1, s30  }
0xba: {  	s0 =	sor.u32 s3, s0;
	s1 =	sshll.u32 s1, $0x11  }
0xbb: {  	s0 =	sor.u32 s1, s0  }
0xbc: {  	s0 =	sadd.s32 $0x8F2B, s0  }
0xbd: {  	[sflag:s0] =	ssyncadd.remote.s32 $0x1  }
0xbe: {  	_ =	sfence.sel $0xFFFF  }
0xbf: {  	[dreg:$0x0] =	wrdreg $0xFFFFFFFF;
	(pc) =	sbr.abs _section_cstart, $3  }
0xc0: {  	[dreg:$0x1] =	wrdreg $0xFFFFFFFF  }
0xc1: {  	_ =	task.clear_ibuf [dreg:s6], $0x2FFFF;
	_ =	strace $0x9FFFFFFF  }
0xc2: {  	(tm) =	ssettm $0x7FFFFFFF  }
0xc3: {  	_ =	shalt  }
tec
execute0_lowered:
.L_overlay_start_1:
0x0: {  	(tag) =	ssettag $0x1  }
0x1: {  	s3 =	rddreg [dreg:$0x0]  }
0x2: {  	s0 =	srdreg.scid;
	s1 =	rddreg [dreg:$0x1];
	s2 =	simm.s32 $0x0  }
0x3: {  	s14 =	stileid.u32;
	s16 =	simm.s32 $0x9;
	s17 =	simm.s32 $0x4EC0  }
0x4: {  	s18 =	simm.s32 $0x50;
	s19 =	simm.s32 $0x9D80;
	s20 =	simm.s32 $0xB180  }
0x5: {  	s22 =	simm.s32 $0xC580;
	s23 =	simm.s32 $0x1;
	s28 =	simm.s32 $0x2  }
0x6: {  	s30 =	simm.s32 $0x5;
	s0 =	sand.u32 $0x1, s0;
	s9 =	smul.u32 $0x27800, s14  }
0x7: {  	[smem:$0x7FF] =	sst s2;
	s8 =	sadd.s32 $0x19C00, s3;
	s12 =	smul.u32 $0x9C40, s14  }
0x8: {  	s10 =	sadd.s32 $0x6200, s3;
	s4 =	sadd.s32 $0x7BA00, s3;
	s26 =	smul.u32 $0x9E00, s14  }
0x9: {  	s13 =	sadd.s32 $0x94200, s1;
	p0 =	seq.s32 s14, $0xF;
	s5 =	smul.u32 $0x9C400, s0  }
0xa: {  	_ =	strace $0x8000004D;
	s0 =	ssub.s32 $0x2, s0;
	s13 =	sshrl.u32 @p0 s13, $0x3  }
0xb: {  	s11 =	sshrl.u32 s0, $0x1;
	s9 =	sshrl.u32 s9, $0x2;
	s25 =	sshrl.u32 s12, $0x3  }
0xc: {  	s12 =	simm.s32 $0x8;
	s6 =	sshrl.u32 s5, $0x3;
	s0 =	ssub.s32 s0, s11  }
0xd: {  	s9 =	sadd.s32 s9, s1;
	s15 =	sadd.s32 s8, s25;
	s29 =	sadd.s32 s10, s25  }
0xe: {  	s11 =	sadd.s32 $0x9B0, s25;
	s5 =	sadd.s32 s26, s5;
	[dreg:$0x3] =	wrdreg s15  }
0xf: {  	s7 =	sadd.s32 s6, s3;
	s3 =	sadd.s32 $0xCB200, s3;
	[dreg:$0x4] =	wrdreg s29  }
0x10: {  	s8 =	sadd.s32 s8, s11;
	s5 =	sshrl.u32 s5, $0x3;
	s31 =	sadd.s32 s10, s11  }
0x11: {  	s0 =	smax.u32 s0, $0x1;
	s10 =	simm.s32 $0x7;
	s11 =	simm.s32 $0x1E0  }
0x12: {  	s15 =	simm.s32 $0x0;
	s7 =	sadd.s32 $0xA4000, s7;
	[dreg:$0x5] =	wrdreg s8  }
0x13: {  	[dreg:$0x6] =	wrdreg s31;
	s5 =	sadd.s32 s3, s5;
	s3 =	sadd.s32 s3, s6  }
0x14: {  	[dreg:$0x9] =	wrdreg s0;
	s0 =	sshll.u32 @!p0 s14, $0x6;
	s6 =	simm.s32 $0x190  }
.Ltmp0:
0x15: {  	s8 =	simm.s32 $0x4;
	[dreg:$0x7] =	wrdreg s5;
	(pc) =	sbr.rel .LBB2_1-.Ltmp0, $4  }
0x16: {  	s5 =	sadd.s32 s26, s1;
	s3 =	sadd.s32 $0x12840, s3;
	s14 =	sor.u32 @!p0 $0x1C09, s0  }
0x17: {  	s0 =	sshrl.u32 @!p0 s9, $0x3;
	s26 =	simm.s32 $0xD980;
	[dreg:$0x8] =	wrdreg s3  }
0x18: {  	s9 =	simm.s32 $0x4FB0;
	[dreg:$0xa] =	wrdreg s0;
	s0 =	sshrl.u32 @!p0 s5, $0x3  }
0x19: {  	s5 =	simm.s32 $0x6;
	[dreg:$0xb] =	wrdreg s0;
	s0 =	simm.s32 $0x3  }
.LBB2_7:
0x1a: {  	_ =	swait.ge [sflag:s12], $0x1400  }
0x1b: {  	[sflag:s12] =	ssyncset.done $0x0  }
0x1c: {  	[sflag:s12] =	ssyncadd.s32 $0xFFFFEC00  }
0x1d: {  	[bflag:$0x0] =	sbarrier.arrive $0xFFFF  }
0x1e: {  	s3 =	simm.s32 @p0 $0x1FC9;
	s21 =	rddreg [dreg:$0x8]  }
0x1f: {  	[hbm:s21], [sflag:s3] =	dma.local @p0 [spmem:s13], $0x1040  }
0x20: {  	s3 =	simm.s32 @p0 $0x9  }
0x21: {  	_ =	swait.ge @p0 [sflag:s3], $0x1040  }
0x22: {  	[sflag:s3] =	ssyncset.done @p0 $0x0;
	s21 =	rddreg [dreg:$0xb]  }
0x23: {  	[sflag:s3] =	ssyncadd.s32 @p0 $0xFFFFEFC0;
	s3 =	rddreg [dreg:$0x7]  }
0x24: {  	[hbm:s3], [sflag:s14] =	dma.local @!p0 [spmem:s21], $0x13C0  }
0x25: {  	s3 =	simm.s32 @!p0 $0x9  }
0x26: {  	_ =	swait.ge @!p0 [sflag:s3], $0x13C0  }
0x27: {  	s15 =	sadd.s32 $0x1, s15;
	s31 =	rddreg [dreg:$0x9]  }
0x28: {  	p1 =	sne.s32 s15, s31  }
.Ltmp1:
0x29: {  	_ = 	snop;
	(pc) =	sbr.rel @!p1 .LBB2_8-.Ltmp1, $3  }
0x2a: {  	_ =	sdelay $0x1  }
0x2b: {  	[sflag:s3] =	ssyncset.done @!p0 $0x0  }
0x2c: {  	[sflag:s3] =	ssyncadd.s32 @!p0 $0xFFFFEC40  }
.LBB2_1:
0x2d: {  	s21 =	simm.s32 @p0 $0x1FC9  }
0x2e: {  	[spmem:s13], [sflag:s21] =	dma.local @p0 [hbm:s4], $0x1040  }
0x2f: {  	s21 =	simm.s32 @p0 $0x9  }
0x30: {  	_ =	swait.ge @p0 [sflag:s21], $0x1040  }
0x31: {  	[sflag:s21] =	ssyncset.done @p0 $0x0  }
0x32: {  	s3 =	rddreg [dreg:$0xa];
	[sflag:s21] =	ssyncadd.s32 @p0 $0xFFFFEFC0;
	s21 =	simm.s32 @!p0 $0x9  }
0x33: {  	[spmem:s3], [sflag:s14] =	dma.local @!p0 [hbm:s4], $0x13C0  }
0x34: {  	_ =	swait.ge @!p0 [sflag:s21], $0x13C0  }
0x35: {  	[sflag:s21] =	ssyncset.done @!p0 $0x0  }
0x36: {  	[sflag:s21] =	ssyncadd.s32 @!p0 $0xFFFFEC40  }
0x37: {  	[bflag:$0x0] =	sbarrier.arrive $0xFFFF  }
0x38: {  	s29 =	rddreg [dreg:$0x3]  }
0x39: {  	[tilespmem:s2], [sflag:$0x9] =	stream.linear.gather [hbm4b:s29+s2], $0x4D80, $0x38;
	[tilespmem:$0x189C0] =	vst v63  }
0x3a: {  	_ =	swait.ge [sflag:s16], $0x4D80  }
0x3b: {  	[sflag:s16] =	ssyncset.done $0x0  }
0x3c: {  	s31 =	rddreg [dreg:$0x4];
	[sflag:s16] =	ssyncadd.s32 $0xFFFFB280  }
0x3d: {  	[tilespmem:s17], [sflag:$0x9] =	stream.linear.gather [hbm4b:s31+s2], $0x4D80, $0x38;
	[tilespmem:$0x189C0] =	vst v63  }
0x3e: {  	_ =	swait.ge [sflag:s16], $0x4D80  }
0x3f: {  	[sflag:s16] =	ssyncset.done $0x0  }
0x40: {  	[sflag:s16] =	ssyncadd.s32 $0xFFFFB280  }
0x41: {  	[tilespmem:s19], [sflag:$0x1] =	stream.indirect.gather [hbm4b:s7+s18], $0x40, s2, s18, $0xb8;
	[tilespmem:$0x189C0] =	vst v63  }
0x42: {  	_ = 	snop  }
0x43: {  	[tilespmem:s20], [sflag:$0x2] =	stream.indirect.gather [hbm4b:s7+s18], $0x40, s18, s18, $0xb8;
	[tilespmem:$0x189C0] =	vst v63  }
0x44: {  	s21 =	simm.s32 $0xA0  }
0x45: {  	[tilespmem:s22], [sflag:$0x3] =	stream.indirect.gather [hbm4b:s7+s18], $0x40, s21, s18, $0xb8;
	[tilespmem:$0x189C0] =	vst v63  }
0x46: {  	_ =	swait.ge [sflag:s23], $0x1400  }
0x47: {  	[sflag:s23] =	ssyncset.done $0x0  }
0x48: {  	[sflag:s23] =	ssyncadd.s32 $0xFFFFEC00  }
0x49: {  	[spmem:s1] =	stream.indirect.scatter.add.f32 [tilespmem:s19], [sflag:$0x5], $0x40, s17, s18, $0xb8;
	[tilespmem:$0x189C0] =	vst v63  }
0x4a: {  	s24 =	simm.s32 $0xF0  }
0x4b: {  	[tilespmem:s26], [sflag:$0x4] =	stream.indirect.gather [hbm4b:s7+s18], $0x40, s24, s18, $0xb8;
	[tilespmem:$0x189C0] =	vst v63  }
0x4c: {  	_ =	swait.ge [sflag:s28], $0x1400  }
0x4d: {  	[sflag:s28] =	ssyncset.done $0x0  }
0x4e: {  	s25 =	simm.s32 $0x4F10;
	[sflag:s28] =	ssyncadd.s32 $0xFFFFEC00  }
0x4f: {  	[spmem:s1] =	stream.indirect.scatter.add.f32 [tilespmem:s20], [sflag:$0x6], $0x40, s25, s18, $0xb8;
	[tilespmem:$0x189C0] =	vst v63  }
0x50: {  	_ =	swait.ge [sflag:s30], $0x1400  }
0x51: {  	[sflag:s30] =	ssyncset.done $0x0  }
0x52: {  	s29 =	simm.s32 $0x140;
	[sflag:s30] =	ssyncadd.s32 $0xFFFFEC00  }
0x53: {  	[tilespmem:s19], [sflag:$0x1] =	stream.indirect.gather [hbm4b:s7+s18], $0x40, s29, s18, $0xb8;
	[tilespmem:$0x189C0] =	vst v63  }
0x54: {  	_ =	swait.ge [sflag:s0], $0x1400  }
0x55: {  	[sflag:s0] =	ssyncset.done $0x0  }
0x56: {  	s31 =	simm.s32 $0x4F60;
	[sflag:s0] =	ssyncadd.s32 $0xFFFFEC00  }
0x57: {  	[spmem:s1] =	stream.indirect.scatter.add.f32 [tilespmem:s22], [sflag:$0x7], $0x40, s31, s18, $0xb8;
	[tilespmem:$0x189C0] =	vst v63  }
0x58: {  	_ =	swait.ge [sflag:s5], $0x1400  }
0x59: {  	[sflag:s5] =	ssyncset.done $0x0  }
0x5a: {  	[sflag:s5] =	ssyncadd.s32 $0xFFFFEC00  }
0x5b: {  	[tilespmem:s20], [sflag:$0x2] =	stream.indirect.gather [hbm4b:s7+s18], $0x40, s6, s18, $0xb8;
	[tilespmem:$0x189C0] =	vst v63  }
0x5c: {  	_ =	swait.ge [sflag:s8], $0x1400  }
0x5d: {  	[sflag:s8] =	ssyncset.done $0x0  }
0x5e: {  	[sflag:s8] =	ssyncadd.s32 $0xFFFFEC00  }
0x5f: {  	[spmem:s1] =	stream.indirect.scatter.add.f32 [tilespmem:s26], [sflag:$0x8], $0x40, s9, s18, $0xb8;
	[tilespmem:$0x189C0] =	vst v63  }
0x60: {  	_ =	swait.ge [sflag:s10], $0x1400  }
0x61: {  	[sflag:s10] =	ssyncset.done $0x0  }
0x62: {  	s21 =	simm.s32 $0x0;
	[sflag:s10] =	ssyncadd.s32 $0xFFFFEC00  }
0x63: {  	[tilespmem:s22], [sflag:$0x3] =	stream.indirect.gather [hbm4b:s7+s18], $0x40, s11, s18, $0xb8;
	[tilespmem:$0x189C0] =	vst v63  }
.LBB2_2:
0x64: {  	_ =	swait.ge [sflag:s23], $0x1400  }
0x65: {  	s24 =	sshra.s32 s21, $0x2;
	[sflag:s23] =	ssyncset.done $0x0  }
0x66: {  	s29 =	sadd.s32 $0x5000, s24;
	[sflag:s23] =	ssyncadd.s32 $0xFFFFEC00  }
0x67: {  	[spmem:s1] =	stream.indirect.scatter.add.f32 [tilespmem:s19], [sflag:$0x5], $0x40, s29, s18, $0xb8;
	[tilespmem:$0x189C0] =	vst v63  }
0x68: {  	_ =	swait.ge [sflag:s12], $0x1400  }
0x69: {  	[sflag:s12] =	ssyncset.done $0x0  }
0x6a: {  	s3 =	sadd.s32 $0x230, s24;
	[sflag:s12] =	ssyncadd.s32 $0xFFFFEC00  }
0x6b: {  	[tilespmem:s26], [sflag:$0x4] =	stream.indirect.gather [hbm4b:s7+s18], $0x40, s3, s18, $0xb8;
	[tilespmem:$0x189C0] =	vst v63  }
0x6c: {  	_ =	swait.ge [sflag:s28], $0x1400  }
0x6d: {  	[sflag:s28] =	ssyncset.done $0x0  }
0x6e: {  	s25 =	sadd.s32 $0x5050, s24;
	[sflag:s28] =	ssyncadd.s32 $0xFFFFEC00  }
0x6f: {  	[spmem:s1] =	stream.indirect.scatter.add.f32 [tilespmem:s20], [sflag:$0x6], $0x40, s25, s18, $0xb8;
	[tilespmem:$0x189C0] =	vst v63  }
0x70: {  	_ =	swait.ge [sflag:s30], $0x1400  }
0x71: {  	p1 =	seq.s32 s21, $0x12C00;
	[sflag:s30] =	ssyncset.done $0x0  }
0x72: {  	s29 =	simm.s32 @p1 $0x3;
	[sflag:s30] =	ssyncadd.s32 $0xFFFFEC00  }
0x73: {  	_ =	swait.ge @p1 [sflag:s29], $0x1400  }
0x74: {  	[sflag:s29] =	ssyncset.done @p1 $0x0  }
0x75: {  	[sflag:s29] =	ssyncadd.s32 @p1 $0xFFFFEC00;
	s29 =	sshra.s32 @p1 s21, $0x2  }
0x76: {  	s31 =	simm.s32 @p1 $0xC580;
	s25 =	simm.s32 @p1 $0x50;
	s29 =	sadd.s32 @p1 $0x50A0, s29  }
0x77: {  	[spmem:s1] =	stream.indirect.scatter.add.f32 @p1 [tilespmem:s31], [sflag:$0x7], $0x40, s29, s25, $0xb8;
	[tilespmem:$0x189C0] =	vst v63  }
0x78: {  	s25 =	simm.s32 @p1 $0x6  }
0x79: {  	_ =	swait.ge @p1 [sflag:s25], $0x1400  }
0x7a: {  	[sflag:s25] =	ssyncset.done @p1 $0x0  }
0x7b: {  	[sflag:s25] =	ssyncadd.s32 @p1 $0xFFFFEC00;
	s25 =	sshra.s32 @!p1 s21, $0x2  }
0x7c: {  	s3 =	simm.s32 @!p1 $0x9D80;
	s31 =	simm.s32 @!p1 $0x50;
	s29 =	sadd.s32 @!p1 $0x280, s25  }
0x7d: {  	[tilespmem:s3], [sflag:$0x1] =	stream.indirect.gather @!p1 [hbm4b:s7+s31], $0x40, s29, s31, $0xb8;
	[tilespmem:$0x189C0] =	vst v63  }
0x7e: {  	s3 =	simm.s32 @!p1 $0x3  }
0x7f: {  	_ =	swait.ge @!p1 [sflag:s3], $0x1400  }
0x80: {  	[sflag:s3] =	ssyncset.done @!p1 $0x0  }
0x81: {  	s29 =	simm.s32 @!p1 $0xC580;
	[sflag:s3] =	ssyncadd.s32 @!p1 $0xFFFFEC00;
	s3 =	sadd.s32 @!p1 $0x50A0, s25  }
0x82: {  	[spmem:s1] =	stream.indirect.scatter.add.f32 @!p1 [tilespmem:s29], [sflag:$0x7], $0x40, s3, s31, $0xb8;
	[tilespmem:$0x189C0] =	vst v63  }
0x83: {  	s3 =	simm.s32 @!p1 $0x6  }
0x84: {  	_ =	swait.ge @!p1 [sflag:s3], $0x1400  }
0x85: {  	[sflag:s3] =	ssyncset.done @!p1 $0x0  }
0x86: {  	[sflag:s3] =	ssyncadd.s32 @!p1 $0xFFFFEC00;
	s3 =	sadd.s32 @!p1 $0x2D0, s25;
	s25 =	simm.s32 @!p1 $0xB180  }
0x87: {  	[tilespmem:s25], [sflag:$0x2] =	stream.indirect.gather @!p1 [hbm4b:s7+s31], $0x40, s3, s31, $0xb8;
	[tilespmem:$0x189C0] =	vst v63  }
0x88: {  	_ =	swait.ge [sflag:s8], $0x1400  }
0x89: {  	[sflag:s8] =	ssyncset.done $0x0  }
.Ltmp2:
0x8a: {  	s31 =	sadd.s32 $0x50F0, s24;
	[sflag:s8] =	ssyncadd.s32 $0xFFFFEC00;
	(pc) =	sbr.rel @p1 .LBB2_4-.Ltmp2, $4  }
0x8b: {  	[spmem:s1] =	stream.indirect.scatter.add.f32 [tilespmem:s26], [sflag:$0x8], $0x40, s31, s18, $0xb8;
	[tilespmem:$0x189C0] =	vst v63  }
0x8c: {  	_ =	swait.ge [sflag:s10], $0x1400  }
0x8d: {  	[sflag:s10] =	ssyncset.done $0x0  }
0x8e: {  	[sflag:s10] =	ssyncadd.s32 $0xFFFFEC00  }
.Ltmp3:
0x8f: {  	(pc) =	sbr.rel .LBB2_2-.Ltmp3, $3  }
0x90: {  	_ =	sdelay $0x1  }
0x91: {  	s3 =	sadd.s32 $0x320, s24;
	s21 =	sadd.s32 $0x500, s21  }
0x92: {  	[tilespmem:s22], [sflag:$0x3] =	stream.indirect.gather [hbm4b:s7+s18], $0x40, s3, s18, $0xb8;
	[tilespmem:$0x189C0] =	vst v63  }
.LBB2_4:
0x93: {  	_ =	swait.ge [sflag:s12], $0x1400  }
0x94: {  	[sflag:s12] =	ssyncset.done $0x0  }
0x95: {  	s21 =	simm.s32 $0x0;
	s3 =	rddreg [dreg:$0x5];
	[sflag:s12] =	ssyncadd.s32 $0xFFFFEC00  }
0x96: {  	[tilespmem:s21], [sflag:$0x9] =	stream.linear.gather [hbm4b:s3+s21], $0x4EC0, $0x38;
	[tilespmem:$0x189C0] =	vst v63  }
0x97: {  	_ =	swait.ge [sflag:s16], $0x4EC0  }
0x98: {  	[sflag:s16] =	ssyncset.done $0x0  }
0x99: {  	s29 =	rddreg [dreg:$0x6];
	[sflag:s16] =	ssyncadd.s32 $0xFFFFB140  }
0x9a: {  	[tilespmem:s17], [sflag:$0x9] =	stream.linear.gather [hbm4b:s29+s21], $0x4EC0, $0x38;
	[tilespmem:$0x189C0] =	vst v63  }
0x9b: {  	_ =	swait.ge [sflag:s16], $0x4EC0  }
0x9c: {  	[sflag:s16] =	ssyncset.done $0x0  }
0x9d: {  	[sflag:s16] =	ssyncadd.s32 $0xFFFFB140  }
0x9e: {  	[tilespmem:s19], [sflag:$0x1] =	stream.indirect.gather [hbm4b:s7+s18], $0x40, s21, s18, $0xb8;
	[tilespmem:$0x189C0] =	vst v63  }
0x9f: {  	_ = 	snop  }
0xa0: {  	[tilespmem:s20], [sflag:$0x2] =	stream.indirect.gather [hbm4b:s7+s18], $0x40, s18, s18, $0xb8;
	[tilespmem:$0x189C0] =	vst v63  }
0xa1: {  	s31 =	simm.s32 $0xA0  }
0xa2: {  	[tilespmem:s22], [sflag:$0x3] =	stream.indirect.gather [hbm4b:s7+s18], $0x40, s31, s18, $0xb8;
	[tilespmem:$0x189C0] =	vst v63  }
0xa3: {  	_ =	swait.ge [sflag:s23], $0x1400  }
0xa4: {  	[sflag:s23] =	ssyncset.done $0x0  }
0xa5: {  	[sflag:s23] =	ssyncadd.s32 $0xFFFFEC00  }
0xa6: {  	[spmem:s1] =	stream.indirect.scatter.add.f32 [tilespmem:s19], [sflag:$0x5], $0x40, s17, s18, $0xb8;
	[tilespmem:$0x189C0] =	vst v63  }
0xa7: {  	s24 =	simm.s32 $0xF0  }
0xa8: {  	[tilespmem:s26], [sflag:$0x4] =	stream.indirect.gather [hbm4b:s7+s18], $0x40, s24, s18, $0xb8;
	[tilespmem:$0x189C0] =	vst v63  }
0xa9: {  	_ =	swait.ge [sflag:s28], $0x1400  }
0xaa: {  	[sflag:s28] =	ssyncset.done $0x0  }
0xab: {  	s25 =	simm.s32 $0x4F10;
	[sflag:s28] =	ssyncadd.s32 $0xFFFFEC00  }
0xac: {  	[spmem:s1] =	stream.indirect.scatter.add.f32 [tilespmem:s20], [sflag:$0x6], $0x40, s25, s18, $0xb8;
	[tilespmem:$0x189C0] =	vst v63  }
0xad: {  	_ =	swait.ge [sflag:s30], $0x1400  }
0xae: {  	[sflag:s30] =	ssyncset.done $0x0  }
0xaf: {  	s29 =	simm.s32 $0x140;
	[sflag:s30] =	ssyncadd.s32 $0xFFFFEC00  }
0xb0: {  	[tilespmem:s19], [sflag:$0x1] =	stream.indirect.gather [hbm4b:s7+s18], $0x40, s29, s18, $0xb8;
	[tilespmem:$0x189C0] =	vst v63  }
0xb1: {  	_ =	swait.ge [sflag:s0], $0x1400  }
0xb2: {  	[sflag:s0] =	ssyncset.done $0x0  }
0xb3: {  	s31 =	simm.s32 $0x4F60;
	[sflag:s0] =	ssyncadd.s32 $0xFFFFEC00  }
0xb4: {  	[spmem:s1] =	stream.indirect.scatter.add.f32 [tilespmem:s22], [sflag:$0x7], $0x40, s31, s18, $0xb8;
	[tilespmem:$0x189C0] =	vst v63  }
0xb5: {  	_ =	swait.ge [sflag:s5], $0x1400  }
0xb6: {  	[sflag:s5] =	ssyncset.done $0x0  }
0xb7: {  	[sflag:s5] =	ssyncadd.s32 $0xFFFFEC00  }
0xb8: {  	[tilespmem:s20], [sflag:$0x2] =	stream.indirect.gather [hbm4b:s7+s18], $0x40, s6, s18, $0xb8;
	[tilespmem:$0x189C0] =	vst v63  }
0xb9: {  	_ =	swait.ge [sflag:s8], $0x1400  }
0xba: {  	[sflag:s8] =	ssyncset.done $0x0  }
0xbb: {  	[sflag:s8] =	ssyncadd.s32 $0xFFFFEC00  }
0xbc: {  	[spmem:s1] =	stream.indirect.scatter.add.f32 [tilespmem:s26], [sflag:$0x8], $0x40, s9, s18, $0xb8;
	[tilespmem:$0x189C0] =	vst v63  }
0xbd: {  	_ =	swait.ge [sflag:s10], $0x1400  }
0xbe: {  	[sflag:s10] =	ssyncset.done $0x0  }
0xbf: {  	[sflag:s10] =	ssyncadd.s32 $0xFFFFEC00  }
0xc0: {  	[tilespmem:s22], [sflag:$0x3] =	stream.indirect.gather [hbm4b:s7+s18], $0x40, s11, s18, $0xb8;
	[tilespmem:$0x189C0] =	vst v63  }
.LBB2_5:
0xc1: {  	_ =	swait.ge [sflag:s23], $0x1400  }
0xc2: {  	s24 =	sshra.s32 s21, $0x2;
	[sflag:s23] =	ssyncset.done $0x0  }
0xc3: {  	s3 =	sadd.s32 $0x5000, s24;
	[sflag:s23] =	ssyncadd.s32 $0xFFFFEC00  }
0xc4: {  	[spmem:s1] =	stream.indirect.scatter.add.f32 [tilespmem:s19], [sflag:$0x5], $0x40, s3, s18, $0xb8;
	[tilespmem:$0x189C0] =	vst v63  }
0xc5: {  	_ =	swait.ge [sflag:s12], $0x1400  }
0xc6: {  	[sflag:s12] =	ssyncset.done $0x0  }
0xc7: {  	s25 =	sadd.s32 $0x230, s24;
	[sflag:s12] =	ssyncadd.s32 $0xFFFFEC00  }
0xc8: {  	[tilespmem:s26], [sflag:$0x4] =	stream.indirect.gather [hbm4b:s7+s18], $0x40, s25, s18, $0xb8;
	[tilespmem:$0x189C0] =	vst v63  }
0xc9: {  	_ =	swait.ge [sflag:s28], $0x1400  }
0xca: {  	[sflag:s28] =	ssyncset.done $0x0  }
0xcb: {  	s29 =	sadd.s32 $0x5050, s24;
	[sflag:s28] =	ssyncadd.s32 $0xFFFFEC00  }
0xcc: {  	[spmem:s1] =	stream.indirect.scatter.add.f32 [tilespmem:s20], [sflag:$0x6], $0x40, s29, s18, $0xb8;
	[tilespmem:$0x189C0] =	vst v63  }
0xcd: {  	_ =	swait.ge [sflag:s30], $0x1400  }
0xce: {  	p1 =	seq.s32 s21, $0x13100;
	[sflag:s30] =	ssyncset.done $0x0  }
0xcf: {  	s3 =	simm.s32 @p1 $0x3;
	[sflag:s30] =	ssyncadd.s32 $0xFFFFEC00  }
0xd0: {  	_ =	swait.ge @p1 [sflag:s3], $0x1400  }
0xd1: {  	[sflag:s3] =	ssyncset.done @p1 $0x0  }
0xd2: {  	[sflag:s3] =	ssyncadd.s32 @p1 $0xFFFFEC00;
	s3 =	sshra.s32 @p1 s21, $0x2  }
0xd3: {  	s25 =	simm.s32 @p1 $0x50;
	s29 =	simm.s32 @p1 $0xC580;
	s3 =	sadd.s32 @p1 $0x50A0, s3  }
0xd4: {  	[spmem:s1] =	stream.indirect.scatter.add.f32 @p1 [tilespmem:s29], [sflag:$0x7], $0x40, s3, s25, $0xb8;
	[tilespmem:$0x189C0] =	vst v63  }
0xd5: {  	s3 =	simm.s32 @p1 $0x6  }
0xd6: {  	_ =	swait.ge @p1 [sflag:s3], $0x1400  }
0xd7: {  	[sflag:s3] =	ssyncset.done @p1 $0x0  }
0xd8: {  	[sflag:s3] =	ssyncadd.s32 @p1 $0xFFFFEC00;
	s3 =	sshra.s32 @!p1 s21, $0x2  }
0xd9: {  	s31 =	simm.s32 @!p1 $0x9D80;
	s29 =	simm.s32 @!p1 $0x50;
	s25 =	sadd.s32 @!p1 $0x280, s3  }
0xda: {  	[tilespmem:s31], [sflag:$0x1] =	stream.indirect.gather @!p1 [hbm4b:s7+s29], $0x40, s25, s29, $0xb8;
	[tilespmem:$0x189C0] =	vst v63  }
0xdb: {  	s25 =	simm.s32 @!p1 $0x3  }
0xdc: {  	_ =	swait.ge @!p1 [sflag:s25], $0x1400  }
0xdd: {  	[sflag:s25] =	ssyncset.done @!p1 $0x0  }
0xde: {  	s31 =	simm.s32 @!p1 $0xC580;
	[sflag:s25] =	ssyncadd.s32 @!p1 $0xFFFFEC00;
	s25 =	sadd.s32 @!p1 $0x50A0, s3  }
0xdf: {  	[spmem:s1] =	stream.indirect.scatter.add.f32 @!p1 [tilespmem:s31], [sflag:$0x7], $0x40, s25, s29, $0xb8;
	[tilespmem:$0x189C0] =	vst v63  }
0xe0: {  	s25 =	simm.s32 @!p1 $0x6  }
0xe1: {  	_ =	swait.ge @!p1 [sflag:s25], $0x1400  }
0xe2: {  	[sflag:s25] =	ssyncset.done @!p1 $0x0  }
0xe3: {  	s3 =	sadd.s32 @!p1 $0x2D0, s3;
	[sflag:s25] =	ssyncadd.s32 @!p1 $0xFFFFEC00;
	s25 =	simm.s32 @!p1 $0xB180  }
0xe4: {  	[tilespmem:s25], [sflag:$0x2] =	stream.indirect.gather @!p1 [hbm4b:s7+s29], $0x40, s3, s29, $0xb8;
	[tilespmem:$0x189C0] =	vst v63  }
0xe5: {  	_ =	swait.ge [sflag:s8], $0x1400  }
0xe6: {  	[sflag:s8] =	ssyncset.done $0x0  }
.Ltmp4:
0xe7: {  	s31 =	sadd.s32 $0x50F0, s24;
	[sflag:s8] =	ssyncadd.s32 $0xFFFFEC00;
	(pc) =	sbr.rel @p1 .LBB2_7-.Ltmp4, $4  }
0xe8: {  	[spmem:s1] =	stream.indirect.scatter.add.f32 [tilespmem:s26], [sflag:$0x8], $0x40, s31, s18, $0xb8;
	[tilespmem:$0x189C0] =	vst v63  }
0xe9: {  	_ =	swait.ge [sflag:s10], $0x1400  }
0xea: {  	[sflag:s10] =	ssyncset.done $0x0  }
0xeb: {  	[sflag:s10] =	ssyncadd.s32 $0xFFFFEC00  }
.Ltmp5:
0xec: {  	(pc) =	sbr.rel .LBB2_5-.Ltmp5, $3  }
0xed: {  	_ =	sdelay $0x1  }
0xee: {  	s3 =	sadd.s32 $0x320, s24;
	s21 =	sadd.s32 $0x500, s21  }
0xef: {  	[tilespmem:s22], [sflag:$0x3] =	stream.indirect.gather [hbm4b:s7+s18], $0x40, s3, s18, $0xb8;
	[tilespmem:$0x189C0] =	vst v63  }
.LBB2_8:
0xf0: {  	_ =	sfence.sel $0x180000  }
0xf1: {  	[bflag:$0x0] =	sbarrier.arrive $0xFFFF  }
0xf2: {  	_ =	strace $0x9000004D  }
0xf3: {  	s0 =	stileid.u32;
	[bflag:$0x2] =	sbarrier.arrive $0xFFFF  }
0xf4: {  	p0 =	sne.s32 s0, $0x0;
	s0 =	rddreg [dreg:$0x2]  }
0xf5: {  	s0 =	sadd.s32 @!p0 $0x100000, s0  }
0xf6: {  	[sflag:s0] =	ssyncadd.tile.s32 @!p0 $0x1;
	_ =	shalt  }
.Lfunc_end2:
_tile_overlayer_lowered:
.L_overlay_start_2:
0xf7: {  	(tag) =	ssettag $0x2  }
0xf8: {  	s0 =	rddreg [dreg:$0x0];
	s2 =	stileid.u32  }
0xf9: {  	s1 =	rddreg [dreg:$0x1];
	p0 =	sne.s32 s2, $0x0  }
0xfa: {  	s3 =	rddreg [dreg:$0x2];
	[bflag:$0x3] =	sbarrier.arrive $0xFFFF;
	s2 =	simm.s32 @!p0 $0x1C09  }
0xfb: {  	[timem:s3], [sflag:s2] =	dma.local @!p0 [hbm:s0], s1  }
0xfc: {  	s0 =	simm.s32 @!p0 $0x9  }
0xfd: {  	_ =	swait.ge @!p0 [sflag:s0], s1  }
0xfe: {  	s1 =	ssub.s32 @!p0 $0x0, s1;
	[sflag:s0] =	ssyncset.done @!p0 $0x0  }
0xff: {  	[sflag:s0] =	ssyncadd.s32 @!p0 s1  }
0x100: {  	[bflag:$0x3] =	sbarrier.arrive $0xFFFF  }
0x101: {  	_ =	shalt  }

</sc_bundles>
